<compile_context>
chip_gen: v7x
topology: tpu7x:2x2x1
jax: 0.10.2.dev20260603
libtpu: 0.0.44.dev20260713+nightly
codegen_flags: <defaults>
</compile_context>

<pallas_src>
import jax
import jax.numpy as jnp
from jax import lax
from jax.experimental import pallas as pl
from jax.experimental.pallas import tpu as pltpu
from jax.experimental.pallas import tpu_sc as plsc

V = 1000000
D = 64
S = 50
B = 4096
NC = 2
NS = 16
NW = NC * NS
TB = B // NW
NBUF = 3
L = 16


def _emb_body(idx_hbm, tbl_hbm, out_hbm, idxv, hiv,
              valv0, valv1, valv2, outv0, outv1, outv2,
              ssem, gsem0, gsem1, gsem2, osem0, osem1, osem2):
    c = lax.axis_index("c")
    t = lax.axis_index("s")
    w = t * NC + c

    pltpu.async_copy(idx_hbm.at[:, pl.ds(w * TB, TB)], idxv, ssem).wait()

    @pl.loop(0, S)
    def _(j):
        @pl.loop(0, TB // L)
        def _(g):
            hiv[j, pl.ds(g * L, L)] = lax.shift_right_logical(
                idxv[j, pl.ds(g * L, L)], 1)

    valvs = (valv0, valv1, valv2)
    outvs = (outv0, outv1, outv2)
    gsems = (gsem0, gsem1, gsem2)
    osems = (osem0, osem1, osem2)

    def start_gather(j, b):
        pltpu.async_copy(tbl_hbm.at[hiv.at[j]], valvs[b], gsems[b])

    def drain_gather(b):
        pltpu.make_async_copy(tbl_hbm.at[hiv.at[0]], valvs[b], gsems[b]).wait()

    def select(j, b):
        valv, outv = valvs[b], outvs[b]

        @pl.loop(0, TB // L)
        def _(g):
            offv = (idxv[j, pl.ds(g * L, L)] & 1) * D
            for kk in range(L):
                off = offv[kk]
                k = g * L + kk
                for cg in range(D // L):
                    outv[k, pl.ds(cg * L, L)] = valv[k, pl.ds(off + cg * L, L)]

    def start_store(j, b):
        pltpu.async_copy(outvs[b],
                         out_hbm.at[j, pl.ds(w * TB, TB), :], osems[b])

    def wait_store(b):
        pltpu.make_async_copy(outvs[b],
                              out_hbm.at[0, pl.ds(0, TB), :], osems[b]).wait()

    for b in range(NBUF):
        start_gather(b, b)

    REM = S % NBUF
    STEADY = S - REM

    @pl.loop(0, STEADY, step=NBUF)
    def _(j):
        for b in range(NBUF):
            drain_gather(b)
            select(j + b, b)
            start_store(j + b, b)
            nj = j + NBUF + b

            @pl.when(nj < S)
            def _():
                start_gather(nj, b)

        for b in range(NBUF):
            wait_store(b)

    for jj in range(STEADY, S):
        b = jj % NBUF
        drain_gather(b)
        select(jj, b)
        start_store(jj, b)
    for jj in range(STEADY, S):
        wait_store(jj % NBUF)


def kernel(input_ids, weight):
    idx2 = input_ids.T.astype(jnp.int32)
    tbl2 = weight.reshape(V // 2, 2 * D)

    mesh = plsc.VectorSubcoreMesh(core_axis_name="c", subcore_axis_name="s")
    f = pl.kernel(
        _emb_body,
        out_type=jax.ShapeDtypeStruct((S, B, D), jnp.float32),
        mesh=mesh,
        scratch_types=[
            pltpu.VMEM((S, TB), jnp.int32),
            pltpu.VMEM((S, TB), jnp.int32),
            pltpu.VMEM((TB, 2 * D), jnp.float32),
            pltpu.VMEM((TB, 2 * D), jnp.float32),
            pltpu.VMEM((TB, 2 * D), jnp.float32),
            pltpu.VMEM((TB, D), jnp.float32),
            pltpu.VMEM((TB, D), jnp.float32),
            pltpu.VMEM((TB, D), jnp.float32),
            pltpu.SemaphoreType.DMA,
            pltpu.SemaphoreType.DMA,
            pltpu.SemaphoreType.DMA,
            pltpu.SemaphoreType.DMA,
            pltpu.SemaphoreType.DMA,
            pltpu.SemaphoreType.DMA,
            pltpu.SemaphoreType.DMA,
        ],
        compiler_params=pltpu.CompilerParams(use_tc_tiling_on_sc=True),
    )
    out = f(idx2, tbl2)
    return out.transpose(1, 0, 2)

# --- scband reference (transcript-rebuilt; emitter-appended) ---
"""Pipeline reference for scband-mock-embedding-81286551044336 (READ-ONLY COPY).

The authoritative reference and input builder live on the scoring server;
editing this copy changes nothing except your own understanding.
"""

import jax, jax.numpy as jnp
import numpy as np

VOCAB_SIZE = 1000000
EMBED_DIM = 64

def setup_inputs(seed: int = 0) -> dict:
    key = jax.random.key(seed)
    k_idx, k_w = jax.random.split(key)
    input_ids = jax.random.randint(k_idx, (4096, 50), 0, VOCAB_SIZE, dtype=jnp.int64 if jax.config.jax_enable_x64 else jnp.int32)
    weight = jax.random.normal(k_w, (VOCAB_SIZE, EMBED_DIM), dtype=jnp.float32) * 0.02
    return {"input_ids": input_ids, "weight": weight}

def reference(input_ids, weight):
    # bounds check / clamp (faithful to torch module's clamp path)
    num_embeddings = weight.shape[0]
    input_ids = jnp.clip(input_ids, 0, num_embeddings - 1)
    # embedding lookup -> gather (SparseCore-friendly)
    return jnp.take(weight, input_ids, axis=0)

if __name__ == "__main__":
    import jax
    _d = setup_inputs()
    print(jax.jit(kernel)(*tuple(_d.values())))

</pallas_src>

<mosaic_0001>
#map = affine_map<(d0, d1) -> (0, 0)>
#map1 = affine_map<(d0, d1) -> (0, 0, 0)>
module attributes {stable_mosaic.version = 14 : i64} {
  func.func @_emb_body(%arg0: i32, %arg1: i32, %arg2: memref<50x4096xi32, #tpu.memory_space<hbm>>, %arg3: memref<500000x128xf32, #tpu.memory_space<hbm>>, %arg4: memref<50x4096x64xf32, #tpu.memory_space<hbm>>, %arg5: memref<50x128xi32, #tpu.memory_space<vmem>>, %arg6: memref<50x128xi32, #tpu.memory_space<vmem>>, %arg7: memref<128x128xf32, #tpu.memory_space<vmem>>, %arg8: memref<128x128xf32, #tpu.memory_space<vmem>>, %arg9: memref<128x128xf32, #tpu.memory_space<vmem>>, %arg10: memref<128x64xf32, #tpu.memory_space<vmem>>, %arg11: memref<128x64xf32, #tpu.memory_space<vmem>>, %arg12: memref<128x64xf32, #tpu.memory_space<vmem>>, %arg13: memref<!tpu.dma_semaphore, #tpu.memory_space<semaphore_mem>>, %arg14: memref<!tpu.dma_semaphore, #tpu.memory_space<semaphore_mem>>, %arg15: memref<!tpu.dma_semaphore, #tpu.memory_space<semaphore_mem>>, %arg16: memref<!tpu.dma_semaphore, #tpu.memory_space<semaphore_mem>>, %arg17: memref<!tpu.dma_semaphore, #tpu.memory_space<semaphore_mem>>, %arg18: memref<!tpu.dma_semaphore, #tpu.memory_space<semaphore_mem>>, %arg19: memref<!tpu.dma_semaphore, #tpu.memory_space<semaphore_mem>>) attributes {dimension_semantics = [#tpu.dimension_semantics<core_parallel>, #tpu.dimension_semantics<subcore_parallel>], iteration_bounds = array<i64: 2, 16>, scalar_prefetch = 0 : i64, scratch_operands = 15 : i64, tpu.core_type = #tpu.core_type<sc_vector_subcore>, window_params = [{transform_indices = #map}, {transform_indices = #map}, {transform_indices = #map1}]} {
    %mul3A = arith.constant 2 : i32
    %mul3A_0 = arith.muli %arg1, %mul3A : i32
    %add3A = arith.addi %mul3A_0, %arg0 : i32
    %mul3A_1 = arith.constant 128 : i32
    %mul3A_2 = arith.muli %add3A, %mul3A_1 : i32
    %dma_start3A = arith.constant 0 : i32
    %dma_start3A_3 = tpu.memref_slice %arg2[%dma_start3A, %mul3A_2] : memref<50x4096xi32, #tpu.memory_space<hbm>> -> memref<50x128xi32, #tpu.memory_space<hbm>>
    %dma_start3A_4 = arith.constant 0 : i32
    %dma_start3A_5 = tpu.memref_slice %arg2[%dma_start3A_4, %mul3A_2] : memref<50x4096xi32, #tpu.memory_space<hbm>> -> memref<50x128xi32, #tpu.memory_space<hbm>>
    tpu.enqueue_dma source(%dma_start3A_5 : memref<50x128xi32, #tpu.memory_space<hbm>>) target(%arg5 : memref<50x128xi32, #tpu.memory_space<vmem>>) target_semaphore(%arg13 : memref<!tpu.dma_semaphore, #tpu.memory_space<semaphore_mem>>)
    %dma_wait3A = arith.constant 0 : i32
    %dma_wait3A_6 = tpu.memref_slice %arg2[%dma_wait3A, %mul3A_2] : memref<50x4096xi32, #tpu.memory_space<hbm>> -> memref<50x128xi32, #tpu.memory_space<hbm>>
    %dma_wait3A_7 = arith.constant 0 : i32
    %dma_wait3A_8 = tpu.memref_slice %arg2[%dma_wait3A_7, %mul3A_2] : memref<50x4096xi32, #tpu.memory_space<hbm>> -> memref<50x128xi32, #tpu.memory_space<hbm>>
    tpu.wait_dma2 semaphore(%arg13 : memref<!tpu.dma_semaphore, #tpu.memory_space<semaphore_mem>>) src(%dma_wait3A_8 : memref<50x128xi32, #tpu.memory_space<hbm>>) dst(%arg5 : memref<50x128xi32, #tpu.memory_space<vmem>>)
    %scan3A = arith.constant 0 : i32
    %scan3A_9 = arith.constant 50 : i32
    %scan3A_10 = arith.addi %scan3A, %scan3A_9 : i32
    %scan3A_11 = arith.constant 1 : i32
    scf.for %scan3A_99 = %scan3A to %scan3A_10 step %scan3A_11  : i32 {
      %mul3A_100 = arith.constant 1 : i32
      %mul3A_101 = arith.muli %scan3A_99, %mul3A_100 : i32
      %add3A_102 = arith.constant 0 : i32
      %add3A_103 = arith.addi %add3A_102, %mul3A_101 : i32
      %scan3A_104 = arith.constant 0 : i32
      %scan3A_105 = arith.constant 8 : i32
      %scan3A_106 = arith.addi %scan3A_104, %scan3A_105 : i32
      %scan3A_107 = arith.constant 1 : i32
      scf.for %scan3A_109 = %scan3A_104 to %scan3A_106 step %scan3A_107  : i32 {
        %mul3A_110 = arith.constant 1 : i32
        %mul3A_111 = arith.muli %scan3A_109, %mul3A_110 : i32
        %add3A_112 = arith.constant 0 : i32
        %add3A_113 = arith.addi %add3A_112, %mul3A_111 : i32
        %mul3A_114 = arith.constant 16 : i32
        %mul3A_115 = arith.muli %add3A_113, %mul3A_114 : i32
        %get3A = arith.index_cast %add3A_103 : i32 to index
        %get3A_116 = arith.index_cast %mul3A_115 : i32 to index
        %get3A_117 = tpu.vector_load %arg5[%get3A, %get3A_116] {strides = array<i32>} : memref<50x128xi32, #tpu.memory_space<vmem>>, vector<1x16xi32>,
        %get3A_118 = vector.shape_cast %get3A_117 : vector<1x16xi32> to vector<16xi32>
        %shift_right_logical3A = arith.constant 1 : i32
        %shift_right_logical3A_119 = vector.broadcast %shift_right_logical3A : i32 to vector<16xi32>
        %shift_right_logical3A_120 = arith.shrui %get3A_118, %shift_right_logical3A_119 : vector<16xi32>
        %mul3A_121 = arith.constant 16 : i32
        %mul3A_122 = arith.muli %add3A_113, %mul3A_121 : i32
        %swap3A = arith.index_cast %add3A_103 : i32 to index
        %swap3A_123 = arith.index_cast %mul3A_122 : i32 to index
        %swap3A_124 = tpu.vector_load %arg6[%swap3A, %swap3A_123] {strides = array<i32>} : memref<50x128xi32, #tpu.memory_space<vmem>>, vector<1x16xi32>,
        %swap3A_125 = vector.shape_cast %swap3A_124 : vector<1x16xi32> to vector<16xi32>
        %swap3A_126 = vector.shape_cast %shift_right_logical3A_120 : vector<16xi32> to vector<1x16xi32>
        tpu.vector_store %arg6[%swap3A, %swap3A_123], %swap3A_126 {strides = array<i32>} : memref<50x128xi32, #tpu.memory_space<vmem>>, vector<1x16xi32>,
      }
      %scan3A_108 = arith.constant 8 : i32
    }
    %scan3A_12 = arith.constant 50 : i32
    %dma_start3A_13 = arith.constant 0 : i32
    %dma_start3A_14 = arith.constant 0 : i32
    %dma_start3A_15 = tpu.memref_slice %arg6[%dma_start3A_13, %dma_start3A_14] : memref<50x128xi32, #tpu.memory_space<vmem>> -> memref<1x128xi32, #tpu.memory_space<vmem>>
    %dma_start3A_16 = tpu.memref_squeeze %dma_start3A_15 : memref<1x128xi32, #tpu.memory_space<vmem>> -> memref<128xi32, #tpu.memory_space<vmem>>
    %dma_start3A_17 = arith.constant 0 : i32
    %dma_start3A_18 = arith.constant 0 : i32
    %dma_start3A_19 = tpu.memref_slice %arg3[%dma_start3A_17, %dma_start3A_18] : memref<500000x128xf32, #tpu.memory_space<hbm>> -> memref<500000x128xf32, #tpu.memory_space<hbm>>
    tpu.enqueue_indirect_dma source(%dma_start3A_19 : memref<500000x128xf32, #tpu.memory_space<hbm>>) target(%arg7 : memref<128x128xf32, #tpu.memory_space<vmem>>) offsets(%dma_start3A_16 : memref<128xi32, #tpu.memory_space<vmem>>) semaphore(%arg14 : memref<!tpu.dma_semaphore, #tpu.memory_space<semaphore_mem>>)
    %dma_start3A_20 = arith.constant 1 : i32
    %dma_start3A_21 = arith.constant 0 : i32
    %dma_start3A_22 = tpu.memref_slice %arg6[%dma_start3A_20, %dma_start3A_21] : memref<50x128xi32, #tpu.memory_space<vmem>> -> memref<1x128xi32, #tpu.memory_space<vmem>>
    %dma_start3A_23 = tpu.memref_squeeze %dma_start3A_22 : memref<1x128xi32, #tpu.memory_space<vmem>> -> memref<128xi32, #tpu.memory_space<vmem>>
    %dma_start3A_24 = arith.constant 0 : i32
    %dma_start3A_25 = arith.constant 0 : i32
    %dma_start3A_26 = tpu.memref_slice %arg3[%dma_start3A_24, %dma_start3A_25] : memref<500000x128xf32, #tpu.memory_space<hbm>> -> memref<500000x128xf32, #tpu.memory_space<hbm>>
    tpu.enqueue_indirect_dma source(%dma_start3A_26 : memref<500000x128xf32, #tpu.memory_space<hbm>>) target(%arg8 : memref<128x128xf32, #tpu.memory_space<vmem>>) offsets(%dma_start3A_23 : memref<128xi32, #tpu.memory_space<vmem>>) semaphore(%arg15 : memref<!tpu.dma_semaphore, #tpu.memory_space<semaphore_mem>>)
    %dma_start3A_27 = arith.constant 2 : i32
    %dma_start3A_28 = arith.constant 0 : i32
    %dma_start3A_29 = tpu.memref_slice %arg6[%dma_start3A_27, %dma_start3A_28] : memref<50x128xi32, #tpu.memory_space<vmem>> -> memref<1x128xi32, #tpu.memory_space<vmem>>
    %dma_start3A_30 = tpu.memref_squeeze %dma_start3A_29 : memref<1x128xi32, #tpu.memory_space<vmem>> -> memref<128xi32, #tpu.memory_space<vmem>>
    %dma_start3A_31 = arith.constant 0 : i32
    %dma_start3A_32 = arith.constant 0 : i32
    %dma_start3A_33 = tpu.memref_slice %arg3[%dma_start3A_31, %dma_start3A_32] : memref<500000x128xf32, #tpu.memory_space<hbm>> -> memref<500000x128xf32, #tpu.memory_space<hbm>>
    tpu.enqueue_indirect_dma source(%dma_start3A_33 : memref<500000x128xf32, #tpu.memory_space<hbm>>) target(%arg9 : memref<128x128xf32, #tpu.memory_space<vmem>>) offsets(%dma_start3A_30 : memref<128xi32, #tpu.memory_space<vmem>>) semaphore(%arg16 : memref<!tpu.dma_semaphore, #tpu.memory_space<semaphore_mem>>)
    %scan3A_34 = arith.constant 0 : i32
    %scan3A_35 = arith.constant 16 : i32
    %scan3A_36 = arith.addi %scan3A_34, %scan3A_35 : i32
    %scan3A_37 = arith.constant 1 : i32
    scf.for %scan3A_99 = %scan3A_34 to %scan3A_36 step %scan3A_37  : i32 {
      %mul3A_100 = arith.constant 3 : i32
      %mul3A_101 = arith.muli %scan3A_99, %mul3A_100 : i32
      %add3A_102 = arith.constant 0 : i32
      %add3A_103 = arith.addi %add3A_102, %mul3A_101 : i32
      %dma_wait3A_104 = arith.constant 0 : i32
      %dma_wait3A_105 = arith.constant 0 : i32
      %dma_wait3A_106 = tpu.memref_slice %arg6[%dma_wait3A_104, %dma_wait3A_105] : memref<50x128xi32, #tpu.memory_space<vmem>> -> memref<1x128xi32, #tpu.memory_space<vmem>>
      %dma_wait3A_107 = tpu.memref_squeeze %dma_wait3A_106 : memref<1x128xi32, #tpu.memory_space<vmem>> -> memref<128xi32, #tpu.memory_space<vmem>>
      %dma_wait3A_108 = arith.constant 0 : i32
      %dma_wait3A_109 = arith.constant 0 : i32
      %dma_wait3A_110 = tpu.memref_slice %arg3[%dma_wait3A_108, %dma_wait3A_109] : memref<500000x128xf32, #tpu.memory_space<hbm>> -> memref<500000x128xf32, #tpu.memory_space<hbm>>
      tpu.wait_indirect_dma semaphore(%arg14 : memref<!tpu.dma_semaphore, #tpu.memory_space<semaphore_mem>>) src(%dma_wait3A_110 : memref<500000x128xf32, #tpu.memory_space<hbm>>) dst(%arg7 : memref<128x128xf32, #tpu.memory_space<vmem>>)
      %add3A_111 = arith.constant 0 : i32
      %add3A_112 = arith.addi %add3A_103, %add3A_111 : i32
      %scan3A_113 = arith.constant 0 : i32
      %scan3A_114 = arith.constant 8 : i32
      %scan3A_115 = arith.addi %scan3A_113, %scan3A_114 : i32
      %scan3A_116 = arith.constant 1 : i32
      scf.for %scan3A_227 = %scan3A_113 to %scan3A_115 step %scan3A_116  : i32 {
        %mul3A_228 = arith.constant 1 : i32
        %mul3A_229 = arith.muli %scan3A_227, %mul3A_228 : i32
        %add3A_230 = arith.constant 0 : i32
        %add3A_231 = arith.addi %add3A_230, %mul3A_229 : i32
        %mul3A_232 = arith.constant 16 : i32
        %mul3A_233 = arith.muli %add3A_231, %mul3A_232 : i32
        %get3A = arith.index_cast %add3A_112 : i32 to index
        %get3A_234 = arith.index_cast %mul3A_233 : i32 to index
        %get3A_235 = tpu.vector_load %arg5[%get3A, %get3A_234] {strides = array<i32>} : memref<50x128xi32, #tpu.memory_space<vmem>>, vector<1x16xi32>,
        %get3A_236 = vector.shape_cast %get3A_235 : vector<1x16xi32> to vector<16xi32>
        %and3A = arith.constant 1 : i32
        %and3A_237 = vector.broadcast %and3A : i32 to vector<16xi32>
        %and3A_238 = arith.andi %get3A_236, %and3A_237 : vector<16xi32>
        %mul3A_239 = arith.constant 64 : i32
        %mul3A_240 = vector.broadcast %mul3A_239 : i32 to vector<16xi32>
        %mul3A_241 = arith.muli %and3A_238, %mul3A_240 : vector<16xi32>
        %slice3A = vector.extract_strided_slice %mul3A_241 {offsets = [0], sizes = [1], strides = [1]} : vector<16xi32> to vector<1xi32>
        %squeeze3A = vector.extract %slice3A[0] : i32 from vector<1xi32>
        %mul3A_242 = arith.constant 16 : i32
        %mul3A_243 = arith.muli %add3A_231, %mul3A_242 : i32
        %add3A_244 = arith.constant 0 : i32
        %add3A_245 = arith.addi %mul3A_243, %add3A_244 : i32
        %add3A_246 = arith.constant 0 : i32
        %add3A_247 = arith.addi %squeeze3A, %add3A_246 : i32
        %get3A_248 = arith.index_cast %add3A_245 : i32 to index
        %get3A_249 = arith.index_cast %add3A_247 : i32 to index
        %get3A_250 = tpu.vector_load %arg7[%get3A_248, %get3A_249] {strides = array<i32>} : memref<128x128xf32, #tpu.memory_space<vmem>>, vector<1x16xf32>,
        %get3A_251 = vector.shape_cast %get3A_250 : vector<1x16xf32> to vector<16xf32>
        %swap3A = arith.index_cast %add3A_245 : i32 to index
        %swap3A_252 = arith.constant 0 : index
        %swap3A_253 = tpu.vector_load %arg10[%swap3A, %swap3A_252] {strides = array<i32>} : memref<128x64xf32, #tpu.memory_space<vmem>>, vector<1x16xf32>,
        %swap3A_254 = vector.shape_cast %swap3A_253 : vector<1x16xf32> to vector<16xf32>
        %swap3A_255 = vector.shape_cast %get3A_251 : vector<16xf32> to vector<1x16xf32>
        tpu.vector_store %arg10[%swap3A, %swap3A_252], %swap3A_255 {strides = array<i32>} : memref<128x64xf32, #tpu.memory_space<vmem>>, vector<1x16xf32>,
        %add3A_256 = arith.constant 16 : i32
        %add3A_257 = arith.addi %squeeze3A, %add3A_256 : i32
        %get3A_258 = arith.index_cast %add3A_245 : i32 to index
        %get3A_259 = arith.index_cast %add3A_257 : i32 to index
        %get3A_260 = tpu.vector_load %arg7[%get3A_258, %get3A_259] {strides = array<i32>} : memref<128x128xf32, #tpu.memory_space<vmem>>, vector<1x16xf32>,
        %get3A_261 = vector.shape_cast %get3A_260 : vector<1x16xf32> to vector<16xf32>
        %swap3A_262 = arith.index_cast %add3A_245 : i32 to index
        %swap3A_263 = arith.constant 16 : index
        %swap3A_264 = tpu.vector_load %arg10[%swap3A_262, %swap3A_263] {strides = array<i32>} : memref<128x64xf32, #tpu.memory_space<vmem>>, vector<1x16xf32>,
        %swap3A_265 = vector.shape_cast %swap3A_264 : vector<1x16xf32> to vector<16xf32>
        %swap3A_266 = vector.shape_cast %get3A_261 : vector<16xf32> to vector<1x16xf32>
        tpu.vector_store %arg10[%swap3A_262, %swap3A_263], %swap3A_266 {strides = array<i32>} : memref<128x64xf32, #tpu.memory_space<vmem>>, vector<1x16xf32>,
        %add3A_267 = arith.constant 32 : i32
        %add3A_268 = arith.addi %squeeze3A, %add3A_267 : i32
        %get3A_269 = arith.index_cast %add3A_245 : i32 to index
        %get3A_270 = arith.index_cast %add3A_268 : i32 to index
        %get3A_271 = tpu.vector_load %arg7[%get3A_269, %get3A_270] {strides = array<i32>} : memref<128x128xf32, #tpu.memory_space<vmem>>, vector<1x16xf32>,
        %get3A_272 = vector.shape_cast %get3A_271 : vector<1x16xf32> to vector<16xf32>
        %swap3A_273 = arith.index_cast %add3A_245 : i32 to index
        %swap3A_274 = arith.constant 32 : index
        %swap3A_275 = tpu.vector_load %arg10[%swap3A_273, %swap3A_274] {strides = array<i32>} : memref<128x64xf32, #tpu.memory_space<vmem>>, vector<1x16xf32>,
        %swap3A_276 = vector.shape_cast %swap3A_275 : vector<1x16xf32> to vector<16xf32>
        %swap3A_277 = vector.shape_cast %get3A_272 : vector<16xf32> to vector<1x16xf32>
        tpu.vector_store %arg10[%swap3A_273, %swap3A_274], %swap3A_277 {strides = array<i32>} : memref<128x64xf32, #tpu.memory_space<vmem>>, vector<1x16xf32>,
        %add3A_278 = arith.constant 48 : i32
        %add3A_279 = arith.addi %squeeze3A, %add3A_278 : i32
        %get3A_280 = arith.index_cast %add3A_245 : i32 to index
        %get3A_281 = arith.index_cast %add3A_279 : i32 to index
        %get3A_282 = tpu.vector_load %arg7[%get3A_280, %get3A_281] {strides = array<i32>} : memref<128x128xf32, #tpu.memory_space<vmem>>, vector<1x16xf32>,
        %get3A_283 = vector.shape_cast %get3A_282 : vector<1x16xf32> to vector<16xf32>
        %swap3A_284 = arith.index_cast %add3A_245 : i32 to index
        %swap3A_285 = arith.constant 48 : index
        %swap3A_286 = tpu.vector_load %arg10[%swap3A_284, %swap3A_285] {strides = array<i32>} : memref<128x64xf32, #tpu.memory_space<vmem>>, vector<1x16xf32>,
        %swap3A_287 = vector.shape_cast %swap3A_286 : vector<1x16xf32> to vector<16xf32>
        %swap3A_288 = vector.shape_cast %get3A_283 : vector<16xf32> to vector<1x16xf32>
        tpu.vector_store %arg10[%swap3A_284, %swap3A_285], %swap3A_288 {strides = array<i32>} : memref<128x64xf32, #tpu.memory_space<vmem>>, vector<1x16xf32>,
        %slice3A_289 = vector.extract_strided_slice %mul3A_241 {offsets = [1], sizes = [1], strides = [1]} : vector<16xi32> to vector<1xi32>
        %squeeze3A_290 = vector.extract %slice3A_289[0] : i32 from vector<1xi32>
        %mul3A_291 = arith.constant 16 : i32
        %mul3A_292 = arith.muli %add3A_231, %mul3A_291 : i32
        %add3A_293 = arith.constant 1 : i32
        %add3A_294 = arith.addi %mul3A_292, %add3A_293 : i32
        %add3A_295 = arith.constant 0 : i32
        %add3A_296 = arith.addi %squeeze3A_290, %add3A_295 : i32
        %get3A_297 = arith.index_cast %add3A_294 : i32 to index
        %get3A_298 = arith.index_cast %add3A_296 : i32 to index
        %get3A_299 = tpu.vector_load %arg7[%get3A_297, %get3A_298] {strides = array<i32>} : memref<128x128xf32, #tpu.memory_space<vmem>>, vector<1x16xf32>,
        %get3A_300 = vector.shape_cast %get3A_299 : vector<1x16xf32> to vector<16xf32>
        %swap3A_301 = arith.index_cast %add3A_294 : i32 to index
        %swap3A_302 = arith.constant 0 : index
        %swap3A_303 = tpu.vector_load %arg10[%swap3A_301, %swap3A_302] {strides = array<i32>} : memref<128x64xf32, #tpu.memory_space<vmem>>, vector<1x16xf32>,
        %swap3A_304 = vector.shape_cast %swap3A_303 : vector<1x16xf32> to vector<16xf32>
        %swap3A_305 = vector.shape_cast %get3A_300 : vector<16xf32> to vector<1x16xf32>
        tpu.vector_store %arg10[%swap3A_301, %swap3A_302], %swap3A_305 {strides = array<i32>} : memref<128x64xf32, #tpu.memory_space<vmem>>, vector<1x16xf32>,
        %add3A_306 = arith.constant 16 : i32
        %add3A_307 = arith.addi %squeeze3A_290, %add3A_306 : i32
        %get3A_308 = arith.index_cast %add3A_294 : i32 to index
        %get3A_309 = arith.index_cast %add3A_307 : i32 to index
        %get3A_310 = tpu.vector_load %arg7[%get3A_308, %get3A_309] {strides = array<i32>} : memref<128x128xf32, #tpu.memory_space<vmem>>, vector<1x16xf32>,
        %get3A_311 = vector.shape_cast %get3A_310 : vector<1x16xf32> to vector<16xf32>
        %swap3A_312 = arith.index_cast %add3A_294 : i32 to index
        %swap3A_313 = arith.constant 16 : index
        %swap3A_314 = tpu.vector_load %arg10[%swap3A_312, %swap3A_313] {strides = array<i32>} : memref<128x64xf32, #tpu.memory_space<vmem>>, vector<1x16xf32>,
        %swap3A_315 = vector.shape_cast %swap3A_314 : vector<1x16xf32> to vector<16xf32>
        %swap3A_316 = vector.shape_cast %get3A_311 : vector<16xf32> to vector<1x16xf32>
        tpu.vector_store %arg10[%swap3A_312, %swap3A_313], %swap3A_316 {strides = array<i32>} : memref<128x64xf32, #tpu.memory_space<vmem>>, vector<1x16xf32>,
        %add3A_317 = arith.constant 32 : i32
        %add3A_318 = arith.addi %squeeze3A_290, %add3A_317 : i32
        %get3A_319 = arith.index_cast %add3A_294 : i32 to index
        %get3A_320 = arith.index_cast %add3A_318 : i32 to index
        %get3A_321 = tpu.vector_load %arg7[%get3A_319, %get3A_320] {strides = array<i32>} : memref<128x128xf32, #tpu.memory_space<vmem>>, vector<1x16xf32>,
        %get3A_322 = vector.shape_cast %get3A_321 : vector<1x16xf32> to vector<16xf32>
        %swap3A_323 = arith.index_cast %add3A_294 : i32 to index
        %swap3A_324 = arith.constant 32 : index
        %swap3A_325 = tpu.vector_load %arg10[%swap3A_323, %swap3A_324] {strides = array<i32>} : memref<128x64xf32, #tpu.memory_space<vmem>>, vector<1x16xf32>,
        %swap3A_326 = vector.shape_cast %swap3A_325 : vector<1x16xf32> to vector<16xf32>
        %swap3A_327 = vector.shape_cast %get3A_322 : vector<16xf32> to vector<1x16xf32>
        tpu.vector_store %arg10[%swap3A_323, %swap3A_324], %swap3A_327 {strides = array<i32>} : memref<128x64xf32, #tpu.memory_space<vmem>>, vector<1x16xf32>,
        %add3A_328 = arith.constant 48 : i32
        %add3A_329 = arith.addi %squeeze3A_290, %add3A_328 : i32
        %get3A_330 = arith.index_cast %add3A_294 : i32 to index
        %get3A_331 = arith.index_cast %add3A_329 : i32 to index
        %get3A_332 = tpu.vector_load %arg7[%get3A_330, %get3A_331] {strides = array<i32>} : memref<128x128xf32, #tpu.memory_space<vmem>>, vector<1x16xf32>,
        %get3A_333 = vector.shape_cast %get3A_332 : vector<1x16xf32> to vector<16xf32>
        %swap3A_334 = arith.index_cast %add3A_294 : i32 to index
        %swap3A_335 = arith.constant 48 : index
        %swap3A_336 = tpu.vector_load %arg10[%swap3A_334, %swap3A_335] {strides = array<i32>} : memref<128x64xf32, #tpu.memory_space<vmem>>, vector<1x16xf32>,
        %swap3A_337 = vector.shape_cast %swap3A_336 : vector<1x16xf32> to vector<16xf32>
        %swap3A_338 = vector.shape_cast %get3A_333 : vector<16xf32> to vector<1x16xf32>
        tpu.vector_store %arg10[%swap3A_334, %swap3A_335], %swap3A_338 {strides = array<i32>} : memref<128x64xf32, #tpu.memory_space<vmem>>, vector<1x16xf32>,
        %slice3A_339 = vector.extract_strided_slice %mul3A_241 {offsets = [2], sizes = [1], strides = [1]} : vector<16xi32> to vector<1xi32>
        %squeeze3A_340 = vector.extract %slice3A_339[0] : i32 from vector<1xi32>
        %mul3A_341 = arith.constant 16 : i32
        %mul3A_342 = arith.muli %add3A_231, %mul3A_341 : i32
        %add3A_343 = arith.constant 2 : i32
        %add3A_344 = arith.addi %mul3A_342, %add3A_343 : i32
        %add3A_345 = arith.constant 0 : i32
        %add3A_346 = arith.addi %squeeze3A_340, %add3A_345 : i32
        %get3A_347 = arith.index_cast %add3A_344 : i32 to index
        %get3A_348 = arith.index_cast %add3A_346 : i32 to index
        %get3A_349 = tpu.vector_load %arg7[%get3A_347, %get3A_348] {strides = array<i32>} : memref<128x128xf32, #tpu.memory_space<vmem>>, vector<1x16xf32>,
        %get3A_350 = vector.shape_cast %get3A_349 : vector<1x16xf32> to vector<16xf32>
        %swap3A_351 = arith.index_cast %add3A_344 : i32 to index
        %swap3A_352 = arith.constant 0 : index
        %swap3A_353 = tpu.vector_load %arg10[%swap3A_351, %swap3A_352] {strides = array<i32>} : memref<128x64xf32, #tpu.memory_space<vmem>>, vector<1x16xf32>,
        %swap3A_354 = vector.shape_cast %swap3A_353 : vector<1x16xf32> to vector<16xf32>
        %swap3A_355 = vector.shape_cast %get3A_350 : vector<16xf32> to vector<1x16xf32>
        tpu.vector_store %arg10[%swap3A_351, %swap3A_352], %swap3A_355 {strides = array<i32>} : memref<128x64xf32, #tpu.memory_space<vmem>>, vector<1x16xf32>,
        %add3A_356 = arith.constant 16 : i32
        %add3A_357 = arith.addi %squeeze3A_340, %add3A_356 : i32
        %get3A_358 = arith.index_cast %add3A_344 : i32 to index
        %get3A_359 = arith.index_cast %add3A_357 : i32 to index
        %get3A_360 = tpu.vector_load %arg7[%get3A_358, %get3A_359] {strides = array<i32>} : memref<128x128xf32, #tpu.memory_space<vmem>>, vector<1x16xf32>,
        %get3A_361 = vector.shape_cast %get3A_360 : vector<1x16xf32> to vector<16xf32>
        %swap3A_362 = arith.index_cast %add3A_344 : i32 to index
        %swap3A_363 = arith.constant 16 : index
        %swap3A_364 = tpu.vector_load %arg10[%swap3A_362, %swap3A_363] {strides = array<i32>} : memref<128x64xf32, #tpu.memory_space<vmem>>, vector<1x16xf32>,
        %swap3A_365 = vector.shape_cast %swap3A_364 : vector<1x16xf32> to vector<16xf32>
        %swap3A_366 = vector.shape_cast %get3A_361 : vector<16xf32> to vector<1x16xf32>
        tpu.vector_store %arg10[%swap3A_362, %swap3A_363], %swap3A_366 {strides = array<i32>} : memref<128x64xf32, #tpu.memory_space<vmem>>, vector<1x16xf32>,
        %add3A_367 = arith.constant 32 : i32
        %add3A_368 = arith.addi %squeeze3A_340, %add3A_367 : i32
        %get3A_369 = arith.index_cast %add3A_344 : i32 to index
        %get3A_370 = arith.index_cast %add3A_368 : i32 to index
        %get3A_371 = tpu.vector_load %arg7[%get3A_369, %get3A_370] {strides = array<i32>} : memref<128x128xf32, #tpu.memory_space<vmem>>, vector<1x16xf32>,
        %get3A_372 = vector.shape_cast %get3A_371 : vector<1x16xf32> to vector<16xf32>
        %swap3A_373 = arith.index_cast %add3A_344 : i32 to index
        %swap3A_374 = arith.constant 32 : index
        %swap3A_375 = tpu.vector_load %arg10[%swap3A_373, %swap3A_374] {strides = array<i32>} : memref<128x64xf32, #tpu.memory_space<vmem>>, vector<1x16xf32>,
        %swap3A_376 = vector.shape_cast %swap3A_375 : vector<1x16xf32> to vector<16xf32>
        %swap3A_377 = vector.shape_cast %get3A_372 : vector<16xf32> to vector<1x16xf32>
        tpu.vector_store %arg10[%swap3A_373, %swap3A_374], %swap3A_377 {strides = array<i32>} : memref<128x64xf32, #tpu.memory_space<vmem>>, vector<1x16xf32>,
        %add3A_378 = arith.constant 48 : i32
        %add3A_379 = arith.addi %squeeze3A_340, %add3A_378 : i32
        %get3A_380 = arith.index_cast %add3A_344 : i32 to index
        %get3A_381 = arith.index_cast %add3A_379 : i32 to index
        %get3A_382 = tpu.vector_load %arg7[%get3A_380, %get3A_381] {strides = array<i32>} : memref<128x128xf32, #tpu.memory_space<vmem>>, vector<1x16xf32>,
        %get3A_383 = vector.shape_cast %get3A_382 : vector<1x16xf32> to vector<16xf32>
        %swap3A_384 = arith.index_cast %add3A_344 : i32 to index
        %swap3A_385 = arith.constant 48 : index
        %swap3A_386 = tpu.vector_load %arg10[%swap3A_384, %swap3A_385] {strides = array<i32>} : memref<128x64xf32, #tpu.memory_space<vmem>>, vector<1x16xf32>,
        %swap3A_387 = vector.shape_cast %swap3A_386 : vector<1x16xf32> to vector<16xf32>
        %swap3A_388 = vector.shape_cast %get3A_383 : vector<16xf32> to vector<1x16xf32>
        tpu.vector_store %arg10[%swap3A_384, %swap3A_385], %swap3A_388 {strides = array<i32>} : memref<128x64xf32, #tpu.memory_space<vmem>>, vector<1x16xf32>,
        %slice3A_389 = vector.extract_strided_slice %mul3A_241 {offsets = [3], sizes = [1], strides = [1]} : vector<16xi32> to vector<1xi32>
        %squeeze3A_390 = vector.extract %slice3A_389[0] : i32 from vector<1xi32>
        %mul3A_391 = arith.constant 16 : i32
        %mul3A_392 = arith.muli %add3A_231, %mul3A_391 : i32
        %add3A_393 = arith.constant 3 : i32
        %add3A_394 = arith.addi %mul3A_392, %add3A_393 : i32
        %add3A_395 = arith.constant 0 : i32
        %add3A_396 = arith.addi %squeeze3A_390, %add3A_395 : i32
        %get3A_397 = arith.index_cast %add3A_394 : i32 to index
        %get3A_398 = arith.index_cast %add3A_396 : i32 to index
        %get3A_399 = tpu.vector_load %arg7[%get3A_397, %get3A_398] {strides = array<i32>} : memref<128x128xf32, #tpu.memory_space<vmem>>, vector<1x16xf32>,
        %get3A_400 = vector.shape_cast %get3A_399 : vector<1x16xf32> to vector<16xf32>
        %swap3A_401 = arith.index_cast %add3A_394 : i32 to index
        %swap3A_402 = arith.constant 0 : index
        %swap3A_403 = tpu.vector_load %arg10[%swap3A_401, %swap3A_402] {strides = array<i32>} : memref<128x64xf32, #tpu.memory_space<vmem>>, vector<1x16xf32>,
        %swap3A_404 = vector.shape_cast %swap3A_403 : vector<1x16xf32> to vector<16xf32>
        %swap3A_405 = vector.shape_cast %get3A_400 : vector<16xf32> to vector<1x16xf32>
        tpu.vector_store %arg10[%swap3A_401, %swap3A_402], %swap3A_405 {strides = array<i32>} : memref<128x64xf32, #tpu.memory_space<vmem>>, vector<1x16xf32>,
        %add3A_406 = arith.constant 16 : i32
        %add3A_407 = arith.addi %squeeze3A_390, %add3A_406 : i32
        %get3A_408 = arith.index_cast %add3A_394 : i32 to index
        %get3A_409 = arith.index_cast %add3A_407 : i32 to index
        %get3A_410 = tpu.vector_load %arg7[%get3A_408, %get3A_409] {strides = array<i32>} : memref<128x128xf32, #tpu.memory_space<vmem>>, vector<1x16xf32>,
        %get3A_411 = vector.shape_cast %get3A_410 : vector<1x16xf32> to vector<16xf32>
        %swap3A_412 = arith.index_cast %add3A_394 : i32 to index
        %swap3A_413 = arith.constant 16 : index
        %swap3A_414 = tpu.vector_load %arg10[%swap3A_412, %swap3A_413] {strides = array<i32>} : memref<128x64xf32, #tpu.memory_space<vmem>>, vector<1x16xf32>,
        %swap3A_415 = vector.shape_cast %swap3A_414 : vector<1x16xf32> to vector<16xf32>
        %swap3A_416 = vector.shape_cast %get3A_411 : vector<16xf32> to vector<1x16xf32>
        tpu.vector_store %arg10[%swap3A_412, %swap3A_413], %swap3A_416 {strides = array<i32>} : memref<128x64xf32, #tpu.memory_space<vmem>>, vector<1x16xf32>,
        %add3A_417 = arith.constant 32 : i32
        %add3A_418 = arith.addi %squeeze3A_390, %add3A_417 : i32
        %get3A_419 = arith.index_cast %add3A_394 : i32 to index
        %get3A_420 = arith.index_cast %add3A_418 : i32 to index
        %get3A_421 = tpu.vector_load %arg7[%get3A_419, %get3A_420] {strides = array<i32>} : memref<128x128xf32, #tpu.memory_space<vmem>>, vector<1x16xf32>,
        %get3A_422 = vector.shape_cast %get3A_421 : vector<1x16xf32> to vector<16xf32>
        %swap3A_423 = arith.index_cast %add3A_394 : i32 to index
        %swap3A_424 = arith.constant 32 : index
        %swap3A_425 = tpu.vector_load %arg10[%swap3A_423, %swap3A_424] {strides = array<i32>} : memref<128x64xf32, #tpu.memory_space<vmem>>, vector<1x16xf32>,
        %swap3A_426 = vector.shape_cast %swap3A_425 : vector<1x16xf32> to vector<16xf32>
        %swap3A_427 = vector.shape_cast %get3A_422 : vector<16xf32> to vector<1x16xf32>
        tpu.vector_store %arg10[%swap3A_423, %swap3A_424], %swap3A_427 {strides = array<i32>} : memref<128x64xf32, #tpu.memory_space<vmem>>, vector<1x16xf32>,
        %add3A_428 = arith.constant 48 : i32
        %add3A_429 = arith.addi %squeeze3A_390, %add3A_428 : i32
        %get3A_430 = arith.index_cast %add3A_394 : i32 to index
        %get3A_431 = arith.index_cast %add3A_429 : i32 to index
        %get3A_432 = tpu.vector_load %arg7[%get3A_430, %get3A_431] {strides = array<i32>} : memref<128x128xf32, #tpu.memory_space<vmem>>, vector<1x16xf32>,
        %get3A_433 = vector.shape_cast %get3A_432 : vector<1x16xf32> to vector<16xf32>
        %swap3A_434 = arith.index_cast %add3A_394 : i32 to index
        %swap3A_435 = arith.constant 48 : index
        %swap3A_436 = tpu.vector_load %arg10[%swap3A_434, %swap3A_435] {strides = array<i32>} : memref<128x64xf32, #tpu.memory_space<vmem>>, vector<1x16xf32>,
        %swap3A_437 = vector.shape_cast %swap3A_436 : vector<1x16xf32> to vector<16xf32>
        %swap3A_438 = vector.shape_cast %get3A_433 : vector<16xf32> to vector<1x16xf32>
        tpu.vector_store %arg10[%swap3A_434, %swap3A_435], %swap3A_438 {strides = array<i32>} : memref<128x64xf32, #tpu.memory_space<vmem>>, vector<1x16xf32>,
        %slice3A_439 = vector.extract_strided_slice %mul3A_241 {offsets = [4], sizes = [1], strides = [1]} : vector<16xi32> to vector<1xi32>
        %squeeze3A_440 = vector.extract %slice3A_439[0] : i32 from vector<1xi32>
        %mul3A_441 = arith.constant 16 : i32
        %mul3A_442 = arith.muli %add3A_231, %mul3A_441 : i32
        %add3A_443 = arith.constant 4 : i32
        %add3A_444 = arith.addi %mul3A_442, %add3A_443 : i32
        %add3A_445 = arith.constant 0 : i32
        %add3A_446 = arith.addi %squeeze3A_440, %add3A_445 : i32
        %get3A_447 = arith.index_cast %add3A_444 : i32 to index
        %get3A_448 = arith.index_cast %add3A_446 : i32 to index
        %get3A_449 = tpu.vector_load %arg7[%get3A_447, %get3A_448] {strides = array<i32>} : memref<128x128xf32, #tpu.memory_space<vmem>>, vector<1x16xf32>,
        %get3A_450 = vector.shape_cast %get3A_449 : vector<1x16xf32> to vector<16xf32>
        %swap3A_451 = arith.index_cast %add3A_444 : i32 to index
        %swap3A_452 = arith.constant 0 : index
        %swap3A_453 = tpu.vector_load %arg10[%swap3A_451, %swap3A_452] {strides = array<i32>} : memref<128x64xf32, #tpu.memory_space<vmem>>, vector<1x16xf32>,
        %swap3A_454 = vector.shape_cast %swap3A_453 : vector<1x16xf32> to vector<16xf32>
        %swap3A_455 = vector.shape_cast %get3A_450 : vector<16xf32> to vector<1x16xf32>
        tpu.vector_store %arg10[%swap3A_451, %swap3A_452], %swap3A_455 {strides = array<i32>} : memref<128x64xf32, #tpu.memory_space<vmem>>, vector<1x16xf32>,
        %add3A_456 = arith.constant 16 : i32
        %add3A_457 = arith.addi %squeeze3A_440, %add3A_456 : i32
        %get3A_458 = arith.index_cast %add3A_444 : i32 to index
        %get3A_459 = arith.index_cast %add3A_457 : i32 to index
        %get3A_460 = tpu.vector_load %arg7[%get3A_458, %get3A_459] {strides = array<i32>} : memref<128x128xf32, #tpu.memory_space<vmem>>, vector<1x16xf32>,
        %get3A_461 = vector.shape_cast %get3A_460 : vector<1x16xf32> to vector<16xf32>
        %swap3A_462 = arith.index_cast %add3A_444 : i32 to index
        %swap3A_463 = arith.constant 16 : index
        %swap3A_464 = tpu.vector_load %arg10[%swap3A_462, %swap3A_463] {strides = array<i32>} : memref<128x64xf32, #tpu.memory_space<vmem>>, vector<1x16xf32>,
        %swap3A_465 = vector.shape_cast %swap3A_464 : vector<1x16xf32> to vector<16xf32>
        %swap3A_466 = vector.shape_cast %get3A_461 : vector<16xf32> to vector<1x16xf32>
        tpu.vector_store %arg10[%swap3A_462, %swap3A_463], %swap3A_466 {strides = array<i32>} : memref<128x64xf32, #tpu.memory_space<vmem>>, vector<1x16xf32>,
        %add3A_467 = arith.constant 32 : i32
        %add3A_468 = arith.addi %squeeze3A_440, %add3A_467 : i32
        %get3A_469 = arith.index_cast %add3A_444 : i32 to index
        %get3A_470 = arith.index_cast %add3A_468 : i32 to index
        %get3A_471 = tpu.vector_load %arg7[%get3A_469, %get3A_470] {strides = array<i32>} : memref<128x128xf32, #tpu.memory_space<vmem>>, vector<1x16xf32>,
        %get3A_472 = vector.shape_cast %get3A_471 : vector<1x16xf32> to vector<16xf32>
        %swap3A_473 = arith.index_cast %add3A_444 : i32 to index
        %swap3A_474 = arith.constant 32 : index
        %swap3A_475 = tpu.vector_load %arg10[%swap3A_473, %swap3A_474] {strides = array<i32>} : memref<128x64xf32, #tpu.memory_space<vmem>>, vector<1x16xf32>,
        %swap3A_476 = vector.shape_cast %swap3A_475 : vector<1x16xf32> to vector<16xf32>
        %swap3A_477 = vector.shape_cast %get3A_472 : vector<16xf32> to vector<1x16xf32>
        tpu.vector_store %arg10[%swap3A_473, %swap3A_474], %swap3A_477 {strides = array<i32>} : memref<128x64xf32, #tpu.memory_space<vmem>>, vector<1x16xf32>,
        %add3A_478 = arith.constant 48 : i32
        %add3A_479 = arith.addi %squeeze3A_440, %add3A_478 : i32
        %get3A_480 = arith.index_cast %add3A_444 : i32 to index
        %get3A_481 = arith.index_cast %add3A_479 : i32 to index
        %get3A_482 = tpu.vector_load %arg7[%get3A_480, %get3A_481] {strides = array<i32>} : memref<128x128xf32, #tpu.memory_space<vmem>>, vector<1x16xf32>,
        %get3A_483 = vector.shape_cast %get3A_482 : vector<1x16xf32> to vector<16xf32>
        %swap3A_484 = arith.index_cast %add3A_444 : i32 to index
        %swap3A_485 = arith.constant 48 : index
        %swap3A_486 = tpu.vector_load %arg10[%swap3A_484, %swap3A_485] {strides = array<i32>} : memref<128x64xf32, #tpu.memory_space<vmem>>, vector<1x16xf32>,
        %swap3A_487 = vector.shape_cast %swap3A_486 : vector<1x16xf32> to vector<16xf32>
        %swap3A_488 = vector.shape_cast %get3A_483 : vector<16xf32> to vector<1x16xf32>
        tpu.vector_store %arg10[%swap3A_484, %swap3A_485], %swap3A_488 {strides = array<i32>} : memref<128x64xf32, #tpu.memory_space<vmem>>, vector<1x16xf32>,
        %slice3A_489 = vector.extract_strided_slice %mul3A_241 {offsets = [5], sizes = [1], strides = [1]} : vector<16xi32> to vector<1xi32>
        %squeeze3A_490 = vector.extract %slice3A_489[0] : i32 from vector<1xi32>
        %mul3A_491 = arith.constant 16 : i32
        %mul3A_492 = arith.muli %add3A_231, %mul3A_491 : i32
        %add3A_493 = arith.constant 5 : i32
        %add3A_494 = arith.addi %mul3A_492, %add3A_493 : i32
        %add3A_495 = arith.constant 0 : i32
        %add3A_496 = arith.addi %squeeze3A_490, %add3A_495 : i32
        %get3A_497 = arith.index_cast %add3A_494 : i32 to index
        %get3A_498 = arith.index_cast %add3A_496 : i32 to index
        %get3A_499 = tpu.vector_load %arg7[%get3A_497, %get3A_498] {strides = array<i32>} : memref<128x128xf32, #tpu.memory_space<vmem>>, vector<1x16xf32>,
        %get3A_500 = vector.shape_cast %get3A_499 : vector<1x16xf32> to vector<16xf32>
        %swap3A_501 = arith.index_cast %add3A_494 : i32 to index
        %swap3A_502 = arith.constant 0 : index
        %swap3A_503 = tpu.vector_load %arg10[%swap3A_501, %swap3A_502] {strides = array<i32>} : memref<128x64xf32, #tpu.memory_space<vmem>>, vector<1x16xf32>,
        %swap3A_504 = vector.shape_cast %swap3A_503 : vector<1x16xf32> to vector<16xf32>
        %swap3A_505 = vector.shape_cast %get3A_500 : vector<16xf32> to vector<1x16xf32>
        tpu.vector_store %arg10[%swap3A_501, %swap3A_502], %swap3A_505 {strides = array<i32>} : memref<128x64xf32, #tpu.memory_space<vmem>>, vector<1x16xf32>,
        %add3A_506 = arith.constant 16 : i32
        %add3A_507 = arith.addi %squeeze3A_490, %add3A_506 : i32
        %get3A_508 = arith.index_cast %add3A_494 : i32 to index
        %get3A_509 = arith.index_cast %add3A_507 : i32 to index
        %get3A_510 = tpu.vector_load %arg7[%get3A_508, %get3A_509] {strides = array<i32>} : memref<128x128xf32, #tpu.memory_space<vmem>>, vector<1x16xf32>,
        %get3A_511 = vector.shape_cast %get3A_510 : vector<1x16xf32> to vector<16xf32>
        %swap3A_512 = arith.index_cast %add3A_494 : i32 to index
        %swap3A_513 = arith.constant 16 : index
        %swap3A_514 = tpu.vector_load %arg10[%swap3A_512, %swap3A_513] {strides = array<i32>} : memref<128x64xf32, #tpu.memory_space<vmem>>, vector<1x16xf32>,
        %swap3A_515 = vector.shape_cast %swap3A_514 : vector<1x16xf32> to vector<16xf32>
        %swap3A_516 = vector.shape_cast %get3A_511 : vector<16xf32> to vector<1x16xf32>
        tpu.vector_store %arg10[%swap3A_512, %swap3A_513], %swap3A_516 {strides = array<i32>} : memref<128x64xf32, #tpu.memory_space<vmem>>, vector<1x16xf32>,
        %add3A_517 = arith.constant 32 : i32
        %add3A_518 = arith.addi %squeeze3A_490, %add3A_517 : i32
        %get3A_519 = arith.index_cast %add3A_494 : i32 to index
        %get3A_520 = arith.index_cast %add3A_518 : i32 to index
        %get3A_521 = tpu.vector_load %arg7[%get3A_519, %get3A_520] {strides = array<i32>} : memref<128x128xf32, #tpu.memory_space<vmem>>, vector<1x16xf32>,
        %get3A_522 = vector.shape_cast %get3A_521 : vector<1x16xf32> to vector<16xf32>
        %swap3A_523 = arith.index_cast %add3A_494 : i32 to index
        %swap3A_524 = arith.constant 32 : index
        %swap3A_525 = tpu.vector_load %arg10[%swap3A_523, %swap3A_524] {strides = array<i32>} : memref<128x64xf32, #tpu.memory_space<vmem>>, vector<1x16xf32>,
        %swap3A_526 = vector.shape_cast %swap3A_525 : vector<1x16xf32> to vector<16xf32>
        %swap3A_527 = vector.shape_cast %get3A_522 : vector<16xf32> to vector<1x16xf32>
        tpu.vector_store %arg10[%swap3A_523, %swap3A_524], %swap3A_527 {strides = array<i32>} : memref<128x64xf32, #tpu.memory_space<vmem>>, vector<1x16xf32>,
        %add3A_528 = arith.constant 48 : i32
        %add3A_529 = arith.addi %squeeze3A_490, %add3A_528 : i32
        %get3A_530 = arith.index_cast %add3A_494 : i32 to index
        %get3A_531 = arith.index_cast %add3A_529 : i32 to index
        %get3A_532 = tpu.vector_load %arg7[%get3A_530, %get3A_531] {strides = array<i32>} : memref<128x128xf32, #tpu.memory_space<vmem>>, vector<1x16xf32>,
        %get3A_533 = vector.shape_cast %get3A_532 : vector<1x16xf32> to vector<16xf32>
        %swap3A_534 = arith.index_cast %add3A_494 : i32 to index
        %swap3A_535 = arith.constant 48 : index
        %swap3A_536 = tpu.vector_load %arg10[%swap3A_534, %swap3A_535] {strides = array<i32>} : memref<128x64xf32, #tpu.memory_space<vmem>>, vector<1x16xf32>,
        %swap3A_537 = vector.shape_cast %swap3A_536 : vector<1x16xf32> to vector<16xf32>
        %swap3A_538 = vector.shape_cast %get3A_533 : vector<16xf32> to vector<1x16xf32>
        tpu.vector_store %arg10[%swap3A_534, %swap3A_535], %swap3A_538 {strides = array<i32>} : memref<128x64xf32, #tpu.memory_space<vmem>>, vector<1x16xf32>,
        %slice3A_539 = vector.extract_strided_slice %mul3A_241 {offsets = [6], sizes = [1], strides = [1]} : vector<16xi32> to vector<1xi32>
        %squeeze3A_540 = vector.extract %slice3A_539[0] : i32 from vector<1xi32>
        %mul3A_541 = arith.constant 16 : i32
        %mul3A_542 = arith.muli %add3A_231, %mul3A_541 : i32
        %add3A_543 = arith.constant 6 : i32
        %add3A_544 = arith.addi %mul3A_542, %add3A_543 : i32
        %add3A_545 = arith.constant 0 : i32
        %add3A_546 = arith.addi %squeeze3A_540, %add3A_545 : i32
        %get3A_547 = arith.index_cast %add3A_544 : i32 to index
        %get3A_548 = arith.index_cast %add3A_546 : i32 to index
        %get3A_549 = tpu.vector_load %arg7[%get3A_547, %get3A_548] {strides = array<i32>} : memref<128x128xf32, #tpu.memory_space<vmem>>, vector<1x16xf32>,
        %get3A_550 = vector.shape_cast %get3A_549 : vector<1x16xf32> to vector<16xf32>
        %swap3A_551 = arith.index_cast %add3A_544 : i32 to index
        %swap3A_552 = arith.constant 0 : index
        %swap3A_553 = tpu.vector_load %arg10[%swap3A_551, %swap3A_552] {strides = array<i32>} : memref<128x64xf32, #tpu.memory_space<vmem>>, vector<1x16xf32>,
        %swap3A_554 = vector.shape_cast %swap3A_553 : vector<1x16xf32> to vector<16xf32>
        %swap3A_555 = vector.shape_cast %get3A_550 : vector<16xf32> to vector<1x16xf32>
        tpu.vector_store %arg10[%swap3A_551, %swap3A_552], %swap3A_555 {strides = array<i32>} : memref<128x64xf32, #tpu.memory_space<vmem>>, vector<1x16xf32>,
        %add3A_556 = arith.constant 16 : i32
        %add3A_557 = arith.addi %squeeze3A_540, %add3A_556 : i32
        %get3A_558 = arith.index_cast %add3A_544 : i32 to index
        %get3A_559 = arith.index_cast %add3A_557 : i32 to index
        %get3A_560 = tpu.vector_load %arg7[%get3A_558, %get3A_559] {strides = array<i32>} : memref<128x128xf32, #tpu.memory_space<vmem>>, vector<1x16xf32>,
        %get3A_561 = vector.shape_cast %get3A_560 : vector<1x16xf32> to vector<16xf32>
        %swap3A_562 = arith.index_cast %add3A_544 : i32 to index
        %swap3A_563 = arith.constant 16 : index
        %swap3A_564 = tpu.vector_load %arg10[%swap3A_562, %swap3A_563] {strides = array<i32>} : memref<128x64xf32, #tpu.memory_space<vmem>>, vector<1x16xf32>,
        %swap3A_565 = vector.shape_cast %swap3A_564 : vector<1x16xf32> to vector<16xf32>
        %swap3A_566 = vector.shape_cast %get3A_561 : vector<16xf32> to vector<1x16xf32>
        tpu.vector_store %arg10[%swap3A_562, %swap3A_563], %swap3A_566 {strides = array<i32>} : memref<128x64xf32, #tpu.memory_space<vmem>>, vector<1x16xf32>,
        %add3A_567 = arith.constant 32 : i32
        %add3A_568 = arith.addi %squeeze3A_540, %add3A_567 : i32
        %get3A_569 = arith.index_cast %add3A_544 : i32 to index
        %get3A_570 = arith.index_cast %add3A_568 : i32 to index
        %get3A_571 = tpu.vector_load %arg7[%get3A_569, %get3A_570] {strides = array<i32>} : memref<128x128xf32, #tpu.memory_space<vmem>>, vector<1x16xf32>,
        %get3A_572 = vector.shape_cast %get3A_571 : vector<1x16xf32> to vector<16xf32>
        %swap3A_573 = arith.index_cast %add3A_544 : i32 to index
        %swap3A_574 = arith.constant 32 : index
        %swap3A_575 = tpu.vector_load %arg10[%swap3A_573, %swap3A_574] {strides = array<i32>} : memref<128x64xf32, #tpu.memory_space<vmem>>, vector<1x16xf32>,
        %swap3A_576 = vector.shape_cast %swap3A_575 : vector<1x16xf32> to vector<16xf32>
        %swap3A_577 = vector.shape_cast %get3A_572 : vector<16xf32> to vector<1x16xf32>
        tpu.vector_store %arg10[%swap3A_573, %swap3A_574], %swap3A_577 {strides = array<i32>} : memref<128x64xf32, #tpu.memory_space<vmem>>, vector<1x16xf32>,
        %add3A_578 = arith.constant 48 : i32
        %add3A_579 = arith.addi %squeeze3A_540, %add3A_578 : i32
        %get3A_580 = arith.index_cast %add3A_544 : i32 to index
        %get3A_581 = arith.index_cast %add3A_579 : i32 to index
        %get3A_582 = tpu.vector_load %arg7[%get3A_580, %get3A_581] {strides = array<i32>} : memref<128x128xf32, #tpu.memory_space<vmem>>, vector<1x16xf32>,
        %get3A_583 = vector.shape_cast %get3A_582 : vector<1x16xf32> to vector<16xf32>
        %swap3A_584 = arith.index_cast %add3A_544 : i32 to index
        %swap3A_585 = arith.constant 48 : index
        %swap3A_586 = tpu.vector_load %arg10[%swap3A_584, %swap3A_585] {strides = array<i32>} : memref<128x64xf32, #tpu.memory_space<vmem>>, vector<1x16xf32>,
        %swap3A_587 = vector.shape_cast %swap3A_586 : vector<1x16xf32> to vector<16xf32>
        %swap3A_588 = vector.shape_cast %get3A_583 : vector<16xf32> to vector<1x16xf32>
        tpu.vector_store %arg10[%swap3A_584, %swap3A_585], %swap3A_588 {strides = array<i32>} : memref<128x64xf32, #tpu.memory_space<vmem>>, vector<1x16xf32>,
        %slice3A_589 = vector.extract_strided_slice %mul3A_241 {offsets = [7], sizes = [1], strides = [1]} : vector<16xi32> to vector<1xi32>
        %squeeze3A_590 = vector.extract %slice3A_589[0] : i32 from vector<1xi32>
        %mul3A_591 = arith.constant 16 : i32
        %mul3A_592 = arith.muli %add3A_231, %mul3A_591 : i32
        %add3A_593 = arith.constant 7 : i32
        %add3A_594 = arith.addi %mul3A_592, %add3A_593 : i32
        %add3A_595 = arith.constant 0 : i32
        %add3A_596 = arith.addi %squeeze3A_590, %add3A_595 : i32
        %get3A_597 = arith.index_cast %add3A_594 : i32 to index
        %get3A_598 = arith.index_cast %add3A_596 : i32 to index
        %get3A_599 = tpu.vector_load %arg7[%get3A_597, %get3A_598] {strides = array<i32>} : memref<128x128xf32, #tpu.memory_space<vmem>>, vector<1x16xf32>,
        %get3A_600 = vector.shape_cast %get3A_599 : vector<1x16xf32> to vector<16xf32>
        %swap3A_601 = arith.index_cast %add3A_594 : i32 to index
        %swap3A_602 = arith.constant 0 : index
        %swap3A_603 = tpu.vector_load %arg10[%swap3A_601, %swap3A_602] {strides = array<i32>} : memref<128x64xf32, #tpu.memory_space<vmem>>, vector<1x16xf32>,
        %swap3A_604 = vector.shape_cast %swap3A_603 : vector<1x16xf32> to vector<16xf32>
        %swap3A_605 = vector.shape_cast %get3A_600 : vector<16xf32> to vector<1x16xf32>
        tpu.vector_store %arg10[%swap3A_601, %swap3A_602], %swap3A_605 {strides = array<i32>} : memref<128x64xf32, #tpu.memory_space<vmem>>, vector<1x16xf32>,
        %add3A_606 = arith.constant 16 : i32
        %add3A_607 = arith.addi %squeeze3A_590, %add3A_606 : i32
        %get3A_608 = arith.index_cast %add3A_594 : i32 to index
        %get3A_609 = arith.index_cast %add3A_607 : i32 to index
        %get3A_610 = tpu.vector_load %arg7[%get3A_608, %get3A_609] {strides = array<i32>} : memref<128x128xf32, #tpu.memory_space<vmem>>, vector<1x16xf32>,
        %get3A_611 = vector.shape_cast %get3A_610 : vector<1x16xf32> to vector<16xf32>
        %swap3A_612 = arith.index_cast %add3A_594 : i32 to index
        %swap3A_613 = arith.constant 16 : index
        %swap3A_614 = tpu.vector_load %arg10[%swap3A_612, %swap3A_613] {strides = array<i32>} : memref<128x64xf32, #tpu.memory_space<vmem>>, vector<1x16xf32>,
        %swap3A_615 = vector.shape_cast %swap3A_614 : vector<1x16xf32> to vector<16xf32>
        %swap3A_616 = vector.shape_cast %get3A_611 : vector<16xf32> to vector<1x16xf32>
        tpu.vector_store %arg10[%swap3A_612, %swap3A_613], %swap3A_616 {strides = array<i32>} : memref<128x64xf32, #tpu.memory_space<vmem>>, vector<1x16xf32>,
        %add3A_617 = arith.constant 32 : i32
        %add3A_618 = arith.addi %squeeze3A_590, %add3A_617 : i32
        %get3A_619 = arith.index_cast %add3A_594 : i32 to index
        %get3A_620 = arith.index_cast %add3A_618 : i32 to index
        %get3A_621 = tpu.vector_load %arg7[%get3A_619, %get3A_620] {strides = array<i32>} : memref<128x128xf32, #tpu.memory_space<vmem>>, vector<1x16xf32>,
        %get3A_622 = vector.shape_cast %get3A_621 : vector<1x16xf32> to vector<16xf32>
        %swap3A_623 = arith.index_cast %add3A_594 : i32 to index
        %swap3A_624 = arith.constant 32 : index
        %swap3A_625 = tpu.vector_load %arg10[%swap3A_623, %swap3A_624] {strides = array<i32>} : memref<128x64xf32, #tpu.memory_space<vmem>>, vector<1x16xf32>,
        %swap3A_626 = vector.shape_cast %swap3A_625 : vector<1x16xf32> to vector<16xf32>
        %swap3A_627 = vector.shape_cast %get3A_622 : vector<16xf32> to vector<1x16xf32>
        tpu.vector_store %arg10[%swap3A_623, %swap3A_624], %swap3A_627 {strides = array<i32>} : memref<128x64xf32, #tpu.memory_space<vmem>>, vector<1x16xf32>,
        %add3A_628 = arith.constant 48 : i32
        %add3A_629 = arith.addi %squeeze3A_590, %add3A_628 : i32
        %get3A_630 = arith.index_cast %add3A_594 : i32 to index
        %get3A_631 = arith.index_cast %add3A_629 : i32 to index
        %get3A_632 = tpu.vector_load %arg7[%get3A_630, %get3A_631] {strides = array<i32>} : memref<128x128xf32, #tpu.memory_space<vmem>>, vector<1x16xf32>,
        %get3A_633 = vector.shape_cast %get3A_632 : vector<1x16xf32> to vector<16xf32>
        %swap3A_634 = arith.index_cast %add3A_594 : i32 to index
        %swap3A_635 = arith.constant 48 : index
        %swap3A_636 = tpu.vector_load %arg10[%swap3A_634, %swap3A_635] {strides = array<i32>} : memref<128x64xf32, #tpu.memory_space<vmem>>, vector<1x16xf32>,
        %swap3A_637 = vector.shape_cast %swap3A_636 : vector<1x16xf32> to vector<16xf32>
        %swap3A_638 = vector.shape_cast %get3A_633 : vector<16xf32> to vector<1x16xf32>
        tpu.vector_store %arg10[%swap3A_634, %swap3A_635], %swap3A_638 {strides = array<i32>} : memref<128x64xf32, #tpu.memory_space<vmem>>, vector<1x16xf32>,
        %slice3A_639 = vector.extract_strided_slice %mul3A_241 {offsets = [8], sizes = [1], strides = [1]} : vector<16xi32> to vector<1xi32>
        %squeeze3A_640 = vector.extract %slice3A_639[0] : i32 from vector<1xi32>
        %mul3A_641 = arith.constant 16 : i32
        %mul3A_642 = arith.muli %add3A_231, %mul3A_641 : i32
        %add3A_643 = arith.constant 8 : i32
        %add3A_644 = arith.addi %mul3A_642, %add3A_643 : i32
        %add3A_645 = arith.constant 0 : i32
        %add3A_646 = arith.addi %squeeze3A_640, %add3A_645 : i32
        %get3A_647 = arith.index_cast %add3A_644 : i32 to index
        %get3A_648 = arith.index_cast %add3A_646 : i32 to index
        %get3A_649 = tpu.vector_load %arg7[%get3A_647, %get3A_648] {strides = array<i32>} : memref<128x128xf32, #tpu.memory_space<vmem>>, vector<1x16xf32>,
        %get3A_650 = vector.shape_cast %get3A_649 : vector<1x16xf32> to vector<16xf32>
        %swap3A_651 = arith.index_cast %add3A_644 : i32 to index
        %swap3A_652 = arith.constant 0 : index
        %swap3A_653 = tpu.vector_load %arg10[%swap3A_651, %swap3A_652] {strides = array<i32>} : memref<128x64xf32, #tpu.memory_space<vmem>>, vector<1x16xf32>,
        %swap3A_654 = vector.shape_cast %swap3A_653 : vector<1x16xf32> to vector<16xf32>
        %swap3A_655 = vector.shape_cast %get3A_650 : vector<16xf32> to vector<1x16xf32>
        tpu.vector_store %arg10[%swap3A_651, %swap3A_652], %swap3A_655 {strides = array<i32>} : memref<128x64xf32, #tpu.memory_space<vmem>>, vector<1x16xf32>,
        %add3A_656 = arith.constant 16 : i32
        %add3A_657 = arith.addi %squeeze3A_640, %add3A_656 : i32
        %get3A_658 = arith.index_cast %add3A_644 : i32 to index
        %get3A_659 = arith.index_cast %add3A_657 : i32 to index
        %get3A_660 = tpu.vector_load %arg7[%get3A_658, %get3A_659] {strides = array<i32>} : memref<128x128xf32, #tpu.memory_space<vmem>>, vector<1x16xf32>,
        %get3A_661 = vector.shape_cast %get3A_660 : vector<1x16xf32> to vector<16xf32>
        %swap3A_662 = arith.index_cast %add3A_644 : i32 to index
        %swap3A_663 = arith.constant 16 : index
        %swap3A_664 = tpu.vector_load %arg10[%swap3A_662, %swap3A_663] {strides = array<i32>} : memref<128x64xf32, #tpu.memory_space<vmem>>, vector<1x16xf32>,
        %swap3A_665 = vector.shape_cast %swap3A_664 : vector<1x16xf32> to vector<16xf32>
        %swap3A_666 = vector.shape_cast %get3A_661 : vector<16xf32> to vector<1x16xf32>
        tpu.vector_store %arg10[%swap3A_662, %swap3A_663], %swap3A_666 {strides = array<i32>} : memref<128x64xf32, #tpu.memory_space<vmem>>, vector<1x16xf32>,
        %add3A_667 = arith.constant 32 : i32
        %add3A_668 = arith.addi %squeeze3A_640, %add3A_667 : i32
        %get3A_669 = arith.index_cast %add3A_644 : i32 to index
        %get3A_670 = arith.index_cast %add3A_668 : i32 to index
        %get3A_671 = tpu.vector_load %arg7[%get3A_669, %get3A_670] {strides = array<i32>} : memref<128x128xf32, #tpu.memory_space<vmem>>, vector<1x16xf32>,
        %get3A_672 = vector.shape_cast %get3A_671 : vector<1x16xf32> to vector<16xf32>
        %swap3A_673 = arith.index_cast %add3A_644 : i32 to index
        %swap3A_674 = arith.constant 32 : index
        %swap3A_675 = tpu.vector_load %arg10[%swap3A_673, %swap3A_674] {strides = array<i32>} : memref<128x64xf32, #tpu.memory_space<vmem>>, vector<1x16xf32>,
        %swap3A_676 = vector.shape_cast %swap3A_675 : vector<1x16xf32> to vector<16xf32>
        %swap3A_677 = vector.shape_cast %get3A_672 : vector<16xf32> to vector<1x16xf32>
        tpu.vector_store %arg10[%swap3A_673, %swap3A_674], %swap3A_677 {strides = array<i32>} : memref<128x64xf32, #tpu.memory_space<vmem>>, vector<1x16xf32>,
        %add3A_678 = arith.constant 48 : i32
        %add3A_679 = arith.addi %squeeze3A_640, %add3A_678 : i32
        %get3A_680 = arith.index_cast %add3A_644 : i32 to index
        %get3A_681 = arith.index_cast %add3A_679 : i32 to index
        %get3A_682 = tpu.vector_load %arg7[%get3A_680, %get3A_681] {strides = array<i32>} : memref<128x128xf32, #tpu.memory_space<vmem>>, vector<1x16xf32>,
        %get3A_683 = vector.shape_cast %get3A_682 : vector<1x16xf32> to vector<16xf32>
        %swap3A_684 = arith.index_cast %add3A_644 : i32 to index
        %swap3A_685 = arith.constant 48 : index
        %swap3A_686 = tpu.vector_load %arg10[%swap3A_684, %swap3A_685] {strides = array<i32>} : memref<128x64xf32, #tpu.memory_space<vmem>>, vector<1x16xf32>,
        %swap3A_687 = vector.shape_cast %swap3A_686 : vector<1x16xf32> to vector<16xf32>
        %swap3A_688 = vector.shape_cast %get3A_683 : vector<16xf32> to vector<1x16xf32>
        tpu.vector_store %arg10[%swap3A_684, %swap3A_685], %swap3A_688 {strides = array<i32>} : memref<128x64xf32, #tpu.memory_space<vmem>>, vector<1x16xf32>,
        %slice3A_689 = vector.extract_strided_slice %mul3A_241 {offsets = [9], sizes = [1], strides = [1]} : vector<16xi32> to vector<1xi32>
        %squeeze3A_690 = vector.extract %slice3A_689[0] : i32 from vector<1xi32>
        %mul3A_691 = arith.constant 16 : i32
        %mul3A_692 = arith.muli %add3A_231, %mul3A_691 : i32
        %add3A_693 = arith.constant 9 : i32
        %add3A_694 = arith.addi %mul3A_692, %add3A_693 : i32
        %add3A_695 = arith.constant 0 : i32
        %add3A_696 = arith.addi %squeeze3A_690, %add3A_695 : i32
        %get3A_697 = arith.index_cast %add3A_694 : i32 to index
        %get3A_698 = arith.index_cast %add3A_696 : i32 to index
        %get3A_699 = tpu.vector_load %arg7[%get3A_697, %get3A_698] {strides = array<i32>} : memref<128x128xf32, #tpu.memory_space<vmem>>, vector<1x16xf32>,
        %get3A_700 = vector.shape_cast %get3A_699 : vector<1x16xf32> to vector<16xf32>
        %swap3A_701 = arith.index_cast %add3A_694 : i32 to index
        %swap3A_702 = arith.constant 0 : index
        %swap3A_703 = tpu.vector_load %arg10[%swap3A_701, %swap3A_702] {strides = array<i32>} : memref<128x64xf32, #tpu.memory_space<vmem>>, vector<1x16xf32>,
        %swap3A_704 = vector.shape_cast %swap3A_703 : vector<1x16xf32> to vector<16xf32>
        %swap3A_705 = vector.shape_cast %get3A_700 : vector<16xf32> to vector<1x16xf32>
        tpu.vector_store %arg10[%swap3A_701, %swap3A_702], %swap3A_705 {strides = array<i32>} : memref<128x64xf32, #tpu.memory_space<vmem>>, vector<1x16xf32>,
        %add3A_706 = arith.constant 16 : i32
        %add3A_707 = arith.addi %squeeze3A_690, %add3A_706 : i32
        %get3A_708 = arith.index_cast %add3A_694 : i32 to index
        %get3A_709 = arith.index_cast %add3A_707 : i32 to index
        %get3A_710 = tpu.vector_load %arg7[%get3A_708, %get3A_709] {strides = array<i32>} : memref<128x128xf32, #tpu.memory_space<vmem>>, vector<1x16xf32>,
        %get3A_711 = vector.shape_cast %get3A_710 : vector<1x16xf32> to vector<16xf32>
        %swap3A_712 = arith.index_cast %add3A_694 : i32 to index
        %swap3A_713 = arith.constant 16 : index
        %swap3A_714 = tpu.vector_load %arg10[%swap3A_712, %swap3A_713] {strides = array<i32>} : memref<128x64xf32, #tpu.memory_space<vmem>>, vector<1x16xf32>,
        %swap3A_715 = vector.shape_cast %swap3A_714 : vector<1x16xf32> to vector<16xf32>
        %swap3A_716 = vector.shape_cast %get3A_711 : vector<16xf32> to vector<1x16xf32>
        tpu.vector_store %arg10[%swap3A_712, %swap3A_713], %swap3A_716 {strides = array<i32>} : memref<128x64xf32, #tpu.memory_space<vmem>>, vector<1x16xf32>,
        %add3A_717 = arith.constant 32 : i32
        %add3A_718 = arith.addi %squeeze3A_690, %add3A_717 : i32
        %get3A_719 = arith.index_cast %add3A_694 : i32 to index
        %get3A_720 = arith.index_cast %add3A_718 : i32 to index
        %get3A_721 = tpu.vector_load %arg7[%get3A_719, %get3A_720] {strides = array<i32>} : memref<128x128xf32, #tpu.memory_space<vmem>>, vector<1x16xf32>,
        %get3A_722 = vector.shape_cast %get3A_721 : vector<1x16xf32> to vector<16xf32>
        %swap3A_723 = arith.index_cast %add3A_694 : i32 to index
        %swap3A_724 = arith.constant 32 : index
        %swap3A_725 = tpu.vector_load %arg10[%swap3A_723, %swap3A_724] {strides = array<i32>} : memref<128x64xf32, #tpu.memory_space<vmem>>, vector<1x16xf32>,
        %swap3A_726 = vector.shape_cast %swap3A_725 : vector<1x16xf32> to vector<16xf32>
        %swap3A_727 = vector.shape_cast %get3A_722 : vector<16xf32> to vector<1x16xf32>
        tpu.vector_store %arg10[%swap3A_723, %swap3A_724], %swap3A_727 {strides = array<i32>} : memref<128x64xf32, #tpu.memory_space<vmem>>, vector<1x16xf32>,
        %add3A_728 = arith.constant 48 : i32
        %add3A_729 = arith.addi %squeeze3A_690, %add3A_728 : i32
        %get3A_730 = arith.index_cast %add3A_694 : i32 to index
        %get3A_731 = arith.index_cast %add3A_729 : i32 to index
        %get3A_732 = tpu.vector_load %arg7[%get3A_730, %get3A_731] {strides = array<i32>} : memref<128x128xf32, #tpu.memory_space<vmem>>, vector<1x16xf32>,
        %get3A_733 = vector.shape_cast %get3A_732 : vector<1x16xf32> to vector<16xf32>
        %swap3A_734 = arith.index_cast %add3A_694 : i32 to index
        %swap3A_735 = arith.constant 48 : index
        %swap3A_736 = tpu.vector_load %arg10[%swap3A_734, %swap3A_735] {strides = array<i32>} : memref<128x64xf32, #tpu.memory_space<vmem>>, vector<1x16xf32>,
        %swap3A_737 = vector.shape_cast %swap3A_736 : vector<1x16xf32> to vector<16xf32>
        %swap3A_738 = vector.shape_cast %get3A_733 : vector<16xf32> to vector<1x16xf32>
        tpu.vector_store %arg10[%swap3A_734, %swap3A_735], %swap3A_738 {strides = array<i32>} : memref<128x64xf32, #tpu.memory_space<vmem>>, vector<1x16xf32>,
        %slice3A_739 = vector.extract_strided_slice %mul3A_241 {offsets = [10], sizes = [1], strides = [1]} : vector<16xi32> to vector<1xi32>
        %squeeze3A_740 = vector.extract %slice3A_739[0] : i32 from vector<1xi32>
        %mul3A_741 = arith.constant 16 : i32
        %mul3A_742 = arith.muli %add3A_231, %mul3A_741 : i32
        %add3A_743 = arith.constant 10 : i32
        %add3A_744 = arith.addi %mul3A_742, %add3A_743 : i32
        %add3A_745 = arith.constant 0 : i32
        %add3A_746 = arith.addi %squeeze3A_740, %add3A_745 : i32
        %get3A_747 = arith.index_cast %add3A_744 : i32 to index
        %get3A_748 = arith.index_cast %add3A_746 : i32 to index
        %get3A_749 = tpu.vector_load %arg7[%get3A_747, %get3A_748] {strides = array<i32>} : memref<128x128xf32, #tpu.memory_space<vmem>>, vector<1x16xf32>,
        %get3A_750 = vector.shape_cast %get3A_749 : vector<1x16xf32> to vector<16xf32>
        %swap3A_751 = arith.index_cast %add3A_744 : i32 to index
        %swap3A_752 = arith.constant 0 : index
        %swap3A_753 = tpu.vector_load %arg10[%swap3A_751, %swap3A_752] {strides = array<i32>} : memref<128x64xf32, #tpu.memory_space<vmem>>, vector<1x16xf32>,
        %swap3A_754 = vector.shape_cast %swap3A_753 : vector<1x16xf32> to vector<16xf32>
        %swap3A_755 = vector.shape_cast %get3A_750 : vector<16xf32> to vector<1x16xf32>
        tpu.vector_store %arg10[%swap3A_751, %swap3A_752], %swap3A_755 {strides = array<i32>} : memref<128x64xf32, #tpu.memory_space<vmem>>, vector<1x16xf32>,
        %add3A_756 = arith.constant 16 : i32
        %add3A_757 = arith.addi %squeeze3A_740, %add3A_756 : i32
        %get3A_758 = arith.index_cast %add3A_744 : i32 to index
        %get3A_759 = arith.index_cast %add3A_757 : i32 to index
        %get3A_760 = tpu.vector_load %arg7[%get3A_758, %get3A_759] {strides = array<i32>} : memref<128x128xf32, #tpu.memory_space<vmem>>, vector<1x16xf32>,
        %get3A_761 = vector.shape_cast %get3A_760 : vector<1x16xf32> to vector<16xf32>
        %swap3A_762 = arith.index_cast %add3A_744 : i32 to index
        %swap3A_763 = arith.constant 16 : index
        %swap3A_764 = tpu.vector_load %arg10[%swap3A_762, %swap3A_763] {strides = array<i32>} : memref<128x64xf32, #tpu.memory_space<vmem>>, vector<1x16xf32>,
        %swap3A_765 = vector.shape_cast %swap3A_764 : vector<1x16xf32> to vector<16xf32>
        %swap3A_766 = vector.shape_cast %get3A_761 : vector<16xf32> to vector<1x16xf32>
        tpu.vector_store %arg10[%swap3A_762, %swap3A_763], %swap3A_766 {strides = array<i32>} : memref<128x64xf32, #tpu.memory_space<vmem>>, vector<1x16xf32>,
        %add3A_767 = arith.constant 32 : i32
        %add3A_768 = arith.addi %squeeze3A_740, %add3A_767 : i32
        %get3A_769 = arith.index_cast %add3A_744 : i32 to index
        %get3A_770 = arith.index_cast %add3A_768 : i32 to index
        %get3A_771 = tpu.vector_load %arg7[%get3A_769, %get3A_770] {strides = array<i32>} : memref<128x128xf32, #tpu.memory_space<vmem>>, vector<1x16xf32>,
        %get3A_772 = vector.shape_cast %get3A_771 : vector<1x16xf32> to vector<16xf32>
        %swap3A_773 = arith.index_cast %add3A_744 : i32 to index
        %swap3A_774 = arith.constant 32 : index
        %swap3A_775 = tpu.vector_load %arg10[%swap3A_773, %swap3A_774] {strides = array<i32>} : memref<128x64xf32, #tpu.memory_space<vmem>>, vector<1x16xf32>,
        %swap3A_776 = vector.shape_cast %swap3A_775 : vector<1x16xf32> to vector<16xf32>
        %swap3A_777 = vector.shape_cast %get3A_772 : vector<16xf32> to vector<1x16xf32>
        tpu.vector_store %arg10[%swap3A_773, %swap3A_774], %swap3A_777 {strides = array<i32>} : memref<128x64xf32, #tpu.memory_space<vmem>>, vector<1x16xf32>,
        %add3A_778 = arith.constant 48 : i32
        %add3A_779 = arith.addi %squeeze3A_740, %add3A_778 : i32
        %get3A_780 = arith.index_cast %add3A_744 : i32 to index
        %get3A_781 = arith.index_cast %add3A_779 : i32 to index
        %get3A_782 = tpu.vector_load %arg7[%get3A_780, %get3A_781] {strides = array<i32>} : memref<128x128xf32, #tpu.memory_space<vmem>>, vector<1x16xf32>,
        %get3A_783 = vector.shape_cast %get3A_782 : vector<1x16xf32> to vector<16xf32>
        %swap3A_784 = arith.index_cast %add3A_744 : i32 to index
        %swap3A_785 = arith.constant 48 : index
        %swap3A_786 = tpu.vector_load %arg10[%swap3A_784, %swap3A_785] {strides = array<i32>} : memref<128x64xf32, #tpu.memory_space<vmem>>, vector<1x16xf32>,
        %swap3A_787 = vector.shape_cast %swap3A_786 : vector<1x16xf32> to vector<16xf32>
        %swap3A_788 = vector.shape_cast %get3A_783 : vector<16xf32> to vector<1x16xf32>
        tpu.vector_store %arg10[%swap3A_784, %swap3A_785], %swap3A_788 {strides = array<i32>} : memref<128x64xf32, #tpu.memory_space<vmem>>, vector<1x16xf32>,
        %slice3A_789 = vector.extract_strided_slice %mul3A_241 {offsets = [11], sizes = [1], strides = [1]} : vector<16xi32> to vector<1xi32>
        %squeeze3A_790 = vector.extract %slice3A_789[0] : i32 from vector<1xi32>
        %mul3A_791 = arith.constant 16 : i32
        %mul3A_792 = arith.muli %add3A_231, %mul3A_791 : i32
        %add3A_793 = arith.constant 11 : i32
        %add3A_794 = arith.addi %mul3A_792, %add3A_793 : i32
        %add3A_795 = arith.constant 0 : i32
        %add3A_796 = arith.addi %squeeze3A_790, %add3A_795 : i32
        %get3A_797 = arith.index_cast %add3A_794 : i32 to index
        %get3A_798 = arith.index_cast %add3A_796 : i32 to index
        %get3A_799 = tpu.vector_load %arg7[%get3A_797, %get3A_798] {strides = array<i32>} : memref<128x128xf32, #tpu.memory_space<vmem>>, vector<1x16xf32>,
        %get3A_800 = vector.shape_cast %get3A_799 : vector<1x16xf32> to vector<16xf32>
        %swap3A_801 = arith.index_cast %add3A_794 : i32 to index
        %swap3A_802 = arith.constant 0 : index
        %swap3A_803 = tpu.vector_load %arg10[%swap3A_801, %swap3A_802] {strides = array<i32>} : memref<128x64xf32, #tpu.memory_space<vmem>>, vector<1x16xf32>,
        %swap3A_804 = vector.shape_cast %swap3A_803 : vector<1x16xf32> to vector<16xf32>
        %swap3A_805 = vector.shape_cast %get3A_800 : vector<16xf32> to vector<1x16xf32>
        tpu.vector_store %arg10[%swap3A_801, %swap3A_802], %swap3A_805 {strides = array<i32>} : memref<128x64xf32, #tpu.memory_space<vmem>>, vector<1x16xf32>,
        %add3A_806 = arith.constant 16 : i32
        %add3A_807 = arith.addi %squeeze3A_790, %add3A_806 : i32
        %get3A_808 = arith.index_cast %add3A_794 : i32 to index
        %get3A_809 = arith.index_cast %add3A_807 : i32 to index
        %get3A_810 = tpu.vector_load %arg7[%get3A_808, %get3A_809] {strides = array<i32>} : memref<128x128xf32, #tpu.memory_space<vmem>>, vector<1x16xf32>,
        %get3A_811 = vector.shape_cast %get3A_810 : vector<1x16xf32> to vector<16xf32>
        %swap3A_812 = arith.index_cast %add3A_794 : i32 to index
        %swap3A_813 = arith.constant 16 : index
        %swap3A_814 = tpu.vector_load %arg10[%swap3A_812, %swap3A_813] {strides = array<i32>} : memref<128x64xf32, #tpu.memory_space<vmem>>, vector<1x16xf32>,
        %swap3A_815 = vector.shape_cast %swap3A_814 : vector<1x16xf32> to vector<16xf32>
        %swap3A_816 = vector.shape_cast %get3A_811 : vector<16xf32> to vector<1x16xf32>
        tpu.vector_store %arg10[%swap3A_812, %swap3A_813], %swap3A_816 {strides = array<i32>} : memref<128x64xf32, #tpu.memory_space<vmem>>, vector<1x16xf32>,
        %add3A_817 = arith.constant 32 : i32
        %add3A_818 = arith.addi %squeeze3A_790, %add3A_817 : i32
        %get3A_819 = arith.index_cast %add3A_794 : i32 to index
        %get3A_820 = arith.index_cast %add3A_818 : i32 to index
        %get3A_821 = tpu.vector_load %arg7[%get3A_819, %get3A_820] {strides = array<i32>} : memref<128x128xf32, #tpu.memory_space<vmem>>, vector<1x16xf32>,
        %get3A_822 = vector.shape_cast %get3A_821 : vector<1x16xf32> to vector<16xf32>
        %swap3A_823 = arith.index_cast %add3A_794 : i32 to index
        %swap3A_824 = arith.constant 32 : index
        %swap3A_825 = tpu.vector_load %arg10[%swap3A_823, %swap3A_824] {strides = array<i32>} : memref<128x64xf32, #tpu.memory_space<vmem>>, vector<1x16xf32>,
        %swap3A_826 = vector.shape_cast %swap3A_825 : vector<1x16xf32> to vector<16xf32>
        %swap3A_827 = vector.shape_cast %get3A_822 : vector<16xf32> to vector<1x16xf32>
        tpu.vector_store %arg10[%swap3A_823, %swap3A_824], %swap3A_827 {strides = array<i32>} : memref<128x64xf32, #tpu.memory_space<vmem>>, vector<1x16xf32>,
        %add3A_828 = arith.constant 48 : i32
        %add3A_829 = arith.addi %squeeze3A_790, %add3A_828 : i32
        %get3A_830 = arith.index_cast %add3A_794 : i32 to index
        %get3A_831 = arith.index_cast %add3A_829 : i32 to index
        %get3A_832 = tpu.vector_load %arg7[%get3A_830, %get3A_831] {strides = array<i32>} : memref<128x128xf32, #tpu.memory_space<vmem>>, vector<1x16xf32>,
        %get3A_833 = vector.shape_cast %get3A_832 : vector<1x16xf32> to vector<16xf32>
        %swap3A_834 = arith.index_cast %add3A_794 : i32 to index
        %swap3A_835 = arith.constant 48 : index
        %swap3A_836 = tpu.vector_load %arg10[%swap3A_834, %swap3A_835] {strides = array<i32>} : memref<128x64xf32, #tpu.memory_space<vmem>>, vector<1x16xf32>,
        %swap3A_837 = vector.shape_cast %swap3A_836 : vector<1x16xf32> to vector<16xf32>
        %swap3A_838 = vector.shape_cast %get3A_833 : vector<16xf32> to vector<1x16xf32>
        tpu.vector_store %arg10[%swap3A_834, %swap3A_835], %swap3A_838 {strides = array<i32>} : memref<128x64xf32, #tpu.memory_space<vmem>>, vector<1x16xf32>,
        %slice3A_839 = vector.extract_strided_slice %mul3A_241 {offsets = [12], sizes = [1], strides = [1]} : vector<16xi32> to vector<1xi32>
        %squeeze3A_840 = vector.extract %slice3A_839[0] : i32 from vector<1xi32>
        %mul3A_841 = arith.constant 16 : i32
        %mul3A_842 = arith.muli %add3A_231, %mul3A_841 : i32
        %add3A_843 = arith.constant 12 : i32
        %add3A_844 = arith.addi %mul3A_842, %add3A_843 : i32
        %add3A_845 = arith.constant 0 : i32
        %add3A_846 = arith.addi %squeeze3A_840, %add3A_845 : i32
        %get3A_847 = arith.index_cast %add3A_844 : i32 to index
        %get3A_848 = arith.index_cast %add3A_846 : i32 to index
        %get3A_849 = tpu.vector_load %arg7[%get3A_847, %get3A_848] {strides = array<i32>} : memref<128x128xf32, #tpu.memory_space<vmem>>, vector<1x16xf32>,
        %get3A_850 = vector.shape_cast %get3A_849 : vector<1x16xf32> to vector<16xf32>
        %swap3A_851 = arith.index_cast %add3A_844 : i32 to index
        %swap3A_852 = arith.constant 0 : index
        %swap3A_853 = tpu.vector_load %arg10[%swap3A_851, %swap3A_852] {strides = array<i32>} : memref<128x64xf32, #tpu.memory_space<vmem>>, vector<1x16xf32>,
        %swap3A_854 = vector.shape_cast %swap3A_853 : vector<1x16xf32> to vector<16xf32>
        %swap3A_855 = vector.shape_cast %get3A_850 : vector<16xf32> to vector<1x16xf32>
        tpu.vector_store %arg10[%swap3A_851, %swap3A_852], %swap3A_855 {strides = array<i32>} : memref<128x64xf32, #tpu.memory_space<vmem>>, vector<1x16xf32>,
        %add3A_856 = arith.constant 16 : i32
        %add3A_857 = arith.addi %squeeze3A_840, %add3A_856 : i32
        %get3A_858 = arith.index_cast %add3A_844 : i32 to index
        %get3A_859 = arith.index_cast %add3A_857 : i32 to index
        %get3A_860 = tpu.vector_load %arg7[%get3A_858, %get3A_859] {strides = array<i32>} : memref<128x128xf32, #tpu.memory_space<vmem>>, vector<1x16xf32>,
        %get3A_861 = vector.shape_cast %get3A_860 : vector<1x16xf32> to vector<16xf32>
        %swap3A_862 = arith.index_cast %add3A_844 : i32 to index
        %swap3A_863 = arith.constant 16 : index
        %swap3A_864 = tpu.vector_load %arg10[%swap3A_862, %swap3A_863] {strides = array<i32>} : memref<128x64xf32, #tpu.memory_space<vmem>>, vector<1x16xf32>,
        %swap3A_865 = vector.shape_cast %swap3A_864 : vector<1x16xf32> to vector<16xf32>
        %swap3A_866 = vector.shape_cast %get3A_861 : vector<16xf32> to vector<1x16xf32>
        tpu.vector_store %arg10[%swap3A_862, %swap3A_863], %swap3A_866 {strides = array<i32>} : memref<128x64xf32, #tpu.memory_space<vmem>>, vector<1x16xf32>,
        %add3A_867 = arith.constant 32 : i32
        %add3A_868 = arith.addi %squeeze3A_840, %add3A_867 : i32
        %get3A_869 = arith.index_cast %add3A_844 : i32 to index
        %get3A_870 = arith.index_cast %add3A_868 : i32 to index
        %get3A_871 = tpu.vector_load %arg7[%get3A_869, %get3A_870] {strides = array<i32>} : memref<128x128xf32, #tpu.memory_space<vmem>>, vector<1x16xf32>,
        %get3A_872 = vector.shape_cast %get3A_871 : vector<1x16xf32> to vector<16xf32>
        %swap3A_873 = arith.index_cast %add3A_844 : i32 to index
        %swap3A_874 = arith.constant 32 : index
        %swap3A_875 = tpu.vector_load %arg10[%swap3A_873, %swap3A_874] {strides = array<i32>} : memref<128x64xf32, #tpu.memory_space<vmem>>, vector<1x16xf32>,
        %swap3A_876 = vector.shape_cast %swap3A_875 : vector<1x16xf32> to vector<16xf32>
        %swap3A_877 = vector.shape_cast %get3A_872 : vector<16xf32> to vector<1x16xf32>
        tpu.vector_store %arg10[%swap3A_873, %swap3A_874], %swap3A_877 {strides = array<i32>} : memref<128x64xf32, #tpu.memory_space<vmem>>, vector<1x16xf32>,
        %add3A_878 = arith.constant 48 : i32
        %add3A_879 = arith.addi %squeeze3A_840, %add3A_878 : i32
        %get3A_880 = arith.index_cast %add3A_844 : i32 to index
        %get3A_881 = arith.index_cast %add3A_879 : i32 to index
        %get3A_882 = tpu.vector_load %arg7[%get3A_880, %get3A_881] {strides = array<i32>} : memref<128x128xf32, #tpu.memory_space<vmem>>, vector<1x16xf32>,
        %get3A_883 = vector.shape_cast %get3A_882 : vector<1x16xf32> to vector<16xf32>
        %swap3A_884 = arith.index_cast %add3A_844 : i32 to index
        %swap3A_885 = arith.constant 48 : index
        %swap3A_886 = tpu.vector_load %arg10[%swap3A_884, %swap3A_885] {strides = array<i32>} : memref<128x64xf32, #tpu.memory_space<vmem>>, vector<1x16xf32>,
        %swap3A_887 = vector.shape_cast %swap3A_886 : vector<1x16xf32> to vector<16xf32>
        %swap3A_888 = vector.shape_cast %get3A_883 : vector<16xf32> to vector<1x16xf32>
        tpu.vector_store %arg10[%swap3A_884, %swap3A_885], %swap3A_888 {strides = array<i32>} : memref<128x64xf32, #tpu.memory_space<vmem>>, vector<1x16xf32>,
        %slice3A_889 = vector.extract_strided_slice %mul3A_241 {offsets = [13], sizes = [1], strides = [1]} : vector<16xi32> to vector<1xi32>
        %squeeze3A_890 = vector.extract %slice3A_889[0] : i32 from vector<1xi32>
        %mul3A_891 = arith.constant 16 : i32
        %mul3A_892 = arith.muli %add3A_231, %mul3A_891 : i32
        %add3A_893 = arith.constant 13 : i32
        %add3A_894 = arith.addi %mul3A_892, %add3A_893 : i32
        %add3A_895 = arith.constant 0 : i32
        %add3A_896 = arith.addi %squeeze3A_890, %add3A_895 : i32
        %get3A_897 = arith.index_cast %add3A_894 : i32 to index
        %get3A_898 = arith.index_cast %add3A_896 : i32 to index
        %get3A_899 = tpu.vector_load %arg7[%get3A_897, %get3A_898] {strides = array<i32>} : memref<128x128xf32, #tpu.memory_space<vmem>>, vector<1x16xf32>,
        %get3A_900 = vector.shape_cast %get3A_899 : vector<1x16xf32> to vector<16xf32>
        %swap3A_901 = arith.index_cast %add3A_894 : i32 to index
        %swap3A_902 = arith.constant 0 : index
        %swap3A_903 = tpu.vector_load %arg10[%swap3A_901, %swap3A_902] {strides = array<i32>} : memref<128x64xf32, #tpu.memory_space<vmem>>, vector<1x16xf32>,
        %swap3A_904 = vector.shape_cast %swap3A_903 : vector<1x16xf32> to vector<16xf32>
        %swap3A_905 = vector.shape_cast %get3A_900 : vector<16xf32> to vector<1x16xf32>
        tpu.vector_store %arg10[%swap3A_901, %swap3A_902], %swap3A_905 {strides = array<i32>} : memref<128x64xf32, #tpu.memory_space<vmem>>, vector<1x16xf32>,
        %add3A_906 = arith.constant 16 : i32
        %add3A_907 = arith.addi %squeeze3A_890, %add3A_906 : i32
        %get3A_908 = arith.index_cast %add3A_894 : i32 to index
        %get3A_909 = arith.index_cast %add3A_907 : i32 to index
        %get3A_910 = tpu.vector_load %arg7[%get3A_908, %get3A_909] {strides = array<i32>} : memref<128x128xf32, #tpu.memory_space<vmem>>, vector<1x16xf32>,
        %get3A_911 = vector.shape_cast %get3A_910 : vector<1x16xf32> to vector<16xf32>
        %swap3A_912 = arith.index_cast %add3A_894 : i32 to index
        %swap3A_913 = arith.constant 16 : index
        %swap3A_914 = tpu.vector_load %arg10[%swap3A_912, %swap3A_913] {strides = array<i32>} : memref<128x64xf32, #tpu.memory_space<vmem>>, vector<1x16xf32>,
        %swap3A_915 = vector.shape_cast %swap3A_914 : vector<1x16xf32> to vector<16xf32>
        %swap3A_916 = vector.shape_cast %get3A_911 : vector<16xf32> to vector<1x16xf32>
        tpu.vector_store %arg10[%swap3A_912, %swap3A_913], %swap3A_916 {strides = array<i32>} : memref<128x64xf32, #tpu.memory_space<vmem>>, vector<1x16xf32>,
        %add3A_917 = arith.constant 32 : i32
        %add3A_918 = arith.addi %squeeze3A_890, %add3A_917 : i32
        %get3A_919 = arith.index_cast %add3A_894 : i32 to index
        %get3A_920 = arith.index_cast %add3A_918 : i32 to index
        %get3A_921 = tpu.vector_load %arg7[%get3A_919, %get3A_920] {strides = array<i32>} : memref<128x128xf32, #tpu.memory_space<vmem>>, vector<1x16xf32>,
        %get3A_922 = vector.shape_cast %get3A_921 : vector<1x16xf32> to vector<16xf32>
        %swap3A_923 = arith.index_cast %add3A_894 : i32 to index
        %swap3A_924 = arith.constant 32 : index
        %swap3A_925 = tpu.vector_load %arg10[%swap3A_923, %swap3A_924] {strides = array<i32>} : memref<128x64xf32, #tpu.memory_space<vmem>>, vector<1x16xf32>,
        %swap3A_926 = vector.shape_cast %swap3A_925 : vector<1x16xf32> to vector<16xf32>
        %swap3A_927 = vector.shape_cast %get3A_922 : vector<16xf32> to vector<1x16xf32>
        tpu.vector_store %arg10[%swap3A_923, %swap3A_924], %swap3A_927 {strides = array<i32>} : memref<128x64xf32, #tpu.memory_space<vmem>>, vector<1x16xf32>,
        %add3A_928 = arith.constant 48 : i32
        %add3A_929 = arith.addi %squeeze3A_890, %add3A_928 : i32
        %get3A_930 = arith.index_cast %add3A_894 : i32 to index
        %get3A_931 = arith.index_cast %add3A_929 : i32 to index
        %get3A_932 = tpu.vector_load %arg7[%get3A_930, %get3A_931] {strides = array<i32>} : memref<128x128xf32, #tpu.memory_space<vmem>>, vector<1x16xf32>,
        %get3A_933 = vector.shape_cast %get3A_932 : vector<1x16xf32> to vector<16xf32>
        %swap3A_934 = arith.index_cast %add3A_894 : i32 to index
        %swap3A_935 = arith.constant 48 : index
        %swap3A_936 = tpu.vector_load %arg10[%swap3A_934, %swap3A_935] {strides = array<i32>} : memref<128x64xf32, #tpu.memory_space<vmem>>, vector<1x16xf32>,
        %swap3A_937 = vector.shape_cast %swap3A_936 : vector<1x16xf32> to vector<16xf32>
        %swap3A_938 = vector.shape_cast %get3A_933 : vector<16xf32> to vector<1x16xf32>
        tpu.vector_store %arg10[%swap3A_934, %swap3A_935], %swap3A_938 {strides = array<i32>} : memref<128x64xf32, #tpu.memory_space<vmem>>, vector<1x16xf32>,
        %slice3A_939 = vector.extract_strided_slice %mul3A_241 {offsets = [14], sizes = [1], strides = [1]} : vector<16xi32> to vector<1xi32>
        %squeeze3A_940 = vector.extract %slice3A_939[0] : i32 from vector<1xi32>
        %mul3A_941 = arith.constant 16 : i32
        %mul3A_942 = arith.muli %add3A_231, %mul3A_941 : i32
        %add3A_943 = arith.constant 14 : i32
        %add3A_944 = arith.addi %mul3A_942, %add3A_943 : i32
        %add3A_945 = arith.constant 0 : i32
        %add3A_946 = arith.addi %squeeze3A_940, %add3A_945 : i32
        %get3A_947 = arith.index_cast %add3A_944 : i32 to index
        %get3A_948 = arith.index_cast %add3A_946 : i32 to index
        %get3A_949 = tpu.vector_load %arg7[%get3A_947, %get3A_948] {strides = array<i32>} : memref<128x128xf32, #tpu.memory_space<vmem>>, vector<1x16xf32>,
        %get3A_950 = vector.shape_cast %get3A_949 : vector<1x16xf32> to vector<16xf32>
        %swap3A_951 = arith.index_cast %add3A_944 : i32 to index
        %swap3A_952 = arith.constant 0 : index
        %swap3A_953 = tpu.vector_load %arg10[%swap3A_951, %swap3A_952] {strides = array<i32>} : memref<128x64xf32, #tpu.memory_space<vmem>>, vector<1x16xf32>,
        %swap3A_954 = vector.shape_cast %swap3A_953 : vector<1x16xf32> to vector<16xf32>
        %swap3A_955 = vector.shape_cast %get3A_950 : vector<16xf32> to vector<1x16xf32>
        tpu.vector_store %arg10[%swap3A_951, %swap3A_952], %swap3A_955 {strides = array<i32>} : memref<128x64xf32, #tpu.memory_space<vmem>>, vector<1x16xf32>,
        %add3A_956 = arith.constant 16 : i32
        %add3A_957 = arith.addi %squeeze3A_940, %add3A_956 : i32
        %get3A_958 = arith.index_cast %add3A_944 : i32 to index
        %get3A_959 = arith.index_cast %add3A_957 : i32 to index
        %get3A_960 = tpu.vector_load %arg7[%get3A_958, %get3A_959] {strides = array<i32>} : memref<128x128xf32, #tpu.memory_space<vmem>>, vector<1x16xf32>,
        %get3A_961 = vector.shape_cast %get3A_960 : vector<1x16xf32> to vector<16xf32>
        %swap3A_962 = arith.index_cast %add3A_944 : i32 to index
        %swap3A_963 = arith.constant 16 : index
        %swap3A_964 = tpu.vector_load %arg10[%swap3A_962, %swap3A_963] {strides = array<i32>} : memref<128x64xf32, #tpu.memory_space<vmem>>, vector<1x16xf32>,
        %swap3A_965 = vector.shape_cast %swap3A_964 : vector<1x16xf32> to vector<16xf32>
        %swap3A_966 = vector.shape_cast %get3A_961 : vector<16xf32> to vector<1x16xf32>
        tpu.vector_store %arg10[%swap3A_962, %swap3A_963], %swap3A_966 {strides = array<i32>} : memref<128x64xf32, #tpu.memory_space<vmem>>, vector<1x16xf32>,
        %add3A_967 = arith.constant 32 : i32
        %add3A_968 = arith.addi %squeeze3A_940, %add3A_967 : i32
        %get3A_969 = arith.index_cast %add3A_944 : i32 to index
        %get3A_970 = arith.index_cast %add3A_968 : i32 to index
        %get3A_971 = tpu.vector_load %arg7[%get3A_969, %get3A_970] {strides = array<i32>} : memref<128x128xf32, #tpu.memory_space<vmem>>, vector<1x16xf32>,
        %get3A_972 = vector.shape_cast %get3A_971 : vector<1x16xf32> to vector<16xf32>
        %swap3A_973 = arith.index_cast %add3A_944 : i32 to index
        %swap3A_974 = arith.constant 32 : index
        %swap3A_975 = tpu.vector_load %arg10[%swap3A_973, %swap3A_974] {strides = array<i32>} : memref<128x64xf32, #tpu.memory_space<vmem>>, vector<1x16xf32>,
        %swap3A_976 = vector.shape_cast %swap3A_975 : vector<1x16xf32> to vector<16xf32>
        %swap3A_977 = vector.shape_cast %get3A_972 : vector<16xf32> to vector<1x16xf32>
        tpu.vector_store %arg10[%swap3A_973, %swap3A_974], %swap3A_977 {strides = array<i32>} : memref<128x64xf32, #tpu.memory_space<vmem>>, vector<1x16xf32>,
        %add3A_978 = arith.constant 48 : i32
        %add3A_979 = arith.addi %squeeze3A_940, %add3A_978 : i32
        %get3A_980 = arith.index_cast %add3A_944 : i32 to index
        %get3A_981 = arith.index_cast %add3A_979 : i32 to index
        %get3A_982 = tpu.vector_load %arg7[%get3A_980, %get3A_981] {strides = array<i32>} : memref<128x128xf32, #tpu.memory_space<vmem>>, vector<1x16xf32>,
        %get3A_983 = vector.shape_cast %get3A_982 : vector<1x16xf32> to vector<16xf32>
        %swap3A_984 = arith.index_cast %add3A_944 : i32 to index
        %swap3A_985 = arith.constant 48 : index
        %swap3A_986 = tpu.vector_load %arg10[%swap3A_984, %swap3A_985] {strides = array<i32>} : memref<128x64xf32, #tpu.memory_space<vmem>>, vector<1x16xf32>,
        %swap3A_987 = vector.shape_cast %swap3A_986 : vector<1x16xf32> to vector<16xf32>
        %swap3A_988 = vector.shape_cast %get3A_983 : vector<16xf32> to vector<1x16xf32>
        tpu.vector_store %arg10[%swap3A_984, %swap3A_985], %swap3A_988 {strides = array<i32>} : memref<128x64xf32, #tpu.memory_space<vmem>>, vector<1x16xf32>,
        %slice3A_989 = vector.extract_strided_slice %mul3A_241 {offsets = [15], sizes = [1], strides = [1]} : vector<16xi32> to vector<1xi32>
        %squeeze3A_990 = vector.extract %slice3A_989[0] : i32 from vector<1xi32>
        %mul3A_991 = arith.constant 16 : i32
        %mul3A_992 = arith.muli %add3A_231, %mul3A_991 : i32
        %add3A_993 = arith.constant 15 : i32
        %add3A_994 = arith.addi %mul3A_992, %add3A_993 : i32
        %add3A_995 = arith.constant 0 : i32
        %add3A_996 = arith.addi %squeeze3A_990, %add3A_995 : i32
        %get3A_997 = arith.index_cast %add3A_994 : i32 to index
        %get3A_998 = arith.index_cast %add3A_996 : i32 to index
        %get3A_999 = tpu.vector_load %arg7[%get3A_997, %get3A_998] {strides = array<i32>} : memref<128x128xf32, #tpu.memory_space<vmem>>, vector<1x16xf32>,
        %get3A_1000 = vector.shape_cast %get3A_999 : vector<1x16xf32> to vector<16xf32>
        %swap3A_1001 = arith.index_cast %add3A_994 : i32 to index
        %swap3A_1002 = arith.constant 0 : index
        %swap3A_1003 = tpu.vector_load %arg10[%swap3A_1001, %swap3A_1002] {strides = array<i32>} : memref<128x64xf32, #tpu.memory_space<vmem>>, vector<1x16xf32>,
        %swap3A_1004 = vector.shape_cast %swap3A_1003 : vector<1x16xf32> to vector<16xf32>
        %swap3A_1005 = vector.shape_cast %get3A_1000 : vector<16xf32> to vector<1x16xf32>
        tpu.vector_store %arg10[%swap3A_1001, %swap3A_1002], %swap3A_1005 {strides = array<i32>} : memref<128x64xf32, #tpu.memory_space<vmem>>, vector<1x16xf32>,
        %add3A_1006 = arith.constant 16 : i32
        %add3A_1007 = arith.addi %squeeze3A_990, %add3A_1006 : i32
        %get3A_1008 = arith.index_cast %add3A_994 : i32 to index
        %get3A_1009 = arith.index_cast %add3A_1007 : i32 to index
        %get3A_1010 = tpu.vector_load %arg7[%get3A_1008, %get3A_1009] {strides = array<i32>} : memref<128x128xf32, #tpu.memory_space<vmem>>, vector<1x16xf32>,
        %get3A_1011 = vector.shape_cast %get3A_1010 : vector<1x16xf32> to vector<16xf32>
        %swap3A_1012 = arith.index_cast %add3A_994 : i32 to index
        %swap3A_1013 = arith.constant 16 : index
        %swap3A_1014 = tpu.vector_load %arg10[%swap3A_1012, %swap3A_1013] {strides = array<i32>} : memref<128x64xf32, #tpu.memory_space<vmem>>, vector<1x16xf32>,
        %swap3A_1015 = vector.shape_cast %swap3A_1014 : vector<1x16xf32> to vector<16xf32>
        %swap3A_1016 = vector.shape_cast %get3A_1011 : vector<16xf32> to vector<1x16xf32>
        tpu.vector_store %arg10[%swap3A_1012, %swap3A_1013], %swap3A_1016 {strides = array<i32>} : memref<128x64xf32, #tpu.memory_space<vmem>>, vector<1x16xf32>,
        %add3A_1017 = arith.constant 32 : i32
        %add3A_1018 = arith.addi %squeeze3A_990, %add3A_1017 : i32
        %get3A_1019 = arith.index_cast %add3A_994 : i32 to index
        %get3A_1020 = arith.index_cast %add3A_1018 : i32 to index
        %get3A_1021 = tpu.vector_load %arg7[%get3A_1019, %get3A_1020] {strides = array<i32>} : memref<128x128xf32, #tpu.memory_space<vmem>>, vector<1x16xf32>,
        %get3A_1022 = vector.shape_cast %get3A_1021 : vector<1x16xf32> to vector<16xf32>
        %swap3A_1023 = arith.index_cast %add3A_994 : i32 to index
        %swap3A_1024 = arith.constant 32 : index
        %swap3A_1025 = tpu.vector_load %arg10[%swap3A_1023, %swap3A_1024] {strides = array<i32>} : memref<128x64xf32, #tpu.memory_space<vmem>>, vector<1x16xf32>,
        %swap3A_1026 = vector.shape_cast %swap3A_1025 : vector<1x16xf32> to vector<16xf32>
        %swap3A_1027 = vector.shape_cast %get3A_1022 : vector<16xf32> to vector<1x16xf32>
        tpu.vector_store %arg10[%swap3A_1023, %swap3A_1024], %swap3A_1027 {strides = array<i32>} : memref<128x64xf32, #tpu.memory_space<vmem>>, vector<1x16xf32>,
        %add3A_1028 = arith.constant 48 : i32
        %add3A_1029 = arith.addi %squeeze3A_990, %add3A_1028 : i32
        %get3A_1030 = arith.index_cast %add3A_994 : i32 to index
        %get3A_1031 = arith.index_cast %add3A_1029 : i32 to index
        %get3A_1032 = tpu.vector_load %arg7[%get3A_1030, %get3A_1031] {strides = array<i32>} : memref<128x128xf32, #tpu.memory_space<vmem>>, vector<1x16xf32>,
        %get3A_1033 = vector.shape_cast %get3A_1032 : vector<1x16xf32> to vector<16xf32>
        %swap3A_1034 = arith.index_cast %add3A_994 : i32 to index
        %swap3A_1035 = arith.constant 48 : index
        %swap3A_1036 = tpu.vector_load %arg10[%swap3A_1034, %swap3A_1035] {strides = array<i32>} : memref<128x64xf32, #tpu.memory_space<vmem>>, vector<1x16xf32>,
        %swap3A_1037 = vector.shape_cast %swap3A_1036 : vector<1x16xf32> to vector<16xf32>
        %swap3A_1038 = vector.shape_cast %get3A_1033 : vector<16xf32> to vector<1x16xf32>
        tpu.vector_store %arg10[%swap3A_1034, %swap3A_1035], %swap3A_1038 {strides = array<i32>} : memref<128x64xf32, #tpu.memory_space<vmem>>, vector<1x16xf32>,
      }
      %scan3A_117 = arith.constant 8 : i32
      %add3A_118 = arith.constant 0 : i32
      %add3A_119 = arith.addi %add3A_103, %add3A_118 : i32
      %mul3A_120 = arith.constant 128 : i32
      %mul3A_121 = arith.muli %add3A, %mul3A_120 : i32
      %dma_start3A_122 = arith.constant 0 : i32
      %dma_start3A_123 = tpu.memref_slice %arg4[%add3A_119, %mul3A_121, %dma_start3A_122] : memref<50x4096x64xf32, #tpu.memory_space<hbm>> -> memref<1x128x64xf32, #tpu.memory_space<hbm>>
      %dma_start3A_124 = tpu.memref_squeeze %dma_start3A_123 : memref<1x128x64xf32, #tpu.memory_space<hbm>> -> memref<128x64xf32, #tpu.memory_space<hbm>>
      %dma_start3A_125 = arith.constant 0 : i32
      %dma_start3A_126 = tpu.memref_slice %arg4[%add3A_119, %mul3A_121, %dma_start3A_125] : memref<50x4096x64xf32, #tpu.memory_space<hbm>> -> memref<1x128x64xf32, #tpu.memory_space<hbm>>
      %dma_start3A_127 = tpu.memref_squeeze %dma_start3A_126 : memref<1x128x64xf32, #tpu.memory_space<hbm>> -> memref<128x64xf32, #tpu.memory_space<hbm>>
      tpu.enqueue_dma source(%arg10 : memref<128x64xf32, #tpu.memory_space<vmem>>) target(%dma_start3A_127 : memref<128x64xf32, #tpu.memory_space<hbm>>) target_semaphore(%arg17 : memref<!tpu.dma_semaphore, #tpu.memory_space<semaphore_mem>>)
      %add3A_128 = arith.constant 3 : i32
      %add3A_129 = arith.addi %add3A_103, %add3A_128 : i32
      %add3A_130 = arith.constant 0 : i32
      %add3A_131 = arith.addi %add3A_129, %add3A_130 : i32
      %lt3A = arith.constant 50 : i32
      %lt3A_132 = arith.cmpi slt, %add3A_131, %lt3A : i32
      %convert_element_type3A = arith.extui %lt3A_132 : i1 to i32
      %cond3A = arith.constant 0 : i32
      %cond3A_133 = arith.cmpi ne, %convert_element_type3A, %cond3A : i32
      scf.if %cond3A_133 {
        %dma_start3A_227 = arith.constant 0 : i32
        %dma_start3A_228 = tpu.memref_slice %arg6[%add3A_131, %dma_start3A_227] : memref<50x128xi32, #tpu.memory_space<vmem>> -> memref<1x128xi32, #tpu.memory_space<vmem>>
        %dma_start3A_229 = tpu.memref_squeeze %dma_start3A_228 : memref<1x128xi32, #tpu.memory_space<vmem>> -> memref<128xi32, #tpu.memory_space<vmem>>
        %dma_start3A_230 = arith.constant 0 : i32
        %dma_start3A_231 = arith.constant 0 : i32
        %dma_start3A_232 = tpu.memref_slice %arg3[%dma_start3A_230, %dma_start3A_231] : memref<500000x128xf32, #tpu.memory_space<hbm>> -> memref<500000x128xf32, #tpu.memory_space<hbm>>
        tpu.enqueue_indirect_dma source(%dma_start3A_232 : memref<500000x128xf32, #tpu.memory_space<hbm>>) target(%arg7 : memref<128x128xf32, #tpu.memory_space<vmem>>) offsets(%dma_start3A_229 : memref<128xi32, #tpu.memory_space<vmem>>) semaphore(%arg14 : memref<!tpu.dma_semaphore, #tpu.memory_space<semaphore_mem>>)
      } else {
      }
      %dma_wait3A_134 = arith.constant 0 : i32
      %dma_wait3A_135 = arith.constant 0 : i32
      %dma_wait3A_136 = tpu.memref_slice %arg6[%dma_wait3A_134, %dma_wait3A_135] : memref<50x128xi32, #tpu.memory_space<vmem>> -> memref<1x128xi32, #tpu.memory_space<vmem>>
      %dma_wait3A_137 = tpu.memref_squeeze %dma_wait3A_136 : memref<1x128xi32, #tpu.memory_space<vmem>> -> memref<128xi32, #tpu.memory_space<vmem>>
      %dma_wait3A_138 = arith.constant 0 : i32
      %dma_wait3A_139 = arith.constant 0 : i32
      %dma_wait3A_140 = tpu.memref_slice %arg3[%dma_wait3A_138, %dma_wait3A_139] : memref<500000x128xf32, #tpu.memory_space<hbm>> -> memref<500000x128xf32, #tpu.memory_space<hbm>>
      tpu.wait_indirect_dma semaphore(%arg15 : memref<!tpu.dma_semaphore, #tpu.memory_space<semaphore_mem>>) src(%dma_wait3A_140 : memref<500000x128xf32, #tpu.memory_space<hbm>>) dst(%arg8 : memref<128x128xf32, #tpu.memory_space<vmem>>)
      %add3A_141 = arith.constant 1 : i32
      %add3A_142 = arith.addi %add3A_103, %add3A_141 : i32
      %scan3A_143 = arith.constant 0 : i32
      %scan3A_144 = arith.constant 8 : i32
      %scan3A_145 = arith.addi %scan3A_143, %scan3A_144 : i32
      %scan3A_146 = arith.constant 1 : i32
      scf.for %scan3A_227 = %scan3A_143 to %scan3A_145 step %scan3A_146  : i32 {
        %mul3A_228 = arith.constant 1 : i32
        %mul3A_229 = arith.muli %scan3A_227, %mul3A_228 : i32
        %add3A_230 = arith.constant 0 : i32
        %add3A_231 = arith.addi %add3A_230, %mul3A_229 : i32
        %mul3A_232 = arith.constant 16 : i32
        %mul3A_233 = arith.muli %add3A_231, %mul3A_232 : i32
        %get3A = arith.index_cast %add3A_142 : i32 to index
        %get3A_234 = arith.index_cast %mul3A_233 : i32 to index
        %get3A_235 = tpu.vector_load %arg5[%get3A, %get3A_234] {strides = array<i32>} : memref<50x128xi32, #tpu.memory_space<vmem>>, vector<1x16xi32>,
        %get3A_236 = vector.shape_cast %get3A_235 : vector<1x16xi32> to vector<16xi32>
        %and3A = arith.constant 1 : i32
        %and3A_237 = vector.broadcast %and3A : i32 to vector<16xi32>
        %and3A_238 = arith.andi %get3A_236, %and3A_237 : vector<16xi32>
        %mul3A_239 = arith.constant 64 : i32
        %mul3A_240 = vector.broadcast %mul3A_239 : i32 to vector<16xi32>
        %mul3A_241 = arith.muli %and3A_238, %mul3A_240 : vector<16xi32>
        %slice3A = vector.extract_strided_slice %mul3A_241 {offsets = [0], sizes = [1], strides = [1]} : vector<16xi32> to vector<1xi32>
        %squeeze3A = vector.extract %slice3A[0] : i32 from vector<1xi32>
        %mul3A_242 = arith.constant 16 : i32
        %mul3A_243 = arith.muli %add3A_231, %mul3A_242 : i32
        %add3A_244 = arith.constant 0 : i32
        %add3A_245 = arith.addi %mul3A_243, %add3A_244 : i32
        %add3A_246 = arith.constant 0 : i32
        %add3A_247 = arith.addi %squeeze3A, %add3A_246 : i32
        %get3A_248 = arith.index_cast %add3A_245 : i32 to index
        %get3A_249 = arith.index_cast %add3A_247 : i32 to index
        %get3A_250 = tpu.vector_load %arg8[%get3A_248, %get3A_249] {strides = array<i32>} : memref<128x128xf32, #tpu.memory_space<vmem>>, vector<1x16xf32>,
        %get3A_251 = vector.shape_cast %get3A_250 : vector<1x16xf32> to vector<16xf32>
        %swap3A = arith.index_cast %add3A_245 : i32 to index
        %swap3A_252 = arith.constant 0 : index
        %swap3A_253 = tpu.vector_load %arg11[%swap3A, %swap3A_252] {strides = array<i32>} : memref<128x64xf32, #tpu.memory_space<vmem>>, vector<1x16xf32>,
        %swap3A_254 = vector.shape_cast %swap3A_253 : vector<1x16xf32> to vector<16xf32>
        %swap3A_255 = vector.shape_cast %get3A_251 : vector<16xf32> to vector<1x16xf32>
        tpu.vector_store %arg11[%swap3A, %swap3A_252], %swap3A_255 {strides = array<i32>} : memref<128x64xf32, #tpu.memory_space<vmem>>, vector<1x16xf32>,
        %add3A_256 = arith.constant 16 : i32
        %add3A_257 = arith.addi %squeeze3A, %add3A_256 : i32
        %get3A_258 = arith.index_cast %add3A_245 : i32 to index
        %get3A_259 = arith.index_cast %add3A_257 : i32 to index
        %get3A_260 = tpu.vector_load %arg8[%get3A_258, %get3A_259] {strides = array<i32>} : memref<128x128xf32, #tpu.memory_space<vmem>>, vector<1x16xf32>,
        %get3A_261 = vector.shape_cast %get3A_260 : vector<1x16xf32> to vector<16xf32>
        %swap3A_262 = arith.index_cast %add3A_245 : i32 to index
        %swap3A_263 = arith.constant 16 : index
        %swap3A_264 = tpu.vector_load %arg11[%swap3A_262, %swap3A_263] {strides = array<i32>} : memref<128x64xf32, #tpu.memory_space<vmem>>, vector<1x16xf32>,
        %swap3A_265 = vector.shape_cast %swap3A_264 : vector<1x16xf32> to vector<16xf32>
        %swap3A_266 = vector.shape_cast %get3A_261 : vector<16xf32> to vector<1x16xf32>
        tpu.vector_store %arg11[%swap3A_262, %swap3A_263], %swap3A_266 {strides = array<i32>} : memref<128x64xf32, #tpu.memory_space<vmem>>, vector<1x16xf32>,
        %add3A_267 = arith.constant 32 : i32
        %add3A_268 = arith.addi %squeeze3A, %add3A_267 : i32
        %get3A_269 = arith.index_cast %add3A_245 : i32 to index
        %get3A_270 = arith.index_cast %add3A_268 : i32 to index
        %get3A_271 = tpu.vector_load %arg8[%get3A_269, %get3A_270] {strides = array<i32>} : memref<128x128xf32, #tpu.memory_space<vmem>>, vector<1x16xf32>,
        %get3A_272 = vector.shape_cast %get3A_271 : vector<1x16xf32> to vector<16xf32>
        %swap3A_273 = arith.index_cast %add3A_245 : i32 to index
        %swap3A_274 = arith.constant 32 : index
        %swap3A_275 = tpu.vector_load %arg11[%swap3A_273, %swap3A_274] {strides = array<i32>} : memref<128x64xf32, #tpu.memory_space<vmem>>, vector<1x16xf32>,
        %swap3A_276 = vector.shape_cast %swap3A_275 : vector<1x16xf32> to vector<16xf32>
        %swap3A_277 = vector.shape_cast %get3A_272 : vector<16xf32> to vector<1x16xf32>
        tpu.vector_store %arg11[%swap3A_273, %swap3A_274], %swap3A_277 {strides = array<i32>} : memref<128x64xf32, #tpu.memory_space<vmem>>, vector<1x16xf32>,
        %add3A_278 = arith.constant 48 : i32
        %add3A_279 = arith.addi %squeeze3A, %add3A_278 : i32
        %get3A_280 = arith.index_cast %add3A_245 : i32 to index
        %get3A_281 = arith.index_cast %add3A_279 : i32 to index
        %get3A_282 = tpu.vector_load %arg8[%get3A_280, %get3A_281] {strides = array<i32>} : memref<128x128xf32, #tpu.memory_space<vmem>>, vector<1x16xf32>,
        %get3A_283 = vector.shape_cast %get3A_282 : vector<1x16xf32> to vector<16xf32>
        %swap3A_284 = arith.index_cast %add3A_245 : i32 to index
        %swap3A_285 = arith.constant 48 : index
        %swap3A_286 = tpu.vector_load %arg11[%swap3A_284, %swap3A_285] {strides = array<i32>} : memref<128x64xf32, #tpu.memory_space<vmem>>, vector<1x16xf32>,
        %swap3A_287 = vector.shape_cast %swap3A_286 : vector<1x16xf32> to vector<16xf32>
        %swap3A_288 = vector.shape_cast %get3A_283 : vector<16xf32> to vector<1x16xf32>
        tpu.vector_store %arg11[%swap3A_284, %swap3A_285], %swap3A_288 {strides = array<i32>} : memref<128x64xf32, #tpu.memory_space<vmem>>, vector<1x16xf32>,
        %slice3A_289 = vector.extract_strided_slice %mul3A_241 {offsets = [1], sizes = [1], strides = [1]} : vector<16xi32> to vector<1xi32>
        %squeeze3A_290 = vector.extract %slice3A_289[0] : i32 from vector<1xi32>
        %mul3A_291 = arith.constant 16 : i32
        %mul3A_292 = arith.muli %add3A_231, %mul3A_291 : i32
        %add3A_293 = arith.constant 1 : i32
        %add3A_294 = arith.addi %mul3A_292, %add3A_293 : i32
        %add3A_295 = arith.constant 0 : i32
        %add3A_296 = arith.addi %squeeze3A_290, %add3A_295 : i32
        %get3A_297 = arith.index_cast %add3A_294 : i32 to index
        %get3A_298 = arith.index_cast %add3A_296 : i32 to index
        %get3A_299 = tpu.vector_load %arg8[%get3A_297, %get3A_298] {strides = array<i32>} : memref<128x128xf32, #tpu.memory_space<vmem>>, vector<1x16xf32>,
        %get3A_300 = vector.shape_cast %get3A_299 : vector<1x16xf32> to vector<16xf32>
        %swap3A_301 = arith.index_cast %add3A_294 : i32 to index
        %swap3A_302 = arith.constant 0 : index
        %swap3A_303 = tpu.vector_load %arg11[%swap3A_301, %swap3A_302] {strides = array<i32>} : memref<128x64xf32, #tpu.memory_space<vmem>>, vector<1x16xf32>,
        %swap3A_304 = vector.shape_cast %swap3A_303 : vector<1x16xf32> to vector<16xf32>
        %swap3A_305 = vector.shape_cast %get3A_300 : vector<16xf32> to vector<1x16xf32>
        tpu.vector_store %arg11[%swap3A_301, %swap3A_302], %swap3A_305 {strides = array<i32>} : memref<128x64xf32, #tpu.memory_space<vmem>>, vector<1x16xf32>,
        %add3A_306 = arith.constant 16 : i32
        %add3A_307 = arith.addi %squeeze3A_290, %add3A_306 : i32
        %get3A_308 = arith.index_cast %add3A_294 : i32 to index
        %get3A_309 = arith.index_cast %add3A_307 : i32 to index
        %get3A_310 = tpu.vector_load %arg8[%get3A_308, %get3A_309] {strides = array<i32>} : memref<128x128xf32, #tpu.memory_space<vmem>>, vector<1x16xf32>,
        %get3A_311 = vector.shape_cast %get3A_310 : vector<1x16xf32> to vector<16xf32>
        %swap3A_312 = arith.index_cast %add3A_294 : i32 to index
        %swap3A_313 = arith.constant 16 : index
        %swap3A_314 = tpu.vector_load %arg11[%swap3A_312, %swap3A_313] {strides = array<i32>} : memref<128x64xf32, #tpu.memory_space<vmem>>, vector<1x16xf32>,
        %swap3A_315 = vector.shape_cast %swap3A_314 : vector<1x16xf32> to vector<16xf32>
        %swap3A_316 = vector.shape_cast %get3A_311 : vector<16xf32> to vector<1x16xf32>
        tpu.vector_store %arg11[%swap3A_312, %swap3A_313], %swap3A_316 {strides = array<i32>} : memref<128x64xf32, #tpu.memory_space<vmem>>, vector<1x16xf32>,
        %add3A_317 = arith.constant 32 : i32
        %add3A_318 = arith.addi %squeeze3A_290, %add3A_317 : i32
        %get3A_319 = arith.index_cast %add3A_294 : i32 to index
        %get3A_320 = arith.index_cast %add3A_318 : i32 to index
        %get3A_321 = tpu.vector_load %arg8[%get3A_319, %get3A_320] {strides = array<i32>} : memref<128x128xf32, #tpu.memory_space<vmem>>, vector<1x16xf32>,
        %get3A_322 = vector.shape_cast %get3A_321 : vector<1x16xf32> to vector<16xf32>
        %swap3A_323 = arith.index_cast %add3A_294 : i32 to index
        %swap3A_324 = arith.constant 32 : index
        %swap3A_325 = tpu.vector_load %arg11[%swap3A_323, %swap3A_324] {strides = array<i32>} : memref<128x64xf32, #tpu.memory_space<vmem>>, vector<1x16xf32>,
        %swap3A_326 = vector.shape_cast %swap3A_325 : vector<1x16xf32> to vector<16xf32>
        %swap3A_327 = vector.shape_cast %get3A_322 : vector<16xf32> to vector<1x16xf32>
        tpu.vector_store %arg11[%swap3A_323, %swap3A_324], %swap3A_327 {strides = array<i32>} : memref<128x64xf32, #tpu.memory_space<vmem>>, vector<1x16xf32>,
        %add3A_328 = arith.constant 48 : i32
        %add3A_329 = arith.addi %squeeze3A_290, %add3A_328 : i32
        %get3A_330 = arith.index_cast %add3A_294 : i32 to index
        %get3A_331 = arith.index_cast %add3A_329 : i32 to index
        %get3A_332 = tpu.vector_load %arg8[%get3A_330, %get3A_331] {strides = array<i32>} : memref<128x128xf32, #tpu.memory_space<vmem>>, vector<1x16xf32>,
        %get3A_333 = vector.shape_cast %get3A_332 : vector<1x16xf32> to vector<16xf32>
        %swap3A_334 = arith.index_cast %add3A_294 : i32 to index
        %swap3A_335 = arith.constant 48 : index
        %swap3A_336 = tpu.vector_load %arg11[%swap3A_334, %swap3A_335] {strides = array<i32>} : memref<128x64xf32, #tpu.memory_space<vmem>>, vector<1x16xf32>,
        %swap3A_337 = vector.shape_cast %swap3A_336 : vector<1x16xf32> to vector<16xf32>
        %swap3A_338 = vector.shape_cast %get3A_333 : vector<16xf32> to vector<1x16xf32>
        tpu.vector_store %arg11[%swap3A_334, %swap3A_335], %swap3A_338 {strides = array<i32>} : memref<128x64xf32, #tpu.memory_space<vmem>>, vector<1x16xf32>,
        %slice3A_339 = vector.extract_strided_slice %mul3A_241 {offsets = [2], sizes = [1], strides = [1]} : vector<16xi32> to vector<1xi32>
        %squeeze3A_340 = vector.extract %slice3A_339[0] : i32 from vector<1xi32>
        %mul3A_341 = arith.constant 16 : i32
        %mul3A_342 = arith.muli %add3A_231, %mul3A_341 : i32
        %add3A_343 = arith.constant 2 : i32
        %add3A_344 = arith.addi %mul3A_342, %add3A_343 : i32
        %add3A_345 = arith.constant 0 : i32
        %add3A_346 = arith.addi %squeeze3A_340, %add3A_345 : i32
        %get3A_347 = arith.index_cast %add3A_344 : i32 to index
        %get3A_348 = arith.index_cast %add3A_346 : i32 to index
        %get3A_349 = tpu.vector_load %arg8[%get3A_347, %get3A_348] {strides = array<i32>} : memref<128x128xf32, #tpu.memory_space<vmem>>, vector<1x16xf32>,
        %get3A_350 = vector.shape_cast %get3A_349 : vector<1x16xf32> to vector<16xf32>
        %swap3A_351 = arith.index_cast %add3A_344 : i32 to index
        %swap3A_352 = arith.constant 0 : index
        %swap3A_353 = tpu.vector_load %arg11[%swap3A_351, %swap3A_352] {strides = array<i32>} : memref<128x64xf32, #tpu.memory_space<vmem>>, vector<1x16xf32>,
        %swap3A_354 = vector.shape_cast %swap3A_353 : vector<1x16xf32> to vector<16xf32>
        %swap3A_355 = vector.shape_cast %get3A_350 : vector<16xf32> to vector<1x16xf32>
        tpu.vector_store %arg11[%swap3A_351, %swap3A_352], %swap3A_355 {strides = array<i32>} : memref<128x64xf32, #tpu.memory_space<vmem>>, vector<1x16xf32>,
        %add3A_356 = arith.constant 16 : i32
        %add3A_357 = arith.addi %squeeze3A_340, %add3A_356 : i32
        %get3A_358 = arith.index_cast %add3A_344 : i32 to index
        %get3A_359 = arith.index_cast %add3A_357 : i32 to index
        %get3A_360 = tpu.vector_load %arg8[%get3A_358, %get3A_359] {strides = array<i32>} : memref<128x128xf32, #tpu.memory_space<vmem>>, vector<1x16xf32>,
        %get3A_361 = vector.shape_cast %get3A_360 : vector<1x16xf32> to vector<16xf32>
        %swap3A_362 = arith.index_cast %add3A_344 : i32 to index
        %swap3A_363 = arith.constant 16 : index
        %swap3A_364 = tpu.vector_load %arg11[%swap3A_362, %swap3A_363] {strides = array<i32>} : memref<128x64xf32, #tpu.memory_space<vmem>>, vector<1x16xf32>,
        %swap3A_365 = vector.shape_cast %swap3A_364 : vector<1x16xf32> to vector<16xf32>
        %swap3A_366 = vector.shape_cast %get3A_361 : vector<16xf32> to vector<1x16xf32>
        tpu.vector_store %arg11[%swap3A_362, %swap3A_363], %swap3A_366 {strides = array<i32>} : memref<128x64xf32, #tpu.memory_space<vmem>>, vector<1x16xf32>,
        %add3A_367 = arith.constant 32 : i32
        %add3A_368 = arith.addi %squeeze3A_340, %add3A_367 : i32
        %get3A_369 = arith.index_cast %add3A_344 : i32 to index
        %get3A_370 = arith.index_cast %add3A_368 : i32 to index
        %get3A_371 = tpu.vector_load %arg8[%get3A_369, %get3A_370] {strides = array<i32>} : memref<128x128xf32, #tpu.memory_space<vmem>>, vector<1x16xf32>,
        %get3A_372 = vector.shape_cast %get3A_371 : vector<1x16xf32> to vector<16xf32>
        %swap3A_373 = arith.index_cast %add3A_344 : i32 to index
        %swap3A_374 = arith.constant 32 : index
        %swap3A_375 = tpu.vector_load %arg11[%swap3A_373, %swap3A_374] {strides = array<i32>} : memref<128x64xf32, #tpu.memory_space<vmem>>, vector<1x16xf32>,
        %swap3A_376 = vector.shape_cast %swap3A_375 : vector<1x16xf32> to vector<16xf32>
        %swap3A_377 = vector.shape_cast %get3A_372 : vector<16xf32> to vector<1x16xf32>
        tpu.vector_store %arg11[%swap3A_373, %swap3A_374], %swap3A_377 {strides = array<i32>} : memref<128x64xf32, #tpu.memory_space<vmem>>, vector<1x16xf32>,
        %add3A_378 = arith.constant 48 : i32
        %add3A_379 = arith.addi %squeeze3A_340, %add3A_378 : i32
        %get3A_380 = arith.index_cast %add3A_344 : i32 to index
        %get3A_381 = arith.index_cast %add3A_379 : i32 to index
        %get3A_382 = tpu.vector_load %arg8[%get3A_380, %get3A_381] {strides = array<i32>} : memref<128x128xf32, #tpu.memory_space<vmem>>, vector<1x16xf32>,
        %get3A_383 = vector.shape_cast %get3A_382 : vector<1x16xf32> to vector<16xf32>
        %swap3A_384 = arith.index_cast %add3A_344 : i32 to index
        %swap3A_385 = arith.constant 48 : index
        %swap3A_386 = tpu.vector_load %arg11[%swap3A_384, %swap3A_385] {strides = array<i32>} : memref<128x64xf32, #tpu.memory_space<vmem>>, vector<1x16xf32>,
        %swap3A_387 = vector.shape_cast %swap3A_386 : vector<1x16xf32> to vector<16xf32>
        %swap3A_388 = vector.shape_cast %get3A_383 : vector<16xf32> to vector<1x16xf32>
        tpu.vector_store %arg11[%swap3A_384, %swap3A_385], %swap3A_388 {strides = array<i32>} : memref<128x64xf32, #tpu.memory_space<vmem>>, vector<1x16xf32>,
        %slice3A_389 = vector.extract_strided_slice %mul3A_241 {offsets = [3], sizes = [1], strides = [1]} : vector<16xi32> to vector<1xi32>
        %squeeze3A_390 = vector.extract %slice3A_389[0] : i32 from vector<1xi32>
        %mul3A_391 = arith.constant 16 : i32
        %mul3A_392 = arith.muli %add3A_231, %mul3A_391 : i32
        %add3A_393 = arith.constant 3 : i32
        %add3A_394 = arith.addi %mul3A_392, %add3A_393 : i32
        %add3A_395 = arith.constant 0 : i32
        %add3A_396 = arith.addi %squeeze3A_390, %add3A_395 : i32
        %get3A_397 = arith.index_cast %add3A_394 : i32 to index
        %get3A_398 = arith.index_cast %add3A_396 : i32 to index
        %get3A_399 = tpu.vector_load %arg8[%get3A_397, %get3A_398] {strides = array<i32>} : memref<128x128xf32, #tpu.memory_space<vmem>>, vector<1x16xf32>,
        %get3A_400 = vector.shape_cast %get3A_399 : vector<1x16xf32> to vector<16xf32>
        %swap3A_401 = arith.index_cast %add3A_394 : i32 to index
        %swap3A_402 = arith.constant 0 : index
        %swap3A_403 = tpu.vector_load %arg11[%swap3A_401, %swap3A_402] {strides = array<i32>} : memref<128x64xf32, #tpu.memory_space<vmem>>, vector<1x16xf32>,
        %swap3A_404 = vector.shape_cast %swap3A_403 : vector<1x16xf32> to vector<16xf32>
        %swap3A_405 = vector.shape_cast %get3A_400 : vector<16xf32> to vector<1x16xf32>
        tpu.vector_store %arg11[%swap3A_401, %swap3A_402], %swap3A_405 {strides = array<i32>} : memref<128x64xf32, #tpu.memory_space<vmem>>, vector<1x16xf32>,
        %add3A_406 = arith.constant 16 : i32
        %add3A_407 = arith.addi %squeeze3A_390, %add3A_406 : i32
        %get3A_408 = arith.index_cast %add3A_394 : i32 to index
        %get3A_409 = arith.index_cast %add3A_407 : i32 to index
        %get3A_410 = tpu.vector_load %arg8[%get3A_408, %get3A_409] {strides = array<i32>} : memref<128x128xf32, #tpu.memory_space<vmem>>, vector<1x16xf32>,
        %get3A_411 = vector.shape_cast %get3A_410 : vector<1x16xf32> to vector<16xf32>
        %swap3A_412 = arith.index_cast %add3A_394 : i32 to index
        %swap3A_413 = arith.constant 16 : index
        %swap3A_414 = tpu.vector_load %arg11[%swap3A_412, %swap3A_413] {strides = array<i32>} : memref<128x64xf32, #tpu.memory_space<vmem>>, vector<1x16xf32>,
        %swap3A_415 = vector.shape_cast %swap3A_414 : vector<1x16xf32> to vector<16xf32>
        %swap3A_416 = vector.shape_cast %get3A_411 : vector<16xf32> to vector<1x16xf32>
        tpu.vector_store %arg11[%swap3A_412, %swap3A_413], %swap3A_416 {strides = array<i32>} : memref<128x64xf32, #tpu.memory_space<vmem>>, vector<1x16xf32>,
        %add3A_417 = arith.constant 32 : i32
        %add3A_418 = arith.addi %squeeze3A_390, %add3A_417 : i32
        %get3A_419 = arith.index_cast %add3A_394 : i32 to index
        %get3A_420 = arith.index_cast %add3A_418 : i32 to index
        %get3A_421 = tpu.vector_load %arg8[%get3A_419, %get3A_420] {strides = array<i32>} : memref<128x128xf32, #tpu.memory_space<vmem>>, vector<1x16xf32>,
        %get3A_422 = vector.shape_cast %get3A_421 : vector<1x16xf32> to vector<16xf32>
        %swap3A_423 = arith.index_cast %add3A_394 : i32 to index
        %swap3A_424 = arith.constant 32 : index
        %swap3A_425 = tpu.vector_load %arg11[%swap3A_423, %swap3A_424] {strides = array<i32>} : memref<128x64xf32, #tpu.memory_space<vmem>>, vector<1x16xf32>,
        %swap3A_426 = vector.shape_cast %swap3A_425 : vector<1x16xf32> to vector<16xf32>
        %swap3A_427 = vector.shape_cast %get3A_422 : vector<16xf32> to vector<1x16xf32>
        tpu.vector_store %arg11[%swap3A_423, %swap3A_424], %swap3A_427 {strides = array<i32>} : memref<128x64xf32, #tpu.memory_space<vmem>>, vector<1x16xf32>,
        %add3A_428 = arith.constant 48 : i32
        %add3A_429 = arith.addi %squeeze3A_390, %add3A_428 : i32
        %get3A_430 = arith.index_cast %add3A_394 : i32 to index
        %get3A_431 = arith.index_cast %add3A_429 : i32 to index
        %get3A_432 = tpu.vector_load %arg8[%get3A_430, %get3A_431] {strides = array<i32>} : memref<128x128xf32, #tpu.memory_space<vmem>>, vector<1x16xf32>,
        %get3A_433 = vector.shape_cast %get3A_432 : vector<1x16xf32> to vector<16xf32>
        %swap3A_434 = arith.index_cast %add3A_394 : i32 to index
        %swap3A_435 = arith.constant 48 : index
        %swap3A_436 = tpu.vector_load %arg11[%swap3A_434, %swap3A_435] {strides = array<i32>} : memref<128x64xf32, #tpu.memory_space<vmem>>, vector<1x16xf32>,
        %swap3A_437 = vector.shape_cast %swap3A_436 : vector<1x16xf32> to vector<16xf32>
        %swap3A_438 = vector.shape_cast %get3A_433 : vector<16xf32> to vector<1x16xf32>
        tpu.vector_store %arg11[%swap3A_434, %swap3A_435], %swap3A_438 {strides = array<i32>} : memref<128x64xf32, #tpu.memory_space<vmem>>, vector<1x16xf32>,
        %slice3A_439 = vector.extract_strided_slice %mul3A_241 {offsets = [4], sizes = [1], strides = [1]} : vector<16xi32> to vector<1xi32>
        %squeeze3A_440 = vector.extract %slice3A_439[0] : i32 from vector<1xi32>
        %mul3A_441 = arith.constant 16 : i32
        %mul3A_442 = arith.muli %add3A_231, %mul3A_441 : i32
        %add3A_443 = arith.constant 4 : i32
        %add3A_444 = arith.addi %mul3A_442, %add3A_443 : i32
        %add3A_445 = arith.constant 0 : i32
        %add3A_446 = arith.addi %squeeze3A_440, %add3A_445 : i32
        %get3A_447 = arith.index_cast %add3A_444 : i32 to index
        %get3A_448 = arith.index_cast %add3A_446 : i32 to index
        %get3A_449 = tpu.vector_load %arg8[%get3A_447, %get3A_448] {strides = array<i32>} : memref<128x128xf32, #tpu.memory_space<vmem>>, vector<1x16xf32>,
        %get3A_450 = vector.shape_cast %get3A_449 : vector<1x16xf32> to vector<16xf32>
        %swap3A_451 = arith.index_cast %add3A_444 : i32 to index
        %swap3A_452 = arith.constant 0 : index
        %swap3A_453 = tpu.vector_load %arg11[%swap3A_451, %swap3A_452] {strides = array<i32>} : memref<128x64xf32, #tpu.memory_space<vmem>>, vector<1x16xf32>,
        %swap3A_454 = vector.shape_cast %swap3A_453 : vector<1x16xf32> to vector<16xf32>
        %swap3A_455 = vector.shape_cast %get3A_450 : vector<16xf32> to vector<1x16xf32>
        tpu.vector_store %arg11[%swap3A_451, %swap3A_452], %swap3A_455 {strides = array<i32>} : memref<128x64xf32, #tpu.memory_space<vmem>>, vector<1x16xf32>,
        %add3A_456 = arith.constant 16 : i32
        %add3A_457 = arith.addi %squeeze3A_440, %add3A_456 : i32
        %get3A_458 = arith.index_cast %add3A_444 : i32 to index
        %get3A_459 = arith.index_cast %add3A_457 : i32 to index
        %get3A_460 = tpu.vector_load %arg8[%get3A_458, %get3A_459] {strides = array<i32>} : memref<128x128xf32, #tpu.memory_space<vmem>>, vector<1x16xf32>,
        %get3A_461 = vector.shape_cast %get3A_460 : vector<1x16xf32> to vector<16xf32>
        %swap3A_462 = arith.index_cast %add3A_444 : i32 to index
        %swap3A_463 = arith.constant 16 : index
        %swap3A_464 = tpu.vector_load %arg11[%swap3A_462, %swap3A_463] {strides = array<i32>} : memref<128x64xf32, #tpu.memory_space<vmem>>, vector<1x16xf32>,
        %swap3A_465 = vector.shape_cast %swap3A_464 : vector<1x16xf32> to vector<16xf32>
        %swap3A_466 = vector.shape_cast %get3A_461 : vector<16xf32> to vector<1x16xf32>
        tpu.vector_store %arg11[%swap3A_462, %swap3A_463], %swap3A_466 {strides = array<i32>} : memref<128x64xf32, #tpu.memory_space<vmem>>, vector<1x16xf32>,
        %add3A_467 = arith.constant 32 : i32
        %add3A_468 = arith.addi %squeeze3A_440, %add3A_467 : i32
        %get3A_469 = arith.index_cast %add3A_444 : i32 to index
        %get3A_470 = arith.index_cast %add3A_468 : i32 to index
        %get3A_471 = tpu.vector_load %arg8[%get3A_469, %get3A_470] {strides = array<i32>} : memref<128x128xf32, #tpu.memory_space<vmem>>, vector<1x16xf32>,
        %get3A_472 = vector.shape_cast %get3A_471 : vector<1x16xf32> to vector<16xf32>
        %swap3A_473 = arith.index_cast %add3A_444 : i32 to index
        %swap3A_474 = arith.constant 32 : index
        %swap3A_475 = tpu.vector_load %arg11[%swap3A_473, %swap3A_474] {strides = array<i32>} : memref<128x64xf32, #tpu.memory_space<vmem>>, vector<1x16xf32>,
        %swap3A_476 = vector.shape_cast %swap3A_475 : vector<1x16xf32> to vector<16xf32>
        %swap3A_477 = vector.shape_cast %get3A_472 : vector<16xf32> to vector<1x16xf32>
        tpu.vector_store %arg11[%swap3A_473, %swap3A_474], %swap3A_477 {strides = array<i32>} : memref<128x64xf32, #tpu.memory_space<vmem>>, vector<1x16xf32>,
        %add3A_478 = arith.constant 48 : i32
        %add3A_479 = arith.addi %squeeze3A_440, %add3A_478 : i32
        %get3A_480 = arith.index_cast %add3A_444 : i32 to index
        %get3A_481 = arith.index_cast %add3A_479 : i32 to index
        %get3A_482 = tpu.vector_load %arg8[%get3A_480, %get3A_481] {strides = array<i32>} : memref<128x128xf32, #tpu.memory_space<vmem>>, vector<1x16xf32>,
        %get3A_483 = vector.shape_cast %get3A_482 : vector<1x16xf32> to vector<16xf32>
        %swap3A_484 = arith.index_cast %add3A_444 : i32 to index
        %swap3A_485 = arith.constant 48 : index
        %swap3A_486 = tpu.vector_load %arg11[%swap3A_484, %swap3A_485] {strides = array<i32>} : memref<128x64xf32, #tpu.memory_space<vmem>>, vector<1x16xf32>,
        %swap3A_487 = vector.shape_cast %swap3A_486 : vector<1x16xf32> to vector<16xf32>
        %swap3A_488 = vector.shape_cast %get3A_483 : vector<16xf32> to vector<1x16xf32>
        tpu.vector_store %arg11[%swap3A_484, %swap3A_485], %swap3A_488 {strides = array<i32>} : memref<128x64xf32, #tpu.memory_space<vmem>>, vector<1x16xf32>,
        %slice3A_489 = vector.extract_strided_slice %mul3A_241 {offsets = [5], sizes = [1], strides = [1]} : vector<16xi32> to vector<1xi32>
        %squeeze3A_490 = vector.extract %slice3A_489[0] : i32 from vector<1xi32>
        %mul3A_491 = arith.constant 16 : i32
        %mul3A_492 = arith.muli %add3A_231, %mul3A_491 : i32
        %add3A_493 = arith.constant 5 : i32
        %add3A_494 = arith.addi %mul3A_492, %add3A_493 : i32
        %add3A_495 = arith.constant 0 : i32
        %add3A_496 = arith.addi %squeeze3A_490, %add3A_495 : i32
        %get3A_497 = arith.index_cast %add3A_494 : i32 to index
        %get3A_498 = arith.index_cast %add3A_496 : i32 to index
        %get3A_499 = tpu.vector_load %arg8[%get3A_497, %get3A_498] {strides = array<i32>} : memref<128x128xf32, #tpu.memory_space<vmem>>, vector<1x16xf32>,
        %get3A_500 = vector.shape_cast %get3A_499 : vector<1x16xf32> to vector<16xf32>
        %swap3A_501 = arith.index_cast %add3A_494 : i32 to index
        %swap3A_502 = arith.constant 0 : index
        %swap3A_503 = tpu.vector_load %arg11[%swap3A_501, %swap3A_502] {strides = array<i32>} : memref<128x64xf32, #tpu.memory_space<vmem>>, vector<1x16xf32>,
        %swap3A_504 = vector.shape_cast %swap3A_503 : vector<1x16xf32> to vector<16xf32>
        %swap3A_505 = vector.shape_cast %get3A_500 : vector<16xf32> to vector<1x16xf32>
        tpu.vector_store %arg11[%swap3A_501, %swap3A_502], %swap3A_505 {strides = array<i32>} : memref<128x64xf32, #tpu.memory_space<vmem>>, vector<1x16xf32>,
        %add3A_506 = arith.constant 16 : i32
        %add3A_507 = arith.addi %squeeze3A_490, %add3A_506 : i32
        %get3A_508 = arith.index_cast %add3A_494 : i32 to index
        %get3A_509 = arith.index_cast %add3A_507 : i32 to index
        %get3A_510 = tpu.vector_load %arg8[%get3A_508, %get3A_509] {strides = array<i32>} : memref<128x128xf32, #tpu.memory_space<vmem>>, vector<1x16xf32>,
        %get3A_511 = vector.shape_cast %get3A_510 : vector<1x16xf32> to vector<16xf32>
        %swap3A_512 = arith.index_cast %add3A_494 : i32 to index
        %swap3A_513 = arith.constant 16 : index
        %swap3A_514 = tpu.vector_load %arg11[%swap3A_512, %swap3A_513] {strides = array<i32>} : memref<128x64xf32, #tpu.memory_space<vmem>>, vector<1x16xf32>,
        %swap3A_515 = vector.shape_cast %swap3A_514 : vector<1x16xf32> to vector<16xf32>
        %swap3A_516 = vector.shape_cast %get3A_511 : vector<16xf32> to vector<1x16xf32>
        tpu.vector_store %arg11[%swap3A_512, %swap3A_513], %swap3A_516 {strides = array<i32>} : memref<128x64xf32, #tpu.memory_space<vmem>>, vector<1x16xf32>,
        %add3A_517 = arith.constant 32 : i32
        %add3A_518 = arith.addi %squeeze3A_490, %add3A_517 : i32
        %get3A_519 = arith.index_cast %add3A_494 : i32 to index
        %get3A_520 = arith.index_cast %add3A_518 : i32 to index
        %get3A_521 = tpu.vector_load %arg8[%get3A_519, %get3A_520] {strides = array<i32>} : memref<128x128xf32, #tpu.memory_space<vmem>>, vector<1x16xf32>,
        %get3A_522 = vector.shape_cast %get3A_521 : vector<1x16xf32> to vector<16xf32>
        %swap3A_523 = arith.index_cast %add3A_494 : i32 to index
        %swap3A_524 = arith.constant 32 : index
        %swap3A_525 = tpu.vector_load %arg11[%swap3A_523, %swap3A_524] {strides = array<i32>} : memref<128x64xf32, #tpu.memory_space<vmem>>, vector<1x16xf32>,
        %swap3A_526 = vector.shape_cast %swap3A_525 : vector<1x16xf32> to vector<16xf32>
        %swap3A_527 = vector.shape_cast %get3A_522 : vector<16xf32> to vector<1x16xf32>
        tpu.vector_store %arg11[%swap3A_523, %swap3A_524], %swap3A_527 {strides = array<i32>} : memref<128x64xf32, #tpu.memory_space<vmem>>, vector<1x16xf32>,
        %add3A_528 = arith.constant 48 : i32
        %add3A_529 = arith.addi %squeeze3A_490, %add3A_528 : i32
        %get3A_530 = arith.index_cast %add3A_494 : i32 to index
        %get3A_531 = arith.index_cast %add3A_529 : i32 to index
        %get3A_532 = tpu.vector_load %arg8[%get3A_530, %get3A_531] {strides = array<i32>} : memref<128x128xf32, #tpu.memory_space<vmem>>, vector<1x16xf32>,
        %get3A_533 = vector.shape_cast %get3A_532 : vector<1x16xf32> to vector<16xf32>
        %swap3A_534 = arith.index_cast %add3A_494 : i32 to index
        %swap3A_535 = arith.constant 48 : index
        %swap3A_536 = tpu.vector_load %arg11[%swap3A_534, %swap3A_535] {strides = array<i32>} : memref<128x64xf32, #tpu.memory_space<vmem>>, vector<1x16xf32>,
        %swap3A_537 = vector.shape_cast %swap3A_536 : vector<1x16xf32> to vector<16xf32>
        %swap3A_538 = vector.shape_cast %get3A_533 : vector<16xf32> to vector<1x16xf32>
        tpu.vector_store %arg11[%swap3A_534, %swap3A_535], %swap3A_538 {strides = array<i32>} : memref<128x64xf32, #tpu.memory_space<vmem>>, vector<1x16xf32>,
        %slice3A_539 = vector.extract_strided_slice %mul3A_241 {offsets = [6], sizes = [1], strides = [1]} : vector<16xi32> to vector<1xi32>
        %squeeze3A_540 = vector.extract %slice3A_539[0] : i32 from vector<1xi32>
        %mul3A_541 = arith.constant 16 : i32
        %mul3A_542 = arith.muli %add3A_231, %mul3A_541 : i32
        %add3A_543 = arith.constant 6 : i32
        %add3A_544 = arith.addi %mul3A_542, %add3A_543 : i32
        %add3A_545 = arith.constant 0 : i32
        %add3A_546 = arith.addi %squeeze3A_540, %add3A_545 : i32
        %get3A_547 = arith.index_cast %add3A_544 : i32 to index
        %get3A_548 = arith.index_cast %add3A_546 : i32 to index
        %get3A_549 = tpu.vector_load %arg8[%get3A_547, %get3A_548] {strides = array<i32>} : memref<128x128xf32, #tpu.memory_space<vmem>>, vector<1x16xf32>,
        %get3A_550 = vector.shape_cast %get3A_549 : vector<1x16xf32> to vector<16xf32>
        %swap3A_551 = arith.index_cast %add3A_544 : i32 to index
        %swap3A_552 = arith.constant 0 : index
        %swap3A_553 = tpu.vector_load %arg11[%swap3A_551, %swap3A_552] {strides = array<i32>} : memref<128x64xf32, #tpu.memory_space<vmem>>, vector<1x16xf32>,
        %swap3A_554 = vector.shape_cast %swap3A_553 : vector<1x16xf32> to vector<16xf32>
        %swap3A_555 = vector.shape_cast %get3A_550 : vector<16xf32> to vector<1x16xf32>
        tpu.vector_store %arg11[%swap3A_551, %swap3A_552], %swap3A_555 {strides = array<i32>} : memref<128x64xf32, #tpu.memory_space<vmem>>, vector<1x16xf32>,
        %add3A_556 = arith.constant 16 : i32
        %add3A_557 = arith.addi %squeeze3A_540, %add3A_556 : i32
        %get3A_558 = arith.index_cast %add3A_544 : i32 to index
        %get3A_559 = arith.index_cast %add3A_557 : i32 to index
        %get3A_560 = tpu.vector_load %arg8[%get3A_558, %get3A_559] {strides = array<i32>} : memref<128x128xf32, #tpu.memory_space<vmem>>, vector<1x16xf32>,
        %get3A_561 = vector.shape_cast %get3A_560 : vector<1x16xf32> to vector<16xf32>
        %swap3A_562 = arith.index_cast %add3A_544 : i32 to index
        %swap3A_563 = arith.constant 16 : index
        %swap3A_564 = tpu.vector_load %arg11[%swap3A_562, %swap3A_563] {strides = array<i32>} : memref<128x64xf32, #tpu.memory_space<vmem>>, vector<1x16xf32>,
        %swap3A_565 = vector.shape_cast %swap3A_564 : vector<1x16xf32> to vector<16xf32>
        %swap3A_566 = vector.shape_cast %get3A_561 : vector<16xf32> to vector<1x16xf32>
        tpu.vector_store %arg11[%swap3A_562, %swap3A_563], %swap3A_566 {strides = array<i32>} : memref<128x64xf32, #tpu.memory_space<vmem>>, vector<1x16xf32>,
        %add3A_567 = arith.constant 32 : i32
        %add3A_568 = arith.addi %squeeze3A_540, %add3A_567 : i32
        %get3A_569 = arith.index_cast %add3A_544 : i32 to index
        %get3A_570 = arith.index_cast %add3A_568 : i32 to index
        %get3A_571 = tpu.vector_load %arg8[%get3A_569, %get3A_570] {strides = array<i32>} : memref<128x128xf32, #tpu.memory_space<vmem>>, vector<1x16xf32>,
        %get3A_572 = vector.shape_cast %get3A_571 : vector<1x16xf32> to vector<16xf32>
        %swap3A_573 = arith.index_cast %add3A_544 : i32 to index
        %swap3A_574 = arith.constant 32 : index
        %swap3A_575 = tpu.vector_load %arg11[%swap3A_573, %swap3A_574] {strides = array<i32>} : memref<128x64xf32, #tpu.memory_space<vmem>>, vector<1x16xf32>,
        %swap3A_576 = vector.shape_cast %swap3A_575 : vector<1x16xf32> to vector<16xf32>
        %swap3A_577 = vector.shape_cast %get3A_572 : vector<16xf32> to vector<1x16xf32>
        tpu.vector_store %arg11[%swap3A_573, %swap3A_574], %swap3A_577 {strides = array<i32>} : memref<128x64xf32, #tpu.memory_space<vmem>>, vector<1x16xf32>,
        %add3A_578 = arith.constant 48 : i32
        %add3A_579 = arith.addi %squeeze3A_540, %add3A_578 : i32
        %get3A_580 = arith.index_cast %add3A_544 : i32 to index
        %get3A_581 = arith.index_cast %add3A_579 : i32 to index
        %get3A_582 = tpu.vector_load %arg8[%get3A_580, %get3A_581] {strides = array<i32>} : memref<128x128xf32, #tpu.memory_space<vmem>>, vector<1x16xf32>,
        %get3A_583 = vector.shape_cast %get3A_582 : vector<1x16xf32> to vector<16xf32>
        %swap3A_584 = arith.index_cast %add3A_544 : i32 to index
        %swap3A_585 = arith.constant 48 : index
        %swap3A_586 = tpu.vector_load %arg11[%swap3A_584, %swap3A_585] {strides = array<i32>} : memref<128x64xf32, #tpu.memory_space<vmem>>, vector<1x16xf32>,
        %swap3A_587 = vector.shape_cast %swap3A_586 : vector<1x16xf32> to vector<16xf32>
        %swap3A_588 = vector.shape_cast %get3A_583 : vector<16xf32> to vector<1x16xf32>
        tpu.vector_store %arg11[%swap3A_584, %swap3A_585], %swap3A_588 {strides = array<i32>} : memref<128x64xf32, #tpu.memory_space<vmem>>, vector<1x16xf32>,
        %slice3A_589 = vector.extract_strided_slice %mul3A_241 {offsets = [7], sizes = [1], strides = [1]} : vector<16xi32> to vector<1xi32>
        %squeeze3A_590 = vector.extract %slice3A_589[0] : i32 from vector<1xi32>
        %mul3A_591 = arith.constant 16 : i32
        %mul3A_592 = arith.muli %add3A_231, %mul3A_591 : i32
        %add3A_593 = arith.constant 7 : i32
        %add3A_594 = arith.addi %mul3A_592, %add3A_593 : i32
        %add3A_595 = arith.constant 0 : i32
        %add3A_596 = arith.addi %squeeze3A_590, %add3A_595 : i32
        %get3A_597 = arith.index_cast %add3A_594 : i32 to index
        %get3A_598 = arith.index_cast %add3A_596 : i32 to index
        %get3A_599 = tpu.vector_load %arg8[%get3A_597, %get3A_598] {strides = array<i32>} : memref<128x128xf32, #tpu.memory_space<vmem>>, vector<1x16xf32>,
        %get3A_600 = vector.shape_cast %get3A_599 : vector<1x16xf32> to vector<16xf32>
        %swap3A_601 = arith.index_cast %add3A_594 : i32 to index
        %swap3A_602 = arith.constant 0 : index
        %swap3A_603 = tpu.vector_load %arg11[%swap3A_601, %swap3A_602] {strides = array<i32>} : memref<128x64xf32, #tpu.memory_space<vmem>>, vector<1x16xf32>,
        %swap3A_604 = vector.shape_cast %swap3A_603 : vector<1x16xf32> to vector<16xf32>
        %swap3A_605 = vector.shape_cast %get3A_600 : vector<16xf32> to vector<1x16xf32>
        tpu.vector_store %arg11[%swap3A_601, %swap3A_602], %swap3A_605 {strides = array<i32>} : memref<128x64xf32, #tpu.memory_space<vmem>>, vector<1x16xf32>,
        %add3A_606 = arith.constant 16 : i32
        %add3A_607 = arith.addi %squeeze3A_590, %add3A_606 : i32
        %get3A_608 = arith.index_cast %add3A_594 : i32 to index
        %get3A_609 = arith.index_cast %add3A_607 : i32 to index
        %get3A_610 = tpu.vector_load %arg8[%get3A_608, %get3A_609] {strides = array<i32>} : memref<128x128xf32, #tpu.memory_space<vmem>>, vector<1x16xf32>,
        %get3A_611 = vector.shape_cast %get3A_610 : vector<1x16xf32> to vector<16xf32>
        %swap3A_612 = arith.index_cast %add3A_594 : i32 to index
        %swap3A_613 = arith.constant 16 : index
        %swap3A_614 = tpu.vector_load %arg11[%swap3A_612, %swap3A_613] {strides = array<i32>} : memref<128x64xf32, #tpu.memory_space<vmem>>, vector<1x16xf32>,
        %swap3A_615 = vector.shape_cast %swap3A_614 : vector<1x16xf32> to vector<16xf32>
        %swap3A_616 = vector.shape_cast %get3A_611 : vector<16xf32> to vector<1x16xf32>
        tpu.vector_store %arg11[%swap3A_612, %swap3A_613], %swap3A_616 {strides = array<i32>} : memref<128x64xf32, #tpu.memory_space<vmem>>, vector<1x16xf32>,
        %add3A_617 = arith.constant 32 : i32
        %add3A_618 = arith.addi %squeeze3A_590, %add3A_617 : i32
        %get3A_619 = arith.index_cast %add3A_594 : i32 to index
        %get3A_620 = arith.index_cast %add3A_618 : i32 to index
        %get3A_621 = tpu.vector_load %arg8[%get3A_619, %get3A_620] {strides = array<i32>} : memref<128x128xf32, #tpu.memory_space<vmem>>, vector<1x16xf32>,
        %get3A_622 = vector.shape_cast %get3A_621 : vector<1x16xf32> to vector<16xf32>
        %swap3A_623 = arith.index_cast %add3A_594 : i32 to index
        %swap3A_624 = arith.constant 32 : index
        %swap3A_625 = tpu.vector_load %arg11[%swap3A_623, %swap3A_624] {strides = array<i32>} : memref<128x64xf32, #tpu.memory_space<vmem>>, vector<1x16xf32>,
        %swap3A_626 = vector.shape_cast %swap3A_625 : vector<1x16xf32> to vector<16xf32>
        %swap3A_627 = vector.shape_cast %get3A_622 : vector<16xf32> to vector<1x16xf32>
        tpu.vector_store %arg11[%swap3A_623, %swap3A_624], %swap3A_627 {strides = array<i32>} : memref<128x64xf32, #tpu.memory_space<vmem>>, vector<1x16xf32>,
        %add3A_628 = arith.constant 48 : i32
        %add3A_629 = arith.addi %squeeze3A_590, %add3A_628 : i32
        %get3A_630 = arith.index_cast %add3A_594 : i32 to index
        %get3A_631 = arith.index_cast %add3A_629 : i32 to index
        %get3A_632 = tpu.vector_load %arg8[%get3A_630, %get3A_631] {strides = array<i32>} : memref<128x128xf32, #tpu.memory_space<vmem>>, vector<1x16xf32>,
        %get3A_633 = vector.shape_cast %get3A_632 : vector<1x16xf32> to vector<16xf32>
        %swap3A_634 = arith.index_cast %add3A_594 : i32 to index
        %swap3A_635 = arith.constant 48 : index
        %swap3A_636 = tpu.vector_load %arg11[%swap3A_634, %swap3A_635] {strides = array<i32>} : memref<128x64xf32, #tpu.memory_space<vmem>>, vector<1x16xf32>,
        %swap3A_637 = vector.shape_cast %swap3A_636 : vector<1x16xf32> to vector<16xf32>
        %swap3A_638 = vector.shape_cast %get3A_633 : vector<16xf32> to vector<1x16xf32>
        tpu.vector_store %arg11[%swap3A_634, %swap3A_635], %swap3A_638 {strides = array<i32>} : memref<128x64xf32, #tpu.memory_space<vmem>>, vector<1x16xf32>,
        %slice3A_639 = vector.extract_strided_slice %mul3A_241 {offsets = [8], sizes = [1], strides = [1]} : vector<16xi32> to vector<1xi32>
        %squeeze3A_640 = vector.extract %slice3A_639[0] : i32 from vector<1xi32>
        %mul3A_641 = arith.constant 16 : i32
        %mul3A_642 = arith.muli %add3A_231, %mul3A_641 : i32
        %add3A_643 = arith.constant 8 : i32
        %add3A_644 = arith.addi %mul3A_642, %add3A_643 : i32
        %add3A_645 = arith.constant 0 : i32
        %add3A_646 = arith.addi %squeeze3A_640, %add3A_645 : i32
        %get3A_647 = arith.index_cast %add3A_644 : i32 to index
        %get3A_648 = arith.index_cast %add3A_646 : i32 to index
        %get3A_649 = tpu.vector_load %arg8[%get3A_647, %get3A_648] {strides = array<i32>} : memref<128x128xf32, #tpu.memory_space<vmem>>, vector<1x16xf32>,
        %get3A_650 = vector.shape_cast %get3A_649 : vector<1x16xf32> to vector<16xf32>
        %swap3A_651 = arith.index_cast %add3A_644 : i32 to index
        %swap3A_652 = arith.constant 0 : index
        %swap3A_653 = tpu.vector_load %arg11[%swap3A_651, %swap3A_652] {strides = array<i32>} : memref<128x64xf32, #tpu.memory_space<vmem>>, vector<1x16xf32>,
        %swap3A_654 = vector.shape_cast %swap3A_653 : vector<1x16xf32> to vector<16xf32>
        %swap3A_655 = vector.shape_cast %get3A_650 : vector<16xf32> to vector<1x16xf32>
        tpu.vector_store %arg11[%swap3A_651, %swap3A_652], %swap3A_655 {strides = array<i32>} : memref<128x64xf32, #tpu.memory_space<vmem>>, vector<1x16xf32>,
        %add3A_656 = arith.constant 16 : i32
        %add3A_657 = arith.addi %squeeze3A_640, %add3A_656 : i32
        %get3A_658 = arith.index_cast %add3A_644 : i32 to index
        %get3A_659 = arith.index_cast %add3A_657 : i32 to index
        %get3A_660 = tpu.vector_load %arg8[%get3A_658, %get3A_659] {strides = array<i32>} : memref<128x128xf32, #tpu.memory_space<vmem>>, vector<1x16xf32>,
        %get3A_661 = vector.shape_cast %get3A_660 : vector<1x16xf32> to vector<16xf32>
        %swap3A_662 = arith.index_cast %add3A_644 : i32 to index
        %swap3A_663 = arith.constant 16 : index
        %swap3A_664 = tpu.vector_load %arg11[%swap3A_662, %swap3A_663] {strides = array<i32>} : memref<128x64xf32, #tpu.memory_space<vmem>>, vector<1x16xf32>,
        %swap3A_665 = vector.shape_cast %swap3A_664 : vector<1x16xf32> to vector<16xf32>
        %swap3A_666 = vector.shape_cast %get3A_661 : vector<16xf32> to vector<1x16xf32>
        tpu.vector_store %arg11[%swap3A_662, %swap3A_663], %swap3A_666 {strides = array<i32>} : memref<128x64xf32, #tpu.memory_space<vmem>>, vector<1x16xf32>,
        %add3A_667 = arith.constant 32 : i32
        %add3A_668 = arith.addi %squeeze3A_640, %add3A_667 : i32
        %get3A_669 = arith.index_cast %add3A_644 : i32 to index
        %get3A_670 = arith.index_cast %add3A_668 : i32 to index
        %get3A_671 = tpu.vector_load %arg8[%get3A_669, %get3A_670] {strides = array<i32>} : memref<128x128xf32, #tpu.memory_space<vmem>>, vector<1x16xf32>,
        %get3A_672 = vector.shape_cast %get3A_671 : vector<1x16xf32> to vector<16xf32>
        %swap3A_673 = arith.index_cast %add3A_644 : i32 to index
        %swap3A_674 = arith.constant 32 : index
        %swap3A_675 = tpu.vector_load %arg11[%swap3A_673, %swap3A_674] {strides = array<i32>} : memref<128x64xf32, #tpu.memory_space<vmem>>, vector<1x16xf32>,
        %swap3A_676 = vector.shape_cast %swap3A_675 : vector<1x16xf32> to vector<16xf32>
        %swap3A_677 = vector.shape_cast %get3A_672 : vector<16xf32> to vector<1x16xf32>
        tpu.vector_store %arg11[%swap3A_673, %swap3A_674], %swap3A_677 {strides = array<i32>} : memref<128x64xf32, #tpu.memory_space<vmem>>, vector<1x16xf32>,
        %add3A_678 = arith.constant 48 : i32
        %add3A_679 = arith.addi %squeeze3A_640, %add3A_678 : i32
        %get3A_680 = arith.index_cast %add3A_644 : i32 to index
        %get3A_681 = arith.index_cast %add3A_679 : i32 to index
        %get3A_682 = tpu.vector_load %arg8[%get3A_680, %get3A_681] {strides = array<i32>} : memref<128x128xf32, #tpu.memory_space<vmem>>, vector<1x16xf32>,
        %get3A_683 = vector.shape_cast %get3A_682 : vector<1x16xf32> to vector<16xf32>
        %swap3A_684 = arith.index_cast %add3A_644 : i32 to index
        %swap3A_685 = arith.constant 48 : index
        %swap3A_686 = tpu.vector_load %arg11[%swap3A_684, %swap3A_685] {strides = array<i32>} : memref<128x64xf32, #tpu.memory_space<vmem>>, vector<1x16xf32>,
        %swap3A_687 = vector.shape_cast %swap3A_686 : vector<1x16xf32> to vector<16xf32>
        %swap3A_688 = vector.shape_cast %get3A_683 : vector<16xf32> to vector<1x16xf32>
        tpu.vector_store %arg11[%swap3A_684, %swap3A_685], %swap3A_688 {strides = array<i32>} : memref<128x64xf32, #tpu.memory_space<vmem>>, vector<1x16xf32>,
        %slice3A_689 = vector.extract_strided_slice %mul3A_241 {offsets = [9], sizes = [1], strides = [1]} : vector<16xi32> to vector<1xi32>
        %squeeze3A_690 = vector.extract %slice3A_689[0] : i32 from vector<1xi32>
        %mul3A_691 = arith.constant 16 : i32
        %mul3A_692 = arith.muli %add3A_231, %mul3A_691 : i32
        %add3A_693 = arith.constant 9 : i32
        %add3A_694 = arith.addi %mul3A_692, %add3A_693 : i32
        %add3A_695 = arith.constant 0 : i32
        %add3A_696 = arith.addi %squeeze3A_690, %add3A_695 : i32
        %get3A_697 = arith.index_cast %add3A_694 : i32 to index
        %get3A_698 = arith.index_cast %add3A_696 : i32 to index
        %get3A_699 = tpu.vector_load %arg8[%get3A_697, %get3A_698] {strides = array<i32>} : memref<128x128xf32, #tpu.memory_space<vmem>>, vector<1x16xf32>,
        %get3A_700 = vector.shape_cast %get3A_699 : vector<1x16xf32> to vector<16xf32>
        %swap3A_701 = arith.index_cast %add3A_694 : i32 to index
        %swap3A_702 = arith.constant 0 : index
        %swap3A_703 = tpu.vector_load %arg11[%swap3A_701, %swap3A_702] {strides = array<i32>} : memref<128x64xf32, #tpu.memory_space<vmem>>, vector<1x16xf32>,
        %swap3A_704 = vector.shape_cast %swap3A_703 : vector<1x16xf32> to vector<16xf32>
        %swap3A_705 = vector.shape_cast %get3A_700 : vector<16xf32> to vector<1x16xf32>
        tpu.vector_store %arg11[%swap3A_701, %swap3A_702], %swap3A_705 {strides = array<i32>} : memref<128x64xf32, #tpu.memory_space<vmem>>, vector<1x16xf32>,
        %add3A_706 = arith.constant 16 : i32
        %add3A_707 = arith.addi %squeeze3A_690, %add3A_706 : i32
        %get3A_708 = arith.index_cast %add3A_694 : i32 to index
        %get3A_709 = arith.index_cast %add3A_707 : i32 to index
        %get3A_710 = tpu.vector_load %arg8[%get3A_708, %get3A_709] {strides = array<i32>} : memref<128x128xf32, #tpu.memory_space<vmem>>, vector<1x16xf32>,
        %get3A_711 = vector.shape_cast %get3A_710 : vector<1x16xf32> to vector<16xf32>
        %swap3A_712 = arith.index_cast %add3A_694 : i32 to index
        %swap3A_713 = arith.constant 16 : index
        %swap3A_714 = tpu.vector_load %arg11[%swap3A_712, %swap3A_713] {strides = array<i32>} : memref<128x64xf32, #tpu.memory_space<vmem>>, vector<1x16xf32>,
        %swap3A_715 = vector.shape_cast %swap3A_714 : vector<1x16xf32> to vector<16xf32>
        %swap3A_716 = vector.shape_cast %get3A_711 : vector<16xf32> to vector<1x16xf32>
        tpu.vector_store %arg11[%swap3A_712, %swap3A_713], %swap3A_716 {strides = array<i32>} : memref<128x64xf32, #tpu.memory_space<vmem>>, vector<1x16xf32>,
        %add3A_717 = arith.constant 32 : i32
        %add3A_718 = arith.addi %squeeze3A_690, %add3A_717 : i32
        %get3A_719 = arith.index_cast %add3A_694 : i32 to index
        %get3A_720 = arith.index_cast %add3A_718 : i32 to index
        %get3A_721 = tpu.vector_load %arg8[%get3A_719, %get3A_720] {strides = array<i32>} : memref<128x128xf32, #tpu.memory_space<vmem>>, vector<1x16xf32>,
        %get3A_722 = vector.shape_cast %get3A_721 : vector<1x16xf32> to vector<16xf32>
        %swap3A_723 = arith.index_cast %add3A_694 : i32 to index
        %swap3A_724 = arith.constant 32 : index
        %swap3A_725 = tpu.vector_load %arg11[%swap3A_723, %swap3A_724] {strides = array<i32>} : memref<128x64xf32, #tpu.memory_space<vmem>>, vector<1x16xf32>,
        %swap3A_726 = vector.shape_cast %swap3A_725 : vector<1x16xf32> to vector<16xf32>
        %swap3A_727 = vector.shape_cast %get3A_722 : vector<16xf32> to vector<1x16xf32>
        tpu.vector_store %arg11[%swap3A_723, %swap3A_724], %swap3A_727 {strides = array<i32>} : memref<128x64xf32, #tpu.memory_space<vmem>>, vector<1x16xf32>,
        %add3A_728 = arith.constant 48 : i32
        %add3A_729 = arith.addi %squeeze3A_690, %add3A_728 : i32
        %get3A_730 = arith.index_cast %add3A_694 : i32 to index
        %get3A_731 = arith.index_cast %add3A_729 : i32 to index
        %get3A_732 = tpu.vector_load %arg8[%get3A_730, %get3A_731] {strides = array<i32>} : memref<128x128xf32, #tpu.memory_space<vmem>>, vector<1x16xf32>,
        %get3A_733 = vector.shape_cast %get3A_732 : vector<1x16xf32> to vector<16xf32>
        %swap3A_734 = arith.index_cast %add3A_694 : i32 to index
        %swap3A_735 = arith.constant 48 : index
        %swap3A_736 = tpu.vector_load %arg11[%swap3A_734, %swap3A_735] {strides = array<i32>} : memref<128x64xf32, #tpu.memory_space<vmem>>, vector<1x16xf32>,
        %swap3A_737 = vector.shape_cast %swap3A_736 : vector<1x16xf32> to vector<16xf32>
        %swap3A_738 = vector.shape_cast %get3A_733 : vector<16xf32> to vector<1x16xf32>
        tpu.vector_store %arg11[%swap3A_734, %swap3A_735], %swap3A_738 {strides = array<i32>} : memref<128x64xf32, #tpu.memory_space<vmem>>, vector<1x16xf32>,
        %slice3A_739 = vector.extract_strided_slice %mul3A_241 {offsets = [10], sizes = [1], strides = [1]} : vector<16xi32> to vector<1xi32>
        %squeeze3A_740 = vector.extract %slice3A_739[0] : i32 from vector<1xi32>
        %mul3A_741 = arith.constant 16 : i32
        %mul3A_742 = arith.muli %add3A_231, %mul3A_741 : i32
        %add3A_743 = arith.constant 10 : i32
        %add3A_744 = arith.addi %mul3A_742, %add3A_743 : i32
        %add3A_745 = arith.constant 0 : i32
        %add3A_746 = arith.addi %squeeze3A_740, %add3A_745 : i32
        %get3A_747 = arith.index_cast %add3A_744 : i32 to index
        %get3A_748 = arith.index_cast %add3A_746 : i32 to index
        %get3A_749 = tpu.vector_load %arg8[%get3A_747, %get3A_748] {strides = array<i32>} : memref<128x128xf32, #tpu.memory_space<vmem>>, vector<1x16xf32>,
        %get3A_750 = vector.shape_cast %get3A_749 : vector<1x16xf32> to vector<16xf32>
        %swap3A_751 = arith.index_cast %add3A_744 : i32 to index
        %swap3A_752 = arith.constant 0 : index
        %swap3A_753 = tpu.vector_load %arg11[%swap3A_751, %swap3A_752] {strides = array<i32>} : memref<128x64xf32, #tpu.memory_space<vmem>>, vector<1x16xf32>,
        %swap3A_754 = vector.shape_cast %swap3A_753 : vector<1x16xf32> to vector<16xf32>
        %swap3A_755 = vector.shape_cast %get3A_750 : vector<16xf32> to vector<1x16xf32>
        tpu.vector_store %arg11[%swap3A_751, %swap3A_752], %swap3A_755 {strides = array<i32>} : memref<128x64xf32, #tpu.memory_space<vmem>>, vector<1x16xf32>,
        %add3A_756 = arith.constant 16 : i32
        %add3A_757 = arith.addi %squeeze3A_740, %add3A_756 : i32
        %get3A_758 = arith.index_cast %add3A_744 : i32 to index
        %get3A_759 = arith.index_cast %add3A_757 : i32 to index
        %get3A_760 = tpu.vector_load %arg8[%get3A_758, %get3A_759] {strides = array<i32>} : memref<128x128xf32, #tpu.memory_space<vmem>>, vector<1x16xf32>,
        %get3A_761 = vector.shape_cast %get3A_760 : vector<1x16xf32> to vector<16xf32>
        %swap3A_762 = arith.index_cast %add3A_744 : i32 to index
        %swap3A_763 = arith.constant 16 : index
        %swap3A_764 = tpu.vector_load %arg11[%swap3A_762, %swap3A_763] {strides = array<i32>} : memref<128x64xf32, #tpu.memory_space<vmem>>, vector<1x16xf32>,
        %swap3A_765 = vector.shape_cast %swap3A_764 : vector<1x16xf32> to vector<16xf32>
        %swap3A_766 = vector.shape_cast %get3A_761 : vector<16xf32> to vector<1x16xf32>
        tpu.vector_store %arg11[%swap3A_762, %swap3A_763], %swap3A_766 {strides = array<i32>} : memref<128x64xf32, #tpu.memory_space<vmem>>, vector<1x16xf32>,
        %add3A_767 = arith.constant 32 : i32
        %add3A_768 = arith.addi %squeeze3A_740, %add3A_767 : i32
        %get3A_769 = arith.index_cast %add3A_744 : i32 to index
        %get3A_770 = arith.index_cast %add3A_768 : i32 to index
        %get3A_771 = tpu.vector_load %arg8[%get3A_769, %get3A_770] {strides = array<i32>} : memref<128x128xf32, #tpu.memory_space<vmem>>, vector<1x16xf32>,
        %get3A_772 = vector.shape_cast %get3A_771 : vector<1x16xf32> to vector<16xf32>
        %swap3A_773 = arith.index_cast %add3A_744 : i32 to index
        %swap3A_774 = arith.constant 32 : index
        %swap3A_775 = tpu.vector_load %arg11[%swap3A_773, %swap3A_774] {strides = array<i32>} : memref<128x64xf32, #tpu.memory_space<vmem>>, vector<1x16xf32>,
        %swap3A_776 = vector.shape_cast %swap3A_775 : vector<1x16xf32> to vector<16xf32>
        %swap3A_777 = vector.shape_cast %get3A_772 : vector<16xf32> to vector<1x16xf32>
        tpu.vector_store %arg11[%swap3A_773, %swap3A_774], %swap3A_777 {strides = array<i32>} : memref<128x64xf32, #tpu.memory_space<vmem>>, vector<1x16xf32>,
        %add3A_778 = arith.constant 48 : i32
        %add3A_779 = arith.addi %squeeze3A_740, %add3A_778 : i32
        %get3A_780 = arith.index_cast %add3A_744 : i32 to index
        %get3A_781 = arith.index_cast %add3A_779 : i32 to index
        %get3A_782 = tpu.vector_load %arg8[%get3A_780, %get3A_781] {strides = array<i32>} : memref<128x128xf32, #tpu.memory_space<vmem>>, vector<1x16xf32>,
        %get3A_783 = vector.shape_cast %get3A_782 : vector<1x16xf32> to vector<16xf32>
        %swap3A_784 = arith.index_cast %add3A_744 : i32 to index
        %swap3A_785 = arith.constant 48 : index
        %swap3A_786 = tpu.vector_load %arg11[%swap3A_784, %swap3A_785] {strides = array<i32>} : memref<128x64xf32, #tpu.memory_space<vmem>>, vector<1x16xf32>,
        %swap3A_787 = vector.shape_cast %swap3A_786 : vector<1x16xf32> to vector<16xf32>
        %swap3A_788 = vector.shape_cast %get3A_783 : vector<16xf32> to vector<1x16xf32>
        tpu.vector_store %arg11[%swap3A_784, %swap3A_785], %swap3A_788 {strides = array<i32>} : memref<128x64xf32, #tpu.memory_space<vmem>>, vector<1x16xf32>,
        %slice3A_789 = vector.extract_strided_slice %mul3A_241 {offsets = [11], sizes = [1], strides = [1]} : vector<16xi32> to vector<1xi32>
        %squeeze3A_790 = vector.extract %slice3A_789[0] : i32 from vector<1xi32>
        %mul3A_791 = arith.constant 16 : i32
        %mul3A_792 = arith.muli %add3A_231, %mul3A_791 : i32
        %add3A_793 = arith.constant 11 : i32
        %add3A_794 = arith.addi %mul3A_792, %add3A_793 : i32
        %add3A_795 = arith.constant 0 : i32
        %add3A_796 = arith.addi %squeeze3A_790, %add3A_795 : i32
        %get3A_797 = arith.index_cast %add3A_794 : i32 to index
        %get3A_798 = arith.index_cast %add3A_796 : i32 to index
        %get3A_799 = tpu.vector_load %arg8[%get3A_797, %get3A_798] {strides = array<i32>} : memref<128x128xf32, #tpu.memory_space<vmem>>, vector<1x16xf32>,
        %get3A_800 = vector.shape_cast %get3A_799 : vector<1x16xf32> to vector<16xf32>
        %swap3A_801 = arith.index_cast %add3A_794 : i32 to index
        %swap3A_802 = arith.constant 0 : index
        %swap3A_803 = tpu.vector_load %arg11[%swap3A_801, %swap3A_802] {strides = array<i32>} : memref<128x64xf32, #tpu.memory_space<vmem>>, vector<1x16xf32>,
        %swap3A_804 = vector.shape_cast %swap3A_803 : vector<1x16xf32> to vector<16xf32>
        %swap3A_805 = vector.shape_cast %get3A_800 : vector<16xf32> to vector<1x16xf32>
        tpu.vector_store %arg11[%swap3A_801, %swap3A_802], %swap3A_805 {strides = array<i32>} : memref<128x64xf32, #tpu.memory_space<vmem>>, vector<1x16xf32>,
        %add3A_806 = arith.constant 16 : i32
        %add3A_807 = arith.addi %squeeze3A_790, %add3A_806 : i32
        %get3A_808 = arith.index_cast %add3A_794 : i32 to index
        %get3A_809 = arith.index_cast %add3A_807 : i32 to index
        %get3A_810 = tpu.vector_load %arg8[%get3A_808, %get3A_809] {strides = array<i32>} : memref<128x128xf32, #tpu.memory_space<vmem>>, vector<1x16xf32>,
        %get3A_811 = vector.shape_cast %get3A_810 : vector<1x16xf32> to vector<16xf32>
        %swap3A_812 = arith.index_cast %add3A_794 : i32 to index
        %swap3A_813 = arith.constant 16 : index
        %swap3A_814 = tpu.vector_load %arg11[%swap3A_812, %swap3A_813] {strides = array<i32>} : memref<128x64xf32, #tpu.memory_space<vmem>>, vector<1x16xf32>,
        %swap3A_815 = vector.shape_cast %swap3A_814 : vector<1x16xf32> to vector<16xf32>
        %swap3A_816 = vector.shape_cast %get3A_811 : vector<16xf32> to vector<1x16xf32>
        tpu.vector_store %arg11[%swap3A_812, %swap3A_813], %swap3A_816 {strides = array<i32>} : memref<128x64xf32, #tpu.memory_space<vmem>>, vector<1x16xf32>,
        %add3A_817 = arith.constant 32 : i32
        %add3A_818 = arith.addi %squeeze3A_790, %add3A_817 : i32
        %get3A_819 = arith.index_cast %add3A_794 : i32 to index
        %get3A_820 = arith.index_cast %add3A_818 : i32 to index
        %get3A_821 = tpu.vector_load %arg8[%get3A_819, %get3A_820] {strides = array<i32>} : memref<128x128xf32, #tpu.memory_space<vmem>>, vector<1x16xf32>,
        %get3A_822 = vector.shape_cast %get3A_821 : vector<1x16xf32> to vector<16xf32>
        %swap3A_823 = arith.index_cast %add3A_794 : i32 to index
        %swap3A_824 = arith.constant 32 : index
        %swap3A_825 = tpu.vector_load %arg11[%swap3A_823, %swap3A_824] {strides = array<i32>} : memref<128x64xf32, #tpu.memory_space<vmem>>, vector<1x16xf32>,
        %swap3A_826 = vector.shape_cast %swap3A_825 : vector<1x16xf32> to vector<16xf32>
        %swap3A_827 = vector.shape_cast %get3A_822 : vector<16xf32> to vector<1x16xf32>
        tpu.vector_store %arg11[%swap3A_823, %swap3A_824], %swap3A_827 {strides = array<i32>} : memref<128x64xf32, #tpu.memory_space<vmem>>, vector<1x16xf32>,
        %add3A_828 = arith.constant 48 : i32
        %add3A_829 = arith.addi %squeeze3A_790, %add3A_828 : i32
        %get3A_830 = arith.index_cast %add3A_794 : i32 to index
        %get3A_831 = arith.index_cast %add3A_829 : i32 to index
        %get3A_832 = tpu.vector_load %arg8[%get3A_830, %get3A_831] {strides = array<i32>} : memref<128x128xf32, #tpu.memory_space<vmem>>, vector<1x16xf32>,
        %get3A_833 = vector.shape_cast %get3A_832 : vector<1x16xf32> to vector<16xf32>
        %swap3A_834 = arith.index_cast %add3A_794 : i32 to index
        %swap3A_835 = arith.constant 48 : index
        %swap3A_836 = tpu.vector_load %arg11[%swap3A_834, %swap3A_835] {strides = array<i32>} : memref<128x64xf32, #tpu.memory_space<vmem>>, vector<1x16xf32>,
        %swap3A_837 = vector.shape_cast %swap3A_836 : vector<1x16xf32> to vector<16xf32>
        %swap3A_838 = vector.shape_cast %get3A_833 : vector<16xf32> to vector<1x16xf32>
        tpu.vector_store %arg11[%swap3A_834, %swap3A_835], %swap3A_838 {strides = array<i32>} : memref<128x64xf32, #tpu.memory_space<vmem>>, vector<1x16xf32>,
        %slice3A_839 = vector.extract_strided_slice %mul3A_241 {offsets = [12], sizes = [1], strides = [1]} : vector<16xi32> to vector<1xi32>
        %squeeze3A_840 = vector.extract %slice3A_839[0] : i32 from vector<1xi32>
        %mul3A_841 = arith.constant 16 : i32
        %mul3A_842 = arith.muli %add3A_231, %mul3A_841 : i32
        %add3A_843 = arith.constant 12 : i32
        %add3A_844 = arith.addi %mul3A_842, %add3A_843 : i32
        %add3A_845 = arith.constant 0 : i32
        %add3A_846 = arith.addi %squeeze3A_840, %add3A_845 : i32
        %get3A_847 = arith.index_cast %add3A_844 : i32 to index
        %get3A_848 = arith.index_cast %add3A_846 : i32 to index
        %get3A_849 = tpu.vector_load %arg8[%get3A_847, %get3A_848] {strides = array<i32>} : memref<128x128xf32, #tpu.memory_space<vmem>>, vector<1x16xf32>,
        %get3A_850 = vector.shape_cast %get3A_849 : vector<1x16xf32> to vector<16xf32>
        %swap3A_851 = arith.index_cast %add3A_844 : i32 to index
        %swap3A_852 = arith.constant 0 : index
        %swap3A_853 = tpu.vector_load %arg11[%swap3A_851, %swap3A_852] {strides = array<i32>} : memref<128x64xf32, #tpu.memory_space<vmem>>, vector<1x16xf32>,
        %swap3A_854 = vector.shape_cast %swap3A_853 : vector<1x16xf32> to vector<16xf32>
        %swap3A_855 = vector.shape_cast %get3A_850 : vector<16xf32> to vector<1x16xf32>
        tpu.vector_store %arg11[%swap3A_851, %swap3A_852], %swap3A_855 {strides = array<i32>} : memref<128x64xf32, #tpu.memory_space<vmem>>, vector<1x16xf32>,
        %add3A_856 = arith.constant 16 : i32
        %add3A_857 = arith.addi %squeeze3A_840, %add3A_856 : i32
        %get3A_858 = arith.index_cast %add3A_844 : i32 to index
        %get3A_859 = arith.index_cast %add3A_857 : i32 to index
        %get3A_860 = tpu.vector_load %arg8[%get3A_858, %get3A_859] {strides = array<i32>} : memref<128x128xf32, #tpu.memory_space<vmem>>, vector<1x16xf32>,
        %get3A_861 = vector.shape_cast %get3A_860 : vector<1x16xf32> to vector<16xf32>
        %swap3A_862 = arith.index_cast %add3A_844 : i32 to index
        %swap3A_863 = arith.constant 16 : index
        %swap3A_864 = tpu.vector_load %arg11[%swap3A_862, %swap3A_863] {strides = array<i32>} : memref<128x64xf32, #tpu.memory_space<vmem>>, vector<1x16xf32>,
        %swap3A_865 = vector.shape_cast %swap3A_864 : vector<1x16xf32> to vector<16xf32>
        %swap3A_866 = vector.shape_cast %get3A_861 : vector<16xf32> to vector<1x16xf32>
        tpu.vector_store %arg11[%swap3A_862, %swap3A_863], %swap3A_866 {strides = array<i32>} : memref<128x64xf32, #tpu.memory_space<vmem>>, vector<1x16xf32>,
        %add3A_867 = arith.constant 32 : i32
        %add3A_868 = arith.addi %squeeze3A_840, %add3A_867 : i32
        %get3A_869 = arith.index_cast %add3A_844 : i32 to index
        %get3A_870 = arith.index_cast %add3A_868 : i32 to index
        %get3A_871 = tpu.vector_load %arg8[%get3A_869, %get3A_870] {strides = array<i32>} : memref<128x128xf32, #tpu.memory_space<vmem>>, vector<1x16xf32>,
        %get3A_872 = vector.shape_cast %get3A_871 : vector<1x16xf32> to vector<16xf32>
        %swap3A_873 = arith.index_cast %add3A_844 : i32 to index
        %swap3A_874 = arith.constant 32 : index
        %swap3A_875 = tpu.vector_load %arg11[%swap3A_873, %swap3A_874] {strides = array<i32>} : memref<128x64xf32, #tpu.memory_space<vmem>>, vector<1x16xf32>,
        %swap3A_876 = vector.shape_cast %swap3A_875 : vector<1x16xf32> to vector<16xf32>
        %swap3A_877 = vector.shape_cast %get3A_872 : vector<16xf32> to vector<1x16xf32>
        tpu.vector_store %arg11[%swap3A_873, %swap3A_874], %swap3A_877 {strides = array<i32>} : memref<128x64xf32, #tpu.memory_space<vmem>>, vector<1x16xf32>,
        %add3A_878 = arith.constant 48 : i32
        %add3A_879 = arith.addi %squeeze3A_840, %add3A_878 : i32
        %get3A_880 = arith.index_cast %add3A_844 : i32 to index
        %get3A_881 = arith.index_cast %add3A_879 : i32 to index
        %get3A_882 = tpu.vector_load %arg8[%get3A_880, %get3A_881] {strides = array<i32>} : memref<128x128xf32, #tpu.memory_space<vmem>>, vector<1x16xf32>,
        %get3A_883 = vector.shape_cast %get3A_882 : vector<1x16xf32> to vector<16xf32>
        %swap3A_884 = arith.index_cast %add3A_844 : i32 to index
        %swap3A_885 = arith.constant 48 : index
        %swap3A_886 = tpu.vector_load %arg11[%swap3A_884, %swap3A_885] {strides = array<i32>} : memref<128x64xf32, #tpu.memory_space<vmem>>, vector<1x16xf32>,
        %swap3A_887 = vector.shape_cast %swap3A_886 : vector<1x16xf32> to vector<16xf32>
        %swap3A_888 = vector.shape_cast %get3A_883 : vector<16xf32> to vector<1x16xf32>
        tpu.vector_store %arg11[%swap3A_884, %swap3A_885], %swap3A_888 {strides = array<i32>} : memref<128x64xf32, #tpu.memory_space<vmem>>, vector<1x16xf32>,
        %slice3A_889 = vector.extract_strided_slice %mul3A_241 {offsets = [13], sizes = [1], strides = [1]} : vector<16xi32> to vector<1xi32>
        %squeeze3A_890 = vector.extract %slice3A_889[0] : i32 from vector<1xi32>
        %mul3A_891 = arith.constant 16 : i32
        %mul3A_892 = arith.muli %add3A_231, %mul3A_891 : i32
        %add3A_893 = arith.constant 13 : i32
        %add3A_894 = arith.addi %mul3A_892, %add3A_893 : i32
        %add3A_895 = arith.constant 0 : i32
        %add3A_896 = arith.addi %squeeze3A_890, %add3A_895 : i32
        %get3A_897 = arith.index_cast %add3A_894 : i32 to index
        %get3A_898 = arith.index_cast %add3A_896 : i32 to index
        %get3A_899 = tpu.vector_load %arg8[%get3A_897, %get3A_898] {strides = array<i32>} : memref<128x128xf32, #tpu.memory_space<vmem>>, vector<1x16xf32>,
        %get3A_900 = vector.shape_cast %get3A_899 : vector<1x16xf32> to vector<16xf32>
        %swap3A_901 = arith.index_cast %add3A_894 : i32 to index
        %swap3A_902 = arith.constant 0 : index
        %swap3A_903 = tpu.vector_load %arg11[%swap3A_901, %swap3A_902] {strides = array<i32>} : memref<128x64xf32, #tpu.memory_space<vmem>>, vector<1x16xf32>,
        %swap3A_904 = vector.shape_cast %swap3A_903 : vector<1x16xf32> to vector<16xf32>
        %swap3A_905 = vector.shape_cast %get3A_900 : vector<16xf32> to vector<1x16xf32>
        tpu.vector_store %arg11[%swap3A_901, %swap3A_902], %swap3A_905 {strides = array<i32>} : memref<128x64xf32, #tpu.memory_space<vmem>>, vector<1x16xf32>,
        %add3A_906 = arith.constant 16 : i32
        %add3A_907 = arith.addi %squeeze3A_890, %add3A_906 : i32
        %get3A_908 = arith.index_cast %add3A_894 : i32 to index
        %get3A_909 = arith.index_cast %add3A_907 : i32 to index
        %get3A_910 = tpu.vector_load %arg8[%get3A_908, %get3A_909] {strides = array<i32>} : memref<128x128xf32, #tpu.memory_space<vmem>>, vector<1x16xf32>,
        %get3A_911 = vector.shape_cast %get3A_910 : vector<1x16xf32> to vector<16xf32>
        %swap3A_912 = arith.index_cast %add3A_894 : i32 to index
        %swap3A_913 = arith.constant 16 : index
        %swap3A_914 = tpu.vector_load %arg11[%swap3A_912, %swap3A_913] {strides = array<i32>} : memref<128x64xf32, #tpu.memory_space<vmem>>, vector<1x16xf32>,
        %swap3A_915 = vector.shape_cast %swap3A_914 : vector<1x16xf32> to vector<16xf32>
        %swap3A_916 = vector.shape_cast %get3A_911 : vector<16xf32> to vector<1x16xf32>
        tpu.vector_store %arg11[%swap3A_912, %swap3A_913], %swap3A_916 {strides = array<i32>} : memref<128x64xf32, #tpu.memory_space<vmem>>, vector<1x16xf32>,
        %add3A_917 = arith.constant 32 : i32
        %add3A_918 = arith.addi %squeeze3A_890, %add3A_917 : i32
        %get3A_919 = arith.index_cast %add3A_894 : i32 to index
        %get3A_920 = arith.index_cast %add3A_918 : i32 to index
        %get3A_921 = tpu.vector_load %arg8[%get3A_919, %get3A_920] {strides = array<i32>} : memref<128x128xf32, #tpu.memory_space<vmem>>, vector<1x16xf32>,
        %get3A_922 = vector.shape_cast %get3A_921 : vector<1x16xf32> to vector<16xf32>
        %swap3A_923 = arith.index_cast %add3A_894 : i32 to index
        %swap3A_924 = arith.constant 32 : index
        %swap3A_925 = tpu.vector_load %arg11[%swap3A_923, %swap3A_924] {strides = array<i32>} : memref<128x64xf32, #tpu.memory_space<vmem>>, vector<1x16xf32>,
        %swap3A_926 = vector.shape_cast %swap3A_925 : vector<1x16xf32> to vector<16xf32>
        %swap3A_927 = vector.shape_cast %get3A_922 : vector<16xf32> to vector<1x16xf32>
        tpu.vector_store %arg11[%swap3A_923, %swap3A_924], %swap3A_927 {strides = array<i32>} : memref<128x64xf32, #tpu.memory_space<vmem>>, vector<1x16xf32>,
        %add3A_928 = arith.constant 48 : i32
        %add3A_929 = arith.addi %squeeze3A_890, %add3A_928 : i32
        %get3A_930 = arith.index_cast %add3A_894 : i32 to index
        %get3A_931 = arith.index_cast %add3A_929 : i32 to index
        %get3A_932 = tpu.vector_load %arg8[%get3A_930, %get3A_931] {strides = array<i32>} : memref<128x128xf32, #tpu.memory_space<vmem>>, vector<1x16xf32>,
        %get3A_933 = vector.shape_cast %get3A_932 : vector<1x16xf32> to vector<16xf32>
        %swap3A_934 = arith.index_cast %add3A_894 : i32 to index
        %swap3A_935 = arith.constant 48 : index
        %swap3A_936 = tpu.vector_load %arg11[%swap3A_934, %swap3A_935] {strides = array<i32>} : memref<128x64xf32, #tpu.memory_space<vmem>>, vector<1x16xf32>,
        %swap3A_937 = vector.shape_cast %swap3A_936 : vector<1x16xf32> to vector<16xf32>
        %swap3A_938 = vector.shape_cast %get3A_933 : vector<16xf32> to vector<1x16xf32>
        tpu.vector_store %arg11[%swap3A_934, %swap3A_935], %swap3A_938 {strides = array<i32>} : memref<128x64xf32, #tpu.memory_space<vmem>>, vector<1x16xf32>,
        %slice3A_939 = vector.extract_strided_slice %mul3A_241 {offsets = [14], sizes = [1], strides = [1]} : vector<16xi32> to vector<1xi32>
        %squeeze3A_940 = vector.extract %slice3A_939[0] : i32 from vector<1xi32>
        %mul3A_941 = arith.constant 16 : i32
        %mul3A_942 = arith.muli %add3A_231, %mul3A_941 : i32
        %add3A_943 = arith.constant 14 : i32
        %add3A_944 = arith.addi %mul3A_942, %add3A_943 : i32
        %add3A_945 = arith.constant 0 : i32
        %add3A_946 = arith.addi %squeeze3A_940, %add3A_945 : i32
        %get3A_947 = arith.index_cast %add3A_944 : i32 to index
        %get3A_948 = arith.index_cast %add3A_946 : i32 to index
        %get3A_949 = tpu.vector_load %arg8[%get3A_947, %get3A_948] {strides = array<i32>} : memref<128x128xf32, #tpu.memory_space<vmem>>, vector<1x16xf32>,
        %get3A_950 = vector.shape_cast %get3A_949 : vector<1x16xf32> to vector<16xf32>
        %swap3A_951 = arith.index_cast %add3A_944 : i32 to index
        %swap3A_952 = arith.constant 0 : index
        %swap3A_953 = tpu.vector_load %arg11[%swap3A_951, %swap3A_952] {strides = array<i32>} : memref<128x64xf32, #tpu.memory_space<vmem>>, vector<1x16xf32>,
        %swap3A_954 = vector.shape_cast %swap3A_953 : vector<1x16xf32> to vector<16xf32>
        %swap3A_955 = vector.shape_cast %get3A_950 : vector<16xf32> to vector<1x16xf32>
        tpu.vector_store %arg11[%swap3A_951, %swap3A_952], %swap3A_955 {strides = array<i32>} : memref<128x64xf32, #tpu.memory_space<vmem>>, vector<1x16xf32>,
        %add3A_956 = arith.constant 16 : i32
        %add3A_957 = arith.addi %squeeze3A_940, %add3A_956 : i32
        %get3A_958 = arith.index_cast %add3A_944 : i32 to index
        %get3A_959 = arith.index_cast %add3A_957 : i32 to index
        %get3A_960 = tpu.vector_load %arg8[%get3A_958, %get3A_959] {strides = array<i32>} : memref<128x128xf32, #tpu.memory_space<vmem>>, vector<1x16xf32>,
        %get3A_961 = vector.shape_cast %get3A_960 : vector<1x16xf32> to vector<16xf32>
        %swap3A_962 = arith.index_cast %add3A_944 : i32 to index
        %swap3A_963 = arith.constant 16 : index
        %swap3A_964 = tpu.vector_load %arg11[%swap3A_962, %swap3A_963] {strides = array<i32>} : memref<128x64xf32, #tpu.memory_space<vmem>>, vector<1x16xf32>,
        %swap3A_965 = vector.shape_cast %swap3A_964 : vector<1x16xf32> to vector<16xf32>
        %swap3A_966 = vector.shape_cast %get3A_961 : vector<16xf32> to vector<1x16xf32>
        tpu.vector_store %arg11[%swap3A_962, %swap3A_963], %swap3A_966 {strides = array<i32>} : memref<128x64xf32, #tpu.memory_space<vmem>>, vector<1x16xf32>,
        %add3A_967 = arith.constant 32 : i32
        %add3A_968 = arith.addi %squeeze3A_940, %add3A_967 : i32
        %get3A_969 = arith.index_cast %add3A_944 : i32 to index
        %get3A_970 = arith.index_cast %add3A_968 : i32 to index
        %get3A_971 = tpu.vector_load %arg8[%get3A_969, %get3A_970] {strides = array<i32>} : memref<128x128xf32, #tpu.memory_space<vmem>>, vector<1x16xf32>,
        %get3A_972 = vector.shape_cast %get3A_971 : vector<1x16xf32> to vector<16xf32>
        %swap3A_973 = arith.index_cast %add3A_944 : i32 to index
        %swap3A_974 = arith.constant 32 : index
        %swap3A_975 = tpu.vector_load %arg11[%swap3A_973, %swap3A_974] {strides = array<i32>} : memref<128x64xf32, #tpu.memory_space<vmem>>, vector<1x16xf32>,
        %swap3A_976 = vector.shape_cast %swap3A_975 : vector<1x16xf32> to vector<16xf32>
        %swap3A_977 = vector.shape_cast %get3A_972 : vector<16xf32> to vector<1x16xf32>
        tpu.vector_store %arg11[%swap3A_973, %swap3A_974], %swap3A_977 {strides = array<i32>} : memref<128x64xf32, #tpu.memory_space<vmem>>, vector<1x16xf32>,
        %add3A_978 = arith.constant 48 : i32
        %add3A_979 = arith.addi %squeeze3A_940, %add3A_978 : i32
        %get3A_980 = arith.index_cast %add3A_944 : i32 to index
        %get3A_981 = arith.index_cast %add3A_979 : i32 to index
        %get3A_982 = tpu.vector_load %arg8[%get3A_980, %get3A_981] {strides = array<i32>} : memref<128x128xf32, #tpu.memory_space<vmem>>, vector<1x16xf32>,
        %get3A_983 = vector.shape_cast %get3A_982 : vector<1x16xf32> to vector<16xf32>
        %swap3A_984 = arith.index_cast %add3A_944 : i32 to index
        %swap3A_985 = arith.constant 48 : index
        %swap3A_986 = tpu.vector_load %arg11[%swap3A_984, %swap3A_985] {strides = array<i32>} : memref<128x64xf32, #tpu.memory_space<vmem>>, vector<1x16xf32>,
        %swap3A_987 = vector.shape_cast %swap3A_986 : vector<1x16xf32> to vector<16xf32>
        %swap3A_988 = vector.shape_cast %get3A_983 : vector<16xf32> to vector<1x16xf32>
        tpu.vector_store %arg11[%swap3A_984, %swap3A_985], %swap3A_988 {strides = array<i32>} : memref<128x64xf32, #tpu.memory_space<vmem>>, vector<1x16xf32>,
        %slice3A_989 = vector.extract_strided_slice %mul3A_241 {offsets = [15], sizes = [1], strides = [1]} : vector<16xi32> to vector<1xi32>
        %squeeze3A_990 = vector.extract %slice3A_989[0] : i32 from vector<1xi32>
        %mul3A_991 = arith.constant 16 : i32
        %mul3A_992 = arith.muli %add3A_231, %mul3A_991 : i32
        %add3A_993 = arith.constant 15 : i32
        %add3A_994 = arith.addi %mul3A_992, %add3A_993 : i32
        %add3A_995 = arith.constant 0 : i32
        %add3A_996 = arith.addi %squeeze3A_990, %add3A_995 : i32
        %get3A_997 = arith.index_cast %add3A_994 : i32 to index
        %get3A_998 = arith.index_cast %add3A_996 : i32 to index
        %get3A_999 = tpu.vector_load %arg8[%get3A_997, %get3A_998] {strides = array<i32>} : memref<128x128xf32, #tpu.memory_space<vmem>>, vector<1x16xf32>,
        %get3A_1000 = vector.shape_cast %get3A_999 : vector<1x16xf32> to vector<16xf32>
        %swap3A_1001 = arith.index_cast %add3A_994 : i32 to index
        %swap3A_1002 = arith.constant 0 : index
        %swap3A_1003 = tpu.vector_load %arg11[%swap3A_1001, %swap3A_1002] {strides = array<i32>} : memref<128x64xf32, #tpu.memory_space<vmem>>, vector<1x16xf32>,
        %swap3A_1004 = vector.shape_cast %swap3A_1003 : vector<1x16xf32> to vector<16xf32>
        %swap3A_1005 = vector.shape_cast %get3A_1000 : vector<16xf32> to vector<1x16xf32>
        tpu.vector_store %arg11[%swap3A_1001, %swap3A_1002], %swap3A_1005 {strides = array<i32>} : memref<128x64xf32, #tpu.memory_space<vmem>>, vector<1x16xf32>,
        %add3A_1006 = arith.constant 16 : i32
        %add3A_1007 = arith.addi %squeeze3A_990, %add3A_1006 : i32
        %get3A_1008 = arith.index_cast %add3A_994 : i32 to index
        %get3A_1009 = arith.index_cast %add3A_1007 : i32 to index
        %get3A_1010 = tpu.vector_load %arg8[%get3A_1008, %get3A_1009] {strides = array<i32>} : memref<128x128xf32, #tpu.memory_space<vmem>>, vector<1x16xf32>,
        %get3A_1011 = vector.shape_cast %get3A_1010 : vector<1x16xf32> to vector<16xf32>
        %swap3A_1012 = arith.index_cast %add3A_994 : i32 to index
        %swap3A_1013 = arith.constant 16 : index
        %swap3A_1014 = tpu.vector_load %arg11[%swap3A_1012, %swap3A_1013] {strides = array<i32>} : memref<128x64xf32, #tpu.memory_space<vmem>>, vector<1x16xf32>,
        %swap3A_1015 = vector.shape_cast %swap3A_1014 : vector<1x16xf32> to vector<16xf32>
        %swap3A_1016 = vector.shape_cast %get3A_1011 : vector<16xf32> to vector<1x16xf32>
        tpu.vector_store %arg11[%swap3A_1012, %swap3A_1013], %swap3A_1016 {strides = array<i32>} : memref<128x64xf32, #tpu.memory_space<vmem>>, vector<1x16xf32>,
        %add3A_1017 = arith.constant 32 : i32
        %add3A_1018 = arith.addi %squeeze3A_990, %add3A_1017 : i32
        %get3A_1019 = arith.index_cast %add3A_994 : i32 to index
        %get3A_1020 = arith.index_cast %add3A_1018 : i32 to index
        %get3A_1021 = tpu.vector_load %arg8[%get3A_1019, %get3A_1020] {strides = array<i32>} : memref<128x128xf32, #tpu.memory_space<vmem>>, vector<1x16xf32>,
        %get3A_1022 = vector.shape_cast %get3A_1021 : vector<1x16xf32> to vector<16xf32>
        %swap3A_1023 = arith.index_cast %add3A_994 : i32 to index
        %swap3A_1024 = arith.constant 32 : index
        %swap3A_1025 = tpu.vector_load %arg11[%swap3A_1023, %swap3A_1024] {strides = array<i32>} : memref<128x64xf32, #tpu.memory_space<vmem>>, vector<1x16xf32>,
        %swap3A_1026 = vector.shape_cast %swap3A_1025 : vector<1x16xf32> to vector<16xf32>
        %swap3A_1027 = vector.shape_cast %get3A_1022 : vector<16xf32> to vector<1x16xf32>
        tpu.vector_store %arg11[%swap3A_1023, %swap3A_1024], %swap3A_1027 {strides = array<i32>} : memref<128x64xf32, #tpu.memory_space<vmem>>, vector<1x16xf32>,
        %add3A_1028 = arith.constant 48 : i32
        %add3A_1029 = arith.addi %squeeze3A_990, %add3A_1028 : i32
        %get3A_1030 = arith.index_cast %add3A_994 : i32 to index
        %get3A_1031 = arith.index_cast %add3A_1029 : i32 to index
        %get3A_1032 = tpu.vector_load %arg8[%get3A_1030, %get3A_1031] {strides = array<i32>} : memref<128x128xf32, #tpu.memory_space<vmem>>, vector<1x16xf32>,
        %get3A_1033 = vector.shape_cast %get3A_1032 : vector<1x16xf32> to vector<16xf32>
        %swap3A_1034 = arith.index_cast %add3A_994 : i32 to index
        %swap3A_1035 = arith.constant 48 : index
        %swap3A_1036 = tpu.vector_load %arg11[%swap3A_1034, %swap3A_1035] {strides = array<i32>} : memref<128x64xf32, #tpu.memory_space<vmem>>, vector<1x16xf32>,
        %swap3A_1037 = vector.shape_cast %swap3A_1036 : vector<1x16xf32> to vector<16xf32>
        %swap3A_1038 = vector.shape_cast %get3A_1033 : vector<16xf32> to vector<1x16xf32>
        tpu.vector_store %arg11[%swap3A_1034, %swap3A_1035], %swap3A_1038 {strides = array<i32>} : memref<128x64xf32, #tpu.memory_space<vmem>>, vector<1x16xf32>,
      }
      %scan3A_147 = arith.constant 8 : i32
      %add3A_148 = arith.constant 1 : i32
      %add3A_149 = arith.addi %add3A_103, %add3A_148 : i32
      %mul3A_150 = arith.constant 128 : i32
      %mul3A_151 = arith.muli %add3A, %mul3A_150 : i32
      %dma_start3A_152 = arith.constant 0 : i32
      %dma_start3A_153 = tpu.memref_slice %arg4[%add3A_149, %mul3A_151, %dma_start3A_152] : memref<50x4096x64xf32, #tpu.memory_space<hbm>> -> memref<1x128x64xf32, #tpu.memory_space<hbm>>
      %dma_start3A_154 = tpu.memref_squeeze %dma_start3A_153 : memref<1x128x64xf32, #tpu.memory_space<hbm>> -> memref<128x64xf32, #tpu.memory_space<hbm>>
      %dma_start3A_155 = arith.constant 0 : i32
      %dma_start3A_156 = tpu.memref_slice %arg4[%add3A_149, %mul3A_151, %dma_start3A_155] : memref<50x4096x64xf32, #tpu.memory_space<hbm>> -> memref<1x128x64xf32, #tpu.memory_space<hbm>>
      %dma_start3A_157 = tpu.memref_squeeze %dma_start3A_156 : memref<1x128x64xf32, #tpu.memory_space<hbm>> -> memref<128x64xf32, #tpu.memory_space<hbm>>
      tpu.enqueue_dma source(%arg11 : memref<128x64xf32, #tpu.memory_space<vmem>>) target(%dma_start3A_157 : memref<128x64xf32, #tpu.memory_space<hbm>>) target_semaphore(%arg18 : memref<!tpu.dma_semaphore, #tpu.memory_space<semaphore_mem>>)
      %add3A_158 = arith.constant 3 : i32
      %add3A_159 = arith.addi %add3A_103, %add3A_158 : i32
      %add3A_160 = arith.constant 1 : i32
      %add3A_161 = arith.addi %add3A_159, %add3A_160 : i32
      %lt3A_162 = arith.constant 50 : i32
      %lt3A_163 = arith.cmpi slt, %add3A_161, %lt3A_162 : i32
      %convert_element_type3A_164 = arith.extui %lt3A_163 : i1 to i32
      %cond3A_165 = arith.constant 0 : i32
      %cond3A_166 = arith.cmpi ne, %convert_element_type3A_164, %cond3A_165 : i32
      scf.if %cond3A_166 {
        %dma_start3A_227 = arith.constant 0 : i32
        %dma_start3A_228 = tpu.memref_slice %arg6[%add3A_161, %dma_start3A_227] : memref<50x128xi32, #tpu.memory_space<vmem>> -> memref<1x128xi32, #tpu.memory_space<vmem>>
        %dma_start3A_229 = tpu.memref_squeeze %dma_start3A_228 : memref<1x128xi32, #tpu.memory_space<vmem>> -> memref<128xi32, #tpu.memory_space<vmem>>
        %dma_start3A_230 = arith.constant 0 : i32
        %dma_start3A_231 = arith.constant 0 : i32
        %dma_start3A_232 = tpu.memref_slice %arg3[%dma_start3A_230, %dma_start3A_231] : memref<500000x128xf32, #tpu.memory_space<hbm>> -> memref<500000x128xf32, #tpu.memory_space<hbm>>
        tpu.enqueue_indirect_dma source(%dma_start3A_232 : memref<500000x128xf32, #tpu.memory_space<hbm>>) target(%arg8 : memref<128x128xf32, #tpu.memory_space<vmem>>) offsets(%dma_start3A_229 : memref<128xi32, #tpu.memory_space<vmem>>) semaphore(%arg15 : memref<!tpu.dma_semaphore, #tpu.memory_space<semaphore_mem>>)
      } else {
      }
      %dma_wait3A_167 = arith.constant 0 : i32
      %dma_wait3A_168 = arith.constant 0 : i32
      %dma_wait3A_169 = tpu.memref_slice %arg6[%dma_wait3A_167, %dma_wait3A_168] : memref<50x128xi32, #tpu.memory_space<vmem>> -> memref<1x128xi32, #tpu.memory_space<vmem>>
      %dma_wait3A_170 = tpu.memref_squeeze %dma_wait3A_169 : memref<1x128xi32, #tpu.memory_space<vmem>> -> memref<128xi32, #tpu.memory_space<vmem>>
      %dma_wait3A_171 = arith.constant 0 : i32
      %dma_wait3A_172 = arith.constant 0 : i32
      %dma_wait3A_173 = tpu.memref_slice %arg3[%dma_wait3A_171, %dma_wait3A_172] : memref<500000x128xf32, #tpu.memory_space<hbm>> -> memref<500000x128xf32, #tpu.memory_space<hbm>>
      tpu.wait_indirect_dma semaphore(%arg16 : memref<!tpu.dma_semaphore, #tpu.memory_space<semaphore_mem>>) src(%dma_wait3A_173 : memref<500000x128xf32, #tpu.memory_space<hbm>>) dst(%arg9 : memref<128x128xf32, #tpu.memory_space<vmem>>)
      %add3A_174 = arith.constant 2 : i32
      %add3A_175 = arith.addi %add3A_103, %add3A_174 : i32
      %scan3A_176 = arith.constant 0 : i32
      %scan3A_177 = arith.constant 8 : i32
      %scan3A_178 = arith.addi %scan3A_176, %scan3A_177 : i32
      %scan3A_179 = arith.constant 1 : i32
      scf.for %scan3A_227 = %scan3A_176 to %scan3A_178 step %scan3A_179  : i32 {
        %mul3A_228 = arith.constant 1 : i32
        %mul3A_229 = arith.muli %scan3A_227, %mul3A_228 : i32
        %add3A_230 = arith.constant 0 : i32
        %add3A_231 = arith.addi %add3A_230, %mul3A_229 : i32
        %mul3A_232 = arith.constant 16 : i32
        %mul3A_233 = arith.muli %add3A_231, %mul3A_232 : i32
        %get3A = arith.index_cast %add3A_175 : i32 to index
        %get3A_234 = arith.index_cast %mul3A_233 : i32 to index
        %get3A_235 = tpu.vector_load %arg5[%get3A, %get3A_234] {strides = array<i32>} : memref<50x128xi32, #tpu.memory_space<vmem>>, vector<1x16xi32>,
        %get3A_236 = vector.shape_cast %get3A_235 : vector<1x16xi32> to vector<16xi32>
        %and3A = arith.constant 1 : i32
        %and3A_237 = vector.broadcast %and3A : i32 to vector<16xi32>
        %and3A_238 = arith.andi %get3A_236, %and3A_237 : vector<16xi32>
        %mul3A_239 = arith.constant 64 : i32
        %mul3A_240 = vector.broadcast %mul3A_239 : i32 to vector<16xi32>
        %mul3A_241 = arith.muli %and3A_238, %mul3A_240 : vector<16xi32>
        %slice3A = vector.extract_strided_slice %mul3A_241 {offsets = [0], sizes = [1], strides = [1]} : vector<16xi32> to vector<1xi32>
        %squeeze3A = vector.extract %slice3A[0] : i32 from vector<1xi32>
        %mul3A_242 = arith.constant 16 : i32
        %mul3A_243 = arith.muli %add3A_231, %mul3A_242 : i32
        %add3A_244 = arith.constant 0 : i32
        %add3A_245 = arith.addi %mul3A_243, %add3A_244 : i32
        %add3A_246 = arith.constant 0 : i32
        %add3A_247 = arith.addi %squeeze3A, %add3A_246 : i32
        %get3A_248 = arith.index_cast %add3A_245 : i32 to index
        %get3A_249 = arith.index_cast %add3A_247 : i32 to index
        %get3A_250 = tpu.vector_load %arg9[%get3A_248, %get3A_249] {strides = array<i32>} : memref<128x128xf32, #tpu.memory_space<vmem>>, vector<1x16xf32>,
        %get3A_251 = vector.shape_cast %get3A_250 : vector<1x16xf32> to vector<16xf32>
        %swap3A = arith.index_cast %add3A_245 : i32 to index
        %swap3A_252 = arith.constant 0 : index
        %swap3A_253 = tpu.vector_load %arg12[%swap3A, %swap3A_252] {strides = array<i32>} : memref<128x64xf32, #tpu.memory_space<vmem>>, vector<1x16xf32>,
        %swap3A_254 = vector.shape_cast %swap3A_253 : vector<1x16xf32> to vector<16xf32>
        %swap3A_255 = vector.shape_cast %get3A_251 : vector<16xf32> to vector<1x16xf32>
        tpu.vector_store %arg12[%swap3A, %swap3A_252], %swap3A_255 {strides = array<i32>} : memref<128x64xf32, #tpu.memory_space<vmem>>, vector<1x16xf32>,
        %add3A_256 = arith.constant 16 : i32
        %add3A_257 = arith.addi %squeeze3A, %add3A_256 : i32
        %get3A_258 = arith.index_cast %add3A_245 : i32 to index
        %get3A_259 = arith.index_cast %add3A_257 : i32 to index
        %get3A_260 = tpu.vector_load %arg9[%get3A_258, %get3A_259] {strides = array<i32>} : memref<128x128xf32, #tpu.memory_space<vmem>>, vector<1x16xf32>,
        %get3A_261 = vector.shape_cast %get3A_260 : vector<1x16xf32> to vector<16xf32>
        %swap3A_262 = arith.index_cast %add3A_245 : i32 to index
        %swap3A_263 = arith.constant 16 : index
        %swap3A_264 = tpu.vector_load %arg12[%swap3A_262, %swap3A_263] {strides = array<i32>} : memref<128x64xf32, #tpu.memory_space<vmem>>, vector<1x16xf32>,
        %swap3A_265 = vector.shape_cast %swap3A_264 : vector<1x16xf32> to vector<16xf32>
        %swap3A_266 = vector.shape_cast %get3A_261 : vector<16xf32> to vector<1x16xf32>
        tpu.vector_store %arg12[%swap3A_262, %swap3A_263], %swap3A_266 {strides = array<i32>} : memref<128x64xf32, #tpu.memory_space<vmem>>, vector<1x16xf32>,
        %add3A_267 = arith.constant 32 : i32
        %add3A_268 = arith.addi %squeeze3A, %add3A_267 : i32
        %get3A_269 = arith.index_cast %add3A_245 : i32 to index
        %get3A_270 = arith.index_cast %add3A_268 : i32 to index
        %get3A_271 = tpu.vector_load %arg9[%get3A_269, %get3A_270] {strides = array<i32>} : memref<128x128xf32, #tpu.memory_space<vmem>>, vector<1x16xf32>,
        %get3A_272 = vector.shape_cast %get3A_271 : vector<1x16xf32> to vector<16xf32>
        %swap3A_273 = arith.index_cast %add3A_245 : i32 to index
        %swap3A_274 = arith.constant 32 : index
        %swap3A_275 = tpu.vector_load %arg12[%swap3A_273, %swap3A_274] {strides = array<i32>} : memref<128x64xf32, #tpu.memory_space<vmem>>, vector<1x16xf32>,
        %swap3A_276 = vector.shape_cast %swap3A_275 : vector<1x16xf32> to vector<16xf32>
        %swap3A_277 = vector.shape_cast %get3A_272 : vector<16xf32> to vector<1x16xf32>
        tpu.vector_store %arg12[%swap3A_273, %swap3A_274], %swap3A_277 {strides = array<i32>} : memref<128x64xf32, #tpu.memory_space<vmem>>, vector<1x16xf32>,
        %add3A_278 = arith.constant 48 : i32
        %add3A_279 = arith.addi %squeeze3A, %add3A_278 : i32
        %get3A_280 = arith.index_cast %add3A_245 : i32 to index
        %get3A_281 = arith.index_cast %add3A_279 : i32 to index
        %get3A_282 = tpu.vector_load %arg9[%get3A_280, %get3A_281] {strides = array<i32>} : memref<128x128xf32, #tpu.memory_space<vmem>>, vector<1x16xf32>,
        %get3A_283 = vector.shape_cast %get3A_282 : vector<1x16xf32> to vector<16xf32>
        %swap3A_284 = arith.index_cast %add3A_245 : i32 to index
        %swap3A_285 = arith.constant 48 : index
        %swap3A_286 = tpu.vector_load %arg12[%swap3A_284, %swap3A_285] {strides = array<i32>} : memref<128x64xf32, #tpu.memory_space<vmem>>, vector<1x16xf32>,
        %swap3A_287 = vector.shape_cast %swap3A_286 : vector<1x16xf32> to vector<16xf32>
        %swap3A_288 = vector.shape_cast %get3A_283 : vector<16xf32> to vector<1x16xf32>
        tpu.vector_store %arg12[%swap3A_284, %swap3A_285], %swap3A_288 {strides = array<i32>} : memref<128x64xf32, #tpu.memory_space<vmem>>, vector<1x16xf32>,
        %slice3A_289 = vector.extract_strided_slice %mul3A_241 {offsets = [1], sizes = [1], strides = [1]} : vector<16xi32> to vector<1xi32>
        %squeeze3A_290 = vector.extract %slice3A_289[0] : i32 from vector<1xi32>
        %mul3A_291 = arith.constant 16 : i32
        %mul3A_292 = arith.muli %add3A_231, %mul3A_291 : i32
        %add3A_293 = arith.constant 1 : i32
        %add3A_294 = arith.addi %mul3A_292, %add3A_293 : i32
        %add3A_295 = arith.constant 0 : i32
        %add3A_296 = arith.addi %squeeze3A_290, %add3A_295 : i32
        %get3A_297 = arith.index_cast %add3A_294 : i32 to index
        %get3A_298 = arith.index_cast %add3A_296 : i32 to index
        %get3A_299 = tpu.vector_load %arg9[%get3A_297, %get3A_298] {strides = array<i32>} : memref<128x128xf32, #tpu.memory_space<vmem>>, vector<1x16xf32>,
        %get3A_300 = vector.shape_cast %get3A_299 : vector<1x16xf32> to vector<16xf32>
        %swap3A_301 = arith.index_cast %add3A_294 : i32 to index
        %swap3A_302 = arith.constant 0 : index
        %swap3A_303 = tpu.vector_load %arg12[%swap3A_301, %swap3A_302] {strides = array<i32>} : memref<128x64xf32, #tpu.memory_space<vmem>>, vector<1x16xf32>,
        %swap3A_304 = vector.shape_cast %swap3A_303 : vector<1x16xf32> to vector<16xf32>
        %swap3A_305 = vector.shape_cast %get3A_300 : vector<16xf32> to vector<1x16xf32>
        tpu.vector_store %arg12[%swap3A_301, %swap3A_302], %swap3A_305 {strides = array<i32>} : memref<128x64xf32, #tpu.memory_space<vmem>>, vector<1x16xf32>,
        %add3A_306 = arith.constant 16 : i32
        %add3A_307 = arith.addi %squeeze3A_290, %add3A_306 : i32
        %get3A_308 = arith.index_cast %add3A_294 : i32 to index
        %get3A_309 = arith.index_cast %add3A_307 : i32 to index
        %get3A_310 = tpu.vector_load %arg9[%get3A_308, %get3A_309] {strides = array<i32>} : memref<128x128xf32, #tpu.memory_space<vmem>>, vector<1x16xf32>,
        %get3A_311 = vector.shape_cast %get3A_310 : vector<1x16xf32> to vector<16xf32>
        %swap3A_312 = arith.index_cast %add3A_294 : i32 to index
        %swap3A_313 = arith.constant 16 : index
        %swap3A_314 = tpu.vector_load %arg12[%swap3A_312, %swap3A_313] {strides = array<i32>} : memref<128x64xf32, #tpu.memory_space<vmem>>, vector<1x16xf32>,
        %swap3A_315 = vector.shape_cast %swap3A_314 : vector<1x16xf32> to vector<16xf32>
        %swap3A_316 = vector.shape_cast %get3A_311 : vector<16xf32> to vector<1x16xf32>
        tpu.vector_store %arg12[%swap3A_312, %swap3A_313], %swap3A_316 {strides = array<i32>} : memref<128x64xf32, #tpu.memory_space<vmem>>, vector<1x16xf32>,
        %add3A_317 = arith.constant 32 : i32
        %add3A_318 = arith.addi %squeeze3A_290, %add3A_317 : i32
        %get3A_319 = arith.index_cast %add3A_294 : i32 to index
        %get3A_320 = arith.index_cast %add3A_318 : i32 to index
        %get3A_321 = tpu.vector_load %arg9[%get3A_319, %get3A_320] {strides = array<i32>} : memref<128x128xf32, #tpu.memory_space<vmem>>, vector<1x16xf32>,
        %get3A_322 = vector.shape_cast %get3A_321 : vector<1x16xf32> to vector<16xf32>
        %swap3A_323 = arith.index_cast %add3A_294 : i32 to index
        %swap3A_324 = arith.constant 32 : index
        %swap3A_325 = tpu.vector_load %arg12[%swap3A_323, %swap3A_324] {strides = array<i32>} : memref<128x64xf32, #tpu.memory_space<vmem>>, vector<1x16xf32>,
        %swap3A_326 = vector.shape_cast %swap3A_325 : vector<1x16xf32> to vector<16xf32>
        %swap3A_327 = vector.shape_cast %get3A_322 : vector<16xf32> to vector<1x16xf32>
        tpu.vector_store %arg12[%swap3A_323, %swap3A_324], %swap3A_327 {strides = array<i32>} : memref<128x64xf32, #tpu.memory_space<vmem>>, vector<1x16xf32>,
        %add3A_328 = arith.constant 48 : i32
        %add3A_329 = arith.addi %squeeze3A_290, %add3A_328 : i32
        %get3A_330 = arith.index_cast %add3A_294 : i32 to index
        %get3A_331 = arith.index_cast %add3A_329 : i32 to index
        %get3A_332 = tpu.vector_load %arg9[%get3A_330, %get3A_331] {strides = array<i32>} : memref<128x128xf32, #tpu.memory_space<vmem>>, vector<1x16xf32>,
        %get3A_333 = vector.shape_cast %get3A_332 : vector<1x16xf32> to vector<16xf32>
        %swap3A_334 = arith.index_cast %add3A_294 : i32 to index
        %swap3A_335 = arith.constant 48 : index
        %swap3A_336 = tpu.vector_load %arg12[%swap3A_334, %swap3A_335] {strides = array<i32>} : memref<128x64xf32, #tpu.memory_space<vmem>>, vector<1x16xf32>,
        %swap3A_337 = vector.shape_cast %swap3A_336 : vector<1x16xf32> to vector<16xf32>
        %swap3A_338 = vector.shape_cast %get3A_333 : vector<16xf32> to vector<1x16xf32>
        tpu.vector_store %arg12[%swap3A_334, %swap3A_335], %swap3A_338 {strides = array<i32>} : memref<128x64xf32, #tpu.memory_space<vmem>>, vector<1x16xf32>,
        %slice3A_339 = vector.extract_strided_slice %mul3A_241 {offsets = [2], sizes = [1], strides = [1]} : vector<16xi32> to vector<1xi32>
        %squeeze3A_340 = vector.extract %slice3A_339[0] : i32 from vector<1xi32>
        %mul3A_341 = arith.constant 16 : i32
        %mul3A_342 = arith.muli %add3A_231, %mul3A_341 : i32
        %add3A_343 = arith.constant 2 : i32
        %add3A_344 = arith.addi %mul3A_342, %add3A_343 : i32
        %add3A_345 = arith.constant 0 : i32
        %add3A_346 = arith.addi %squeeze3A_340, %add3A_345 : i32
        %get3A_347 = arith.index_cast %add3A_344 : i32 to index
        %get3A_348 = arith.index_cast %add3A_346 : i32 to index
        %get3A_349 = tpu.vector_load %arg9[%get3A_347, %get3A_348] {strides = array<i32>} : memref<128x128xf32, #tpu.memory_space<vmem>>, vector<1x16xf32>,
        %get3A_350 = vector.shape_cast %get3A_349 : vector<1x16xf32> to vector<16xf32>
        %swap3A_351 = arith.index_cast %add3A_344 : i32 to index
        %swap3A_352 = arith.constant 0 : index
        %swap3A_353 = tpu.vector_load %arg12[%swap3A_351, %swap3A_352] {strides = array<i32>} : memref<128x64xf32, #tpu.memory_space<vmem>>, vector<1x16xf32>,
        %swap3A_354 = vector.shape_cast %swap3A_353 : vector<1x16xf32> to vector<16xf32>
        %swap3A_355 = vector.shape_cast %get3A_350 : vector<16xf32> to vector<1x16xf32>
        tpu.vector_store %arg12[%swap3A_351, %swap3A_352], %swap3A_355 {strides = array<i32>} : memref<128x64xf32, #tpu.memory_space<vmem>>, vector<1x16xf32>,
        %add3A_356 = arith.constant 16 : i32
        %add3A_357 = arith.addi %squeeze3A_340, %add3A_356 : i32
        %get3A_358 = arith.index_cast %add3A_344 : i32 to index
        %get3A_359 = arith.index_cast %add3A_357 : i32 to index
        %get3A_360 = tpu.vector_load %arg9[%get3A_358, %get3A_359] {strides = array<i32>} : memref<128x128xf32, #tpu.memory_space<vmem>>, vector<1x16xf32>,
        %get3A_361 = vector.shape_cast %get3A_360 : vector<1x16xf32> to vector<16xf32>
        %swap3A_362 = arith.index_cast %add3A_344 : i32 to index
        %swap3A_363 = arith.constant 16 : index
        %swap3A_364 = tpu.vector_load %arg12[%swap3A_362, %swap3A_363] {strides = array<i32>} : memref<128x64xf32, #tpu.memory_space<vmem>>, vector<1x16xf32>,
        %swap3A_365 = vector.shape_cast %swap3A_364 : vector<1x16xf32> to vector<16xf32>
        %swap3A_366 = vector.shape_cast %get3A_361 : vector<16xf32> to vector<1x16xf32>
        tpu.vector_store %arg12[%swap3A_362, %swap3A_363], %swap3A_366 {strides = array<i32>} : memref<128x64xf32, #tpu.memory_space<vmem>>, vector<1x16xf32>,
        %add3A_367 = arith.constant 32 : i32
        %add3A_368 = arith.addi %squeeze3A_340, %add3A_367 : i32
        %get3A_369 = arith.index_cast %add3A_344 : i32 to index
        %get3A_370 = arith.index_cast %add3A_368 : i32 to index
        %get3A_371 = tpu.vector_load %arg9[%get3A_369, %get3A_370] {strides = array<i32>} : memref<128x128xf32, #tpu.memory_space<vmem>>, vector<1x16xf32>,
        %get3A_372 = vector.shape_cast %get3A_371 : vector<1x16xf32> to vector<16xf32>
        %swap3A_373 = arith.index_cast %add3A_344 : i32 to index
        %swap3A_374 = arith.constant 32 : index
        %swap3A_375 = tpu.vector_load %arg12[%swap3A_373, %swap3A_374] {strides = array<i32>} : memref<128x64xf32, #tpu.memory_space<vmem>>, vector<1x16xf32>,
        %swap3A_376 = vector.shape_cast %swap3A_375 : vector<1x16xf32> to vector<16xf32>
        %swap3A_377 = vector.shape_cast %get3A_372 : vector<16xf32> to vector<1x16xf32>
        tpu.vector_store %arg12[%swap3A_373, %swap3A_374], %swap3A_377 {strides = array<i32>} : memref<128x64xf32, #tpu.memory_space<vmem>>, vector<1x16xf32>,
        %add3A_378 = arith.constant 48 : i32
        %add3A_379 = arith.addi %squeeze3A_340, %add3A_378 : i32
        %get3A_380 = arith.index_cast %add3A_344 : i32 to index
        %get3A_381 = arith.index_cast %add3A_379 : i32 to index
        %get3A_382 = tpu.vector_load %arg9[%get3A_380, %get3A_381] {strides = array<i32>} : memref<128x128xf32, #tpu.memory_space<vmem>>, vector<1x16xf32>,
        %get3A_383 = vector.shape_cast %get3A_382 : vector<1x16xf32> to vector<16xf32>
        %swap3A_384 = arith.index_cast %add3A_344 : i32 to index
        %swap3A_385 = arith.constant 48 : index
        %swap3A_386 = tpu.vector_load %arg12[%swap3A_384, %swap3A_385] {strides = array<i32>} : memref<128x64xf32, #tpu.memory_space<vmem>>, vector<1x16xf32>,
        %swap3A_387 = vector.shape_cast %swap3A_386 : vector<1x16xf32> to vector<16xf32>
        %swap3A_388 = vector.shape_cast %get3A_383 : vector<16xf32> to vector<1x16xf32>
        tpu.vector_store %arg12[%swap3A_384, %swap3A_385], %swap3A_388 {strides = array<i32>} : memref<128x64xf32, #tpu.memory_space<vmem>>, vector<1x16xf32>,
        %slice3A_389 = vector.extract_strided_slice %mul3A_241 {offsets = [3], sizes = [1], strides = [1]} : vector<16xi32> to vector<1xi32>
        %squeeze3A_390 = vector.extract %slice3A_389[0] : i32 from vector<1xi32>
        %mul3A_391 = arith.constant 16 : i32
        %mul3A_392 = arith.muli %add3A_231, %mul3A_391 : i32
        %add3A_393 = arith.constant 3 : i32
        %add3A_394 = arith.addi %mul3A_392, %add3A_393 : i32
        %add3A_395 = arith.constant 0 : i32
        %add3A_396 = arith.addi %squeeze3A_390, %add3A_395 : i32
        %get3A_397 = arith.index_cast %add3A_394 : i32 to index
        %get3A_398 = arith.index_cast %add3A_396 : i32 to index
        %get3A_399 = tpu.vector_load %arg9[%get3A_397, %get3A_398] {strides = array<i32>} : memref<128x128xf32, #tpu.memory_space<vmem>>, vector<1x16xf32>,
        %get3A_400 = vector.shape_cast %get3A_399 : vector<1x16xf32> to vector<16xf32>
        %swap3A_401 = arith.index_cast %add3A_394 : i32 to index
        %swap3A_402 = arith.constant 0 : index
        %swap3A_403 = tpu.vector_load %arg12[%swap3A_401, %swap3A_402] {strides = array<i32>} : memref<128x64xf32, #tpu.memory_space<vmem>>, vector<1x16xf32>,
        %swap3A_404 = vector.shape_cast %swap3A_403 : vector<1x16xf32> to vector<16xf32>
        %swap3A_405 = vector.shape_cast %get3A_400 : vector<16xf32> to vector<1x16xf32>
        tpu.vector_store %arg12[%swap3A_401, %swap3A_402], %swap3A_405 {strides = array<i32>} : memref<128x64xf32, #tpu.memory_space<vmem>>, vector<1x16xf32>,
        %add3A_406 = arith.constant 16 : i32
        %add3A_407 = arith.addi %squeeze3A_390, %add3A_406 : i32
        %get3A_408 = arith.index_cast %add3A_394 : i32 to index
        %get3A_409 = arith.index_cast %add3A_407 : i32 to index
        %get3A_410 = tpu.vector_load %arg9[%get3A_408, %get3A_409] {strides = array<i32>} : memref<128x128xf32, #tpu.memory_space<vmem>>, vector<1x16xf32>,
        %get3A_411 = vector.shape_cast %get3A_410 : vector<1x16xf32> to vector<16xf32>
        %swap3A_412 = arith.index_cast %add3A_394 : i32 to index
        %swap3A_413 = arith.constant 16 : index
        %swap3A_414 = tpu.vector_load %arg12[%swap3A_412, %swap3A_413] {strides = array<i32>} : memref<128x64xf32, #tpu.memory_space<vmem>>, vector<1x16xf32>,
        %swap3A_415 = vector.shape_cast %swap3A_414 : vector<1x16xf32> to vector<16xf32>
        %swap3A_416 = vector.shape_cast %get3A_411 : vector<16xf32> to vector<1x16xf32>
        tpu.vector_store %arg12[%swap3A_412, %swap3A_413], %swap3A_416 {strides = array<i32>} : memref<128x64xf32, #tpu.memory_space<vmem>>, vector<1x16xf32>,
        %add3A_417 = arith.constant 32 : i32
        %add3A_418 = arith.addi %squeeze3A_390, %add3A_417 : i32
        %get3A_419 = arith.index_cast %add3A_394 : i32 to index
        %get3A_420 = arith.index_cast %add3A_418 : i32 to index
        %get3A_421 = tpu.vector_load %arg9[%get3A_419, %get3A_420] {strides = array<i32>} : memref<128x128xf32, #tpu.memory_space<vmem>>, vector<1x16xf32>,
        %get3A_422 = vector.shape_cast %get3A_421 : vector<1x16xf32> to vector<16xf32>
        %swap3A_423 = arith.index_cast %add3A_394 : i32 to index
        %swap3A_424 = arith.constant 32 : index
        %swap3A_425 = tpu.vector_load %arg12[%swap3A_423, %swap3A_424] {strides = array<i32>} : memref<128x64xf32, #tpu.memory_space<vmem>>, vector<1x16xf32>,
        %swap3A_426 = vector.shape_cast %swap3A_425 : vector<1x16xf32> to vector<16xf32>
        %swap3A_427 = vector.shape_cast %get3A_422 : vector<16xf32> to vector<1x16xf32>
        tpu.vector_store %arg12[%swap3A_423, %swap3A_424], %swap3A_427 {strides = array<i32>} : memref<128x64xf32, #tpu.memory_space<vmem>>, vector<1x16xf32>,
        %add3A_428 = arith.constant 48 : i32
        %add3A_429 = arith.addi %squeeze3A_390, %add3A_428 : i32
        %get3A_430 = arith.index_cast %add3A_394 : i32 to index
        %get3A_431 = arith.index_cast %add3A_429 : i32 to index
        %get3A_432 = tpu.vector_load %arg9[%get3A_430, %get3A_431] {strides = array<i32>} : memref<128x128xf32, #tpu.memory_space<vmem>>, vector<1x16xf32>,
        %get3A_433 = vector.shape_cast %get3A_432 : vector<1x16xf32> to vector<16xf32>
        %swap3A_434 = arith.index_cast %add3A_394 : i32 to index
        %swap3A_435 = arith.constant 48 : index
        %swap3A_436 = tpu.vector_load %arg12[%swap3A_434, %swap3A_435] {strides = array<i32>} : memref<128x64xf32, #tpu.memory_space<vmem>>, vector<1x16xf32>,
        %swap3A_437 = vector.shape_cast %swap3A_436 : vector<1x16xf32> to vector<16xf32>
        %swap3A_438 = vector.shape_cast %get3A_433 : vector<16xf32> to vector<1x16xf32>
        tpu.vector_store %arg12[%swap3A_434, %swap3A_435], %swap3A_438 {strides = array<i32>} : memref<128x64xf32, #tpu.memory_space<vmem>>, vector<1x16xf32>,
        %slice3A_439 = vector.extract_strided_slice %mul3A_241 {offsets = [4], sizes = [1], strides = [1]} : vector<16xi32> to vector<1xi32>
        %squeeze3A_440 = vector.extract %slice3A_439[0] : i32 from vector<1xi32>
        %mul3A_441 = arith.constant 16 : i32
        %mul3A_442 = arith.muli %add3A_231, %mul3A_441 : i32
        %add3A_443 = arith.constant 4 : i32
        %add3A_444 = arith.addi %mul3A_442, %add3A_443 : i32
        %add3A_445 = arith.constant 0 : i32
        %add3A_446 = arith.addi %squeeze3A_440, %add3A_445 : i32
        %get3A_447 = arith.index_cast %add3A_444 : i32 to index
        %get3A_448 = arith.index_cast %add3A_446 : i32 to index
        %get3A_449 = tpu.vector_load %arg9[%get3A_447, %get3A_448] {strides = array<i32>} : memref<128x128xf32, #tpu.memory_space<vmem>>, vector<1x16xf32>,
        %get3A_450 = vector.shape_cast %get3A_449 : vector<1x16xf32> to vector<16xf32>
        %swap3A_451 = arith.index_cast %add3A_444 : i32 to index
        %swap3A_452 = arith.constant 0 : index
        %swap3A_453 = tpu.vector_load %arg12[%swap3A_451, %swap3A_452] {strides = array<i32>} : memref<128x64xf32, #tpu.memory_space<vmem>>, vector<1x16xf32>,
        %swap3A_454 = vector.shape_cast %swap3A_453 : vector<1x16xf32> to vector<16xf32>
        %swap3A_455 = vector.shape_cast %get3A_450 : vector<16xf32> to vector<1x16xf32>
        tpu.vector_store %arg12[%swap3A_451, %swap3A_452], %swap3A_455 {strides = array<i32>} : memref<128x64xf32, #tpu.memory_space<vmem>>, vector<1x16xf32>,
        %add3A_456 = arith.constant 16 : i32
        %add3A_457 = arith.addi %squeeze3A_440, %add3A_456 : i32
        %get3A_458 = arith.index_cast %add3A_444 : i32 to index
        %get3A_459 = arith.index_cast %add3A_457 : i32 to index
        %get3A_460 = tpu.vector_load %arg9[%get3A_458, %get3A_459] {strides = array<i32>} : memref<128x128xf32, #tpu.memory_space<vmem>>, vector<1x16xf32>,
        %get3A_461 = vector.shape_cast %get3A_460 : vector<1x16xf32> to vector<16xf32>
        %swap3A_462 = arith.index_cast %add3A_444 : i32 to index
        %swap3A_463 = arith.constant 16 : index
        %swap3A_464 = tpu.vector_load %arg12[%swap3A_462, %swap3A_463] {strides = array<i32>} : memref<128x64xf32, #tpu.memory_space<vmem>>, vector<1x16xf32>,
        %swap3A_465 = vector.shape_cast %swap3A_464 : vector<1x16xf32> to vector<16xf32>
        %swap3A_466 = vector.shape_cast %get3A_461 : vector<16xf32> to vector<1x16xf32>
        tpu.vector_store %arg12[%swap3A_462, %swap3A_463], %swap3A_466 {strides = array<i32>} : memref<128x64xf32, #tpu.memory_space<vmem>>, vector<1x16xf32>,
        %add3A_467 = arith.constant 32 : i32
        %add3A_468 = arith.addi %squeeze3A_440, %add3A_467 : i32
        %get3A_469 = arith.index_cast %add3A_444 : i32 to index
        %get3A_470 = arith.index_cast %add3A_468 : i32 to index
        %get3A_471 = tpu.vector_load %arg9[%get3A_469, %get3A_470] {strides = array<i32>} : memref<128x128xf32, #tpu.memory_space<vmem>>, vector<1x16xf32>,
        %get3A_472 = vector.shape_cast %get3A_471 : vector<1x16xf32> to vector<16xf32>
        %swap3A_473 = arith.index_cast %add3A_444 : i32 to index
        %swap3A_474 = arith.constant 32 : index
        %swap3A_475 = tpu.vector_load %arg12[%swap3A_473, %swap3A_474] {strides = array<i32>} : memref<128x64xf32, #tpu.memory_space<vmem>>, vector<1x16xf32>,
        %swap3A_476 = vector.shape_cast %swap3A_475 : vector<1x16xf32> to vector<16xf32>
        %swap3A_477 = vector.shape_cast %get3A_472 : vector<16xf32> to vector<1x16xf32>
        tpu.vector_store %arg12[%swap3A_473, %swap3A_474], %swap3A_477 {strides = array<i32>} : memref<128x64xf32, #tpu.memory_space<vmem>>, vector<1x16xf32>,
        %add3A_478 = arith.constant 48 : i32
        %add3A_479 = arith.addi %squeeze3A_440, %add3A_478 : i32
        %get3A_480 = arith.index_cast %add3A_444 : i32 to index
        %get3A_481 = arith.index_cast %add3A_479 : i32 to index
        %get3A_482 = tpu.vector_load %arg9[%get3A_480, %get3A_481] {strides = array<i32>} : memref<128x128xf32, #tpu.memory_space<vmem>>, vector<1x16xf32>,
        %get3A_483 = vector.shape_cast %get3A_482 : vector<1x16xf32> to vector<16xf32>
        %swap3A_484 = arith.index_cast %add3A_444 : i32 to index
        %swap3A_485 = arith.constant 48 : index
        %swap3A_486 = tpu.vector_load %arg12[%swap3A_484, %swap3A_485] {strides = array<i32>} : memref<128x64xf32, #tpu.memory_space<vmem>>, vector<1x16xf32>,
        %swap3A_487 = vector.shape_cast %swap3A_486 : vector<1x16xf32> to vector<16xf32>
        %swap3A_488 = vector.shape_cast %get3A_483 : vector<16xf32> to vector<1x16xf32>
        tpu.vector_store %arg12[%swap3A_484, %swap3A_485], %swap3A_488 {strides = array<i32>} : memref<128x64xf32, #tpu.memory_space<vmem>>, vector<1x16xf32>,
        %slice3A_489 = vector.extract_strided_slice %mul3A_241 {offsets = [5], sizes = [1], strides = [1]} : vector<16xi32> to vector<1xi32>
        %squeeze3A_490 = vector.extract %slice3A_489[0] : i32 from vector<1xi32>
        %mul3A_491 = arith.constant 16 : i32
        %mul3A_492 = arith.muli %add3A_231, %mul3A_491 : i32
        %add3A_493 = arith.constant 5 : i32
        %add3A_494 = arith.addi %mul3A_492, %add3A_493 : i32
        %add3A_495 = arith.constant 0 : i32
        %add3A_496 = arith.addi %squeeze3A_490, %add3A_495 : i32
        %get3A_497 = arith.index_cast %add3A_494 : i32 to index
        %get3A_498 = arith.index_cast %add3A_496 : i32 to index
        %get3A_499 = tpu.vector_load %arg9[%get3A_497, %get3A_498] {strides = array<i32>} : memref<128x128xf32, #tpu.memory_space<vmem>>, vector<1x16xf32>,
        %get3A_500 = vector.shape_cast %get3A_499 : vector<1x16xf32> to vector<16xf32>
        %swap3A_501 = arith.index_cast %add3A_494 : i32 to index
        %swap3A_502 = arith.constant 0 : index
        %swap3A_503 = tpu.vector_load %arg12[%swap3A_501, %swap3A_502] {strides = array<i32>} : memref<128x64xf32, #tpu.memory_space<vmem>>, vector<1x16xf32>,
        %swap3A_504 = vector.shape_cast %swap3A_503 : vector<1x16xf32> to vector<16xf32>
        %swap3A_505 = vector.shape_cast %get3A_500 : vector<16xf32> to vector<1x16xf32>
        tpu.vector_store %arg12[%swap3A_501, %swap3A_502], %swap3A_505 {strides = array<i32>} : memref<128x64xf32, #tpu.memory_space<vmem>>, vector<1x16xf32>,
        %add3A_506 = arith.constant 16 : i32
        %add3A_507 = arith.addi %squeeze3A_490, %add3A_506 : i32
        %get3A_508 = arith.index_cast %add3A_494 : i32 to index
        %get3A_509 = arith.index_cast %add3A_507 : i32 to index
        %get3A_510 = tpu.vector_load %arg9[%get3A_508, %get3A_509] {strides = array<i32>} : memref<128x128xf32, #tpu.memory_space<vmem>>, vector<1x16xf32>,
        %get3A_511 = vector.shape_cast %get3A_510 : vector<1x16xf32> to vector<16xf32>
        %swap3A_512 = arith.index_cast %add3A_494 : i32 to index
        %swap3A_513 = arith.constant 16 : index
        %swap3A_514 = tpu.vector_load %arg12[%swap3A_512, %swap3A_513] {strides = array<i32>} : memref<128x64xf32, #tpu.memory_space<vmem>>, vector<1x16xf32>,
        %swap3A_515 = vector.shape_cast %swap3A_514 : vector<1x16xf32> to vector<16xf32>
        %swap3A_516 = vector.shape_cast %get3A_511 : vector<16xf32> to vector<1x16xf32>
        tpu.vector_store %arg12[%swap3A_512, %swap3A_513], %swap3A_516 {strides = array<i32>} : memref<128x64xf32, #tpu.memory_space<vmem>>, vector<1x16xf32>,
        %add3A_517 = arith.constant 32 : i32
        %add3A_518 = arith.addi %squeeze3A_490, %add3A_517 : i32
        %get3A_519 = arith.index_cast %add3A_494 : i32 to index
        %get3A_520 = arith.index_cast %add3A_518 : i32 to index
        %get3A_521 = tpu.vector_load %arg9[%get3A_519, %get3A_520] {strides = array<i32>} : memref<128x128xf32, #tpu.memory_space<vmem>>, vector<1x16xf32>,
        %get3A_522 = vector.shape_cast %get3A_521 : vector<1x16xf32> to vector<16xf32>
        %swap3A_523 = arith.index_cast %add3A_494 : i32 to index
        %swap3A_524 = arith.constant 32 : index
        %swap3A_525 = tpu.vector_load %arg12[%swap3A_523, %swap3A_524] {strides = array<i32>} : memref<128x64xf32, #tpu.memory_space<vmem>>, vector<1x16xf32>,
        %swap3A_526 = vector.shape_cast %swap3A_525 : vector<1x16xf32> to vector<16xf32>
        %swap3A_527 = vector.shape_cast %get3A_522 : vector<16xf32> to vector<1x16xf32>
        tpu.vector_store %arg12[%swap3A_523, %swap3A_524], %swap3A_527 {strides = array<i32>} : memref<128x64xf32, #tpu.memory_space<vmem>>, vector<1x16xf32>,
        %add3A_528 = arith.constant 48 : i32
        %add3A_529 = arith.addi %squeeze3A_490, %add3A_528 : i32
        %get3A_530 = arith.index_cast %add3A_494 : i32 to index
        %get3A_531 = arith.index_cast %add3A_529 : i32 to index
        %get3A_532 = tpu.vector_load %arg9[%get3A_530, %get3A_531] {strides = array<i32>} : memref<128x128xf32, #tpu.memory_space<vmem>>, vector<1x16xf32>,
        %get3A_533 = vector.shape_cast %get3A_532 : vector<1x16xf32> to vector<16xf32>
        %swap3A_534 = arith.index_cast %add3A_494 : i32 to index
        %swap3A_535 = arith.constant 48 : index
        %swap3A_536 = tpu.vector_load %arg12[%swap3A_534, %swap3A_535] {strides = array<i32>} : memref<128x64xf32, #tpu.memory_space<vmem>>, vector<1x16xf32>,
        %swap3A_537 = vector.shape_cast %swap3A_536 : vector<1x16xf32> to vector<16xf32>
        %swap3A_538 = vector.shape_cast %get3A_533 : vector<16xf32> to vector<1x16xf32>
        tpu.vector_store %arg12[%swap3A_534, %swap3A_535], %swap3A_538 {strides = array<i32>} : memref<128x64xf32, #tpu.memory_space<vmem>>, vector<1x16xf32>,
        %slice3A_539 = vector.extract_strided_slice %mul3A_241 {offsets = [6], sizes = [1], strides = [1]} : vector<16xi32> to vector<1xi32>
        %squeeze3A_540 = vector.extract %slice3A_539[0] : i32 from vector<1xi32>
        %mul3A_541 = arith.constant 16 : i32
        %mul3A_542 = arith.muli %add3A_231, %mul3A_541 : i32
        %add3A_543 = arith.constant 6 : i32
        %add3A_544 = arith.addi %mul3A_542, %add3A_543 : i32
        %add3A_545 = arith.constant 0 : i32
        %add3A_546 = arith.addi %squeeze3A_540, %add3A_545 : i32
        %get3A_547 = arith.index_cast %add3A_544 : i32 to index
        %get3A_548 = arith.index_cast %add3A_546 : i32 to index
        %get3A_549 = tpu.vector_load %arg9[%get3A_547, %get3A_548] {strides = array<i32>} : memref<128x128xf32, #tpu.memory_space<vmem>>, vector<1x16xf32>,
        %get3A_550 = vector.shape_cast %get3A_549 : vector<1x16xf32> to vector<16xf32>
        %swap3A_551 = arith.index_cast %add3A_544 : i32 to index
        %swap3A_552 = arith.constant 0 : index
        %swap3A_553 = tpu.vector_load %arg12[%swap3A_551, %swap3A_552] {strides = array<i32>} : memref<128x64xf32, #tpu.memory_space<vmem>>, vector<1x16xf32>,
        %swap3A_554 = vector.shape_cast %swap3A_553 : vector<1x16xf32> to vector<16xf32>
        %swap3A_555 = vector.shape_cast %get3A_550 : vector<16xf32> to vector<1x16xf32>
        tpu.vector_store %arg12[%swap3A_551, %swap3A_552], %swap3A_555 {strides = array<i32>} : memref<128x64xf32, #tpu.memory_space<vmem>>, vector<1x16xf32>,
        %add3A_556 = arith.constant 16 : i32
        %add3A_557 = arith.addi %squeeze3A_540, %add3A_556 : i32
        %get3A_558 = arith.index_cast %add3A_544 : i32 to index
        %get3A_559 = arith.index_cast %add3A_557 : i32 to index
        %get3A_560 = tpu.vector_load %arg9[%get3A_558, %get3A_559] {strides = array<i32>} : memref<128x128xf32, #tpu.memory_space<vmem>>, vector<1x16xf32>,
        %get3A_561 = vector.shape_cast %get3A_560 : vector<1x16xf32> to vector<16xf32>
        %swap3A_562 = arith.index_cast %add3A_544 : i32 to index
        %swap3A_563 = arith.constant 16 : index
        %swap3A_564 = tpu.vector_load %arg12[%swap3A_562, %swap3A_563] {strides = array<i32>} : memref<128x64xf32, #tpu.memory_space<vmem>>, vector<1x16xf32>,
        %swap3A_565 = vector.shape_cast %swap3A_564 : vector<1x16xf32> to vector<16xf32>
        %swap3A_566 = vector.shape_cast %get3A_561 : vector<16xf32> to vector<1x16xf32>
        tpu.vector_store %arg12[%swap3A_562, %swap3A_563], %swap3A_566 {strides = array<i32>} : memref<128x64xf32, #tpu.memory_space<vmem>>, vector<1x16xf32>,
        %add3A_567 = arith.constant 32 : i32
        %add3A_568 = arith.addi %squeeze3A_540, %add3A_567 : i32
        %get3A_569 = arith.index_cast %add3A_544 : i32 to index
        %get3A_570 = arith.index_cast %add3A_568 : i32 to index
        %get3A_571 = tpu.vector_load %arg9[%get3A_569, %get3A_570] {strides = array<i32>} : memref<128x128xf32, #tpu.memory_space<vmem>>, vector<1x16xf32>,
        %get3A_572 = vector.shape_cast %get3A_571 : vector<1x16xf32> to vector<16xf32>
        %swap3A_573 = arith.index_cast %add3A_544 : i32 to index
        %swap3A_574 = arith.constant 32 : index
        %swap3A_575 = tpu.vector_load %arg12[%swap3A_573, %swap3A_574] {strides = array<i32>} : memref<128x64xf32, #tpu.memory_space<vmem>>, vector<1x16xf32>,
        %swap3A_576 = vector.shape_cast %swap3A_575 : vector<1x16xf32> to vector<16xf32>
        %swap3A_577 = vector.shape_cast %get3A_572 : vector<16xf32> to vector<1x16xf32>
        tpu.vector_store %arg12[%swap3A_573, %swap3A_574], %swap3A_577 {strides = array<i32>} : memref<128x64xf32, #tpu.memory_space<vmem>>, vector<1x16xf32>,
        %add3A_578 = arith.constant 48 : i32
        %add3A_579 = arith.addi %squeeze3A_540, %add3A_578 : i32
        %get3A_580 = arith.index_cast %add3A_544 : i32 to index
        %get3A_581 = arith.index_cast %add3A_579 : i32 to index
        %get3A_582 = tpu.vector_load %arg9[%get3A_580, %get3A_581] {strides = array<i32>} : memref<128x128xf32, #tpu.memory_space<vmem>>, vector<1x16xf32>,
        %get3A_583 = vector.shape_cast %get3A_582 : vector<1x16xf32> to vector<16xf32>
        %swap3A_584 = arith.index_cast %add3A_544 : i32 to index
        %swap3A_585 = arith.constant 48 : index
        %swap3A_586 = tpu.vector_load %arg12[%swap3A_584, %swap3A_585] {strides = array<i32>} : memref<128x64xf32, #tpu.memory_space<vmem>>, vector<1x16xf32>,
        %swap3A_587 = vector.shape_cast %swap3A_586 : vector<1x16xf32> to vector<16xf32>
        %swap3A_588 = vector.shape_cast %get3A_583 : vector<16xf32> to vector<1x16xf32>
        tpu.vector_store %arg12[%swap3A_584, %swap3A_585], %swap3A_588 {strides = array<i32>} : memref<128x64xf32, #tpu.memory_space<vmem>>, vector<1x16xf32>,
        %slice3A_589 = vector.extract_strided_slice %mul3A_241 {offsets = [7], sizes = [1], strides = [1]} : vector<16xi32> to vector<1xi32>
        %squeeze3A_590 = vector.extract %slice3A_589[0] : i32 from vector<1xi32>
        %mul3A_591 = arith.constant 16 : i32
        %mul3A_592 = arith.muli %add3A_231, %mul3A_591 : i32
        %add3A_593 = arith.constant 7 : i32
        %add3A_594 = arith.addi %mul3A_592, %add3A_593 : i32
        %add3A_595 = arith.constant 0 : i32
        %add3A_596 = arith.addi %squeeze3A_590, %add3A_595 : i32
        %get3A_597 = arith.index_cast %add3A_594 : i32 to index
        %get3A_598 = arith.index_cast %add3A_596 : i32 to index
        %get3A_599 = tpu.vector_load %arg9[%get3A_597, %get3A_598] {strides = array<i32>} : memref<128x128xf32, #tpu.memory_space<vmem>>, vector<1x16xf32>,
        %get3A_600 = vector.shape_cast %get3A_599 : vector<1x16xf32> to vector<16xf32>
        %swap3A_601 = arith.index_cast %add3A_594 : i32 to index
        %swap3A_602 = arith.constant 0 : index
        %swap3A_603 = tpu.vector_load %arg12[%swap3A_601, %swap3A_602] {strides = array<i32>} : memref<128x64xf32, #tpu.memory_space<vmem>>, vector<1x16xf32>,
        %swap3A_604 = vector.shape_cast %swap3A_603 : vector<1x16xf32> to vector<16xf32>
        %swap3A_605 = vector.shape_cast %get3A_600 : vector<16xf32> to vector<1x16xf32>
        tpu.vector_store %arg12[%swap3A_601, %swap3A_602], %swap3A_605 {strides = array<i32>} : memref<128x64xf32, #tpu.memory_space<vmem>>, vector<1x16xf32>,
        %add3A_606 = arith.constant 16 : i32
        %add3A_607 = arith.addi %squeeze3A_590, %add3A_606 : i32
        %get3A_608 = arith.index_cast %add3A_594 : i32 to index
        %get3A_609 = arith.index_cast %add3A_607 : i32 to index
        %get3A_610 = tpu.vector_load %arg9[%get3A_608, %get3A_609] {strides = array<i32>} : memref<128x128xf32, #tpu.memory_space<vmem>>, vector<1x16xf32>,
        %get3A_611 = vector.shape_cast %get3A_610 : vector<1x16xf32> to vector<16xf32>
        %swap3A_612 = arith.index_cast %add3A_594 : i32 to index
        %swap3A_613 = arith.constant 16 : index
        %swap3A_614 = tpu.vector_load %arg12[%swap3A_612, %swap3A_613] {strides = array<i32>} : memref<128x64xf32, #tpu.memory_space<vmem>>, vector<1x16xf32>,
        %swap3A_615 = vector.shape_cast %swap3A_614 : vector<1x16xf32> to vector<16xf32>
        %swap3A_616 = vector.shape_cast %get3A_611 : vector<16xf32> to vector<1x16xf32>
        tpu.vector_store %arg12[%swap3A_612, %swap3A_613], %swap3A_616 {strides = array<i32>} : memref<128x64xf32, #tpu.memory_space<vmem>>, vector<1x16xf32>,
        %add3A_617 = arith.constant 32 : i32
        %add3A_618 = arith.addi %squeeze3A_590, %add3A_617 : i32
        %get3A_619 = arith.index_cast %add3A_594 : i32 to index
        %get3A_620 = arith.index_cast %add3A_618 : i32 to index
        %get3A_621 = tpu.vector_load %arg9[%get3A_619, %get3A_620] {strides = array<i32>} : memref<128x128xf32, #tpu.memory_space<vmem>>, vector<1x16xf32>,
        %get3A_622 = vector.shape_cast %get3A_621 : vector<1x16xf32> to vector<16xf32>
        %swap3A_623 = arith.index_cast %add3A_594 : i32 to index
        %swap3A_624 = arith.constant 32 : index
        %swap3A_625 = tpu.vector_load %arg12[%swap3A_623, %swap3A_624] {strides = array<i32>} : memref<128x64xf32, #tpu.memory_space<vmem>>, vector<1x16xf32>,
        %swap3A_626 = vector.shape_cast %swap3A_625 : vector<1x16xf32> to vector<16xf32>
        %swap3A_627 = vector.shape_cast %get3A_622 : vector<16xf32> to vector<1x16xf32>
        tpu.vector_store %arg12[%swap3A_623, %swap3A_624], %swap3A_627 {strides = array<i32>} : memref<128x64xf32, #tpu.memory_space<vmem>>, vector<1x16xf32>,
        %add3A_628 = arith.constant 48 : i32
        %add3A_629 = arith.addi %squeeze3A_590, %add3A_628 : i32
        %get3A_630 = arith.index_cast %add3A_594 : i32 to index
        %get3A_631 = arith.index_cast %add3A_629 : i32 to index
        %get3A_632 = tpu.vector_load %arg9[%get3A_630, %get3A_631] {strides = array<i32>} : memref<128x128xf32, #tpu.memory_space<vmem>>, vector<1x16xf32>,
        %get3A_633 = vector.shape_cast %get3A_632 : vector<1x16xf32> to vector<16xf32>
        %swap3A_634 = arith.index_cast %add3A_594 : i32 to index
        %swap3A_635 = arith.constant 48 : index
        %swap3A_636 = tpu.vector_load %arg12[%swap3A_634, %swap3A_635] {strides = array<i32>} : memref<128x64xf32, #tpu.memory_space<vmem>>, vector<1x16xf32>,
        %swap3A_637 = vector.shape_cast %swap3A_636 : vector<1x16xf32> to vector<16xf32>
        %swap3A_638 = vector.shape_cast %get3A_633 : vector<16xf32> to vector<1x16xf32>
        tpu.vector_store %arg12[%swap3A_634, %swap3A_635], %swap3A_638 {strides = array<i32>} : memref<128x64xf32, #tpu.memory_space<vmem>>, vector<1x16xf32>,
        %slice3A_639 = vector.extract_strided_slice %mul3A_241 {offsets = [8], sizes = [1], strides = [1]} : vector<16xi32> to vector<1xi32>
        %squeeze3A_640 = vector.extract %slice3A_639[0] : i32 from vector<1xi32>
        %mul3A_641 = arith.constant 16 : i32
        %mul3A_642 = arith.muli %add3A_231, %mul3A_641 : i32
        %add3A_643 = arith.constant 8 : i32
        %add3A_644 = arith.addi %mul3A_642, %add3A_643 : i32
        %add3A_645 = arith.constant 0 : i32
        %add3A_646 = arith.addi %squeeze3A_640, %add3A_645 : i32
        %get3A_647 = arith.index_cast %add3A_644 : i32 to index
        %get3A_648 = arith.index_cast %add3A_646 : i32 to index
        %get3A_649 = tpu.vector_load %arg9[%get3A_647, %get3A_648] {strides = array<i32>} : memref<128x128xf32, #tpu.memory_space<vmem>>, vector<1x16xf32>,
        %get3A_650 = vector.shape_cast %get3A_649 : vector<1x16xf32> to vector<16xf32>
        %swap3A_651 = arith.index_cast %add3A_644 : i32 to index
        %swap3A_652 = arith.constant 0 : index
        %swap3A_653 = tpu.vector_load %arg12[%swap3A_651, %swap3A_652] {strides = array<i32>} : memref<128x64xf32, #tpu.memory_space<vmem>>, vector<1x16xf32>,
        %swap3A_654 = vector.shape_cast %swap3A_653 : vector<1x16xf32> to vector<16xf32>
        %swap3A_655 = vector.shape_cast %get3A_650 : vector<16xf32> to vector<1x16xf32>
        tpu.vector_store %arg12[%swap3A_651, %swap3A_652], %swap3A_655 {strides = array<i32>} : memref<128x64xf32, #tpu.memory_space<vmem>>, vector<1x16xf32>,
        %add3A_656 = arith.constant 16 : i32
        %add3A_657 = arith.addi %squeeze3A_640, %add3A_656 : i32
        %get3A_658 = arith.index_cast %add3A_644 : i32 to index
        %get3A_659 = arith.index_cast %add3A_657 : i32 to index
        %get3A_660 = tpu.vector_load %arg9[%get3A_658, %get3A_659] {strides = array<i32>} : memref<128x128xf32, #tpu.memory_space<vmem>>, vector<1x16xf32>,
        %get3A_661 = vector.shape_cast %get3A_660 : vector<1x16xf32> to vector<16xf32>
        %swap3A_662 = arith.index_cast %add3A_644 : i32 to index
        %swap3A_663 = arith.constant 16 : index
        %swap3A_664 = tpu.vector_load %arg12[%swap3A_662, %swap3A_663] {strides = array<i32>} : memref<128x64xf32, #tpu.memory_space<vmem>>, vector<1x16xf32>,
        %swap3A_665 = vector.shape_cast %swap3A_664 : vector<1x16xf32> to vector<16xf32>
        %swap3A_666 = vector.shape_cast %get3A_661 : vector<16xf32> to vector<1x16xf32>
        tpu.vector_store %arg12[%swap3A_662, %swap3A_663], %swap3A_666 {strides = array<i32>} : memref<128x64xf32, #tpu.memory_space<vmem>>, vector<1x16xf32>,
        %add3A_667 = arith.constant 32 : i32
        %add3A_668 = arith.addi %squeeze3A_640, %add3A_667 : i32
        %get3A_669 = arith.index_cast %add3A_644 : i32 to index
        %get3A_670 = arith.index_cast %add3A_668 : i32 to index
        %get3A_671 = tpu.vector_load %arg9[%get3A_669, %get3A_670] {strides = array<i32>} : memref<128x128xf32, #tpu.memory_space<vmem>>, vector<1x16xf32>,
        %get3A_672 = vector.shape_cast %get3A_671 : vector<1x16xf32> to vector<16xf32>
        %swap3A_673 = arith.index_cast %add3A_644 : i32 to index
        %swap3A_674 = arith.constant 32 : index
        %swap3A_675 = tpu.vector_load %arg12[%swap3A_673, %swap3A_674] {strides = array<i32>} : memref<128x64xf32, #tpu.memory_space<vmem>>, vector<1x16xf32>,
        %swap3A_676 = vector.shape_cast %swap3A_675 : vector<1x16xf32> to vector<16xf32>
        %swap3A_677 = vector.shape_cast %get3A_672 : vector<16xf32> to vector<1x16xf32>
        tpu.vector_store %arg12[%swap3A_673, %swap3A_674], %swap3A_677 {strides = array<i32>} : memref<128x64xf32, #tpu.memory_space<vmem>>, vector<1x16xf32>,
        %add3A_678 = arith.constant 48 : i32
        %add3A_679 = arith.addi %squeeze3A_640, %add3A_678 : i32
        %get3A_680 = arith.index_cast %add3A_644 : i32 to index
        %get3A_681 = arith.index_cast %add3A_679 : i32 to index
        %get3A_682 = tpu.vector_load %arg9[%get3A_680, %get3A_681] {strides = array<i32>} : memref<128x128xf32, #tpu.memory_space<vmem>>, vector<1x16xf32>,
        %get3A_683 = vector.shape_cast %get3A_682 : vector<1x16xf32> to vector<16xf32>
        %swap3A_684 = arith.index_cast %add3A_644 : i32 to index
        %swap3A_685 = arith.constant 48 : index
        %swap3A_686 = tpu.vector_load %arg12[%swap3A_684, %swap3A_685] {strides = array<i32>} : memref<128x64xf32, #tpu.memory_space<vmem>>, vector<1x16xf32>,
        %swap3A_687 = vector.shape_cast %swap3A_686 : vector<1x16xf32> to vector<16xf32>
        %swap3A_688 = vector.shape_cast %get3A_683 : vector<16xf32> to vector<1x16xf32>
        tpu.vector_store %arg12[%swap3A_684, %swap3A_685], %swap3A_688 {strides = array<i32>} : memref<128x64xf32, #tpu.memory_space<vmem>>, vector<1x16xf32>,
        %slice3A_689 = vector.extract_strided_slice %mul3A_241 {offsets = [9], sizes = [1], strides = [1]} : vector<16xi32> to vector<1xi32>
        %squeeze3A_690 = vector.extract %slice3A_689[0] : i32 from vector<1xi32>
        %mul3A_691 = arith.constant 16 : i32
        %mul3A_692 = arith.muli %add3A_231, %mul3A_691 : i32
        %add3A_693 = arith.constant 9 : i32
        %add3A_694 = arith.addi %mul3A_692, %add3A_693 : i32
        %add3A_695 = arith.constant 0 : i32
        %add3A_696 = arith.addi %squeeze3A_690, %add3A_695 : i32
        %get3A_697 = arith.index_cast %add3A_694 : i32 to index
        %get3A_698 = arith.index_cast %add3A_696 : i32 to index
        %get3A_699 = tpu.vector_load %arg9[%get3A_697, %get3A_698] {strides = array<i32>} : memref<128x128xf32, #tpu.memory_space<vmem>>, vector<1x16xf32>,
        %get3A_700 = vector.shape_cast %get3A_699 : vector<1x16xf32> to vector<16xf32>
        %swap3A_701 = arith.index_cast %add3A_694 : i32 to index
        %swap3A_702 = arith.constant 0 : index
        %swap3A_703 = tpu.vector_load %arg12[%swap3A_701, %swap3A_702] {strides = array<i32>} : memref<128x64xf32, #tpu.memory_space<vmem>>, vector<1x16xf32>,
        %swap3A_704 = vector.shape_cast %swap3A_703 : vector<1x16xf32> to vector<16xf32>
        %swap3A_705 = vector.shape_cast %get3A_700 : vector<16xf32> to vector<1x16xf32>
        tpu.vector_store %arg12[%swap3A_701, %swap3A_702], %swap3A_705 {strides = array<i32>} : memref<128x64xf32, #tpu.memory_space<vmem>>, vector<1x16xf32>,
        %add3A_706 = arith.constant 16 : i32
        %add3A_707 = arith.addi %squeeze3A_690, %add3A_706 : i32
        %get3A_708 = arith.index_cast %add3A_694 : i32 to index
        %get3A_709 = arith.index_cast %add3A_707 : i32 to index
        %get3A_710 = tpu.vector_load %arg9[%get3A_708, %get3A_709] {strides = array<i32>} : memref<128x128xf32, #tpu.memory_space<vmem>>, vector<1x16xf32>,
        %get3A_711 = vector.shape_cast %get3A_710 : vector<1x16xf32> to vector<16xf32>
        %swap3A_712 = arith.index_cast %add3A_694 : i32 to index
        %swap3A_713 = arith.constant 16 : index
        %swap3A_714 = tpu.vector_load %arg12[%swap3A_712, %swap3A_713] {strides = array<i32>} : memref<128x64xf32, #tpu.memory_space<vmem>>, vector<1x16xf32>,
        %swap3A_715 = vector.shape_cast %swap3A_714 : vector<1x16xf32> to vector<16xf32>
        %swap3A_716 = vector.shape_cast %get3A_711 : vector<16xf32> to vector<1x16xf32>
        tpu.vector_store %arg12[%swap3A_712, %swap3A_713], %swap3A_716 {strides = array<i32>} : memref<128x64xf32, #tpu.memory_space<vmem>>, vector<1x16xf32>,
        %add3A_717 = arith.constant 32 : i32
        %add3A_718 = arith.addi %squeeze3A_690, %add3A_717 : i32
        %get3A_719 = arith.index_cast %add3A_694 : i32 to index
        %get3A_720 = arith.index_cast %add3A_718 : i32 to index
        %get3A_721 = tpu.vector_load %arg9[%get3A_719, %get3A_720] {strides = array<i32>} : memref<128x128xf32, #tpu.memory_space<vmem>>, vector<1x16xf32>,
        %get3A_722 = vector.shape_cast %get3A_721 : vector<1x16xf32> to vector<16xf32>
        %swap3A_723 = arith.index_cast %add3A_694 : i32 to index
        %swap3A_724 = arith.constant 32 : index
        %swap3A_725 = tpu.vector_load %arg12[%swap3A_723, %swap3A_724] {strides = array<i32>} : memref<128x64xf32, #tpu.memory_space<vmem>>, vector<1x16xf32>,
        %swap3A_726 = vector.shape_cast %swap3A_725 : vector<1x16xf32> to vector<16xf32>
        %swap3A_727 = vector.shape_cast %get3A_722 : vector<16xf32> to vector<1x16xf32>
        tpu.vector_store %arg12[%swap3A_723, %swap3A_724], %swap3A_727 {strides = array<i32>} : memref<128x64xf32, #tpu.memory_space<vmem>>, vector<1x16xf32>,
        %add3A_728 = arith.constant 48 : i32
        %add3A_729 = arith.addi %squeeze3A_690, %add3A_728 : i32
        %get3A_730 = arith.index_cast %add3A_694 : i32 to index
        %get3A_731 = arith.index_cast %add3A_729 : i32 to index
        %get3A_732 = tpu.vector_load %arg9[%get3A_730, %get3A_731] {strides = array<i32>} : memref<128x128xf32, #tpu.memory_space<vmem>>, vector<1x16xf32>,
        %get3A_733 = vector.shape_cast %get3A_732 : vector<1x16xf32> to vector<16xf32>
        %swap3A_734 = arith.index_cast %add3A_694 : i32 to index
        %swap3A_735 = arith.constant 48 : index
        %swap3A_736 = tpu.vector_load %arg12[%swap3A_734, %swap3A_735] {strides = array<i32>} : memref<128x64xf32, #tpu.memory_space<vmem>>, vector<1x16xf32>,
        %swap3A_737 = vector.shape_cast %swap3A_736 : vector<1x16xf32> to vector<16xf32>
        %swap3A_738 = vector.shape_cast %get3A_733 : vector<16xf32> to vector<1x16xf32>
        tpu.vector_store %arg12[%swap3A_734, %swap3A_735], %swap3A_738 {strides = array<i32>} : memref<128x64xf32, #tpu.memory_space<vmem>>, vector<1x16xf32>,
        %slice3A_739 = vector.extract_strided_slice %mul3A_241 {offsets = [10], sizes = [1], strides = [1]} : vector<16xi32> to vector<1xi32>
        %squeeze3A_740 = vector.extract %slice3A_739[0] : i32 from vector<1xi32>
        %mul3A_741 = arith.constant 16 : i32
        %mul3A_742 = arith.muli %add3A_231, %mul3A_741 : i32
        %add3A_743 = arith.constant 10 : i32
        %add3A_744 = arith.addi %mul3A_742, %add3A_743 : i32
        %add3A_745 = arith.constant 0 : i32
        %add3A_746 = arith.addi %squeeze3A_740, %add3A_745 : i32
        %get3A_747 = arith.index_cast %add3A_744 : i32 to index
        %get3A_748 = arith.index_cast %add3A_746 : i32 to index
        %get3A_749 = tpu.vector_load %arg9[%get3A_747, %get3A_748] {strides = array<i32>} : memref<128x128xf32, #tpu.memory_space<vmem>>, vector<1x16xf32>,
        %get3A_750 = vector.shape_cast %get3A_749 : vector<1x16xf32> to vector<16xf32>
        %swap3A_751 = arith.index_cast %add3A_744 : i32 to index
        %swap3A_752 = arith.constant 0 : index
        %swap3A_753 = tpu.vector_load %arg12[%swap3A_751, %swap3A_752] {strides = array<i32>} : memref<128x64xf32, #tpu.memory_space<vmem>>, vector<1x16xf32>,
        %swap3A_754 = vector.shape_cast %swap3A_753 : vector<1x16xf32> to vector<16xf32>
        %swap3A_755 = vector.shape_cast %get3A_750 : vector<16xf32> to vector<1x16xf32>
        tpu.vector_store %arg12[%swap3A_751, %swap3A_752], %swap3A_755 {strides = array<i32>} : memref<128x64xf32, #tpu.memory_space<vmem>>, vector<1x16xf32>,
        %add3A_756 = arith.constant 16 : i32
        %add3A_757 = arith.addi %squeeze3A_740, %add3A_756 : i32
        %get3A_758 = arith.index_cast %add3A_744 : i32 to index
        %get3A_759 = arith.index_cast %add3A_757 : i32 to index
        %get3A_760 = tpu.vector_load %arg9[%get3A_758, %get3A_759] {strides = array<i32>} : memref<128x128xf32, #tpu.memory_space<vmem>>, vector<1x16xf32>,
        %get3A_761 = vector.shape_cast %get3A_760 : vector<1x16xf32> to vector<16xf32>
        %swap3A_762 = arith.index_cast %add3A_744 : i32 to index
        %swap3A_763 = arith.constant 16 : index
        %swap3A_764 = tpu.vector_load %arg12[%swap3A_762, %swap3A_763] {strides = array<i32>} : memref<128x64xf32, #tpu.memory_space<vmem>>, vector<1x16xf32>,
        %swap3A_765 = vector.shape_cast %swap3A_764 : vector<1x16xf32> to vector<16xf32>
        %swap3A_766 = vector.shape_cast %get3A_761 : vector<16xf32> to vector<1x16xf32>
        tpu.vector_store %arg12[%swap3A_762, %swap3A_763], %swap3A_766 {strides = array<i32>} : memref<128x64xf32, #tpu.memory_space<vmem>>, vector<1x16xf32>,
        %add3A_767 = arith.constant 32 : i32
        %add3A_768 = arith.addi %squeeze3A_740, %add3A_767 : i32
        %get3A_769 = arith.index_cast %add3A_744 : i32 to index
        %get3A_770 = arith.index_cast %add3A_768 : i32 to index
        %get3A_771 = tpu.vector_load %arg9[%get3A_769, %get3A_770] {strides = array<i32>} : memref<128x128xf32, #tpu.memory_space<vmem>>, vector<1x16xf32>,
        %get3A_772 = vector.shape_cast %get3A_771 : vector<1x16xf32> to vector<16xf32>
        %swap3A_773 = arith.index_cast %add3A_744 : i32 to index
        %swap3A_774 = arith.constant 32 : index
        %swap3A_775 = tpu.vector_load %arg12[%swap3A_773, %swap3A_774] {strides = array<i32>} : memref<128x64xf32, #tpu.memory_space<vmem>>, vector<1x16xf32>,
        %swap3A_776 = vector.shape_cast %swap3A_775 : vector<1x16xf32> to vector<16xf32>
        %swap3A_777 = vector.shape_cast %get3A_772 : vector<16xf32> to vector<1x16xf32>
        tpu.vector_store %arg12[%swap3A_773, %swap3A_774], %swap3A_777 {strides = array<i32>} : memref<128x64xf32, #tpu.memory_space<vmem>>, vector<1x16xf32>,
        %add3A_778 = arith.constant 48 : i32
        %add3A_779 = arith.addi %squeeze3A_740, %add3A_778 : i32
        %get3A_780 = arith.index_cast %add3A_744 : i32 to index
        %get3A_781 = arith.index_cast %add3A_779 : i32 to index
        %get3A_782 = tpu.vector_load %arg9[%get3A_780, %get3A_781] {strides = array<i32>} : memref<128x128xf32, #tpu.memory_space<vmem>>, vector<1x16xf32>,
        %get3A_783 = vector.shape_cast %get3A_782 : vector<1x16xf32> to vector<16xf32>
        %swap3A_784 = arith.index_cast %add3A_744 : i32 to index
        %swap3A_785 = arith.constant 48 : index
        %swap3A_786 = tpu.vector_load %arg12[%swap3A_784, %swap3A_785] {strides = array<i32>} : memref<128x64xf32, #tpu.memory_space<vmem>>, vector<1x16xf32>,
        %swap3A_787 = vector.shape_cast %swap3A_786 : vector<1x16xf32> to vector<16xf32>
        %swap3A_788 = vector.shape_cast %get3A_783 : vector<16xf32> to vector<1x16xf32>
        tpu.vector_store %arg12[%swap3A_784, %swap3A_785], %swap3A_788 {strides = array<i32>} : memref<128x64xf32, #tpu.memory_space<vmem>>, vector<1x16xf32>,
        %slice3A_789 = vector.extract_strided_slice %mul3A_241 {offsets = [11], sizes = [1], strides = [1]} : vector<16xi32> to vector<1xi32>
        %squeeze3A_790 = vector.extract %slice3A_789[0] : i32 from vector<1xi32>
        %mul3A_791 = arith.constant 16 : i32
        %mul3A_792 = arith.muli %add3A_231, %mul3A_791 : i32
        %add3A_793 = arith.constant 11 : i32
        %add3A_794 = arith.addi %mul3A_792, %add3A_793 : i32
        %add3A_795 = arith.constant 0 : i32
        %add3A_796 = arith.addi %squeeze3A_790, %add3A_795 : i32
        %get3A_797 = arith.index_cast %add3A_794 : i32 to index
        %get3A_798 = arith.index_cast %add3A_796 : i32 to index
        %get3A_799 = tpu.vector_load %arg9[%get3A_797, %get3A_798] {strides = array<i32>} : memref<128x128xf32, #tpu.memory_space<vmem>>, vector<1x16xf32>,
        %get3A_800 = vector.shape_cast %get3A_799 : vector<1x16xf32> to vector<16xf32>
        %swap3A_801 = arith.index_cast %add3A_794 : i32 to index
        %swap3A_802 = arith.constant 0 : index
        %swap3A_803 = tpu.vector_load %arg12[%swap3A_801, %swap3A_802] {strides = array<i32>} : memref<128x64xf32, #tpu.memory_space<vmem>>, vector<1x16xf32>,
        %swap3A_804 = vector.shape_cast %swap3A_803 : vector<1x16xf32> to vector<16xf32>
        %swap3A_805 = vector.shape_cast %get3A_800 : vector<16xf32> to vector<1x16xf32>
        tpu.vector_store %arg12[%swap3A_801, %swap3A_802], %swap3A_805 {strides = array<i32>} : memref<128x64xf32, #tpu.memory_space<vmem>>, vector<1x16xf32>,
        %add3A_806 = arith.constant 16 : i32
        %add3A_807 = arith.addi %squeeze3A_790, %add3A_806 : i32
        %get3A_808 = arith.index_cast %add3A_794 : i32 to index
        %get3A_809 = arith.index_cast %add3A_807 : i32 to index
        %get3A_810 = tpu.vector_load %arg9[%get3A_808, %get3A_809] {strides = array<i32>} : memref<128x128xf32, #tpu.memory_space<vmem>>, vector<1x16xf32>,
        %get3A_811 = vector.shape_cast %get3A_810 : vector<1x16xf32> to vector<16xf32>
        %swap3A_812 = arith.index_cast %add3A_794 : i32 to index
        %swap3A_813 = arith.constant 16 : index
        %swap3A_814 = tpu.vector_load %arg12[%swap3A_812, %swap3A_813] {strides = array<i32>} : memref<128x64xf32, #tpu.memory_space<vmem>>, vector<1x16xf32>,
        %swap3A_815 = vector.shape_cast %swap3A_814 : vector<1x16xf32> to vector<16xf32>
        %swap3A_816 = vector.shape_cast %get3A_811 : vector<16xf32> to vector<1x16xf32>
        tpu.vector_store %arg12[%swap3A_812, %swap3A_813], %swap3A_816 {strides = array<i32>} : memref<128x64xf32, #tpu.memory_space<vmem>>, vector<1x16xf32>,
        %add3A_817 = arith.constant 32 : i32
        %add3A_818 = arith.addi %squeeze3A_790, %add3A_817 : i32
        %get3A_819 = arith.index_cast %add3A_794 : i32 to index
        %get3A_820 = arith.index_cast %add3A_818 : i32 to index
        %get3A_821 = tpu.vector_load %arg9[%get3A_819, %get3A_820] {strides = array<i32>} : memref<128x128xf32, #tpu.memory_space<vmem>>, vector<1x16xf32>,
        %get3A_822 = vector.shape_cast %get3A_821 : vector<1x16xf32> to vector<16xf32>
        %swap3A_823 = arith.index_cast %add3A_794 : i32 to index
        %swap3A_824 = arith.constant 32 : index
        %swap3A_825 = tpu.vector_load %arg12[%swap3A_823, %swap3A_824] {strides = array<i32>} : memref<128x64xf32, #tpu.memory_space<vmem>>, vector<1x16xf32>,
        %swap3A_826 = vector.shape_cast %swap3A_825 : vector<1x16xf32> to vector<16xf32>
        %swap3A_827 = vector.shape_cast %get3A_822 : vector<16xf32> to vector<1x16xf32>
        tpu.vector_store %arg12[%swap3A_823, %swap3A_824], %swap3A_827 {strides = array<i32>} : memref<128x64xf32, #tpu.memory_space<vmem>>, vector<1x16xf32>,
        %add3A_828 = arith.constant 48 : i32
        %add3A_829 = arith.addi %squeeze3A_790, %add3A_828 : i32
        %get3A_830 = arith.index_cast %add3A_794 : i32 to index
        %get3A_831 = arith.index_cast %add3A_829 : i32 to index
        %get3A_832 = tpu.vector_load %arg9[%get3A_830, %get3A_831] {strides = array<i32>} : memref<128x128xf32, #tpu.memory_space<vmem>>, vector<1x16xf32>,
        %get3A_833 = vector.shape_cast %get3A_832 : vector<1x16xf32> to vector<16xf32>
        %swap3A_834 = arith.index_cast %add3A_794 : i32 to index
        %swap3A_835 = arith.constant 48 : index
        %swap3A_836 = tpu.vector_load %arg12[%swap3A_834, %swap3A_835] {strides = array<i32>} : memref<128x64xf32, #tpu.memory_space<vmem>>, vector<1x16xf32>,
        %swap3A_837 = vector.shape_cast %swap3A_836 : vector<1x16xf32> to vector<16xf32>
        %swap3A_838 = vector.shape_cast %get3A_833 : vector<16xf32> to vector<1x16xf32>
        tpu.vector_store %arg12[%swap3A_834, %swap3A_835], %swap3A_838 {strides = array<i32>} : memref<128x64xf32, #tpu.memory_space<vmem>>, vector<1x16xf32>,
        %slice3A_839 = vector.extract_strided_slice %mul3A_241 {offsets = [12], sizes = [1], strides = [1]} : vector<16xi32> to vector<1xi32>
        %squeeze3A_840 = vector.extract %slice3A_839[0] : i32 from vector<1xi32>
        %mul3A_841 = arith.constant 16 : i32
        %mul3A_842 = arith.muli %add3A_231, %mul3A_841 : i32
        %add3A_843 = arith.constant 12 : i32
        %add3A_844 = arith.addi %mul3A_842, %add3A_843 : i32
        %add3A_845 = arith.constant 0 : i32
        %add3A_846 = arith.addi %squeeze3A_840, %add3A_845 : i32
        %get3A_847 = arith.index_cast %add3A_844 : i32 to index
        %get3A_848 = arith.index_cast %add3A_846 : i32 to index
        %get3A_849 = tpu.vector_load %arg9[%get3A_847, %get3A_848] {strides = array<i32>} : memref<128x128xf32, #tpu.memory_space<vmem>>, vector<1x16xf32>,
        %get3A_850 = vector.shape_cast %get3A_849 : vector<1x16xf32> to vector<16xf32>
        %swap3A_851 = arith.index_cast %add3A_844 : i32 to index
        %swap3A_852 = arith.constant 0 : index
        %swap3A_853 = tpu.vector_load %arg12[%swap3A_851, %swap3A_852] {strides = array<i32>} : memref<128x64xf32, #tpu.memory_space<vmem>>, vector<1x16xf32>,
        %swap3A_854 = vector.shape_cast %swap3A_853 : vector<1x16xf32> to vector<16xf32>
        %swap3A_855 = vector.shape_cast %get3A_850 : vector<16xf32> to vector<1x16xf32>
        tpu.vector_store %arg12[%swap3A_851, %swap3A_852], %swap3A_855 {strides = array<i32>} : memref<128x64xf32, #tpu.memory_space<vmem>>, vector<1x16xf32>,
        %add3A_856 = arith.constant 16 : i32
        %add3A_857 = arith.addi %squeeze3A_840, %add3A_856 : i32
        %get3A_858 = arith.index_cast %add3A_844 : i32 to index
        %get3A_859 = arith.index_cast %add3A_857 : i32 to index
        %get3A_860 = tpu.vector_load %arg9[%get3A_858, %get3A_859] {strides = array<i32>} : memref<128x128xf32, #tpu.memory_space<vmem>>, vector<1x16xf32>,
        %get3A_861 = vector.shape_cast %get3A_860 : vector<1x16xf32> to vector<16xf32>
        %swap3A_862 = arith.index_cast %add3A_844 : i32 to index
        %swap3A_863 = arith.constant 16 : index
        %swap3A_864 = tpu.vector_load %arg12[%swap3A_862, %swap3A_863] {strides = array<i32>} : memref<128x64xf32, #tpu.memory_space<vmem>>, vector<1x16xf32>,
        %swap3A_865 = vector.shape_cast %swap3A_864 : vector<1x16xf32> to vector<16xf32>
        %swap3A_866 = vector.shape_cast %get3A_861 : vector<16xf32> to vector<1x16xf32>
        tpu.vector_store %arg12[%swap3A_862, %swap3A_863], %swap3A_866 {strides = array<i32>} : memref<128x64xf32, #tpu.memory_space<vmem>>, vector<1x16xf32>,
        %add3A_867 = arith.constant 32 : i32
        %add3A_868 = arith.addi %squeeze3A_840, %add3A_867 : i32
        %get3A_869 = arith.index_cast %add3A_844 : i32 to index
        %get3A_870 = arith.index_cast %add3A_868 : i32 to index
        %get3A_871 = tpu.vector_load %arg9[%get3A_869, %get3A_870] {strides = array<i32>} : memref<128x128xf32, #tpu.memory_space<vmem>>, vector<1x16xf32>,
        %get3A_872 = vector.shape_cast %get3A_871 : vector<1x16xf32> to vector<16xf32>
        %swap3A_873 = arith.index_cast %add3A_844 : i32 to index
        %swap3A_874 = arith.constant 32 : index
        %swap3A_875 = tpu.vector_load %arg12[%swap3A_873, %swap3A_874] {strides = array<i32>} : memref<128x64xf32, #tpu.memory_space<vmem>>, vector<1x16xf32>,
        %swap3A_876 = vector.shape_cast %swap3A_875 : vector<1x16xf32> to vector<16xf32>
        %swap3A_877 = vector.shape_cast %get3A_872 : vector<16xf32> to vector<1x16xf32>
        tpu.vector_store %arg12[%swap3A_873, %swap3A_874], %swap3A_877 {strides = array<i32>} : memref<128x64xf32, #tpu.memory_space<vmem>>, vector<1x16xf32>,
        %add3A_878 = arith.constant 48 : i32
        %add3A_879 = arith.addi %squeeze3A_840, %add3A_878 : i32
        %get3A_880 = arith.index_cast %add3A_844 : i32 to index
        %get3A_881 = arith.index_cast %add3A_879 : i32 to index
        %get3A_882 = tpu.vector_load %arg9[%get3A_880, %get3A_881] {strides = array<i32>} : memref<128x128xf32, #tpu.memory_space<vmem>>, vector<1x16xf32>,
        %get3A_883 = vector.shape_cast %get3A_882 : vector<1x16xf32> to vector<16xf32>
        %swap3A_884 = arith.index_cast %add3A_844 : i32 to index
        %swap3A_885 = arith.constant 48 : index
        %swap3A_886 = tpu.vector_load %arg12[%swap3A_884, %swap3A_885] {strides = array<i32>} : memref<128x64xf32, #tpu.memory_space<vmem>>, vector<1x16xf32>,
        %swap3A_887 = vector.shape_cast %swap3A_886 : vector<1x16xf32> to vector<16xf32>
        %swap3A_888 = vector.shape_cast %get3A_883 : vector<16xf32> to vector<1x16xf32>
        tpu.vector_store %arg12[%swap3A_884, %swap3A_885], %swap3A_888 {strides = array<i32>} : memref<128x64xf32, #tpu.memory_space<vmem>>, vector<1x16xf32>,
        %slice3A_889 = vector.extract_strided_slice %mul3A_241 {offsets = [13], sizes = [1], strides = [1]} : vector<16xi32> to vector<1xi32>
        %squeeze3A_890 = vector.extract %slice3A_889[0] : i32 from vector<1xi32>
        %mul3A_891 = arith.constant 16 : i32
        %mul3A_892 = arith.muli %add3A_231, %mul3A_891 : i32
        %add3A_893 = arith.constant 13 : i32
        %add3A_894 = arith.addi %mul3A_892, %add3A_893 : i32
        %add3A_895 = arith.constant 0 : i32
        %add3A_896 = arith.addi %squeeze3A_890, %add3A_895 : i32
        %get3A_897 = arith.index_cast %add3A_894 : i32 to index
        %get3A_898 = arith.index_cast %add3A_896 : i32 to index
        %get3A_899 = tpu.vector_load %arg9[%get3A_897, %get3A_898] {strides = array<i32>} : memref<128x128xf32, #tpu.memory_space<vmem>>, vector<1x16xf32>,
        %get3A_900 = vector.shape_cast %get3A_899 : vector<1x16xf32> to vector<16xf32>
        %swap3A_901 = arith.index_cast %add3A_894 : i32 to index
        %swap3A_902 = arith.constant 0 : index
        %swap3A_903 = tpu.vector_load %arg12[%swap3A_901, %swap3A_902] {strides = array<i32>} : memref<128x64xf32, #tpu.memory_space<vmem>>, vector<1x16xf32>,
        %swap3A_904 = vector.shape_cast %swap3A_903 : vector<1x16xf32> to vector<16xf32>
        %swap3A_905 = vector.shape_cast %get3A_900 : vector<16xf32> to vector<1x16xf32>
        tpu.vector_store %arg12[%swap3A_901, %swap3A_902], %swap3A_905 {strides = array<i32>} : memref<128x64xf32, #tpu.memory_space<vmem>>, vector<1x16xf32>,
        %add3A_906 = arith.constant 16 : i32
        %add3A_907 = arith.addi %squeeze3A_890, %add3A_906 : i32
        %get3A_908 = arith.index_cast %add3A_894 : i32 to index
        %get3A_909 = arith.index_cast %add3A_907 : i32 to index
        %get3A_910 = tpu.vector_load %arg9[%get3A_908, %get3A_909] {strides = array<i32>} : memref<128x128xf32, #tpu.memory_space<vmem>>, vector<1x16xf32>,
        %get3A_911 = vector.shape_cast %get3A_910 : vector<1x16xf32> to vector<16xf32>
        %swap3A_912 = arith.index_cast %add3A_894 : i32 to index
        %swap3A_913 = arith.constant 16 : index
        %swap3A_914 = tpu.vector_load %arg12[%swap3A_912, %swap3A_913] {strides = array<i32>} : memref<128x64xf32, #tpu.memory_space<vmem>>, vector<1x16xf32>,
        %swap3A_915 = vector.shape_cast %swap3A_914 : vector<1x16xf32> to vector<16xf32>
        %swap3A_916 = vector.shape_cast %get3A_911 : vector<16xf32> to vector<1x16xf32>
        tpu.vector_store %arg12[%swap3A_912, %swap3A_913], %swap3A_916 {strides = array<i32>} : memref<128x64xf32, #tpu.memory_space<vmem>>, vector<1x16xf32>,
        %add3A_917 = arith.constant 32 : i32
        %add3A_918 = arith.addi %squeeze3A_890, %add3A_917 : i32
        %get3A_919 = arith.index_cast %add3A_894 : i32 to index
        %get3A_920 = arith.index_cast %add3A_918 : i32 to index
        %get3A_921 = tpu.vector_load %arg9[%get3A_919, %get3A_920] {strides = array<i32>} : memref<128x128xf32, #tpu.memory_space<vmem>>, vector<1x16xf32>,
        %get3A_922 = vector.shape_cast %get3A_921 : vector<1x16xf32> to vector<16xf32>
        %swap3A_923 = arith.index_cast %add3A_894 : i32 to index
        %swap3A_924 = arith.constant 32 : index
        %swap3A_925 = tpu.vector_load %arg12[%swap3A_923, %swap3A_924] {strides = array<i32>} : memref<128x64xf32, #tpu.memory_space<vmem>>, vector<1x16xf32>,
        %swap3A_926 = vector.shape_cast %swap3A_925 : vector<1x16xf32> to vector<16xf32>
        %swap3A_927 = vector.shape_cast %get3A_922 : vector<16xf32> to vector<1x16xf32>
        tpu.vector_store %arg12[%swap3A_923, %swap3A_924], %swap3A_927 {strides = array<i32>} : memref<128x64xf32, #tpu.memory_space<vmem>>, vector<1x16xf32>,
        %add3A_928 = arith.constant 48 : i32
        %add3A_929 = arith.addi %squeeze3A_890, %add3A_928 : i32
        %get3A_930 = arith.index_cast %add3A_894 : i32 to index
        %get3A_931 = arith.index_cast %add3A_929 : i32 to index
        %get3A_932 = tpu.vector_load %arg9[%get3A_930, %get3A_931] {strides = array<i32>} : memref<128x128xf32, #tpu.memory_space<vmem>>, vector<1x16xf32>,
        %get3A_933 = vector.shape_cast %get3A_932 : vector<1x16xf32> to vector<16xf32>
        %swap3A_934 = arith.index_cast %add3A_894 : i32 to index
        %swap3A_935 = arith.constant 48 : index
        %swap3A_936 = tpu.vector_load %arg12[%swap3A_934, %swap3A_935] {strides = array<i32>} : memref<128x64xf32, #tpu.memory_space<vmem>>, vector<1x16xf32>,
        %swap3A_937 = vector.shape_cast %swap3A_936 : vector<1x16xf32> to vector<16xf32>
        %swap3A_938 = vector.shape_cast %get3A_933 : vector<16xf32> to vector<1x16xf32>
        tpu.vector_store %arg12[%swap3A_934, %swap3A_935], %swap3A_938 {strides = array<i32>} : memref<128x64xf32, #tpu.memory_space<vmem>>, vector<1x16xf32>,
        %slice3A_939 = vector.extract_strided_slice %mul3A_241 {offsets = [14], sizes = [1], strides = [1]} : vector<16xi32> to vector<1xi32>
        %squeeze3A_940 = vector.extract %slice3A_939[0] : i32 from vector<1xi32>
        %mul3A_941 = arith.constant 16 : i32
        %mul3A_942 = arith.muli %add3A_231, %mul3A_941 : i32
        %add3A_943 = arith.constant 14 : i32
        %add3A_944 = arith.addi %mul3A_942, %add3A_943 : i32
        %add3A_945 = arith.constant 0 : i32
        %add3A_946 = arith.addi %squeeze3A_940, %add3A_945 : i32
        %get3A_947 = arith.index_cast %add3A_944 : i32 to index
        %get3A_948 = arith.index_cast %add3A_946 : i32 to index
        %get3A_949 = tpu.vector_load %arg9[%get3A_947, %get3A_948] {strides = array<i32>} : memref<128x128xf32, #tpu.memory_space<vmem>>, vector<1x16xf32>,
        %get3A_950 = vector.shape_cast %get3A_949 : vector<1x16xf32> to vector<16xf32>
        %swap3A_951 = arith.index_cast %add3A_944 : i32 to index
        %swap3A_952 = arith.constant 0 : index
        %swap3A_953 = tpu.vector_load %arg12[%swap3A_951, %swap3A_952] {strides = array<i32>} : memref<128x64xf32, #tpu.memory_space<vmem>>, vector<1x16xf32>,
        %swap3A_954 = vector.shape_cast %swap3A_953 : vector<1x16xf32> to vector<16xf32>
        %swap3A_955 = vector.shape_cast %get3A_950 : vector<16xf32> to vector<1x16xf32>
        tpu.vector_store %arg12[%swap3A_951, %swap3A_952], %swap3A_955 {strides = array<i32>} : memref<128x64xf32, #tpu.memory_space<vmem>>, vector<1x16xf32>,
        %add3A_956 = arith.constant 16 : i32
        %add3A_957 = arith.addi %squeeze3A_940, %add3A_956 : i32
        %get3A_958 = arith.index_cast %add3A_944 : i32 to index
        %get3A_959 = arith.index_cast %add3A_957 : i32 to index
        %get3A_960 = tpu.vector_load %arg9[%get3A_958, %get3A_959] {strides = array<i32>} : memref<128x128xf32, #tpu.memory_space<vmem>>, vector<1x16xf32>,
        %get3A_961 = vector.shape_cast %get3A_960 : vector<1x16xf32> to vector<16xf32>
        %swap3A_962 = arith.index_cast %add3A_944 : i32 to index
        %swap3A_963 = arith.constant 16 : index
        %swap3A_964 = tpu.vector_load %arg12[%swap3A_962, %swap3A_963] {strides = array<i32>} : memref<128x64xf32, #tpu.memory_space<vmem>>, vector<1x16xf32>,
        %swap3A_965 = vector.shape_cast %swap3A_964 : vector<1x16xf32> to vector<16xf32>
        %swap3A_966 = vector.shape_cast %get3A_961 : vector<16xf32> to vector<1x16xf32>
        tpu.vector_store %arg12[%swap3A_962, %swap3A_963], %swap3A_966 {strides = array<i32>} : memref<128x64xf32, #tpu.memory_space<vmem>>, vector<1x16xf32>,
        %add3A_967 = arith.constant 32 : i32
        %add3A_968 = arith.addi %squeeze3A_940, %add3A_967 : i32
        %get3A_969 = arith.index_cast %add3A_944 : i32 to index
        %get3A_970 = arith.index_cast %add3A_968 : i32 to index
        %get3A_971 = tpu.vector_load %arg9[%get3A_969, %get3A_970] {strides = array<i32>} : memref<128x128xf32, #tpu.memory_space<vmem>>, vector<1x16xf32>,
        %get3A_972 = vector.shape_cast %get3A_971 : vector<1x16xf32> to vector<16xf32>
        %swap3A_973 = arith.index_cast %add3A_944 : i32 to index
        %swap3A_974 = arith.constant 32 : index
        %swap3A_975 = tpu.vector_load %arg12[%swap3A_973, %swap3A_974] {strides = array<i32>} : memref<128x64xf32, #tpu.memory_space<vmem>>, vector<1x16xf32>,
        %swap3A_976 = vector.shape_cast %swap3A_975 : vector<1x16xf32> to vector<16xf32>
        %swap3A_977 = vector.shape_cast %get3A_972 : vector<16xf32> to vector<1x16xf32>
        tpu.vector_store %arg12[%swap3A_973, %swap3A_974], %swap3A_977 {strides = array<i32>} : memref<128x64xf32, #tpu.memory_space<vmem>>, vector<1x16xf32>,
        %add3A_978 = arith.constant 48 : i32
        %add3A_979 = arith.addi %squeeze3A_940, %add3A_978 : i32
        %get3A_980 = arith.index_cast %add3A_944 : i32 to index
        %get3A_981 = arith.index_cast %add3A_979 : i32 to index
        %get3A_982 = tpu.vector_load %arg9[%get3A_980, %get3A_981] {strides = array<i32>} : memref<128x128xf32, #tpu.memory_space<vmem>>, vector<1x16xf32>,
        %get3A_983 = vector.shape_cast %get3A_982 : vector<1x16xf32> to vector<16xf32>
        %swap3A_984 = arith.index_cast %add3A_944 : i32 to index
        %swap3A_985 = arith.constant 48 : index
        %swap3A_986 = tpu.vector_load %arg12[%swap3A_984, %swap3A_985] {strides = array<i32>} : memref<128x64xf32, #tpu.memory_space<vmem>>, vector<1x16xf32>,
        %swap3A_987 = vector.shape_cast %swap3A_986 : vector<1x16xf32> to vector<16xf32>
        %swap3A_988 = vector.shape_cast %get3A_983 : vector<16xf32> to vector<1x16xf32>
        tpu.vector_store %arg12[%swap3A_984, %swap3A_985], %swap3A_988 {strides = array<i32>} : memref<128x64xf32, #tpu.memory_space<vmem>>, vector<1x16xf32>,
        %slice3A_989 = vector.extract_strided_slice %mul3A_241 {offsets = [15], sizes = [1], strides = [1]} : vector<16xi32> to vector<1xi32>
        %squeeze3A_990 = vector.extract %slice3A_989[0] : i32 from vector<1xi32>
        %mul3A_991 = arith.constant 16 : i32
        %mul3A_992 = arith.muli %add3A_231, %mul3A_991 : i32
        %add3A_993 = arith.constant 15 : i32
        %add3A_994 = arith.addi %mul3A_992, %add3A_993 : i32
        %add3A_995 = arith.constant 0 : i32
        %add3A_996 = arith.addi %squeeze3A_990, %add3A_995 : i32
        %get3A_997 = arith.index_cast %add3A_994 : i32 to index
        %get3A_998 = arith.index_cast %add3A_996 : i32 to index
        %get3A_999 = tpu.vector_load %arg9[%get3A_997, %get3A_998] {strides = array<i32>} : memref<128x128xf32, #tpu.memory_space<vmem>>, vector<1x16xf32>,
        %get3A_1000 = vector.shape_cast %get3A_999 : vector<1x16xf32> to vector<16xf32>
        %swap3A_1001 = arith.index_cast %add3A_994 : i32 to index
        %swap3A_1002 = arith.constant 0 : index
        %swap3A_1003 = tpu.vector_load %arg12[%swap3A_1001, %swap3A_1002] {strides = array<i32>} : memref<128x64xf32, #tpu.memory_space<vmem>>, vector<1x16xf32>,
        %swap3A_1004 = vector.shape_cast %swap3A_1003 : vector<1x16xf32> to vector<16xf32>
        %swap3A_1005 = vector.shape_cast %get3A_1000 : vector<16xf32> to vector<1x16xf32>
        tpu.vector_store %arg12[%swap3A_1001, %swap3A_1002], %swap3A_1005 {strides = array<i32>} : memref<128x64xf32, #tpu.memory_space<vmem>>, vector<1x16xf32>,
        %add3A_1006 = arith.constant 16 : i32
        %add3A_1007 = arith.addi %squeeze3A_990, %add3A_1006 : i32
        %get3A_1008 = arith.index_cast %add3A_994 : i32 to index
        %get3A_1009 = arith.index_cast %add3A_1007 : i32 to index
        %get3A_1010 = tpu.vector_load %arg9[%get3A_1008, %get3A_1009] {strides = array<i32>} : memref<128x128xf32, #tpu.memory_space<vmem>>, vector<1x16xf32>,
        %get3A_1011 = vector.shape_cast %get3A_1010 : vector<1x16xf32> to vector<16xf32>
        %swap3A_1012 = arith.index_cast %add3A_994 : i32 to index
        %swap3A_1013 = arith.constant 16 : index
        %swap3A_1014 = tpu.vector_load %arg12[%swap3A_1012, %swap3A_1013] {strides = array<i32>} : memref<128x64xf32, #tpu.memory_space<vmem>>, vector<1x16xf32>,
        %swap3A_1015 = vector.shape_cast %swap3A_1014 : vector<1x16xf32> to vector<16xf32>
        %swap3A_1016 = vector.shape_cast %get3A_1011 : vector<16xf32> to vector<1x16xf32>
        tpu.vector_store %arg12[%swap3A_1012, %swap3A_1013], %swap3A_1016 {strides = array<i32>} : memref<128x64xf32, #tpu.memory_space<vmem>>, vector<1x16xf32>,
        %add3A_1017 = arith.constant 32 : i32
        %add3A_1018 = arith.addi %squeeze3A_990, %add3A_1017 : i32
        %get3A_1019 = arith.index_cast %add3A_994 : i32 to index
        %get3A_1020 = arith.index_cast %add3A_1018 : i32 to index
        %get3A_1021 = tpu.vector_load %arg9[%get3A_1019, %get3A_1020] {strides = array<i32>} : memref<128x128xf32, #tpu.memory_space<vmem>>, vector<1x16xf32>,
        %get3A_1022 = vector.shape_cast %get3A_1021 : vector<1x16xf32> to vector<16xf32>
        %swap3A_1023 = arith.index_cast %add3A_994 : i32 to index
        %swap3A_1024 = arith.constant 32 : index
        %swap3A_1025 = tpu.vector_load %arg12[%swap3A_1023, %swap3A_1024] {strides = array<i32>} : memref<128x64xf32, #tpu.memory_space<vmem>>, vector<1x16xf32>,
        %swap3A_1026 = vector.shape_cast %swap3A_1025 : vector<1x16xf32> to vector<16xf32>
        %swap3A_1027 = vector.shape_cast %get3A_1022 : vector<16xf32> to vector<1x16xf32>
        tpu.vector_store %arg12[%swap3A_1023, %swap3A_1024], %swap3A_1027 {strides = array<i32>} : memref<128x64xf32, #tpu.memory_space<vmem>>, vector<1x16xf32>,
        %add3A_1028 = arith.constant 48 : i32
        %add3A_1029 = arith.addi %squeeze3A_990, %add3A_1028 : i32
        %get3A_1030 = arith.index_cast %add3A_994 : i32 to index
        %get3A_1031 = arith.index_cast %add3A_1029 : i32 to index
        %get3A_1032 = tpu.vector_load %arg9[%get3A_1030, %get3A_1031] {strides = array<i32>} : memref<128x128xf32, #tpu.memory_space<vmem>>, vector<1x16xf32>,
        %get3A_1033 = vector.shape_cast %get3A_1032 : vector<1x16xf32> to vector<16xf32>
        %swap3A_1034 = arith.index_cast %add3A_994 : i32 to index
        %swap3A_1035 = arith.constant 48 : index
        %swap3A_1036 = tpu.vector_load %arg12[%swap3A_1034, %swap3A_1035] {strides = array<i32>} : memref<128x64xf32, #tpu.memory_space<vmem>>, vector<1x16xf32>,
        %swap3A_1037 = vector.shape_cast %swap3A_1036 : vector<1x16xf32> to vector<16xf32>
        %swap3A_1038 = vector.shape_cast %get3A_1033 : vector<16xf32> to vector<1x16xf32>
        tpu.vector_store %arg12[%swap3A_1034, %swap3A_1035], %swap3A_1038 {strides = array<i32>} : memref<128x64xf32, #tpu.memory_space<vmem>>, vector<1x16xf32>,
      }
      %scan3A_180 = arith.constant 8 : i32
      %add3A_181 = arith.constant 2 : i32
      %add3A_182 = arith.addi %add3A_103, %add3A_181 : i32
      %mul3A_183 = arith.constant 128 : i32
      %mul3A_184 = arith.muli %add3A, %mul3A_183 : i32
      %dma_start3A_185 = arith.constant 0 : i32
      %dma_start3A_186 = tpu.memref_slice %arg4[%add3A_182, %mul3A_184, %dma_start3A_185] : memref<50x4096x64xf32, #tpu.memory_space<hbm>> -> memref<1x128x64xf32, #tpu.memory_space<hbm>>
      %dma_start3A_187 = tpu.memref_squeeze %dma_start3A_186 : memref<1x128x64xf32, #tpu.memory_space<hbm>> -> memref<128x64xf32, #tpu.memory_space<hbm>>
      %dma_start3A_188 = arith.constant 0 : i32
      %dma_start3A_189 = tpu.memref_slice %arg4[%add3A_182, %mul3A_184, %dma_start3A_188] : memref<50x4096x64xf32, #tpu.memory_space<hbm>> -> memref<1x128x64xf32, #tpu.memory_space<hbm>>
      %dma_start3A_190 = tpu.memref_squeeze %dma_start3A_189 : memref<1x128x64xf32, #tpu.memory_space<hbm>> -> memref<128x64xf32, #tpu.memory_space<hbm>>
      tpu.enqueue_dma source(%arg12 : memref<128x64xf32, #tpu.memory_space<vmem>>) target(%dma_start3A_190 : memref<128x64xf32, #tpu.memory_space<hbm>>) target_semaphore(%arg19 : memref<!tpu.dma_semaphore, #tpu.memory_space<semaphore_mem>>)
      %add3A_191 = arith.constant 3 : i32
      %add3A_192 = arith.addi %add3A_103, %add3A_191 : i32
      %add3A_193 = arith.constant 2 : i32
      %add3A_194 = arith.addi %add3A_192, %add3A_193 : i32
      %lt3A_195 = arith.constant 50 : i32
      %lt3A_196 = arith.cmpi slt, %add3A_194, %lt3A_195 : i32
      %convert_element_type3A_197 = arith.extui %lt3A_196 : i1 to i32
      %cond3A_198 = arith.constant 0 : i32
      %cond3A_199 = arith.cmpi ne, %convert_element_type3A_197, %cond3A_198 : i32
      scf.if %cond3A_199 {
        %dma_start3A_227 = arith.constant 0 : i32
        %dma_start3A_228 = tpu.memref_slice %arg6[%add3A_194, %dma_start3A_227] : memref<50x128xi32, #tpu.memory_space<vmem>> -> memref<1x128xi32, #tpu.memory_space<vmem>>
        %dma_start3A_229 = tpu.memref_squeeze %dma_start3A_228 : memref<1x128xi32, #tpu.memory_space<vmem>> -> memref<128xi32, #tpu.memory_space<vmem>>
        %dma_start3A_230 = arith.constant 0 : i32
        %dma_start3A_231 = arith.constant 0 : i32
        %dma_start3A_232 = tpu.memref_slice %arg3[%dma_start3A_230, %dma_start3A_231] : memref<500000x128xf32, #tpu.memory_space<hbm>> -> memref<500000x128xf32, #tpu.memory_space<hbm>>
        tpu.enqueue_indirect_dma source(%dma_start3A_232 : memref<500000x128xf32, #tpu.memory_space<hbm>>) target(%arg9 : memref<128x128xf32, #tpu.memory_space<vmem>>) offsets(%dma_start3A_229 : memref<128xi32, #tpu.memory_space<vmem>>) semaphore(%arg16 : memref<!tpu.dma_semaphore, #tpu.memory_space<semaphore_mem>>)
      } else {
      }
      %dma_wait3A_200 = arith.constant 0 : i32
      %dma_wait3A_201 = arith.constant 0 : i32
      %dma_wait3A_202 = arith.constant 0 : i32
      %dma_wait3A_203 = tpu.memref_slice %arg4[%dma_wait3A_200, %dma_wait3A_201, %dma_wait3A_202] : memref<50x4096x64xf32, #tpu.memory_space<hbm>> -> memref<1x128x64xf32, #tpu.memory_space<hbm>>
      %dma_wait3A_204 = tpu.memref_squeeze %dma_wait3A_203 : memref<1x128x64xf32, #tpu.memory_space<hbm>> -> memref<128x64xf32, #tpu.memory_space<hbm>>
      %dma_wait3A_205 = arith.constant 0 : i32
      %dma_wait3A_206 = arith.constant 0 : i32
      %dma_wait3A_207 = tpu.memref_slice %arg4[%dma_wait3A_200, %dma_wait3A_205, %dma_wait3A_206] : memref<50x4096x64xf32, #tpu.memory_space<hbm>> -> memref<1x128x64xf32, #tpu.memory_space<hbm>>
      %dma_wait3A_208 = tpu.memref_squeeze %dma_wait3A_207 : memref<1x128x64xf32, #tpu.memory_space<hbm>> -> memref<128x64xf32, #tpu.memory_space<hbm>>
      tpu.wait_dma2 semaphore(%arg17 : memref<!tpu.dma_semaphore, #tpu.memory_space<semaphore_mem>>) src(%arg10 : memref<128x64xf32, #tpu.memory_space<vmem>>) dst(%dma_wait3A_208 : memref<128x64xf32, #tpu.memory_space<hbm>>)
      %dma_wait3A_209 = arith.constant 0 : i32
      %dma_wait3A_210 = arith.constant 0 : i32
      %dma_wait3A_211 = arith.constant 0 : i32
      %dma_wait3A_212 = tpu.memref_slice %arg4[%dma_wait3A_209, %dma_wait3A_210, %dma_wait3A_211] : memref<50x4096x64xf32, #tpu.memory_space<hbm>> -> memref<1x128x64xf32, #tpu.memory_space<hbm>>
      %dma_wait3A_213 = tpu.memref_squeeze %dma_wait3A_212 : memref<1x128x64xf32, #tpu.memory_space<hbm>> -> memref<128x64xf32, #tpu.memory_space<hbm>>
      %dma_wait3A_214 = arith.constant 0 : i32
      %dma_wait3A_215 = arith.constant 0 : i32
      %dma_wait3A_216 = tpu.memref_slice %arg4[%dma_wait3A_209, %dma_wait3A_214, %dma_wait3A_215] : memref<50x4096x64xf32, #tpu.memory_space<hbm>> -> memref<1x128x64xf32, #tpu.memory_space<hbm>>
      %dma_wait3A_217 = tpu.memref_squeeze %dma_wait3A_216 : memref<1x128x64xf32, #tpu.memory_space<hbm>> -> memref<128x64xf32, #tpu.memory_space<hbm>>
      tpu.wait_dma2 semaphore(%arg18 : memref<!tpu.dma_semaphore, #tpu.memory_space<semaphore_mem>>) src(%arg11 : memref<128x64xf32, #tpu.memory_space<vmem>>) dst(%dma_wait3A_217 : memref<128x64xf32, #tpu.memory_space<hbm>>)
      %dma_wait3A_218 = arith.constant 0 : i32
      %dma_wait3A_219 = arith.constant 0 : i32
      %dma_wait3A_220 = arith.constant 0 : i32
      %dma_wait3A_221 = tpu.memref_slice %arg4[%dma_wait3A_218, %dma_wait3A_219, %dma_wait3A_220] : memref<50x4096x64xf32, #tpu.memory_space<hbm>> -> memref<1x128x64xf32, #tpu.memory_space<hbm>>
      %dma_wait3A_222 = tpu.memref_squeeze %dma_wait3A_221 : memref<1x128x64xf32, #tpu.memory_space<hbm>> -> memref<128x64xf32, #tpu.memory_space<hbm>>
      %dma_wait3A_223 = arith.constant 0 : i32
      %dma_wait3A_224 = arith.constant 0 : i32
      %dma_wait3A_225 = tpu.memref_slice %arg4[%dma_wait3A_218, %dma_wait3A_223, %dma_wait3A_224] : memref<50x4096x64xf32, #tpu.memory_space<hbm>> -> memref<1x128x64xf32, #tpu.memory_space<hbm>>
      %dma_wait3A_226 = tpu.memref_squeeze %dma_wait3A_225 : memref<1x128x64xf32, #tpu.memory_space<hbm>> -> memref<128x64xf32, #tpu.memory_space<hbm>>
      tpu.wait_dma2 semaphore(%arg19 : memref<!tpu.dma_semaphore, #tpu.memory_space<semaphore_mem>>) src(%arg12 : memref<128x64xf32, #tpu.memory_space<vmem>>) dst(%dma_wait3A_226 : memref<128x64xf32, #tpu.memory_space<hbm>>)
    }
    %scan3A_38 = arith.constant 16 : i32
    %dma_wait3A_39 = arith.constant 0 : i32
    %dma_wait3A_40 = arith.constant 0 : i32
    %dma_wait3A_41 = tpu.memref_slice %arg6[%dma_wait3A_39, %dma_wait3A_40] : memref<50x128xi32, #tpu.memory_space<vmem>> -> memref<1x128xi32, #tpu.memory_space<vmem>>
    %dma_wait3A_42 = tpu.memref_squeeze %dma_wait3A_41 : memref<1x128xi32, #tpu.memory_space<vmem>> -> memref<128xi32, #tpu.memory_space<vmem>>
    %dma_wait3A_43 = arith.constant 0 : i32
    %dma_wait3A_44 = arith.constant 0 : i32
    %dma_wait3A_45 = tpu.memref_slice %arg3[%dma_wait3A_43, %dma_wait3A_44] : memref<500000x128xf32, #tpu.memory_space<hbm>> -> memref<500000x128xf32, #tpu.memory_space<hbm>>
    tpu.wait_indirect_dma semaphore(%arg14 : memref<!tpu.dma_semaphore, #tpu.memory_space<semaphore_mem>>) src(%dma_wait3A_45 : memref<500000x128xf32, #tpu.memory_space<hbm>>) dst(%arg7 : memref<128x128xf32, #tpu.memory_space<vmem>>)
    %scan3A_46 = arith.constant 0 : i32
    %scan3A_47 = arith.constant 8 : i32
    %scan3A_48 = arith.addi %scan3A_46, %scan3A_47 : i32
    %scan3A_49 = arith.constant 1 : i32
    scf.for %scan3A_99 = %scan3A_46 to %scan3A_48 step %scan3A_49  : i32 {
      %mul3A_100 = arith.constant 1 : i32
      %mul3A_101 = arith.muli %scan3A_99, %mul3A_100 : i32
      %add3A_102 = arith.constant 0 : i32
      %add3A_103 = arith.addi %add3A_102, %mul3A_101 : i32
      %mul3A_104 = arith.constant 16 : i32
      %mul3A_105 = arith.muli %add3A_103, %mul3A_104 : i32
      %get3A = arith.constant 48 : i32
      %get3A_106 = arith.index_cast %get3A : i32 to index
      %get3A_107 = arith.index_cast %mul3A_105 : i32 to index
      %get3A_108 = tpu.vector_load %arg5[%get3A_106, %get3A_107] {strides = array<i32>} : memref<50x128xi32, #tpu.memory_space<vmem>>, vector<1x16xi32>,
      %get3A_109 = vector.shape_cast %get3A_108 : vector<1x16xi32> to vector<16xi32>
      %and3A = arith.constant 1 : i32
      %and3A_110 = vector.broadcast %and3A : i32 to vector<16xi32>
      %and3A_111 = arith.andi %get3A_109, %and3A_110 : vector<16xi32>
      %mul3A_112 = arith.constant 64 : i32
      %mul3A_113 = vector.broadcast %mul3A_112 : i32 to vector<16xi32>
      %mul3A_114 = arith.muli %and3A_111, %mul3A_113 : vector<16xi32>
      %slice3A = vector.extract_strided_slice %mul3A_114 {offsets = [0], sizes = [1], strides = [1]} : vector<16xi32> to vector<1xi32>
      %squeeze3A = vector.extract %slice3A[0] : i32 from vector<1xi32>
      %mul3A_115 = arith.constant 16 : i32
      %mul3A_116 = arith.muli %add3A_103, %mul3A_115 : i32
      %add3A_117 = arith.constant 0 : i32
      %add3A_118 = arith.addi %mul3A_116, %add3A_117 : i32
      %add3A_119 = arith.constant 0 : i32
      %add3A_120 = arith.addi %squeeze3A, %add3A_119 : i32
      %get3A_121 = arith.index_cast %add3A_118 : i32 to index
      %get3A_122 = arith.index_cast %add3A_120 : i32 to index
      %get3A_123 = tpu.vector_load %arg7[%get3A_121, %get3A_122] {strides = array<i32>} : memref<128x128xf32, #tpu.memory_space<vmem>>, vector<1x16xf32>,
      %get3A_124 = vector.shape_cast %get3A_123 : vector<1x16xf32> to vector<16xf32>
      %swap3A = arith.index_cast %add3A_118 : i32 to index
      %swap3A_125 = arith.constant 0 : index
      %swap3A_126 = tpu.vector_load %arg10[%swap3A, %swap3A_125] {strides = array<i32>} : memref<128x64xf32, #tpu.memory_space<vmem>>, vector<1x16xf32>,
      %swap3A_127 = vector.shape_cast %swap3A_126 : vector<1x16xf32> to vector<16xf32>
      %swap3A_128 = vector.shape_cast %get3A_124 : vector<16xf32> to vector<1x16xf32>
      tpu.vector_store %arg10[%swap3A, %swap3A_125], %swap3A_128 {strides = array<i32>} : memref<128x64xf32, #tpu.memory_space<vmem>>, vector<1x16xf32>,
      %add3A_129 = arith.constant 16 : i32
      %add3A_130 = arith.addi %squeeze3A, %add3A_129 : i32
      %get3A_131 = arith.index_cast %add3A_118 : i32 to index
      %get3A_132 = arith.index_cast %add3A_130 : i32 to index
      %get3A_133 = tpu.vector_load %arg7[%get3A_131, %get3A_132] {strides = array<i32>} : memref<128x128xf32, #tpu.memory_space<vmem>>, vector<1x16xf32>,
      %get3A_134 = vector.shape_cast %get3A_133 : vector<1x16xf32> to vector<16xf32>
      %swap3A_135 = arith.index_cast %add3A_118 : i32 to index
      %swap3A_136 = arith.constant 16 : index
      %swap3A_137 = tpu.vector_load %arg10[%swap3A_135, %swap3A_136] {strides = array<i32>} : memref<128x64xf32, #tpu.memory_space<vmem>>, vector<1x16xf32>,
      %swap3A_138 = vector.shape_cast %swap3A_137 : vector<1x16xf32> to vector<16xf32>
      %swap3A_139 = vector.shape_cast %get3A_134 : vector<16xf32> to vector<1x16xf32>
      tpu.vector_store %arg10[%swap3A_135, %swap3A_136], %swap3A_139 {strides = array<i32>} : memref<128x64xf32, #tpu.memory_space<vmem>>, vector<1x16xf32>,
      %add3A_140 = arith.constant 32 : i32
      %add3A_141 = arith.addi %squeeze3A, %add3A_140 : i32
      %get3A_142 = arith.index_cast %add3A_118 : i32 to index
      %get3A_143 = arith.index_cast %add3A_141 : i32 to index
      %get3A_144 = tpu.vector_load %arg7[%get3A_142, %get3A_143] {strides = array<i32>} : memref<128x128xf32, #tpu.memory_space<vmem>>, vector<1x16xf32>,
      %get3A_145 = vector.shape_cast %get3A_144 : vector<1x16xf32> to vector<16xf32>
      %swap3A_146 = arith.index_cast %add3A_118 : i32 to index
      %swap3A_147 = arith.constant 32 : index
      %swap3A_148 = tpu.vector_load %arg10[%swap3A_146, %swap3A_147] {strides = array<i32>} : memref<128x64xf32, #tpu.memory_space<vmem>>, vector<1x16xf32>,
      %swap3A_149 = vector.shape_cast %swap3A_148 : vector<1x16xf32> to vector<16xf32>
      %swap3A_150 = vector.shape_cast %get3A_145 : vector<16xf32> to vector<1x16xf32>
      tpu.vector_store %arg10[%swap3A_146, %swap3A_147], %swap3A_150 {strides = array<i32>} : memref<128x64xf32, #tpu.memory_space<vmem>>, vector<1x16xf32>,
      %add3A_151 = arith.constant 48 : i32
      %add3A_152 = arith.addi %squeeze3A, %add3A_151 : i32
      %get3A_153 = arith.index_cast %add3A_118 : i32 to index
      %get3A_154 = arith.index_cast %add3A_152 : i32 to index
      %get3A_155 = tpu.vector_load %arg7[%get3A_153, %get3A_154] {strides = array<i32>} : memref<128x128xf32, #tpu.memory_space<vmem>>, vector<1x16xf32>,
      %get3A_156 = vector.shape_cast %get3A_155 : vector<1x16xf32> to vector<16xf32>
      %swap3A_157 = arith.index_cast %add3A_118 : i32 to index
      %swap3A_158 = arith.constant 48 : index
      %swap3A_159 = tpu.vector_load %arg10[%swap3A_157, %swap3A_158] {strides = array<i32>} : memref<128x64xf32, #tpu.memory_space<vmem>>, vector<1x16xf32>,
      %swap3A_160 = vector.shape_cast %swap3A_159 : vector<1x16xf32> to vector<16xf32>
      %swap3A_161 = vector.shape_cast %get3A_156 : vector<16xf32> to vector<1x16xf32>
      tpu.vector_store %arg10[%swap3A_157, %swap3A_158], %swap3A_161 {strides = array<i32>} : memref<128x64xf32, #tpu.memory_space<vmem>>, vector<1x16xf32>,
      %slice3A_162 = vector.extract_strided_slice %mul3A_114 {offsets = [1], sizes = [1], strides = [1]} : vector<16xi32> to vector<1xi32>
      %squeeze3A_163 = vector.extract %slice3A_162[0] : i32 from vector<1xi32>
      %mul3A_164 = arith.constant 16 : i32
      %mul3A_165 = arith.muli %add3A_103, %mul3A_164 : i32
      %add3A_166 = arith.constant 1 : i32
      %add3A_167 = arith.addi %mul3A_165, %add3A_166 : i32
      %add3A_168 = arith.constant 0 : i32
      %add3A_169 = arith.addi %squeeze3A_163, %add3A_168 : i32
      %get3A_170 = arith.index_cast %add3A_167 : i32 to index
      %get3A_171 = arith.index_cast %add3A_169 : i32 to index
      %get3A_172 = tpu.vector_load %arg7[%get3A_170, %get3A_171] {strides = array<i32>} : memref<128x128xf32, #tpu.memory_space<vmem>>, vector<1x16xf32>,
      %get3A_173 = vector.shape_cast %get3A_172 : vector<1x16xf32> to vector<16xf32>
      %swap3A_174 = arith.index_cast %add3A_167 : i32 to index
      %swap3A_175 = arith.constant 0 : index
      %swap3A_176 = tpu.vector_load %arg10[%swap3A_174, %swap3A_175] {strides = array<i32>} : memref<128x64xf32, #tpu.memory_space<vmem>>, vector<1x16xf32>,
      %swap3A_177 = vector.shape_cast %swap3A_176 : vector<1x16xf32> to vector<16xf32>
      %swap3A_178 = vector.shape_cast %get3A_173 : vector<16xf32> to vector<1x16xf32>
      tpu.vector_store %arg10[%swap3A_174, %swap3A_175], %swap3A_178 {strides = array<i32>} : memref<128x64xf32, #tpu.memory_space<vmem>>, vector<1x16xf32>,
      %add3A_179 = arith.constant 16 : i32
      %add3A_180 = arith.addi %squeeze3A_163, %add3A_179 : i32
      %get3A_181 = arith.index_cast %add3A_167 : i32 to index
      %get3A_182 = arith.index_cast %add3A_180 : i32 to index
      %get3A_183 = tpu.vector_load %arg7[%get3A_181, %get3A_182] {strides = array<i32>} : memref<128x128xf32, #tpu.memory_space<vmem>>, vector<1x16xf32>,
      %get3A_184 = vector.shape_cast %get3A_183 : vector<1x16xf32> to vector<16xf32>
      %swap3A_185 = arith.index_cast %add3A_167 : i32 to index
      %swap3A_186 = arith.constant 16 : index
      %swap3A_187 = tpu.vector_load %arg10[%swap3A_185, %swap3A_186] {strides = array<i32>} : memref<128x64xf32, #tpu.memory_space<vmem>>, vector<1x16xf32>,
      %swap3A_188 = vector.shape_cast %swap3A_187 : vector<1x16xf32> to vector<16xf32>
      %swap3A_189 = vector.shape_cast %get3A_184 : vector<16xf32> to vector<1x16xf32>
      tpu.vector_store %arg10[%swap3A_185, %swap3A_186], %swap3A_189 {strides = array<i32>} : memref<128x64xf32, #tpu.memory_space<vmem>>, vector<1x16xf32>,
      %add3A_190 = arith.constant 32 : i32
      %add3A_191 = arith.addi %squeeze3A_163, %add3A_190 : i32
      %get3A_192 = arith.index_cast %add3A_167 : i32 to index
      %get3A_193 = arith.index_cast %add3A_191 : i32 to index
      %get3A_194 = tpu.vector_load %arg7[%get3A_192, %get3A_193] {strides = array<i32>} : memref<128x128xf32, #tpu.memory_space<vmem>>, vector<1x16xf32>,
      %get3A_195 = vector.shape_cast %get3A_194 : vector<1x16xf32> to vector<16xf32>
      %swap3A_196 = arith.index_cast %add3A_167 : i32 to index
      %swap3A_197 = arith.constant 32 : index
      %swap3A_198 = tpu.vector_load %arg10[%swap3A_196, %swap3A_197] {strides = array<i32>} : memref<128x64xf32, #tpu.memory_space<vmem>>, vector<1x16xf32>,
      %swap3A_199 = vector.shape_cast %swap3A_198 : vector<1x16xf32> to vector<16xf32>
      %swap3A_200 = vector.shape_cast %get3A_195 : vector<16xf32> to vector<1x16xf32>
      tpu.vector_store %arg10[%swap3A_196, %swap3A_197], %swap3A_200 {strides = array<i32>} : memref<128x64xf32, #tpu.memory_space<vmem>>, vector<1x16xf32>,
      %add3A_201 = arith.constant 48 : i32
      %add3A_202 = arith.addi %squeeze3A_163, %add3A_201 : i32
      %get3A_203 = arith.index_cast %add3A_167 : i32 to index
      %get3A_204 = arith.index_cast %add3A_202 : i32 to index
      %get3A_205 = tpu.vector_load %arg7[%get3A_203, %get3A_204] {strides = array<i32>} : memref<128x128xf32, #tpu.memory_space<vmem>>, vector<1x16xf32>,
      %get3A_206 = vector.shape_cast %get3A_205 : vector<1x16xf32> to vector<16xf32>
      %swap3A_207 = arith.index_cast %add3A_167 : i32 to index
      %swap3A_208 = arith.constant 48 : index
      %swap3A_209 = tpu.vector_load %arg10[%swap3A_207, %swap3A_208] {strides = array<i32>} : memref<128x64xf32, #tpu.memory_space<vmem>>, vector<1x16xf32>,
      %swap3A_210 = vector.shape_cast %swap3A_209 : vector<1x16xf32> to vector<16xf32>
      %swap3A_211 = vector.shape_cast %get3A_206 : vector<16xf32> to vector<1x16xf32>
      tpu.vector_store %arg10[%swap3A_207, %swap3A_208], %swap3A_211 {strides = array<i32>} : memref<128x64xf32, #tpu.memory_space<vmem>>, vector<1x16xf32>,
      %slice3A_212 = vector.extract_strided_slice %mul3A_114 {offsets = [2], sizes = [1], strides = [1]} : vector<16xi32> to vector<1xi32>
      %squeeze3A_213 = vector.extract %slice3A_212[0] : i32 from vector<1xi32>
      %mul3A_214 = arith.constant 16 : i32
      %mul3A_215 = arith.muli %add3A_103, %mul3A_214 : i32
      %add3A_216 = arith.constant 2 : i32
      %add3A_217 = arith.addi %mul3A_215, %add3A_216 : i32
      %add3A_218 = arith.constant 0 : i32
      %add3A_219 = arith.addi %squeeze3A_213, %add3A_218 : i32
      %get3A_220 = arith.index_cast %add3A_217 : i32 to index
      %get3A_221 = arith.index_cast %add3A_219 : i32 to index
      %get3A_222 = tpu.vector_load %arg7[%get3A_220, %get3A_221] {strides = array<i32>} : memref<128x128xf32, #tpu.memory_space<vmem>>, vector<1x16xf32>,
      %get3A_223 = vector.shape_cast %get3A_222 : vector<1x16xf32> to vector<16xf32>
      %swap3A_224 = arith.index_cast %add3A_217 : i32 to index
      %swap3A_225 = arith.constant 0 : index
      %swap3A_226 = tpu.vector_load %arg10[%swap3A_224, %swap3A_225] {strides = array<i32>} : memref<128x64xf32, #tpu.memory_space<vmem>>, vector<1x16xf32>,
      %swap3A_227 = vector.shape_cast %swap3A_226 : vector<1x16xf32> to vector<16xf32>
      %swap3A_228 = vector.shape_cast %get3A_223 : vector<16xf32> to vector<1x16xf32>
      tpu.vector_store %arg10[%swap3A_224, %swap3A_225], %swap3A_228 {strides = array<i32>} : memref<128x64xf32, #tpu.memory_space<vmem>>, vector<1x16xf32>,
      %add3A_229 = arith.constant 16 : i32
      %add3A_230 = arith.addi %squeeze3A_213, %add3A_229 : i32
      %get3A_231 = arith.index_cast %add3A_217 : i32 to index
      %get3A_232 = arith.index_cast %add3A_230 : i32 to index
      %get3A_233 = tpu.vector_load %arg7[%get3A_231, %get3A_232] {strides = array<i32>} : memref<128x128xf32, #tpu.memory_space<vmem>>, vector<1x16xf32>,
      %get3A_234 = vector.shape_cast %get3A_233 : vector<1x16xf32> to vector<16xf32>
      %swap3A_235 = arith.index_cast %add3A_217 : i32 to index
      %swap3A_236 = arith.constant 16 : index
      %swap3A_237 = tpu.vector_load %arg10[%swap3A_235, %swap3A_236] {strides = array<i32>} : memref<128x64xf32, #tpu.memory_space<vmem>>, vector<1x16xf32>,
      %swap3A_238 = vector.shape_cast %swap3A_237 : vector<1x16xf32> to vector<16xf32>
      %swap3A_239 = vector.shape_cast %get3A_234 : vector<16xf32> to vector<1x16xf32>
      tpu.vector_store %arg10[%swap3A_235, %swap3A_236], %swap3A_239 {strides = array<i32>} : memref<128x64xf32, #tpu.memory_space<vmem>>, vector<1x16xf32>,
      %add3A_240 = arith.constant 32 : i32
      %add3A_241 = arith.addi %squeeze3A_213, %add3A_240 : i32
      %get3A_242 = arith.index_cast %add3A_217 : i32 to index
      %get3A_243 = arith.index_cast %add3A_241 : i32 to index
      %get3A_244 = tpu.vector_load %arg7[%get3A_242, %get3A_243] {strides = array<i32>} : memref<128x128xf32, #tpu.memory_space<vmem>>, vector<1x16xf32>,
      %get3A_245 = vector.shape_cast %get3A_244 : vector<1x16xf32> to vector<16xf32>
      %swap3A_246 = arith.index_cast %add3A_217 : i32 to index
      %swap3A_247 = arith.constant 32 : index
      %swap3A_248 = tpu.vector_load %arg10[%swap3A_246, %swap3A_247] {strides = array<i32>} : memref<128x64xf32, #tpu.memory_space<vmem>>, vector<1x16xf32>,
      %swap3A_249 = vector.shape_cast %swap3A_248 : vector<1x16xf32> to vector<16xf32>
      %swap3A_250 = vector.shape_cast %get3A_245 : vector<16xf32> to vector<1x16xf32>
      tpu.vector_store %arg10[%swap3A_246, %swap3A_247], %swap3A_250 {strides = array<i32>} : memref<128x64xf32, #tpu.memory_space<vmem>>, vector<1x16xf32>,
      %add3A_251 = arith.constant 48 : i32
      %add3A_252 = arith.addi %squeeze3A_213, %add3A_251 : i32
      %get3A_253 = arith.index_cast %add3A_217 : i32 to index
      %get3A_254 = arith.index_cast %add3A_252 : i32 to index
      %get3A_255 = tpu.vector_load %arg7[%get3A_253, %get3A_254] {strides = array<i32>} : memref<128x128xf32, #tpu.memory_space<vmem>>, vector<1x16xf32>,
      %get3A_256 = vector.shape_cast %get3A_255 : vector<1x16xf32> to vector<16xf32>
      %swap3A_257 = arith.index_cast %add3A_217 : i32 to index
      %swap3A_258 = arith.constant 48 : index
      %swap3A_259 = tpu.vector_load %arg10[%swap3A_257, %swap3A_258] {strides = array<i32>} : memref<128x64xf32, #tpu.memory_space<vmem>>, vector<1x16xf32>,
      %swap3A_260 = vector.shape_cast %swap3A_259 : vector<1x16xf32> to vector<16xf32>
      %swap3A_261 = vector.shape_cast %get3A_256 : vector<16xf32> to vector<1x16xf32>
      tpu.vector_store %arg10[%swap3A_257, %swap3A_258], %swap3A_261 {strides = array<i32>} : memref<128x64xf32, #tpu.memory_space<vmem>>, vector<1x16xf32>,
      %slice3A_262 = vector.extract_strided_slice %mul3A_114 {offsets = [3], sizes = [1], strides = [1]} : vector<16xi32> to vector<1xi32>
      %squeeze3A_263 = vector.extract %slice3A_262[0] : i32 from vector<1xi32>
      %mul3A_264 = arith.constant 16 : i32
      %mul3A_265 = arith.muli %add3A_103, %mul3A_264 : i32
      %add3A_266 = arith.constant 3 : i32
      %add3A_267 = arith.addi %mul3A_265, %add3A_266 : i32
      %add3A_268 = arith.constant 0 : i32
      %add3A_269 = arith.addi %squeeze3A_263, %add3A_268 : i32
      %get3A_270 = arith.index_cast %add3A_267 : i32 to index
      %get3A_271 = arith.index_cast %add3A_269 : i32 to index
      %get3A_272 = tpu.vector_load %arg7[%get3A_270, %get3A_271] {strides = array<i32>} : memref<128x128xf32, #tpu.memory_space<vmem>>, vector<1x16xf32>,
      %get3A_273 = vector.shape_cast %get3A_272 : vector<1x16xf32> to vector<16xf32>
      %swap3A_274 = arith.index_cast %add3A_267 : i32 to index
      %swap3A_275 = arith.constant 0 : index
      %swap3A_276 = tpu.vector_load %arg10[%swap3A_274, %swap3A_275] {strides = array<i32>} : memref<128x64xf32, #tpu.memory_space<vmem>>, vector<1x16xf32>,
      %swap3A_277 = vector.shape_cast %swap3A_276 : vector<1x16xf32> to vector<16xf32>
      %swap3A_278 = vector.shape_cast %get3A_273 : vector<16xf32> to vector<1x16xf32>
      tpu.vector_store %arg10[%swap3A_274, %swap3A_275], %swap3A_278 {strides = array<i32>} : memref<128x64xf32, #tpu.memory_space<vmem>>, vector<1x16xf32>,
      %add3A_279 = arith.constant 16 : i32
      %add3A_280 = arith.addi %squeeze3A_263, %add3A_279 : i32
      %get3A_281 = arith.index_cast %add3A_267 : i32 to index
      %get3A_282 = arith.index_cast %add3A_280 : i32 to index
      %get3A_283 = tpu.vector_load %arg7[%get3A_281, %get3A_282] {strides = array<i32>} : memref<128x128xf32, #tpu.memory_space<vmem>>, vector<1x16xf32>,
      %get3A_284 = vector.shape_cast %get3A_283 : vector<1x16xf32> to vector<16xf32>
      %swap3A_285 = arith.index_cast %add3A_267 : i32 to index
      %swap3A_286 = arith.constant 16 : index
      %swap3A_287 = tpu.vector_load %arg10[%swap3A_285, %swap3A_286] {strides = array<i32>} : memref<128x64xf32, #tpu.memory_space<vmem>>, vector<1x16xf32>,
      %swap3A_288 = vector.shape_cast %swap3A_287 : vector<1x16xf32> to vector<16xf32>
      %swap3A_289 = vector.shape_cast %get3A_284 : vector<16xf32> to vector<1x16xf32>
      tpu.vector_store %arg10[%swap3A_285, %swap3A_286], %swap3A_289 {strides = array<i32>} : memref<128x64xf32, #tpu.memory_space<vmem>>, vector<1x16xf32>,
      %add3A_290 = arith.constant 32 : i32
      %add3A_291 = arith.addi %squeeze3A_263, %add3A_290 : i32
      %get3A_292 = arith.index_cast %add3A_267 : i32 to index
      %get3A_293 = arith.index_cast %add3A_291 : i32 to index
      %get3A_294 = tpu.vector_load %arg7[%get3A_292, %get3A_293] {strides = array<i32>} : memref<128x128xf32, #tpu.memory_space<vmem>>, vector<1x16xf32>,
      %get3A_295 = vector.shape_cast %get3A_294 : vector<1x16xf32> to vector<16xf32>
      %swap3A_296 = arith.index_cast %add3A_267 : i32 to index
      %swap3A_297 = arith.constant 32 : index
      %swap3A_298 = tpu.vector_load %arg10[%swap3A_296, %swap3A_297] {strides = array<i32>} : memref<128x64xf32, #tpu.memory_space<vmem>>, vector<1x16xf32>,
      %swap3A_299 = vector.shape_cast %swap3A_298 : vector<1x16xf32> to vector<16xf32>
      %swap3A_300 = vector.shape_cast %get3A_295 : vector<16xf32> to vector<1x16xf32>
      tpu.vector_store %arg10[%swap3A_296, %swap3A_297], %swap3A_300 {strides = array<i32>} : memref<128x64xf32, #tpu.memory_space<vmem>>, vector<1x16xf32>,
      %add3A_301 = arith.constant 48 : i32
      %add3A_302 = arith.addi %squeeze3A_263, %add3A_301 : i32
      %get3A_303 = arith.index_cast %add3A_267 : i32 to index
      %get3A_304 = arith.index_cast %add3A_302 : i32 to index
      %get3A_305 = tpu.vector_load %arg7[%get3A_303, %get3A_304] {strides = array<i32>} : memref<128x128xf32, #tpu.memory_space<vmem>>, vector<1x16xf32>,
      %get3A_306 = vector.shape_cast %get3A_305 : vector<1x16xf32> to vector<16xf32>
      %swap3A_307 = arith.index_cast %add3A_267 : i32 to index
      %swap3A_308 = arith.constant 48 : index
      %swap3A_309 = tpu.vector_load %arg10[%swap3A_307, %swap3A_308] {strides = array<i32>} : memref<128x64xf32, #tpu.memory_space<vmem>>, vector<1x16xf32>,
      %swap3A_310 = vector.shape_cast %swap3A_309 : vector<1x16xf32> to vector<16xf32>
      %swap3A_311 = vector.shape_cast %get3A_306 : vector<16xf32> to vector<1x16xf32>
      tpu.vector_store %arg10[%swap3A_307, %swap3A_308], %swap3A_311 {strides = array<i32>} : memref<128x64xf32, #tpu.memory_space<vmem>>, vector<1x16xf32>,
      %slice3A_312 = vector.extract_strided_slice %mul3A_114 {offsets = [4], sizes = [1], strides = [1]} : vector<16xi32> to vector<1xi32>
      %squeeze3A_313 = vector.extract %slice3A_312[0] : i32 from vector<1xi32>
      %mul3A_314 = arith.constant 16 : i32
      %mul3A_315 = arith.muli %add3A_103, %mul3A_314 : i32
      %add3A_316 = arith.constant 4 : i32
      %add3A_317 = arith.addi %mul3A_315, %add3A_316 : i32
      %add3A_318 = arith.constant 0 : i32
      %add3A_319 = arith.addi %squeeze3A_313, %add3A_318 : i32
      %get3A_320 = arith.index_cast %add3A_317 : i32 to index
      %get3A_321 = arith.index_cast %add3A_319 : i32 to index
      %get3A_322 = tpu.vector_load %arg7[%get3A_320, %get3A_321] {strides = array<i32>} : memref<128x128xf32, #tpu.memory_space<vmem>>, vector<1x16xf32>,
      %get3A_323 = vector.shape_cast %get3A_322 : vector<1x16xf32> to vector<16xf32>
      %swap3A_324 = arith.index_cast %add3A_317 : i32 to index
      %swap3A_325 = arith.constant 0 : index
      %swap3A_326 = tpu.vector_load %arg10[%swap3A_324, %swap3A_325] {strides = array<i32>} : memref<128x64xf32, #tpu.memory_space<vmem>>, vector<1x16xf32>,
      %swap3A_327 = vector.shape_cast %swap3A_326 : vector<1x16xf32> to vector<16xf32>
      %swap3A_328 = vector.shape_cast %get3A_323 : vector<16xf32> to vector<1x16xf32>
      tpu.vector_store %arg10[%swap3A_324, %swap3A_325], %swap3A_328 {strides = array<i32>} : memref<128x64xf32, #tpu.memory_space<vmem>>, vector<1x16xf32>,
      %add3A_329 = arith.constant 16 : i32
      %add3A_330 = arith.addi %squeeze3A_313, %add3A_329 : i32
      %get3A_331 = arith.index_cast %add3A_317 : i32 to index
      %get3A_332 = arith.index_cast %add3A_330 : i32 to index
      %get3A_333 = tpu.vector_load %arg7[%get3A_331, %get3A_332] {strides = array<i32>} : memref<128x128xf32, #tpu.memory_space<vmem>>, vector<1x16xf32>,
      %get3A_334 = vector.shape_cast %get3A_333 : vector<1x16xf32> to vector<16xf32>
      %swap3A_335 = arith.index_cast %add3A_317 : i32 to index
      %swap3A_336 = arith.constant 16 : index
      %swap3A_337 = tpu.vector_load %arg10[%swap3A_335, %swap3A_336] {strides = array<i32>} : memref<128x64xf32, #tpu.memory_space<vmem>>, vector<1x16xf32>,
      %swap3A_338 = vector.shape_cast %swap3A_337 : vector<1x16xf32> to vector<16xf32>
      %swap3A_339 = vector.shape_cast %get3A_334 : vector<16xf32> to vector<1x16xf32>
      tpu.vector_store %arg10[%swap3A_335, %swap3A_336], %swap3A_339 {strides = array<i32>} : memref<128x64xf32, #tpu.memory_space<vmem>>, vector<1x16xf32>,
      %add3A_340 = arith.constant 32 : i32
      %add3A_341 = arith.addi %squeeze3A_313, %add3A_340 : i32
      %get3A_342 = arith.index_cast %add3A_317 : i32 to index
      %get3A_343 = arith.index_cast %add3A_341 : i32 to index
      %get3A_344 = tpu.vector_load %arg7[%get3A_342, %get3A_343] {strides = array<i32>} : memref<128x128xf32, #tpu.memory_space<vmem>>, vector<1x16xf32>,
      %get3A_345 = vector.shape_cast %get3A_344 : vector<1x16xf32> to vector<16xf32>
      %swap3A_346 = arith.index_cast %add3A_317 : i32 to index
      %swap3A_347 = arith.constant 32 : index
      %swap3A_348 = tpu.vector_load %arg10[%swap3A_346, %swap3A_347] {strides = array<i32>} : memref<128x64xf32, #tpu.memory_space<vmem>>, vector<1x16xf32>,
      %swap3A_349 = vector.shape_cast %swap3A_348 : vector<1x16xf32> to vector<16xf32>
      %swap3A_350 = vector.shape_cast %get3A_345 : vector<16xf32> to vector<1x16xf32>
      tpu.vector_store %arg10[%swap3A_346, %swap3A_347], %swap3A_350 {strides = array<i32>} : memref<128x64xf32, #tpu.memory_space<vmem>>, vector<1x16xf32>,
      %add3A_351 = arith.constant 48 : i32
      %add3A_352 = arith.addi %squeeze3A_313, %add3A_351 : i32
      %get3A_353 = arith.index_cast %add3A_317 : i32 to index
      %get3A_354 = arith.index_cast %add3A_352 : i32 to index
      %get3A_355 = tpu.vector_load %arg7[%get3A_353, %get3A_354] {strides = array<i32>} : memref<128x128xf32, #tpu.memory_space<vmem>>, vector<1x16xf32>,
      %get3A_356 = vector.shape_cast %get3A_355 : vector<1x16xf32> to vector<16xf32>
      %swap3A_357 = arith.index_cast %add3A_317 : i32 to index
      %swap3A_358 = arith.constant 48 : index
      %swap3A_359 = tpu.vector_load %arg10[%swap3A_357, %swap3A_358] {strides = array<i32>} : memref<128x64xf32, #tpu.memory_space<vmem>>, vector<1x16xf32>,
      %swap3A_360 = vector.shape_cast %swap3A_359 : vector<1x16xf32> to vector<16xf32>
      %swap3A_361 = vector.shape_cast %get3A_356 : vector<16xf32> to vector<1x16xf32>
      tpu.vector_store %arg10[%swap3A_357, %swap3A_358], %swap3A_361 {strides = array<i32>} : memref<128x64xf32, #tpu.memory_space<vmem>>, vector<1x16xf32>,
      %slice3A_362 = vector.extract_strided_slice %mul3A_114 {offsets = [5], sizes = [1], strides = [1]} : vector<16xi32> to vector<1xi32>
      %squeeze3A_363 = vector.extract %slice3A_362[0] : i32 from vector<1xi32>
      %mul3A_364 = arith.constant 16 : i32
      %mul3A_365 = arith.muli %add3A_103, %mul3A_364 : i32
      %add3A_366 = arith.constant 5 : i32
      %add3A_367 = arith.addi %mul3A_365, %add3A_366 : i32
      %add3A_368 = arith.constant 0 : i32
      %add3A_369 = arith.addi %squeeze3A_363, %add3A_368 : i32
      %get3A_370 = arith.index_cast %add3A_367 : i32 to index
      %get3A_371 = arith.index_cast %add3A_369 : i32 to index
      %get3A_372 = tpu.vector_load %arg7[%get3A_370, %get3A_371] {strides = array<i32>} : memref<128x128xf32, #tpu.memory_space<vmem>>, vector<1x16xf32>,
      %get3A_373 = vector.shape_cast %get3A_372 : vector<1x16xf32> to vector<16xf32>
      %swap3A_374 = arith.index_cast %add3A_367 : i32 to index
      %swap3A_375 = arith.constant 0 : index
      %swap3A_376 = tpu.vector_load %arg10[%swap3A_374, %swap3A_375] {strides = array<i32>} : memref<128x64xf32, #tpu.memory_space<vmem>>, vector<1x16xf32>,
      %swap3A_377 = vector.shape_cast %swap3A_376 : vector<1x16xf32> to vector<16xf32>
      %swap3A_378 = vector.shape_cast %get3A_373 : vector<16xf32> to vector<1x16xf32>
      tpu.vector_store %arg10[%swap3A_374, %swap3A_375], %swap3A_378 {strides = array<i32>} : memref<128x64xf32, #tpu.memory_space<vmem>>, vector<1x16xf32>,
      %add3A_379 = arith.constant 16 : i32
      %add3A_380 = arith.addi %squeeze3A_363, %add3A_379 : i32
      %get3A_381 = arith.index_cast %add3A_367 : i32 to index
      %get3A_382 = arith.index_cast %add3A_380 : i32 to index
      %get3A_383 = tpu.vector_load %arg7[%get3A_381, %get3A_382] {strides = array<i32>} : memref<128x128xf32, #tpu.memory_space<vmem>>, vector<1x16xf32>,
      %get3A_384 = vector.shape_cast %get3A_383 : vector<1x16xf32> to vector<16xf32>
      %swap3A_385 = arith.index_cast %add3A_367 : i32 to index
      %swap3A_386 = arith.constant 16 : index
      %swap3A_387 = tpu.vector_load %arg10[%swap3A_385, %swap3A_386] {strides = array<i32>} : memref<128x64xf32, #tpu.memory_space<vmem>>, vector<1x16xf32>,
      %swap3A_388 = vector.shape_cast %swap3A_387 : vector<1x16xf32> to vector<16xf32>
      %swap3A_389 = vector.shape_cast %get3A_384 : vector<16xf32> to vector<1x16xf32>
      tpu.vector_store %arg10[%swap3A_385, %swap3A_386], %swap3A_389 {strides = array<i32>} : memref<128x64xf32, #tpu.memory_space<vmem>>, vector<1x16xf32>,
      %add3A_390 = arith.constant 32 : i32
      %add3A_391 = arith.addi %squeeze3A_363, %add3A_390 : i32
      %get3A_392 = arith.index_cast %add3A_367 : i32 to index
      %get3A_393 = arith.index_cast %add3A_391 : i32 to index
      %get3A_394 = tpu.vector_load %arg7[%get3A_392, %get3A_393] {strides = array<i32>} : memref<128x128xf32, #tpu.memory_space<vmem>>, vector<1x16xf32>,
      %get3A_395 = vector.shape_cast %get3A_394 : vector<1x16xf32> to vector<16xf32>
      %swap3A_396 = arith.index_cast %add3A_367 : i32 to index
      %swap3A_397 = arith.constant 32 : index
      %swap3A_398 = tpu.vector_load %arg10[%swap3A_396, %swap3A_397] {strides = array<i32>} : memref<128x64xf32, #tpu.memory_space<vmem>>, vector<1x16xf32>,
      %swap3A_399 = vector.shape_cast %swap3A_398 : vector<1x16xf32> to vector<16xf32>
      %swap3A_400 = vector.shape_cast %get3A_395 : vector<16xf32> to vector<1x16xf32>
      tpu.vector_store %arg10[%swap3A_396, %swap3A_397], %swap3A_400 {strides = array<i32>} : memref<128x64xf32, #tpu.memory_space<vmem>>, vector<1x16xf32>,
      %add3A_401 = arith.constant 48 : i32
      %add3A_402 = arith.addi %squeeze3A_363, %add3A_401 : i32
      %get3A_403 = arith.index_cast %add3A_367 : i32 to index
      %get3A_404 = arith.index_cast %add3A_402 : i32 to index
      %get3A_405 = tpu.vector_load %arg7[%get3A_403, %get3A_404] {strides = array<i32>} : memref<128x128xf32, #tpu.memory_space<vmem>>, vector<1x16xf32>,
      %get3A_406 = vector.shape_cast %get3A_405 : vector<1x16xf32> to vector<16xf32>
      %swap3A_407 = arith.index_cast %add3A_367 : i32 to index
      %swap3A_408 = arith.constant 48 : index
      %swap3A_409 = tpu.vector_load %arg10[%swap3A_407, %swap3A_408] {strides = array<i32>} : memref<128x64xf32, #tpu.memory_space<vmem>>, vector<1x16xf32>,
      %swap3A_410 = vector.shape_cast %swap3A_409 : vector<1x16xf32> to vector<16xf32>
      %swap3A_411 = vector.shape_cast %get3A_406 : vector<16xf32> to vector<1x16xf32>
      tpu.vector_store %arg10[%swap3A_407, %swap3A_408], %swap3A_411 {strides = array<i32>} : memref<128x64xf32, #tpu.memory_space<vmem>>, vector<1x16xf32>,
      %slice3A_412 = vector.extract_strided_slice %mul3A_114 {offsets = [6], sizes = [1], strides = [1]} : vector<16xi32> to vector<1xi32>
      %squeeze3A_413 = vector.extract %slice3A_412[0] : i32 from vector<1xi32>
      %mul3A_414 = arith.constant 16 : i32
      %mul3A_415 = arith.muli %add3A_103, %mul3A_414 : i32
      %add3A_416 = arith.constant 6 : i32
      %add3A_417 = arith.addi %mul3A_415, %add3A_416 : i32
      %add3A_418 = arith.constant 0 : i32
      %add3A_419 = arith.addi %squeeze3A_413, %add3A_418 : i32
      %get3A_420 = arith.index_cast %add3A_417 : i32 to index
      %get3A_421 = arith.index_cast %add3A_419 : i32 to index
      %get3A_422 = tpu.vector_load %arg7[%get3A_420, %get3A_421] {strides = array<i32>} : memref<128x128xf32, #tpu.memory_space<vmem>>, vector<1x16xf32>,
      %get3A_423 = vector.shape_cast %get3A_422 : vector<1x16xf32> to vector<16xf32>
      %swap3A_424 = arith.index_cast %add3A_417 : i32 to index
      %swap3A_425 = arith.constant 0 : index
      %swap3A_426 = tpu.vector_load %arg10[%swap3A_424, %swap3A_425] {strides = array<i32>} : memref<128x64xf32, #tpu.memory_space<vmem>>, vector<1x16xf32>,
      %swap3A_427 = vector.shape_cast %swap3A_426 : vector<1x16xf32> to vector<16xf32>
      %swap3A_428 = vector.shape_cast %get3A_423 : vector<16xf32> to vector<1x16xf32>
      tpu.vector_store %arg10[%swap3A_424, %swap3A_425], %swap3A_428 {strides = array<i32>} : memref<128x64xf32, #tpu.memory_space<vmem>>, vector<1x16xf32>,
      %add3A_429 = arith.constant 16 : i32
      %add3A_430 = arith.addi %squeeze3A_413, %add3A_429 : i32
      %get3A_431 = arith.index_cast %add3A_417 : i32 to index
      %get3A_432 = arith.index_cast %add3A_430 : i32 to index
      %get3A_433 = tpu.vector_load %arg7[%get3A_431, %get3A_432] {strides = array<i32>} : memref<128x128xf32, #tpu.memory_space<vmem>>, vector<1x16xf32>,
      %get3A_434 = vector.shape_cast %get3A_433 : vector<1x16xf32> to vector<16xf32>
      %swap3A_435 = arith.index_cast %add3A_417 : i32 to index
      %swap3A_436 = arith.constant 16 : index
      %swap3A_437 = tpu.vector_load %arg10[%swap3A_435, %swap3A_436] {strides = array<i32>} : memref<128x64xf32, #tpu.memory_space<vmem>>, vector<1x16xf32>,
      %swap3A_438 = vector.shape_cast %swap3A_437 : vector<1x16xf32> to vector<16xf32>
      %swap3A_439 = vector.shape_cast %get3A_434 : vector<16xf32> to vector<1x16xf32>
      tpu.vector_store %arg10[%swap3A_435, %swap3A_436], %swap3A_439 {strides = array<i32>} : memref<128x64xf32, #tpu.memory_space<vmem>>, vector<1x16xf32>,
      %add3A_440 = arith.constant 32 : i32
      %add3A_441 = arith.addi %squeeze3A_413, %add3A_440 : i32
      %get3A_442 = arith.index_cast %add3A_417 : i32 to index
      %get3A_443 = arith.index_cast %add3A_441 : i32 to index
      %get3A_444 = tpu.vector_load %arg7[%get3A_442, %get3A_443] {strides = array<i32>} : memref<128x128xf32, #tpu.memory_space<vmem>>, vector<1x16xf32>,
      %get3A_445 = vector.shape_cast %get3A_444 : vector<1x16xf32> to vector<16xf32>
      %swap3A_446 = arith.index_cast %add3A_417 : i32 to index
      %swap3A_447 = arith.constant 32 : index
      %swap3A_448 = tpu.vector_load %arg10[%swap3A_446, %swap3A_447] {strides = array<i32>} : memref<128x64xf32, #tpu.memory_space<vmem>>, vector<1x16xf32>,
      %swap3A_449 = vector.shape_cast %swap3A_448 : vector<1x16xf32> to vector<16xf32>
      %swap3A_450 = vector.shape_cast %get3A_445 : vector<16xf32> to vector<1x16xf32>
      tpu.vector_store %arg10[%swap3A_446, %swap3A_447], %swap3A_450 {strides = array<i32>} : memref<128x64xf32, #tpu.memory_space<vmem>>, vector<1x16xf32>,
      %add3A_451 = arith.constant 48 : i32
      %add3A_452 = arith.addi %squeeze3A_413, %add3A_451 : i32
      %get3A_453 = arith.index_cast %add3A_417 : i32 to index
      %get3A_454 = arith.index_cast %add3A_452 : i32 to index
      %get3A_455 = tpu.vector_load %arg7[%get3A_453, %get3A_454] {strides = array<i32>} : memref<128x128xf32, #tpu.memory_space<vmem>>, vector<1x16xf32>,
      %get3A_456 = vector.shape_cast %get3A_455 : vector<1x16xf32> to vector<16xf32>
      %swap3A_457 = arith.index_cast %add3A_417 : i32 to index
      %swap3A_458 = arith.constant 48 : index
      %swap3A_459 = tpu.vector_load %arg10[%swap3A_457, %swap3A_458] {strides = array<i32>} : memref<128x64xf32, #tpu.memory_space<vmem>>, vector<1x16xf32>,
      %swap3A_460 = vector.shape_cast %swap3A_459 : vector<1x16xf32> to vector<16xf32>
      %swap3A_461 = vector.shape_cast %get3A_456 : vector<16xf32> to vector<1x16xf32>
      tpu.vector_store %arg10[%swap3A_457, %swap3A_458], %swap3A_461 {strides = array<i32>} : memref<128x64xf32, #tpu.memory_space<vmem>>, vector<1x16xf32>,
      %slice3A_462 = vector.extract_strided_slice %mul3A_114 {offsets = [7], sizes = [1], strides = [1]} : vector<16xi32> to vector<1xi32>
      %squeeze3A_463 = vector.extract %slice3A_462[0] : i32 from vector<1xi32>
      %mul3A_464 = arith.constant 16 : i32
      %mul3A_465 = arith.muli %add3A_103, %mul3A_464 : i32
      %add3A_466 = arith.constant 7 : i32
      %add3A_467 = arith.addi %mul3A_465, %add3A_466 : i32
      %add3A_468 = arith.constant 0 : i32
      %add3A_469 = arith.addi %squeeze3A_463, %add3A_468 : i32
      %get3A_470 = arith.index_cast %add3A_467 : i32 to index
      %get3A_471 = arith.index_cast %add3A_469 : i32 to index
      %get3A_472 = tpu.vector_load %arg7[%get3A_470, %get3A_471] {strides = array<i32>} : memref<128x128xf32, #tpu.memory_space<vmem>>, vector<1x16xf32>,
      %get3A_473 = vector.shape_cast %get3A_472 : vector<1x16xf32> to vector<16xf32>
      %swap3A_474 = arith.index_cast %add3A_467 : i32 to index
      %swap3A_475 = arith.constant 0 : index
      %swap3A_476 = tpu.vector_load %arg10[%swap3A_474, %swap3A_475] {strides = array<i32>} : memref<128x64xf32, #tpu.memory_space<vmem>>, vector<1x16xf32>,
      %swap3A_477 = vector.shape_cast %swap3A_476 : vector<1x16xf32> to vector<16xf32>
      %swap3A_478 = vector.shape_cast %get3A_473 : vector<16xf32> to vector<1x16xf32>
      tpu.vector_store %arg10[%swap3A_474, %swap3A_475], %swap3A_478 {strides = array<i32>} : memref<128x64xf32, #tpu.memory_space<vmem>>, vector<1x16xf32>,
      %add3A_479 = arith.constant 16 : i32
      %add3A_480 = arith.addi %squeeze3A_463, %add3A_479 : i32
      %get3A_481 = arith.index_cast %add3A_467 : i32 to index
      %get3A_482 = arith.index_cast %add3A_480 : i32 to index
      %get3A_483 = tpu.vector_load %arg7[%get3A_481, %get3A_482] {strides = array<i32>} : memref<128x128xf32, #tpu.memory_space<vmem>>, vector<1x16xf32>,
      %get3A_484 = vector.shape_cast %get3A_483 : vector<1x16xf32> to vector<16xf32>
      %swap3A_485 = arith.index_cast %add3A_467 : i32 to index
      %swap3A_486 = arith.constant 16 : index
      %swap3A_487 = tpu.vector_load %arg10[%swap3A_485, %swap3A_486] {strides = array<i32>} : memref<128x64xf32, #tpu.memory_space<vmem>>, vector<1x16xf32>,
      %swap3A_488 = vector.shape_cast %swap3A_487 : vector<1x16xf32> to vector<16xf32>
      %swap3A_489 = vector.shape_cast %get3A_484 : vector<16xf32> to vector<1x16xf32>
      tpu.vector_store %arg10[%swap3A_485, %swap3A_486], %swap3A_489 {strides = array<i32>} : memref<128x64xf32, #tpu.memory_space<vmem>>, vector<1x16xf32>,
      %add3A_490 = arith.constant 32 : i32
      %add3A_491 = arith.addi %squeeze3A_463, %add3A_490 : i32
      %get3A_492 = arith.index_cast %add3A_467 : i32 to index
      %get3A_493 = arith.index_cast %add3A_491 : i32 to index
      %get3A_494 = tpu.vector_load %arg7[%get3A_492, %get3A_493] {strides = array<i32>} : memref<128x128xf32, #tpu.memory_space<vmem>>, vector<1x16xf32>,
      %get3A_495 = vector.shape_cast %get3A_494 : vector<1x16xf32> to vector<16xf32>
      %swap3A_496 = arith.index_cast %add3A_467 : i32 to index
      %swap3A_497 = arith.constant 32 : index
      %swap3A_498 = tpu.vector_load %arg10[%swap3A_496, %swap3A_497] {strides = array<i32>} : memref<128x64xf32, #tpu.memory_space<vmem>>, vector<1x16xf32>,
      %swap3A_499 = vector.shape_cast %swap3A_498 : vector<1x16xf32> to vector<16xf32>
      %swap3A_500 = vector.shape_cast %get3A_495 : vector<16xf32> to vector<1x16xf32>
      tpu.vector_store %arg10[%swap3A_496, %swap3A_497], %swap3A_500 {strides = array<i32>} : memref<128x64xf32, #tpu.memory_space<vmem>>, vector<1x16xf32>,
      %add3A_501 = arith.constant 48 : i32
      %add3A_502 = arith.addi %squeeze3A_463, %add3A_501 : i32
      %get3A_503 = arith.index_cast %add3A_467 : i32 to index
      %get3A_504 = arith.index_cast %add3A_502 : i32 to index
      %get3A_505 = tpu.vector_load %arg7[%get3A_503, %get3A_504] {strides = array<i32>} : memref<128x128xf32, #tpu.memory_space<vmem>>, vector<1x16xf32>,
      %get3A_506 = vector.shape_cast %get3A_505 : vector<1x16xf32> to vector<16xf32>
      %swap3A_507 = arith.index_cast %add3A_467 : i32 to index
      %swap3A_508 = arith.constant 48 : index
      %swap3A_509 = tpu.vector_load %arg10[%swap3A_507, %swap3A_508] {strides = array<i32>} : memref<128x64xf32, #tpu.memory_space<vmem>>, vector<1x16xf32>,
      %swap3A_510 = vector.shape_cast %swap3A_509 : vector<1x16xf32> to vector<16xf32>
      %swap3A_511 = vector.shape_cast %get3A_506 : vector<16xf32> to vector<1x16xf32>
      tpu.vector_store %arg10[%swap3A_507, %swap3A_508], %swap3A_511 {strides = array<i32>} : memref<128x64xf32, #tpu.memory_space<vmem>>, vector<1x16xf32>,
      %slice3A_512 = vector.extract_strided_slice %mul3A_114 {offsets = [8], sizes = [1], strides = [1]} : vector<16xi32> to vector<1xi32>
      %squeeze3A_513 = vector.extract %slice3A_512[0] : i32 from vector<1xi32>
      %mul3A_514 = arith.constant 16 : i32
      %mul3A_515 = arith.muli %add3A_103, %mul3A_514 : i32
      %add3A_516 = arith.constant 8 : i32
      %add3A_517 = arith.addi %mul3A_515, %add3A_516 : i32
      %add3A_518 = arith.constant 0 : i32
      %add3A_519 = arith.addi %squeeze3A_513, %add3A_518 : i32
      %get3A_520 = arith.index_cast %add3A_517 : i32 to index
      %get3A_521 = arith.index_cast %add3A_519 : i32 to index
      %get3A_522 = tpu.vector_load %arg7[%get3A_520, %get3A_521] {strides = array<i32>} : memref<128x128xf32, #tpu.memory_space<vmem>>, vector<1x16xf32>,
      %get3A_523 = vector.shape_cast %get3A_522 : vector<1x16xf32> to vector<16xf32>
      %swap3A_524 = arith.index_cast %add3A_517 : i32 to index
      %swap3A_525 = arith.constant 0 : index
      %swap3A_526 = tpu.vector_load %arg10[%swap3A_524, %swap3A_525] {strides = array<i32>} : memref<128x64xf32, #tpu.memory_space<vmem>>, vector<1x16xf32>,
      %swap3A_527 = vector.shape_cast %swap3A_526 : vector<1x16xf32> to vector<16xf32>
      %swap3A_528 = vector.shape_cast %get3A_523 : vector<16xf32> to vector<1x16xf32>
      tpu.vector_store %arg10[%swap3A_524, %swap3A_525], %swap3A_528 {strides = array<i32>} : memref<128x64xf32, #tpu.memory_space<vmem>>, vector<1x16xf32>,
      %add3A_529 = arith.constant 16 : i32
      %add3A_530 = arith.addi %squeeze3A_513, %add3A_529 : i32
      %get3A_531 = arith.index_cast %add3A_517 : i32 to index
      %get3A_532 = arith.index_cast %add3A_530 : i32 to index
      %get3A_533 = tpu.vector_load %arg7[%get3A_531, %get3A_532] {strides = array<i32>} : memref<128x128xf32, #tpu.memory_space<vmem>>, vector<1x16xf32>,
      %get3A_534 = vector.shape_cast %get3A_533 : vector<1x16xf32> to vector<16xf32>
      %swap3A_535 = arith.index_cast %add3A_517 : i32 to index
      %swap3A_536 = arith.constant 16 : index
      %swap3A_537 = tpu.vector_load %arg10[%swap3A_535, %swap3A_536] {strides = array<i32>} : memref<128x64xf32, #tpu.memory_space<vmem>>, vector<1x16xf32>,
      %swap3A_538 = vector.shape_cast %swap3A_537 : vector<1x16xf32> to vector<16xf32>
      %swap3A_539 = vector.shape_cast %get3A_534 : vector<16xf32> to vector<1x16xf32>
      tpu.vector_store %arg10[%swap3A_535, %swap3A_536], %swap3A_539 {strides = array<i32>} : memref<128x64xf32, #tpu.memory_space<vmem>>, vector<1x16xf32>,
      %add3A_540 = arith.constant 32 : i32
      %add3A_541 = arith.addi %squeeze3A_513, %add3A_540 : i32
      %get3A_542 = arith.index_cast %add3A_517 : i32 to index
      %get3A_543 = arith.index_cast %add3A_541 : i32 to index
      %get3A_544 = tpu.vector_load %arg7[%get3A_542, %get3A_543] {strides = array<i32>} : memref<128x128xf32, #tpu.memory_space<vmem>>, vector<1x16xf32>,
      %get3A_545 = vector.shape_cast %get3A_544 : vector<1x16xf32> to vector<16xf32>
      %swap3A_546 = arith.index_cast %add3A_517 : i32 to index
      %swap3A_547 = arith.constant 32 : index
      %swap3A_548 = tpu.vector_load %arg10[%swap3A_546, %swap3A_547] {strides = array<i32>} : memref<128x64xf32, #tpu.memory_space<vmem>>, vector<1x16xf32>,
      %swap3A_549 = vector.shape_cast %swap3A_548 : vector<1x16xf32> to vector<16xf32>
      %swap3A_550 = vector.shape_cast %get3A_545 : vector<16xf32> to vector<1x16xf32>
      tpu.vector_store %arg10[%swap3A_546, %swap3A_547], %swap3A_550 {strides = array<i32>} : memref<128x64xf32, #tpu.memory_space<vmem>>, vector<1x16xf32>,
      %add3A_551 = arith.constant 48 : i32
      %add3A_552 = arith.addi %squeeze3A_513, %add3A_551 : i32
      %get3A_553 = arith.index_cast %add3A_517 : i32 to index
      %get3A_554 = arith.index_cast %add3A_552 : i32 to index
      %get3A_555 = tpu.vector_load %arg7[%get3A_553, %get3A_554] {strides = array<i32>} : memref<128x128xf32, #tpu.memory_space<vmem>>, vector<1x16xf32>,
      %get3A_556 = vector.shape_cast %get3A_555 : vector<1x16xf32> to vector<16xf32>
      %swap3A_557 = arith.index_cast %add3A_517 : i32 to index
      %swap3A_558 = arith.constant 48 : index
      %swap3A_559 = tpu.vector_load %arg10[%swap3A_557, %swap3A_558] {strides = array<i32>} : memref<128x64xf32, #tpu.memory_space<vmem>>, vector<1x16xf32>,
      %swap3A_560 = vector.shape_cast %swap3A_559 : vector<1x16xf32> to vector<16xf32>
      %swap3A_561 = vector.shape_cast %get3A_556 : vector<16xf32> to vector<1x16xf32>
      tpu.vector_store %arg10[%swap3A_557, %swap3A_558], %swap3A_561 {strides = array<i32>} : memref<128x64xf32, #tpu.memory_space<vmem>>, vector<1x16xf32>,
      %slice3A_562 = vector.extract_strided_slice %mul3A_114 {offsets = [9], sizes = [1], strides = [1]} : vector<16xi32> to vector<1xi32>
      %squeeze3A_563 = vector.extract %slice3A_562[0] : i32 from vector<1xi32>
      %mul3A_564 = arith.constant 16 : i32
      %mul3A_565 = arith.muli %add3A_103, %mul3A_564 : i32
      %add3A_566 = arith.constant 9 : i32
      %add3A_567 = arith.addi %mul3A_565, %add3A_566 : i32
      %add3A_568 = arith.constant 0 : i32
      %add3A_569 = arith.addi %squeeze3A_563, %add3A_568 : i32
      %get3A_570 = arith.index_cast %add3A_567 : i32 to index
      %get3A_571 = arith.index_cast %add3A_569 : i32 to index
      %get3A_572 = tpu.vector_load %arg7[%get3A_570, %get3A_571] {strides = array<i32>} : memref<128x128xf32, #tpu.memory_space<vmem>>, vector<1x16xf32>,
      %get3A_573 = vector.shape_cast %get3A_572 : vector<1x16xf32> to vector<16xf32>
      %swap3A_574 = arith.index_cast %add3A_567 : i32 to index
      %swap3A_575 = arith.constant 0 : index
      %swap3A_576 = tpu.vector_load %arg10[%swap3A_574, %swap3A_575] {strides = array<i32>} : memref<128x64xf32, #tpu.memory_space<vmem>>, vector<1x16xf32>,
      %swap3A_577 = vector.shape_cast %swap3A_576 : vector<1x16xf32> to vector<16xf32>
      %swap3A_578 = vector.shape_cast %get3A_573 : vector<16xf32> to vector<1x16xf32>
      tpu.vector_store %arg10[%swap3A_574, %swap3A_575], %swap3A_578 {strides = array<i32>} : memref<128x64xf32, #tpu.memory_space<vmem>>, vector<1x16xf32>,
      %add3A_579 = arith.constant 16 : i32
      %add3A_580 = arith.addi %squeeze3A_563, %add3A_579 : i32
      %get3A_581 = arith.index_cast %add3A_567 : i32 to index
      %get3A_582 = arith.index_cast %add3A_580 : i32 to index
      %get3A_583 = tpu.vector_load %arg7[%get3A_581, %get3A_582] {strides = array<i32>} : memref<128x128xf32, #tpu.memory_space<vmem>>, vector<1x16xf32>,
      %get3A_584 = vector.shape_cast %get3A_583 : vector<1x16xf32> to vector<16xf32>
      %swap3A_585 = arith.index_cast %add3A_567 : i32 to index
      %swap3A_586 = arith.constant 16 : index
      %swap3A_587 = tpu.vector_load %arg10[%swap3A_585, %swap3A_586] {strides = array<i32>} : memref<128x64xf32, #tpu.memory_space<vmem>>, vector<1x16xf32>,
      %swap3A_588 = vector.shape_cast %swap3A_587 : vector<1x16xf32> to vector<16xf32>
      %swap3A_589 = vector.shape_cast %get3A_584 : vector<16xf32> to vector<1x16xf32>
      tpu.vector_store %arg10[%swap3A_585, %swap3A_586], %swap3A_589 {strides = array<i32>} : memref<128x64xf32, #tpu.memory_space<vmem>>, vector<1x16xf32>,
      %add3A_590 = arith.constant 32 : i32
      %add3A_591 = arith.addi %squeeze3A_563, %add3A_590 : i32
      %get3A_592 = arith.index_cast %add3A_567 : i32 to index
      %get3A_593 = arith.index_cast %add3A_591 : i32 to index
      %get3A_594 = tpu.vector_load %arg7[%get3A_592, %get3A_593] {strides = array<i32>} : memref<128x128xf32, #tpu.memory_space<vmem>>, vector<1x16xf32>,
      %get3A_595 = vector.shape_cast %get3A_594 : vector<1x16xf32> to vector<16xf32>
      %swap3A_596 = arith.index_cast %add3A_567 : i32 to index
      %swap3A_597 = arith.constant 32 : index
      %swap3A_598 = tpu.vector_load %arg10[%swap3A_596, %swap3A_597] {strides = array<i32>} : memref<128x64xf32, #tpu.memory_space<vmem>>, vector<1x16xf32>,
      %swap3A_599 = vector.shape_cast %swap3A_598 : vector<1x16xf32> to vector<16xf32>
      %swap3A_600 = vector.shape_cast %get3A_595 : vector<16xf32> to vector<1x16xf32>
      tpu.vector_store %arg10[%swap3A_596, %swap3A_597], %swap3A_600 {strides = array<i32>} : memref<128x64xf32, #tpu.memory_space<vmem>>, vector<1x16xf32>,
      %add3A_601 = arith.constant 48 : i32
      %add3A_602 = arith.addi %squeeze3A_563, %add3A_601 : i32
      %get3A_603 = arith.index_cast %add3A_567 : i32 to index
      %get3A_604 = arith.index_cast %add3A_602 : i32 to index
      %get3A_605 = tpu.vector_load %arg7[%get3A_603, %get3A_604] {strides = array<i32>} : memref<128x128xf32, #tpu.memory_space<vmem>>, vector<1x16xf32>,
      %get3A_606 = vector.shape_cast %get3A_605 : vector<1x16xf32> to vector<16xf32>
      %swap3A_607 = arith.index_cast %add3A_567 : i32 to index
      %swap3A_608 = arith.constant 48 : index
      %swap3A_609 = tpu.vector_load %arg10[%swap3A_607, %swap3A_608] {strides = array<i32>} : memref<128x64xf32, #tpu.memory_space<vmem>>, vector<1x16xf32>,
      %swap3A_610 = vector.shape_cast %swap3A_609 : vector<1x16xf32> to vector<16xf32>
      %swap3A_611 = vector.shape_cast %get3A_606 : vector<16xf32> to vector<1x16xf32>
      tpu.vector_store %arg10[%swap3A_607, %swap3A_608], %swap3A_611 {strides = array<i32>} : memref<128x64xf32, #tpu.memory_space<vmem>>, vector<1x16xf32>,
      %slice3A_612 = vector.extract_strided_slice %mul3A_114 {offsets = [10], sizes = [1], strides = [1]} : vector<16xi32> to vector<1xi32>
      %squeeze3A_613 = vector.extract %slice3A_612[0] : i32 from vector<1xi32>
      %mul3A_614 = arith.constant 16 : i32
      %mul3A_615 = arith.muli %add3A_103, %mul3A_614 : i32
      %add3A_616 = arith.constant 10 : i32
      %add3A_617 = arith.addi %mul3A_615, %add3A_616 : i32
      %add3A_618 = arith.constant 0 : i32
      %add3A_619 = arith.addi %squeeze3A_613, %add3A_618 : i32
      %get3A_620 = arith.index_cast %add3A_617 : i32 to index
      %get3A_621 = arith.index_cast %add3A_619 : i32 to index
      %get3A_622 = tpu.vector_load %arg7[%get3A_620, %get3A_621] {strides = array<i32>} : memref<128x128xf32, #tpu.memory_space<vmem>>, vector<1x16xf32>,
      %get3A_623 = vector.shape_cast %get3A_622 : vector<1x16xf32> to vector<16xf32>
      %swap3A_624 = arith.index_cast %add3A_617 : i32 to index
      %swap3A_625 = arith.constant 0 : index
      %swap3A_626 = tpu.vector_load %arg10[%swap3A_624, %swap3A_625] {strides = array<i32>} : memref<128x64xf32, #tpu.memory_space<vmem>>, vector<1x16xf32>,
      %swap3A_627 = vector.shape_cast %swap3A_626 : vector<1x16xf32> to vector<16xf32>
      %swap3A_628 = vector.shape_cast %get3A_623 : vector<16xf32> to vector<1x16xf32>
      tpu.vector_store %arg10[%swap3A_624, %swap3A_625], %swap3A_628 {strides = array<i32>} : memref<128x64xf32, #tpu.memory_space<vmem>>, vector<1x16xf32>,
      %add3A_629 = arith.constant 16 : i32
      %add3A_630 = arith.addi %squeeze3A_613, %add3A_629 : i32
      %get3A_631 = arith.index_cast %add3A_617 : i32 to index
      %get3A_632 = arith.index_cast %add3A_630 : i32 to index
      %get3A_633 = tpu.vector_load %arg7[%get3A_631, %get3A_632] {strides = array<i32>} : memref<128x128xf32, #tpu.memory_space<vmem>>, vector<1x16xf32>,
      %get3A_634 = vector.shape_cast %get3A_633 : vector<1x16xf32> to vector<16xf32>
      %swap3A_635 = arith.index_cast %add3A_617 : i32 to index
      %swap3A_636 = arith.constant 16 : index
      %swap3A_637 = tpu.vector_load %arg10[%swap3A_635, %swap3A_636] {strides = array<i32>} : memref<128x64xf32, #tpu.memory_space<vmem>>, vector<1x16xf32>,
      %swap3A_638 = vector.shape_cast %swap3A_637 : vector<1x16xf32> to vector<16xf32>
      %swap3A_639 = vector.shape_cast %get3A_634 : vector<16xf32> to vector<1x16xf32>
      tpu.vector_store %arg10[%swap3A_635, %swap3A_636], %swap3A_639 {strides = array<i32>} : memref<128x64xf32, #tpu.memory_space<vmem>>, vector<1x16xf32>,
      %add3A_640 = arith.constant 32 : i32
      %add3A_641 = arith.addi %squeeze3A_613, %add3A_640 : i32
      %get3A_642 = arith.index_cast %add3A_617 : i32 to index
      %get3A_643 = arith.index_cast %add3A_641 : i32 to index
      %get3A_644 = tpu.vector_load %arg7[%get3A_642, %get3A_643] {strides = array<i32>} : memref<128x128xf32, #tpu.memory_space<vmem>>, vector<1x16xf32>,
      %get3A_645 = vector.shape_cast %get3A_644 : vector<1x16xf32> to vector<16xf32>
      %swap3A_646 = arith.index_cast %add3A_617 : i32 to index
      %swap3A_647 = arith.constant 32 : index
      %swap3A_648 = tpu.vector_load %arg10[%swap3A_646, %swap3A_647] {strides = array<i32>} : memref<128x64xf32, #tpu.memory_space<vmem>>, vector<1x16xf32>,
      %swap3A_649 = vector.shape_cast %swap3A_648 : vector<1x16xf32> to vector<16xf32>
      %swap3A_650 = vector.shape_cast %get3A_645 : vector<16xf32> to vector<1x16xf32>
      tpu.vector_store %arg10[%swap3A_646, %swap3A_647], %swap3A_650 {strides = array<i32>} : memref<128x64xf32, #tpu.memory_space<vmem>>, vector<1x16xf32>,
      %add3A_651 = arith.constant 48 : i32
      %add3A_652 = arith.addi %squeeze3A_613, %add3A_651 : i32
      %get3A_653 = arith.index_cast %add3A_617 : i32 to index
      %get3A_654 = arith.index_cast %add3A_652 : i32 to index
      %get3A_655 = tpu.vector_load %arg7[%get3A_653, %get3A_654] {strides = array<i32>} : memref<128x128xf32, #tpu.memory_space<vmem>>, vector<1x16xf32>,
      %get3A_656 = vector.shape_cast %get3A_655 : vector<1x16xf32> to vector<16xf32>
      %swap3A_657 = arith.index_cast %add3A_617 : i32 to index
      %swap3A_658 = arith.constant 48 : index
      %swap3A_659 = tpu.vector_load %arg10[%swap3A_657, %swap3A_658] {strides = array<i32>} : memref<128x64xf32, #tpu.memory_space<vmem>>, vector<1x16xf32>,
      %swap3A_660 = vector.shape_cast %swap3A_659 : vector<1x16xf32> to vector<16xf32>
      %swap3A_661 = vector.shape_cast %get3A_656 : vector<16xf32> to vector<1x16xf32>
      tpu.vector_store %arg10[%swap3A_657, %swap3A_658], %swap3A_661 {strides = array<i32>} : memref<128x64xf32, #tpu.memory_space<vmem>>, vector<1x16xf32>,
      %slice3A_662 = vector.extract_strided_slice %mul3A_114 {offsets = [11], sizes = [1], strides = [1]} : vector<16xi32> to vector<1xi32>
      %squeeze3A_663 = vector.extract %slice3A_662[0] : i32 from vector<1xi32>
      %mul3A_664 = arith.constant 16 : i32
      %mul3A_665 = arith.muli %add3A_103, %mul3A_664 : i32
      %add3A_666 = arith.constant 11 : i32
      %add3A_667 = arith.addi %mul3A_665, %add3A_666 : i32
      %add3A_668 = arith.constant 0 : i32
      %add3A_669 = arith.addi %squeeze3A_663, %add3A_668 : i32
      %get3A_670 = arith.index_cast %add3A_667 : i32 to index
      %get3A_671 = arith.index_cast %add3A_669 : i32 to index
      %get3A_672 = tpu.vector_load %arg7[%get3A_670, %get3A_671] {strides = array<i32>} : memref<128x128xf32, #tpu.memory_space<vmem>>, vector<1x16xf32>,
      %get3A_673 = vector.shape_cast %get3A_672 : vector<1x16xf32> to vector<16xf32>
      %swap3A_674 = arith.index_cast %add3A_667 : i32 to index
      %swap3A_675 = arith.constant 0 : index
      %swap3A_676 = tpu.vector_load %arg10[%swap3A_674, %swap3A_675] {strides = array<i32>} : memref<128x64xf32, #tpu.memory_space<vmem>>, vector<1x16xf32>,
      %swap3A_677 = vector.shape_cast %swap3A_676 : vector<1x16xf32> to vector<16xf32>
      %swap3A_678 = vector.shape_cast %get3A_673 : vector<16xf32> to vector<1x16xf32>
      tpu.vector_store %arg10[%swap3A_674, %swap3A_675], %swap3A_678 {strides = array<i32>} : memref<128x64xf32, #tpu.memory_space<vmem>>, vector<1x16xf32>,
      %add3A_679 = arith.constant 16 : i32
      %add3A_680 = arith.addi %squeeze3A_663, %add3A_679 : i32
      %get3A_681 = arith.index_cast %add3A_667 : i32 to index
      %get3A_682 = arith.index_cast %add3A_680 : i32 to index
      %get3A_683 = tpu.vector_load %arg7[%get3A_681, %get3A_682] {strides = array<i32>} : memref<128x128xf32, #tpu.memory_space<vmem>>, vector<1x16xf32>,
      %get3A_684 = vector.shape_cast %get3A_683 : vector<1x16xf32> to vector<16xf32>
      %swap3A_685 = arith.index_cast %add3A_667 : i32 to index
      %swap3A_686 = arith.constant 16 : index
      %swap3A_687 = tpu.vector_load %arg10[%swap3A_685, %swap3A_686] {strides = array<i32>} : memref<128x64xf32, #tpu.memory_space<vmem>>, vector<1x16xf32>,
      %swap3A_688 = vector.shape_cast %swap3A_687 : vector<1x16xf32> to vector<16xf32>
      %swap3A_689 = vector.shape_cast %get3A_684 : vector<16xf32> to vector<1x16xf32>
      tpu.vector_store %arg10[%swap3A_685, %swap3A_686], %swap3A_689 {strides = array<i32>} : memref<128x64xf32, #tpu.memory_space<vmem>>, vector<1x16xf32>,
      %add3A_690 = arith.constant 32 : i32
      %add3A_691 = arith.addi %squeeze3A_663, %add3A_690 : i32
      %get3A_692 = arith.index_cast %add3A_667 : i32 to index
      %get3A_693 = arith.index_cast %add3A_691 : i32 to index
      %get3A_694 = tpu.vector_load %arg7[%get3A_692, %get3A_693] {strides = array<i32>} : memref<128x128xf32, #tpu.memory_space<vmem>>, vector<1x16xf32>,
      %get3A_695 = vector.shape_cast %get3A_694 : vector<1x16xf32> to vector<16xf32>
      %swap3A_696 = arith.index_cast %add3A_667 : i32 to index
      %swap3A_697 = arith.constant 32 : index
      %swap3A_698 = tpu.vector_load %arg10[%swap3A_696, %swap3A_697] {strides = array<i32>} : memref<128x64xf32, #tpu.memory_space<vmem>>, vector<1x16xf32>,
      %swap3A_699 = vector.shape_cast %swap3A_698 : vector<1x16xf32> to vector<16xf32>
      %swap3A_700 = vector.shape_cast %get3A_695 : vector<16xf32> to vector<1x16xf32>
      tpu.vector_store %arg10[%swap3A_696, %swap3A_697], %swap3A_700 {strides = array<i32>} : memref<128x64xf32, #tpu.memory_space<vmem>>, vector<1x16xf32>,
      %add3A_701 = arith.constant 48 : i32
      %add3A_702 = arith.addi %squeeze3A_663, %add3A_701 : i32
      %get3A_703 = arith.index_cast %add3A_667 : i32 to index
      %get3A_704 = arith.index_cast %add3A_702 : i32 to index
      %get3A_705 = tpu.vector_load %arg7[%get3A_703, %get3A_704] {strides = array<i32>} : memref<128x128xf32, #tpu.memory_space<vmem>>, vector<1x16xf32>,
      %get3A_706 = vector.shape_cast %get3A_705 : vector<1x16xf32> to vector<16xf32>
      %swap3A_707 = arith.index_cast %add3A_667 : i32 to index
      %swap3A_708 = arith.constant 48 : index
      %swap3A_709 = tpu.vector_load %arg10[%swap3A_707, %swap3A_708] {strides = array<i32>} : memref<128x64xf32, #tpu.memory_space<vmem>>, vector<1x16xf32>,
      %swap3A_710 = vector.shape_cast %swap3A_709 : vector<1x16xf32> to vector<16xf32>
      %swap3A_711 = vector.shape_cast %get3A_706 : vector<16xf32> to vector<1x16xf32>
      tpu.vector_store %arg10[%swap3A_707, %swap3A_708], %swap3A_711 {strides = array<i32>} : memref<128x64xf32, #tpu.memory_space<vmem>>, vector<1x16xf32>,
      %slice3A_712 = vector.extract_strided_slice %mul3A_114 {offsets = [12], sizes = [1], strides = [1]} : vector<16xi32> to vector<1xi32>
      %squeeze3A_713 = vector.extract %slice3A_712[0] : i32 from vector<1xi32>
      %mul3A_714 = arith.constant 16 : i32
      %mul3A_715 = arith.muli %add3A_103, %mul3A_714 : i32
      %add3A_716 = arith.constant 12 : i32
      %add3A_717 = arith.addi %mul3A_715, %add3A_716 : i32
      %add3A_718 = arith.constant 0 : i32
      %add3A_719 = arith.addi %squeeze3A_713, %add3A_718 : i32
      %get3A_720 = arith.index_cast %add3A_717 : i32 to index
      %get3A_721 = arith.index_cast %add3A_719 : i32 to index
      %get3A_722 = tpu.vector_load %arg7[%get3A_720, %get3A_721] {strides = array<i32>} : memref<128x128xf32, #tpu.memory_space<vmem>>, vector<1x16xf32>,
      %get3A_723 = vector.shape_cast %get3A_722 : vector<1x16xf32> to vector<16xf32>
      %swap3A_724 = arith.index_cast %add3A_717 : i32 to index
      %swap3A_725 = arith.constant 0 : index
      %swap3A_726 = tpu.vector_load %arg10[%swap3A_724, %swap3A_725] {strides = array<i32>} : memref<128x64xf32, #tpu.memory_space<vmem>>, vector<1x16xf32>,
      %swap3A_727 = vector.shape_cast %swap3A_726 : vector<1x16xf32> to vector<16xf32>
      %swap3A_728 = vector.shape_cast %get3A_723 : vector<16xf32> to vector<1x16xf32>
      tpu.vector_store %arg10[%swap3A_724, %swap3A_725], %swap3A_728 {strides = array<i32>} : memref<128x64xf32, #tpu.memory_space<vmem>>, vector<1x16xf32>,
      %add3A_729 = arith.constant 16 : i32
      %add3A_730 = arith.addi %squeeze3A_713, %add3A_729 : i32
      %get3A_731 = arith.index_cast %add3A_717 : i32 to index
      %get3A_732 = arith.index_cast %add3A_730 : i32 to index
      %get3A_733 = tpu.vector_load %arg7[%get3A_731, %get3A_732] {strides = array<i32>} : memref<128x128xf32, #tpu.memory_space<vmem>>, vector<1x16xf32>,
      %get3A_734 = vector.shape_cast %get3A_733 : vector<1x16xf32> to vector<16xf32>
      %swap3A_735 = arith.index_cast %add3A_717 : i32 to index
      %swap3A_736 = arith.constant 16 : index
      %swap3A_737 = tpu.vector_load %arg10[%swap3A_735, %swap3A_736] {strides = array<i32>} : memref<128x64xf32, #tpu.memory_space<vmem>>, vector<1x16xf32>,
      %swap3A_738 = vector.shape_cast %swap3A_737 : vector<1x16xf32> to vector<16xf32>
      %swap3A_739 = vector.shape_cast %get3A_734 : vector<16xf32> to vector<1x16xf32>
      tpu.vector_store %arg10[%swap3A_735, %swap3A_736], %swap3A_739 {strides = array<i32>} : memref<128x64xf32, #tpu.memory_space<vmem>>, vector<1x16xf32>,
      %add3A_740 = arith.constant 32 : i32
      %add3A_741 = arith.addi %squeeze3A_713, %add3A_740 : i32
      %get3A_742 = arith.index_cast %add3A_717 : i32 to index
      %get3A_743 = arith.index_cast %add3A_741 : i32 to index
      %get3A_744 = tpu.vector_load %arg7[%get3A_742, %get3A_743] {strides = array<i32>} : memref<128x128xf32, #tpu.memory_space<vmem>>, vector<1x16xf32>,
      %get3A_745 = vector.shape_cast %get3A_744 : vector<1x16xf32> to vector<16xf32>
      %swap3A_746 = arith.index_cast %add3A_717 : i32 to index
      %swap3A_747 = arith.constant 32 : index
      %swap3A_748 = tpu.vector_load %arg10[%swap3A_746, %swap3A_747] {strides = array<i32>} : memref<128x64xf32, #tpu.memory_space<vmem>>, vector<1x16xf32>,
      %swap3A_749 = vector.shape_cast %swap3A_748 : vector<1x16xf32> to vector<16xf32>
      %swap3A_750 = vector.shape_cast %get3A_745 : vector<16xf32> to vector<1x16xf32>
      tpu.vector_store %arg10[%swap3A_746, %swap3A_747], %swap3A_750 {strides = array<i32>} : memref<128x64xf32, #tpu.memory_space<vmem>>, vector<1x16xf32>,
      %add3A_751 = arith.constant 48 : i32
      %add3A_752 = arith.addi %squeeze3A_713, %add3A_751 : i32
      %get3A_753 = arith.index_cast %add3A_717 : i32 to index
      %get3A_754 = arith.index_cast %add3A_752 : i32 to index
      %get3A_755 = tpu.vector_load %arg7[%get3A_753, %get3A_754] {strides = array<i32>} : memref<128x128xf32, #tpu.memory_space<vmem>>, vector<1x16xf32>,
      %get3A_756 = vector.shape_cast %get3A_755 : vector<1x16xf32> to vector<16xf32>
      %swap3A_757 = arith.index_cast %add3A_717 : i32 to index
      %swap3A_758 = arith.constant 48 : index
      %swap3A_759 = tpu.vector_load %arg10[%swap3A_757, %swap3A_758] {strides = array<i32>} : memref<128x64xf32, #tpu.memory_space<vmem>>, vector<1x16xf32>,
      %swap3A_760 = vector.shape_cast %swap3A_759 : vector<1x16xf32> to vector<16xf32>
      %swap3A_761 = vector.shape_cast %get3A_756 : vector<16xf32> to vector<1x16xf32>
      tpu.vector_store %arg10[%swap3A_757, %swap3A_758], %swap3A_761 {strides = array<i32>} : memref<128x64xf32, #tpu.memory_space<vmem>>, vector<1x16xf32>,
      %slice3A_762 = vector.extract_strided_slice %mul3A_114 {offsets = [13], sizes = [1], strides = [1]} : vector<16xi32> to vector<1xi32>
      %squeeze3A_763 = vector.extract %slice3A_762[0] : i32 from vector<1xi32>
      %mul3A_764 = arith.constant 16 : i32
      %mul3A_765 = arith.muli %add3A_103, %mul3A_764 : i32
      %add3A_766 = arith.constant 13 : i32
      %add3A_767 = arith.addi %mul3A_765, %add3A_766 : i32
      %add3A_768 = arith.constant 0 : i32
      %add3A_769 = arith.addi %squeeze3A_763, %add3A_768 : i32
      %get3A_770 = arith.index_cast %add3A_767 : i32 to index
      %get3A_771 = arith.index_cast %add3A_769 : i32 to index
      %get3A_772 = tpu.vector_load %arg7[%get3A_770, %get3A_771] {strides = array<i32>} : memref<128x128xf32, #tpu.memory_space<vmem>>, vector<1x16xf32>,
      %get3A_773 = vector.shape_cast %get3A_772 : vector<1x16xf32> to vector<16xf32>
      %swap3A_774 = arith.index_cast %add3A_767 : i32 to index
      %swap3A_775 = arith.constant 0 : index
      %swap3A_776 = tpu.vector_load %arg10[%swap3A_774, %swap3A_775] {strides = array<i32>} : memref<128x64xf32, #tpu.memory_space<vmem>>, vector<1x16xf32>,
      %swap3A_777 = vector.shape_cast %swap3A_776 : vector<1x16xf32> to vector<16xf32>
      %swap3A_778 = vector.shape_cast %get3A_773 : vector<16xf32> to vector<1x16xf32>
      tpu.vector_store %arg10[%swap3A_774, %swap3A_775], %swap3A_778 {strides = array<i32>} : memref<128x64xf32, #tpu.memory_space<vmem>>, vector<1x16xf32>,
      %add3A_779 = arith.constant 16 : i32
      %add3A_780 = arith.addi %squeeze3A_763, %add3A_779 : i32
      %get3A_781 = arith.index_cast %add3A_767 : i32 to index
      %get3A_782 = arith.index_cast %add3A_780 : i32 to index
      %get3A_783 = tpu.vector_load %arg7[%get3A_781, %get3A_782] {strides = array<i32>} : memref<128x128xf32, #tpu.memory_space<vmem>>, vector<1x16xf32>,
      %get3A_784 = vector.shape_cast %get3A_783 : vector<1x16xf32> to vector<16xf32>
      %swap3A_785 = arith.index_cast %add3A_767 : i32 to index
      %swap3A_786 = arith.constant 16 : index
      %swap3A_787 = tpu.vector_load %arg10[%swap3A_785, %swap3A_786] {strides = array<i32>} : memref<128x64xf32, #tpu.memory_space<vmem>>, vector<1x16xf32>,
      %swap3A_788 = vector.shape_cast %swap3A_787 : vector<1x16xf32> to vector<16xf32>
      %swap3A_789 = vector.shape_cast %get3A_784 : vector<16xf32> to vector<1x16xf32>
      tpu.vector_store %arg10[%swap3A_785, %swap3A_786], %swap3A_789 {strides = array<i32>} : memref<128x64xf32, #tpu.memory_space<vmem>>, vector<1x16xf32>,
      %add3A_790 = arith.constant 32 : i32
      %add3A_791 = arith.addi %squeeze3A_763, %add3A_790 : i32
      %get3A_792 = arith.index_cast %add3A_767 : i32 to index
      %get3A_793 = arith.index_cast %add3A_791 : i32 to index
      %get3A_794 = tpu.vector_load %arg7[%get3A_792, %get3A_793] {strides = array<i32>} : memref<128x128xf32, #tpu.memory_space<vmem>>, vector<1x16xf32>,
      %get3A_795 = vector.shape_cast %get3A_794 : vector<1x16xf32> to vector<16xf32>
      %swap3A_796 = arith.index_cast %add3A_767 : i32 to index
      %swap3A_797 = arith.constant 32 : index
      %swap3A_798 = tpu.vector_load %arg10[%swap3A_796, %swap3A_797] {strides = array<i32>} : memref<128x64xf32, #tpu.memory_space<vmem>>, vector<1x16xf32>,
      %swap3A_799 = vector.shape_cast %swap3A_798 : vector<1x16xf32> to vector<16xf32>
      %swap3A_800 = vector.shape_cast %get3A_795 : vector<16xf32> to vector<1x16xf32>
      tpu.vector_store %arg10[%swap3A_796, %swap3A_797], %swap3A_800 {strides = array<i32>} : memref<128x64xf32, #tpu.memory_space<vmem>>, vector<1x16xf32>,
      %add3A_801 = arith.constant 48 : i32
      %add3A_802 = arith.addi %squeeze3A_763, %add3A_801 : i32
      %get3A_803 = arith.index_cast %add3A_767 : i32 to index
      %get3A_804 = arith.index_cast %add3A_802 : i32 to index
      %get3A_805 = tpu.vector_load %arg7[%get3A_803, %get3A_804] {strides = array<i32>} : memref<128x128xf32, #tpu.memory_space<vmem>>, vector<1x16xf32>,
      %get3A_806 = vector.shape_cast %get3A_805 : vector<1x16xf32> to vector<16xf32>
      %swap3A_807 = arith.index_cast %add3A_767 : i32 to index
      %swap3A_808 = arith.constant 48 : index
      %swap3A_809 = tpu.vector_load %arg10[%swap3A_807, %swap3A_808] {strides = array<i32>} : memref<128x64xf32, #tpu.memory_space<vmem>>, vector<1x16xf32>,
      %swap3A_810 = vector.shape_cast %swap3A_809 : vector<1x16xf32> to vector<16xf32>
      %swap3A_811 = vector.shape_cast %get3A_806 : vector<16xf32> to vector<1x16xf32>
      tpu.vector_store %arg10[%swap3A_807, %swap3A_808], %swap3A_811 {strides = array<i32>} : memref<128x64xf32, #tpu.memory_space<vmem>>, vector<1x16xf32>,
      %slice3A_812 = vector.extract_strided_slice %mul3A_114 {offsets = [14], sizes = [1], strides = [1]} : vector<16xi32> to vector<1xi32>
      %squeeze3A_813 = vector.extract %slice3A_812[0] : i32 from vector<1xi32>
      %mul3A_814 = arith.constant 16 : i32
      %mul3A_815 = arith.muli %add3A_103, %mul3A_814 : i32
      %add3A_816 = arith.constant 14 : i32
      %add3A_817 = arith.addi %mul3A_815, %add3A_816 : i32
      %add3A_818 = arith.constant 0 : i32
      %add3A_819 = arith.addi %squeeze3A_813, %add3A_818 : i32
      %get3A_820 = arith.index_cast %add3A_817 : i32 to index
      %get3A_821 = arith.index_cast %add3A_819 : i32 to index
      %get3A_822 = tpu.vector_load %arg7[%get3A_820, %get3A_821] {strides = array<i32>} : memref<128x128xf32, #tpu.memory_space<vmem>>, vector<1x16xf32>,
      %get3A_823 = vector.shape_cast %get3A_822 : vector<1x16xf32> to vector<16xf32>
      %swap3A_824 = arith.index_cast %add3A_817 : i32 to index
      %swap3A_825 = arith.constant 0 : index
      %swap3A_826 = tpu.vector_load %arg10[%swap3A_824, %swap3A_825] {strides = array<i32>} : memref<128x64xf32, #tpu.memory_space<vmem>>, vector<1x16xf32>,
      %swap3A_827 = vector.shape_cast %swap3A_826 : vector<1x16xf32> to vector<16xf32>
      %swap3A_828 = vector.shape_cast %get3A_823 : vector<16xf32> to vector<1x16xf32>
      tpu.vector_store %arg10[%swap3A_824, %swap3A_825], %swap3A_828 {strides = array<i32>} : memref<128x64xf32, #tpu.memory_space<vmem>>, vector<1x16xf32>,
      %add3A_829 = arith.constant 16 : i32
      %add3A_830 = arith.addi %squeeze3A_813, %add3A_829 : i32
      %get3A_831 = arith.index_cast %add3A_817 : i32 to index
      %get3A_832 = arith.index_cast %add3A_830 : i32 to index
      %get3A_833 = tpu.vector_load %arg7[%get3A_831, %get3A_832] {strides = array<i32>} : memref<128x128xf32, #tpu.memory_space<vmem>>, vector<1x16xf32>,
      %get3A_834 = vector.shape_cast %get3A_833 : vector<1x16xf32> to vector<16xf32>
      %swap3A_835 = arith.index_cast %add3A_817 : i32 to index
      %swap3A_836 = arith.constant 16 : index
      %swap3A_837 = tpu.vector_load %arg10[%swap3A_835, %swap3A_836] {strides = array<i32>} : memref<128x64xf32, #tpu.memory_space<vmem>>, vector<1x16xf32>,
      %swap3A_838 = vector.shape_cast %swap3A_837 : vector<1x16xf32> to vector<16xf32>
      %swap3A_839 = vector.shape_cast %get3A_834 : vector<16xf32> to vector<1x16xf32>
      tpu.vector_store %arg10[%swap3A_835, %swap3A_836], %swap3A_839 {strides = array<i32>} : memref<128x64xf32, #tpu.memory_space<vmem>>, vector<1x16xf32>,
      %add3A_840 = arith.constant 32 : i32
      %add3A_841 = arith.addi %squeeze3A_813, %add3A_840 : i32
      %get3A_842 = arith.index_cast %add3A_817 : i32 to index
      %get3A_843 = arith.index_cast %add3A_841 : i32 to index
      %get3A_844 = tpu.vector_load %arg7[%get3A_842, %get3A_843] {strides = array<i32>} : memref<128x128xf32, #tpu.memory_space<vmem>>, vector<1x16xf32>,
      %get3A_845 = vector.shape_cast %get3A_844 : vector<1x16xf32> to vector<16xf32>
      %swap3A_846 = arith.index_cast %add3A_817 : i32 to index
      %swap3A_847 = arith.constant 32 : index
      %swap3A_848 = tpu.vector_load %arg10[%swap3A_846, %swap3A_847] {strides = array<i32>} : memref<128x64xf32, #tpu.memory_space<vmem>>, vector<1x16xf32>,
      %swap3A_849 = vector.shape_cast %swap3A_848 : vector<1x16xf32> to vector<16xf32>
      %swap3A_850 = vector.shape_cast %get3A_845 : vector<16xf32> to vector<1x16xf32>
      tpu.vector_store %arg10[%swap3A_846, %swap3A_847], %swap3A_850 {strides = array<i32>} : memref<128x64xf32, #tpu.memory_space<vmem>>, vector<1x16xf32>,
      %add3A_851 = arith.constant 48 : i32
      %add3A_852 = arith.addi %squeeze3A_813, %add3A_851 : i32
      %get3A_853 = arith.index_cast %add3A_817 : i32 to index
      %get3A_854 = arith.index_cast %add3A_852 : i32 to index
      %get3A_855 = tpu.vector_load %arg7[%get3A_853, %get3A_854] {strides = array<i32>} : memref<128x128xf32, #tpu.memory_space<vmem>>, vector<1x16xf32>,
      %get3A_856 = vector.shape_cast %get3A_855 : vector<1x16xf32> to vector<16xf32>
      %swap3A_857 = arith.index_cast %add3A_817 : i32 to index
      %swap3A_858 = arith.constant 48 : index
      %swap3A_859 = tpu.vector_load %arg10[%swap3A_857, %swap3A_858] {strides = array<i32>} : memref<128x64xf32, #tpu.memory_space<vmem>>, vector<1x16xf32>,
      %swap3A_860 = vector.shape_cast %swap3A_859 : vector<1x16xf32> to vector<16xf32>
      %swap3A_861 = vector.shape_cast %get3A_856 : vector<16xf32> to vector<1x16xf32>
      tpu.vector_store %arg10[%swap3A_857, %swap3A_858], %swap3A_861 {strides = array<i32>} : memref<128x64xf32, #tpu.memory_space<vmem>>, vector<1x16xf32>,
      %slice3A_862 = vector.extract_strided_slice %mul3A_114 {offsets = [15], sizes = [1], strides = [1]} : vector<16xi32> to vector<1xi32>
      %squeeze3A_863 = vector.extract %slice3A_862[0] : i32 from vector<1xi32>
      %mul3A_864 = arith.constant 16 : i32
      %mul3A_865 = arith.muli %add3A_103, %mul3A_864 : i32
      %add3A_866 = arith.constant 15 : i32
      %add3A_867 = arith.addi %mul3A_865, %add3A_866 : i32
      %add3A_868 = arith.constant 0 : i32
      %add3A_869 = arith.addi %squeeze3A_863, %add3A_868 : i32
      %get3A_870 = arith.index_cast %add3A_867 : i32 to index
      %get3A_871 = arith.index_cast %add3A_869 : i32 to index
      %get3A_872 = tpu.vector_load %arg7[%get3A_870, %get3A_871] {strides = array<i32>} : memref<128x128xf32, #tpu.memory_space<vmem>>, vector<1x16xf32>,
      %get3A_873 = vector.shape_cast %get3A_872 : vector<1x16xf32> to vector<16xf32>
      %swap3A_874 = arith.index_cast %add3A_867 : i32 to index
      %swap3A_875 = arith.constant 0 : index
      %swap3A_876 = tpu.vector_load %arg10[%swap3A_874, %swap3A_875] {strides = array<i32>} : memref<128x64xf32, #tpu.memory_space<vmem>>, vector<1x16xf32>,
      %swap3A_877 = vector.shape_cast %swap3A_876 : vector<1x16xf32> to vector<16xf32>
      %swap3A_878 = vector.shape_cast %get3A_873 : vector<16xf32> to vector<1x16xf32>
      tpu.vector_store %arg10[%swap3A_874, %swap3A_875], %swap3A_878 {strides = array<i32>} : memref<128x64xf32, #tpu.memory_space<vmem>>, vector<1x16xf32>,
      %add3A_879 = arith.constant 16 : i32
      %add3A_880 = arith.addi %squeeze3A_863, %add3A_879 : i32
      %get3A_881 = arith.index_cast %add3A_867 : i32 to index
      %get3A_882 = arith.index_cast %add3A_880 : i32 to index
      %get3A_883 = tpu.vector_load %arg7[%get3A_881, %get3A_882] {strides = array<i32>} : memref<128x128xf32, #tpu.memory_space<vmem>>, vector<1x16xf32>,
      %get3A_884 = vector.shape_cast %get3A_883 : vector<1x16xf32> to vector<16xf32>
      %swap3A_885 = arith.index_cast %add3A_867 : i32 to index
      %swap3A_886 = arith.constant 16 : index
      %swap3A_887 = tpu.vector_load %arg10[%swap3A_885, %swap3A_886] {strides = array<i32>} : memref<128x64xf32, #tpu.memory_space<vmem>>, vector<1x16xf32>,
      %swap3A_888 = vector.shape_cast %swap3A_887 : vector<1x16xf32> to vector<16xf32>
      %swap3A_889 = vector.shape_cast %get3A_884 : vector<16xf32> to vector<1x16xf32>
      tpu.vector_store %arg10[%swap3A_885, %swap3A_886], %swap3A_889 {strides = array<i32>} : memref<128x64xf32, #tpu.memory_space<vmem>>, vector<1x16xf32>,
      %add3A_890 = arith.constant 32 : i32
      %add3A_891 = arith.addi %squeeze3A_863, %add3A_890 : i32
      %get3A_892 = arith.index_cast %add3A_867 : i32 to index
      %get3A_893 = arith.index_cast %add3A_891 : i32 to index
      %get3A_894 = tpu.vector_load %arg7[%get3A_892, %get3A_893] {strides = array<i32>} : memref<128x128xf32, #tpu.memory_space<vmem>>, vector<1x16xf32>,
      %get3A_895 = vector.shape_cast %get3A_894 : vector<1x16xf32> to vector<16xf32>
      %swap3A_896 = arith.index_cast %add3A_867 : i32 to index
      %swap3A_897 = arith.constant 32 : index
      %swap3A_898 = tpu.vector_load %arg10[%swap3A_896, %swap3A_897] {strides = array<i32>} : memref<128x64xf32, #tpu.memory_space<vmem>>, vector<1x16xf32>,
      %swap3A_899 = vector.shape_cast %swap3A_898 : vector<1x16xf32> to vector<16xf32>
      %swap3A_900 = vector.shape_cast %get3A_895 : vector<16xf32> to vector<1x16xf32>
      tpu.vector_store %arg10[%swap3A_896, %swap3A_897], %swap3A_900 {strides = array<i32>} : memref<128x64xf32, #tpu.memory_space<vmem>>, vector<1x16xf32>,
      %add3A_901 = arith.constant 48 : i32
      %add3A_902 = arith.addi %squeeze3A_863, %add3A_901 : i32
      %get3A_903 = arith.index_cast %add3A_867 : i32 to index
      %get3A_904 = arith.index_cast %add3A_902 : i32 to index
      %get3A_905 = tpu.vector_load %arg7[%get3A_903, %get3A_904] {strides = array<i32>} : memref<128x128xf32, #tpu.memory_space<vmem>>, vector<1x16xf32>,
      %get3A_906 = vector.shape_cast %get3A_905 : vector<1x16xf32> to vector<16xf32>
      %swap3A_907 = arith.index_cast %add3A_867 : i32 to index
      %swap3A_908 = arith.constant 48 : index
      %swap3A_909 = tpu.vector_load %arg10[%swap3A_907, %swap3A_908] {strides = array<i32>} : memref<128x64xf32, #tpu.memory_space<vmem>>, vector<1x16xf32>,
      %swap3A_910 = vector.shape_cast %swap3A_909 : vector<1x16xf32> to vector<16xf32>
      %swap3A_911 = vector.shape_cast %get3A_906 : vector<16xf32> to vector<1x16xf32>
      tpu.vector_store %arg10[%swap3A_907, %swap3A_908], %swap3A_911 {strides = array<i32>} : memref<128x64xf32, #tpu.memory_space<vmem>>, vector<1x16xf32>,
    }
    %scan3A_50 = arith.constant 8 : i32
    %mul3A_51 = arith.constant 128 : i32
    %mul3A_52 = arith.muli %add3A, %mul3A_51 : i32
    %dma_start3A_53 = arith.constant 48 : i32
    %dma_start3A_54 = arith.constant 0 : i32
    %dma_start3A_55 = tpu.memref_slice %arg4[%dma_start3A_53, %mul3A_52, %dma_start3A_54] : memref<50x4096x64xf32, #tpu.memory_space<hbm>> -> memref<1x128x64xf32, #tpu.memory_space<hbm>>
    %dma_start3A_56 = tpu.memref_squeeze %dma_start3A_55 : memref<1x128x64xf32, #tpu.memory_space<hbm>> -> memref<128x64xf32, #tpu.memory_space<hbm>>
    %dma_start3A_57 = arith.constant 0 : i32
    %dma_start3A_58 = tpu.memref_slice %arg4[%dma_start3A_53, %mul3A_52, %dma_start3A_57] : memref<50x4096x64xf32, #tpu.memory_space<hbm>> -> memref<1x128x64xf32, #tpu.memory_space<hbm>>
    %dma_start3A_59 = tpu.memref_squeeze %dma_start3A_58 : memref<1x128x64xf32, #tpu.memory_space<hbm>> -> memref<128x64xf32, #tpu.memory_space<hbm>>
    tpu.enqueue_dma source(%arg10 : memref<128x64xf32, #tpu.memory_space<vmem>>) target(%dma_start3A_59 : memref<128x64xf32, #tpu.memory_space<hbm>>) target_semaphore(%arg17 : memref<!tpu.dma_semaphore, #tpu.memory_space<semaphore_mem>>)
    %dma_wait3A_60 = arith.constant 0 : i32
    %dma_wait3A_61 = arith.constant 0 : i32
    %dma_wait3A_62 = tpu.memref_slice %arg6[%dma_wait3A_60, %dma_wait3A_61] : memref<50x128xi32, #tpu.memory_space<vmem>> -> memref<1x128xi32, #tpu.memory_space<vmem>>
    %dma_wait3A_63 = tpu.memref_squeeze %dma_wait3A_62 : memref<1x128xi32, #tpu.memory_space<vmem>> -> memref<128xi32, #tpu.memory_space<vmem>>
    %dma_wait3A_64 = arith.constant 0 : i32
    %dma_wait3A_65 = arith.constant 0 : i32
    %dma_wait3A_66 = tpu.memref_slice %arg3[%dma_wait3A_64, %dma_wait3A_65] : memref<500000x128xf32, #tpu.memory_space<hbm>> -> memref<500000x128xf32, #tpu.memory_space<hbm>>
    tpu.wait_indirect_dma semaphore(%arg15 : memref<!tpu.dma_semaphore, #tpu.memory_space<semaphore_mem>>) src(%dma_wait3A_66 : memref<500000x128xf32, #tpu.memory_space<hbm>>) dst(%arg8 : memref<128x128xf32, #tpu.memory_space<vmem>>)
    %scan3A_67 = arith.constant 0 : i32
    %scan3A_68 = arith.constant 8 : i32
    %scan3A_69 = arith.addi %scan3A_67, %scan3A_68 : i32
    %scan3A_70 = arith.constant 1 : i32
    scf.for %scan3A_99 = %scan3A_67 to %scan3A_69 step %scan3A_70  : i32 {
      %mul3A_100 = arith.constant 1 : i32
      %mul3A_101 = arith.muli %scan3A_99, %mul3A_100 : i32
      %add3A_102 = arith.constant 0 : i32
      %add3A_103 = arith.addi %add3A_102, %mul3A_101 : i32
      %mul3A_104 = arith.constant 16 : i32
      %mul3A_105 = arith.muli %add3A_103, %mul3A_104 : i32
      %get3A = arith.constant 49 : i32
      %get3A_106 = arith.index_cast %get3A : i32 to index
      %get3A_107 = arith.index_cast %mul3A_105 : i32 to index
      %get3A_108 = tpu.vector_load %arg5[%get3A_106, %get3A_107] {strides = array<i32>} : memref<50x128xi32, #tpu.memory_space<vmem>>, vector<1x16xi32>,
      %get3A_109 = vector.shape_cast %get3A_108 : vector<1x16xi32> to vector<16xi32>
      %and3A = arith.constant 1 : i32
      %and3A_110 = vector.broadcast %and3A : i32 to vector<16xi32>
      %and3A_111 = arith.andi %get3A_109, %and3A_110 : vector<16xi32>
      %mul3A_112 = arith.constant 64 : i32
      %mul3A_113 = vector.broadcast %mul3A_112 : i32 to vector<16xi32>
      %mul3A_114 = arith.muli %and3A_111, %mul3A_113 : vector<16xi32>
      %slice3A = vector.extract_strided_slice %mul3A_114 {offsets = [0], sizes = [1], strides = [1]} : vector<16xi32> to vector<1xi32>
      %squeeze3A = vector.extract %slice3A[0] : i32 from vector<1xi32>
      %mul3A_115 = arith.constant 16 : i32
      %mul3A_116 = arith.muli %add3A_103, %mul3A_115 : i32
      %add3A_117 = arith.constant 0 : i32
      %add3A_118 = arith.addi %mul3A_116, %add3A_117 : i32
      %add3A_119 = arith.constant 0 : i32
      %add3A_120 = arith.addi %squeeze3A, %add3A_119 : i32
      %get3A_121 = arith.index_cast %add3A_118 : i32 to index
      %get3A_122 = arith.index_cast %add3A_120 : i32 to index
      %get3A_123 = tpu.vector_load %arg8[%get3A_121, %get3A_122] {strides = array<i32>} : memref<128x128xf32, #tpu.memory_space<vmem>>, vector<1x16xf32>,
      %get3A_124 = vector.shape_cast %get3A_123 : vector<1x16xf32> to vector<16xf32>
      %swap3A = arith.index_cast %add3A_118 : i32 to index
      %swap3A_125 = arith.constant 0 : index
      %swap3A_126 = tpu.vector_load %arg11[%swap3A, %swap3A_125] {strides = array<i32>} : memref<128x64xf32, #tpu.memory_space<vmem>>, vector<1x16xf32>,
      %swap3A_127 = vector.shape_cast %swap3A_126 : vector<1x16xf32> to vector<16xf32>
      %swap3A_128 = vector.shape_cast %get3A_124 : vector<16xf32> to vector<1x16xf32>
      tpu.vector_store %arg11[%swap3A, %swap3A_125], %swap3A_128 {strides = array<i32>} : memref<128x64xf32, #tpu.memory_space<vmem>>, vector<1x16xf32>,
      %add3A_129 = arith.constant 16 : i32
      %add3A_130 = arith.addi %squeeze3A, %add3A_129 : i32
      %get3A_131 = arith.index_cast %add3A_118 : i32 to index
      %get3A_132 = arith.index_cast %add3A_130 : i32 to index
      %get3A_133 = tpu.vector_load %arg8[%get3A_131, %get3A_132] {strides = array<i32>} : memref<128x128xf32, #tpu.memory_space<vmem>>, vector<1x16xf32>,
      %get3A_134 = vector.shape_cast %get3A_133 : vector<1x16xf32> to vector<16xf32>
      %swap3A_135 = arith.index_cast %add3A_118 : i32 to index
      %swap3A_136 = arith.constant 16 : index
      %swap3A_137 = tpu.vector_load %arg11[%swap3A_135, %swap3A_136] {strides = array<i32>} : memref<128x64xf32, #tpu.memory_space<vmem>>, vector<1x16xf32>,
      %swap3A_138 = vector.shape_cast %swap3A_137 : vector<1x16xf32> to vector<16xf32>
      %swap3A_139 = vector.shape_cast %get3A_134 : vector<16xf32> to vector<1x16xf32>
      tpu.vector_store %arg11[%swap3A_135, %swap3A_136], %swap3A_139 {strides = array<i32>} : memref<128x64xf32, #tpu.memory_space<vmem>>, vector<1x16xf32>,
      %add3A_140 = arith.constant 32 : i32
      %add3A_141 = arith.addi %squeeze3A, %add3A_140 : i32
      %get3A_142 = arith.index_cast %add3A_118 : i32 to index
      %get3A_143 = arith.index_cast %add3A_141 : i32 to index
      %get3A_144 = tpu.vector_load %arg8[%get3A_142, %get3A_143] {strides = array<i32>} : memref<128x128xf32, #tpu.memory_space<vmem>>, vector<1x16xf32>,
      %get3A_145 = vector.shape_cast %get3A_144 : vector<1x16xf32> to vector<16xf32>
      %swap3A_146 = arith.index_cast %add3A_118 : i32 to index
      %swap3A_147 = arith.constant 32 : index
      %swap3A_148 = tpu.vector_load %arg11[%swap3A_146, %swap3A_147] {strides = array<i32>} : memref<128x64xf32, #tpu.memory_space<vmem>>, vector<1x16xf32>,
      %swap3A_149 = vector.shape_cast %swap3A_148 : vector<1x16xf32> to vector<16xf32>
      %swap3A_150 = vector.shape_cast %get3A_145 : vector<16xf32> to vector<1x16xf32>
      tpu.vector_store %arg11[%swap3A_146, %swap3A_147], %swap3A_150 {strides = array<i32>} : memref<128x64xf32, #tpu.memory_space<vmem>>, vector<1x16xf32>,
      %add3A_151 = arith.constant 48 : i32
      %add3A_152 = arith.addi %squeeze3A, %add3A_151 : i32
      %get3A_153 = arith.index_cast %add3A_118 : i32 to index
      %get3A_154 = arith.index_cast %add3A_152 : i32 to index
      %get3A_155 = tpu.vector_load %arg8[%get3A_153, %get3A_154] {strides = array<i32>} : memref<128x128xf32, #tpu.memory_space<vmem>>, vector<1x16xf32>,
      %get3A_156 = vector.shape_cast %get3A_155 : vector<1x16xf32> to vector<16xf32>
      %swap3A_157 = arith.index_cast %add3A_118 : i32 to index
      %swap3A_158 = arith.constant 48 : index
      %swap3A_159 = tpu.vector_load %arg11[%swap3A_157, %swap3A_158] {strides = array<i32>} : memref<128x64xf32, #tpu.memory_space<vmem>>, vector<1x16xf32>,
      %swap3A_160 = vector.shape_cast %swap3A_159 : vector<1x16xf32> to vector<16xf32>
      %swap3A_161 = vector.shape_cast %get3A_156 : vector<16xf32> to vector<1x16xf32>
      tpu.vector_store %arg11[%swap3A_157, %swap3A_158], %swap3A_161 {strides = array<i32>} : memref<128x64xf32, #tpu.memory_space<vmem>>, vector<1x16xf32>,
      %slice3A_162 = vector.extract_strided_slice %mul3A_114 {offsets = [1], sizes = [1], strides = [1]} : vector<16xi32> to vector<1xi32>
      %squeeze3A_163 = vector.extract %slice3A_162[0] : i32 from vector<1xi32>
      %mul3A_164 = arith.constant 16 : i32
      %mul3A_165 = arith.muli %add3A_103, %mul3A_164 : i32
      %add3A_166 = arith.constant 1 : i32
      %add3A_167 = arith.addi %mul3A_165, %add3A_166 : i32
      %add3A_168 = arith.constant 0 : i32
      %add3A_169 = arith.addi %squeeze3A_163, %add3A_168 : i32
      %get3A_170 = arith.index_cast %add3A_167 : i32 to index
      %get3A_171 = arith.index_cast %add3A_169 : i32 to index
      %get3A_172 = tpu.vector_load %arg8[%get3A_170, %get3A_171] {strides = array<i32>} : memref<128x128xf32, #tpu.memory_space<vmem>>, vector<1x16xf32>,
      %get3A_173 = vector.shape_cast %get3A_172 : vector<1x16xf32> to vector<16xf32>
      %swap3A_174 = arith.index_cast %add3A_167 : i32 to index
      %swap3A_175 = arith.constant 0 : index
      %swap3A_176 = tpu.vector_load %arg11[%swap3A_174, %swap3A_175] {strides = array<i32>} : memref<128x64xf32, #tpu.memory_space<vmem>>, vector<1x16xf32>,
      %swap3A_177 = vector.shape_cast %swap3A_176 : vector<1x16xf32> to vector<16xf32>
      %swap3A_178 = vector.shape_cast %get3A_173 : vector<16xf32> to vector<1x16xf32>
      tpu.vector_store %arg11[%swap3A_174, %swap3A_175], %swap3A_178 {strides = array<i32>} : memref<128x64xf32, #tpu.memory_space<vmem>>, vector<1x16xf32>,
      %add3A_179 = arith.constant 16 : i32
      %add3A_180 = arith.addi %squeeze3A_163, %add3A_179 : i32
      %get3A_181 = arith.index_cast %add3A_167 : i32 to index
      %get3A_182 = arith.index_cast %add3A_180 : i32 to index
      %get3A_183 = tpu.vector_load %arg8[%get3A_181, %get3A_182] {strides = array<i32>} : memref<128x128xf32, #tpu.memory_space<vmem>>, vector<1x16xf32>,
      %get3A_184 = vector.shape_cast %get3A_183 : vector<1x16xf32> to vector<16xf32>
      %swap3A_185 = arith.index_cast %add3A_167 : i32 to index
      %swap3A_186 = arith.constant 16 : index
      %swap3A_187 = tpu.vector_load %arg11[%swap3A_185, %swap3A_186] {strides = array<i32>} : memref<128x64xf32, #tpu.memory_space<vmem>>, vector<1x16xf32>,
      %swap3A_188 = vector.shape_cast %swap3A_187 : vector<1x16xf32> to vector<16xf32>
      %swap3A_189 = vector.shape_cast %get3A_184 : vector<16xf32> to vector<1x16xf32>
      tpu.vector_store %arg11[%swap3A_185, %swap3A_186], %swap3A_189 {strides = array<i32>} : memref<128x64xf32, #tpu.memory_space<vmem>>, vector<1x16xf32>,
      %add3A_190 = arith.constant 32 : i32
      %add3A_191 = arith.addi %squeeze3A_163, %add3A_190 : i32
      %get3A_192 = arith.index_cast %add3A_167 : i32 to index
      %get3A_193 = arith.index_cast %add3A_191 : i32 to index
      %get3A_194 = tpu.vector_load %arg8[%get3A_192, %get3A_193] {strides = array<i32>} : memref<128x128xf32, #tpu.memory_space<vmem>>, vector<1x16xf32>,
      %get3A_195 = vector.shape_cast %get3A_194 : vector<1x16xf32> to vector<16xf32>
      %swap3A_196 = arith.index_cast %add3A_167 : i32 to index
      %swap3A_197 = arith.constant 32 : index
      %swap3A_198 = tpu.vector_load %arg11[%swap3A_196, %swap3A_197] {strides = array<i32>} : memref<128x64xf32, #tpu.memory_space<vmem>>, vector<1x16xf32>,
      %swap3A_199 = vector.shape_cast %swap3A_198 : vector<1x16xf32> to vector<16xf32>
      %swap3A_200 = vector.shape_cast %get3A_195 : vector<16xf32> to vector<1x16xf32>
      tpu.vector_store %arg11[%swap3A_196, %swap3A_197], %swap3A_200 {strides = array<i32>} : memref<128x64xf32, #tpu.memory_space<vmem>>, vector<1x16xf32>,
      %add3A_201 = arith.constant 48 : i32
      %add3A_202 = arith.addi %squeeze3A_163, %add3A_201 : i32
      %get3A_203 = arith.index_cast %add3A_167 : i32 to index
      %get3A_204 = arith.index_cast %add3A_202 : i32 to index
      %get3A_205 = tpu.vector_load %arg8[%get3A_203, %get3A_204] {strides = array<i32>} : memref<128x128xf32, #tpu.memory_space<vmem>>, vector<1x16xf32>,
      %get3A_206 = vector.shape_cast %get3A_205 : vector<1x16xf32> to vector<16xf32>
      %swap3A_207 = arith.index_cast %add3A_167 : i32 to index
      %swap3A_208 = arith.constant 48 : index
      %swap3A_209 = tpu.vector_load %arg11[%swap3A_207, %swap3A_208] {strides = array<i32>} : memref<128x64xf32, #tpu.memory_space<vmem>>, vector<1x16xf32>,
      %swap3A_210 = vector.shape_cast %swap3A_209 : vector<1x16xf32> to vector<16xf32>
      %swap3A_211 = vector.shape_cast %get3A_206 : vector<16xf32> to vector<1x16xf32>
      tpu.vector_store %arg11[%swap3A_207, %swap3A_208], %swap3A_211 {strides = array<i32>} : memref<128x64xf32, #tpu.memory_space<vmem>>, vector<1x16xf32>,
      %slice3A_212 = vector.extract_strided_slice %mul3A_114 {offsets = [2], sizes = [1], strides = [1]} : vector<16xi32> to vector<1xi32>
      %squeeze3A_213 = vector.extract %slice3A_212[0] : i32 from vector<1xi32>
      %mul3A_214 = arith.constant 16 : i32
      %mul3A_215 = arith.muli %add3A_103, %mul3A_214 : i32
      %add3A_216 = arith.constant 2 : i32
      %add3A_217 = arith.addi %mul3A_215, %add3A_216 : i32
      %add3A_218 = arith.constant 0 : i32
      %add3A_219 = arith.addi %squeeze3A_213, %add3A_218 : i32
      %get3A_220 = arith.index_cast %add3A_217 : i32 to index
      %get3A_221 = arith.index_cast %add3A_219 : i32 to index
      %get3A_222 = tpu.vector_load %arg8[%get3A_220, %get3A_221] {strides = array<i32>} : memref<128x128xf32, #tpu.memory_space<vmem>>, vector<1x16xf32>,
      %get3A_223 = vector.shape_cast %get3A_222 : vector<1x16xf32> to vector<16xf32>
      %swap3A_224 = arith.index_cast %add3A_217 : i32 to index
      %swap3A_225 = arith.constant 0 : index
      %swap3A_226 = tpu.vector_load %arg11[%swap3A_224, %swap3A_225] {strides = array<i32>} : memref<128x64xf32, #tpu.memory_space<vmem>>, vector<1x16xf32>,
      %swap3A_227 = vector.shape_cast %swap3A_226 : vector<1x16xf32> to vector<16xf32>
      %swap3A_228 = vector.shape_cast %get3A_223 : vector<16xf32> to vector<1x16xf32>
      tpu.vector_store %arg11[%swap3A_224, %swap3A_225], %swap3A_228 {strides = array<i32>} : memref<128x64xf32, #tpu.memory_space<vmem>>, vector<1x16xf32>,
      %add3A_229 = arith.constant 16 : i32
      %add3A_230 = arith.addi %squeeze3A_213, %add3A_229 : i32
      %get3A_231 = arith.index_cast %add3A_217 : i32 to index
      %get3A_232 = arith.index_cast %add3A_230 : i32 to index
      %get3A_233 = tpu.vector_load %arg8[%get3A_231, %get3A_232] {strides = array<i32>} : memref<128x128xf32, #tpu.memory_space<vmem>>, vector<1x16xf32>,
      %get3A_234 = vector.shape_cast %get3A_233 : vector<1x16xf32> to vector<16xf32>
      %swap3A_235 = arith.index_cast %add3A_217 : i32 to index
      %swap3A_236 = arith.constant 16 : index
      %swap3A_237 = tpu.vector_load %arg11[%swap3A_235, %swap3A_236] {strides = array<i32>} : memref<128x64xf32, #tpu.memory_space<vmem>>, vector<1x16xf32>,
      %swap3A_238 = vector.shape_cast %swap3A_237 : vector<1x16xf32> to vector<16xf32>
      %swap3A_239 = vector.shape_cast %get3A_234 : vector<16xf32> to vector<1x16xf32>
      tpu.vector_store %arg11[%swap3A_235, %swap3A_236], %swap3A_239 {strides = array<i32>} : memref<128x64xf32, #tpu.memory_space<vmem>>, vector<1x16xf32>,
      %add3A_240 = arith.constant 32 : i32
      %add3A_241 = arith.addi %squeeze3A_213, %add3A_240 : i32
      %get3A_242 = arith.index_cast %add3A_217 : i32 to index
      %get3A_243 = arith.index_cast %add3A_241 : i32 to index
      %get3A_244 = tpu.vector_load %arg8[%get3A_242, %get3A_243] {strides = array<i32>} : memref<128x128xf32, #tpu.memory_space<vmem>>, vector<1x16xf32>,
      %get3A_245 = vector.shape_cast %get3A_244 : vector<1x16xf32> to vector<16xf32>
      %swap3A_246 = arith.index_cast %add3A_217 : i32 to index
      %swap3A_247 = arith.constant 32 : index
      %swap3A_248 = tpu.vector_load %arg11[%swap3A_246, %swap3A_247] {strides = array<i32>} : memref<128x64xf32, #tpu.memory_space<vmem>>, vector<1x16xf32>,
      %swap3A_249 = vector.shape_cast %swap3A_248 : vector<1x16xf32> to vector<16xf32>
      %swap3A_250 = vector.shape_cast %get3A_245 : vector<16xf32> to vector<1x16xf32>
      tpu.vector_store %arg11[%swap3A_246, %swap3A_247], %swap3A_250 {strides = array<i32>} : memref<128x64xf32, #tpu.memory_space<vmem>>, vector<1x16xf32>,
      %add3A_251 = arith.constant 48 : i32
      %add3A_252 = arith.addi %squeeze3A_213, %add3A_251 : i32
      %get3A_253 = arith.index_cast %add3A_217 : i32 to index
      %get3A_254 = arith.index_cast %add3A_252 : i32 to index
      %get3A_255 = tpu.vector_load %arg8[%get3A_253, %get3A_254] {strides = array<i32>} : memref<128x128xf32, #tpu.memory_space<vmem>>, vector<1x16xf32>,
      %get3A_256 = vector.shape_cast %get3A_255 : vector<1x16xf32> to vector<16xf32>
      %swap3A_257 = arith.index_cast %add3A_217 : i32 to index
      %swap3A_258 = arith.constant 48 : index
      %swap3A_259 = tpu.vector_load %arg11[%swap3A_257, %swap3A_258] {strides = array<i32>} : memref<128x64xf32, #tpu.memory_space<vmem>>, vector<1x16xf32>,
      %swap3A_260 = vector.shape_cast %swap3A_259 : vector<1x16xf32> to vector<16xf32>
      %swap3A_261 = vector.shape_cast %get3A_256 : vector<16xf32> to vector<1x16xf32>
      tpu.vector_store %arg11[%swap3A_257, %swap3A_258], %swap3A_261 {strides = array<i32>} : memref<128x64xf32, #tpu.memory_space<vmem>>, vector<1x16xf32>,
      %slice3A_262 = vector.extract_strided_slice %mul3A_114 {offsets = [3], sizes = [1], strides = [1]} : vector<16xi32> to vector<1xi32>
      %squeeze3A_263 = vector.extract %slice3A_262[0] : i32 from vector<1xi32>
      %mul3A_264 = arith.constant 16 : i32
      %mul3A_265 = arith.muli %add3A_103, %mul3A_264 : i32
      %add3A_266 = arith.constant 3 : i32
      %add3A_267 = arith.addi %mul3A_265, %add3A_266 : i32
      %add3A_268 = arith.constant 0 : i32
      %add3A_269 = arith.addi %squeeze3A_263, %add3A_268 : i32
      %get3A_270 = arith.index_cast %add3A_267 : i32 to index
      %get3A_271 = arith.index_cast %add3A_269 : i32 to index
      %get3A_272 = tpu.vector_load %arg8[%get3A_270, %get3A_271] {strides = array<i32>} : memref<128x128xf32, #tpu.memory_space<vmem>>, vector<1x16xf32>,
      %get3A_273 = vector.shape_cast %get3A_272 : vector<1x16xf32> to vector<16xf32>
      %swap3A_274 = arith.index_cast %add3A_267 : i32 to index
      %swap3A_275 = arith.constant 0 : index
      %swap3A_276 = tpu.vector_load %arg11[%swap3A_274, %swap3A_275] {strides = array<i32>} : memref<128x64xf32, #tpu.memory_space<vmem>>, vector<1x16xf32>,
      %swap3A_277 = vector.shape_cast %swap3A_276 : vector<1x16xf32> to vector<16xf32>
      %swap3A_278 = vector.shape_cast %get3A_273 : vector<16xf32> to vector<1x16xf32>
      tpu.vector_store %arg11[%swap3A_274, %swap3A_275], %swap3A_278 {strides = array<i32>} : memref<128x64xf32, #tpu.memory_space<vmem>>, vector<1x16xf32>,
      %add3A_279 = arith.constant 16 : i32
      %add3A_280 = arith.addi %squeeze3A_263, %add3A_279 : i32
      %get3A_281 = arith.index_cast %add3A_267 : i32 to index
      %get3A_282 = arith.index_cast %add3A_280 : i32 to index
      %get3A_283 = tpu.vector_load %arg8[%get3A_281, %get3A_282] {strides = array<i32>} : memref<128x128xf32, #tpu.memory_space<vmem>>, vector<1x16xf32>,
      %get3A_284 = vector.shape_cast %get3A_283 : vector<1x16xf32> to vector<16xf32>
      %swap3A_285 = arith.index_cast %add3A_267 : i32 to index
      %swap3A_286 = arith.constant 16 : index
      %swap3A_287 = tpu.vector_load %arg11[%swap3A_285, %swap3A_286] {strides = array<i32>} : memref<128x64xf32, #tpu.memory_space<vmem>>, vector<1x16xf32>,
      %swap3A_288 = vector.shape_cast %swap3A_287 : vector<1x16xf32> to vector<16xf32>
      %swap3A_289 = vector.shape_cast %get3A_284 : vector<16xf32> to vector<1x16xf32>
      tpu.vector_store %arg11[%swap3A_285, %swap3A_286], %swap3A_289 {strides = array<i32>} : memref<128x64xf32, #tpu.memory_space<vmem>>, vector<1x16xf32>,
      %add3A_290 = arith.constant 32 : i32
      %add3A_291 = arith.addi %squeeze3A_263, %add3A_290 : i32
      %get3A_292 = arith.index_cast %add3A_267 : i32 to index
      %get3A_293 = arith.index_cast %add3A_291 : i32 to index
      %get3A_294 = tpu.vector_load %arg8[%get3A_292, %get3A_293] {strides = array<i32>} : memref<128x128xf32, #tpu.memory_space<vmem>>, vector<1x16xf32>,
      %get3A_295 = vector.shape_cast %get3A_294 : vector<1x16xf32> to vector<16xf32>
      %swap3A_296 = arith.index_cast %add3A_267 : i32 to index
      %swap3A_297 = arith.constant 32 : index
      %swap3A_298 = tpu.vector_load %arg11[%swap3A_296, %swap3A_297] {strides = array<i32>} : memref<128x64xf32, #tpu.memory_space<vmem>>, vector<1x16xf32>,
      %swap3A_299 = vector.shape_cast %swap3A_298 : vector<1x16xf32> to vector<16xf32>
      %swap3A_300 = vector.shape_cast %get3A_295 : vector<16xf32> to vector<1x16xf32>
      tpu.vector_store %arg11[%swap3A_296, %swap3A_297], %swap3A_300 {strides = array<i32>} : memref<128x64xf32, #tpu.memory_space<vmem>>, vector<1x16xf32>,
      %add3A_301 = arith.constant 48 : i32
      %add3A_302 = arith.addi %squeeze3A_263, %add3A_301 : i32
      %get3A_303 = arith.index_cast %add3A_267 : i32 to index
      %get3A_304 = arith.index_cast %add3A_302 : i32 to index
      %get3A_305 = tpu.vector_load %arg8[%get3A_303, %get3A_304] {strides = array<i32>} : memref<128x128xf32, #tpu.memory_space<vmem>>, vector<1x16xf32>,
      %get3A_306 = vector.shape_cast %get3A_305 : vector<1x16xf32> to vector<16xf32>
      %swap3A_307 = arith.index_cast %add3A_267 : i32 to index
      %swap3A_308 = arith.constant 48 : index
      %swap3A_309 = tpu.vector_load %arg11[%swap3A_307, %swap3A_308] {strides = array<i32>} : memref<128x64xf32, #tpu.memory_space<vmem>>, vector<1x16xf32>,
      %swap3A_310 = vector.shape_cast %swap3A_309 : vector<1x16xf32> to vector<16xf32>
      %swap3A_311 = vector.shape_cast %get3A_306 : vector<16xf32> to vector<1x16xf32>
      tpu.vector_store %arg11[%swap3A_307, %swap3A_308], %swap3A_311 {strides = array<i32>} : memref<128x64xf32, #tpu.memory_space<vmem>>, vector<1x16xf32>,
      %slice3A_312 = vector.extract_strided_slice %mul3A_114 {offsets = [4], sizes = [1], strides = [1]} : vector<16xi32> to vector<1xi32>
      %squeeze3A_313 = vector.extract %slice3A_312[0] : i32 from vector<1xi32>
      %mul3A_314 = arith.constant 16 : i32
      %mul3A_315 = arith.muli %add3A_103, %mul3A_314 : i32
      %add3A_316 = arith.constant 4 : i32
      %add3A_317 = arith.addi %mul3A_315, %add3A_316 : i32
      %add3A_318 = arith.constant 0 : i32
      %add3A_319 = arith.addi %squeeze3A_313, %add3A_318 : i32
      %get3A_320 = arith.index_cast %add3A_317 : i32 to index
      %get3A_321 = arith.index_cast %add3A_319 : i32 to index
      %get3A_322 = tpu.vector_load %arg8[%get3A_320, %get3A_321] {strides = array<i32>} : memref<128x128xf32, #tpu.memory_space<vmem>>, vector<1x16xf32>,
      %get3A_323 = vector.shape_cast %get3A_322 : vector<1x16xf32> to vector<16xf32>
      %swap3A_324 = arith.index_cast %add3A_317 : i32 to index
      %swap3A_325 = arith.constant 0 : index
      %swap3A_326 = tpu.vector_load %arg11[%swap3A_324, %swap3A_325] {strides = array<i32>} : memref<128x64xf32, #tpu.memory_space<vmem>>, vector<1x16xf32>,
      %swap3A_327 = vector.shape_cast %swap3A_326 : vector<1x16xf32> to vector<16xf32>
      %swap3A_328 = vector.shape_cast %get3A_323 : vector<16xf32> to vector<1x16xf32>
      tpu.vector_store %arg11[%swap3A_324, %swap3A_325], %swap3A_328 {strides = array<i32>} : memref<128x64xf32, #tpu.memory_space<vmem>>, vector<1x16xf32>,
      %add3A_329 = arith.constant 16 : i32
      %add3A_330 = arith.addi %squeeze3A_313, %add3A_329 : i32
      %get3A_331 = arith.index_cast %add3A_317 : i32 to index
      %get3A_332 = arith.index_cast %add3A_330 : i32 to index
      %get3A_333 = tpu.vector_load %arg8[%get3A_331, %get3A_332] {strides = array<i32>} : memref<128x128xf32, #tpu.memory_space<vmem>>, vector<1x16xf32>,
      %get3A_334 = vector.shape_cast %get3A_333 : vector<1x16xf32> to vector<16xf32>
      %swap3A_335 = arith.index_cast %add3A_317 : i32 to index
      %swap3A_336 = arith.constant 16 : index
      %swap3A_337 = tpu.vector_load %arg11[%swap3A_335, %swap3A_336] {strides = array<i32>} : memref<128x64xf32, #tpu.memory_space<vmem>>, vector<1x16xf32>,
      %swap3A_338 = vector.shape_cast %swap3A_337 : vector<1x16xf32> to vector<16xf32>
      %swap3A_339 = vector.shape_cast %get3A_334 : vector<16xf32> to vector<1x16xf32>
      tpu.vector_store %arg11[%swap3A_335, %swap3A_336], %swap3A_339 {strides = array<i32>} : memref<128x64xf32, #tpu.memory_space<vmem>>, vector<1x16xf32>,
      %add3A_340 = arith.constant 32 : i32
      %add3A_341 = arith.addi %squeeze3A_313, %add3A_340 : i32
      %get3A_342 = arith.index_cast %add3A_317 : i32 to index
      %get3A_343 = arith.index_cast %add3A_341 : i32 to index
      %get3A_344 = tpu.vector_load %arg8[%get3A_342, %get3A_343] {strides = array<i32>} : memref<128x128xf32, #tpu.memory_space<vmem>>, vector<1x16xf32>,
      %get3A_345 = vector.shape_cast %get3A_344 : vector<1x16xf32> to vector<16xf32>
      %swap3A_346 = arith.index_cast %add3A_317 : i32 to index
      %swap3A_347 = arith.constant 32 : index
      %swap3A_348 = tpu.vector_load %arg11[%swap3A_346, %swap3A_347] {strides = array<i32>} : memref<128x64xf32, #tpu.memory_space<vmem>>, vector<1x16xf32>,
      %swap3A_349 = vector.shape_cast %swap3A_348 : vector<1x16xf32> to vector<16xf32>
      %swap3A_350 = vector.shape_cast %get3A_345 : vector<16xf32> to vector<1x16xf32>
      tpu.vector_store %arg11[%swap3A_346, %swap3A_347], %swap3A_350 {strides = array<i32>} : memref<128x64xf32, #tpu.memory_space<vmem>>, vector<1x16xf32>,
      %add3A_351 = arith.constant 48 : i32
      %add3A_352 = arith.addi %squeeze3A_313, %add3A_351 : i32
      %get3A_353 = arith.index_cast %add3A_317 : i32 to index
      %get3A_354 = arith.index_cast %add3A_352 : i32 to index
      %get3A_355 = tpu.vector_load %arg8[%get3A_353, %get3A_354] {strides = array<i32>} : memref<128x128xf32, #tpu.memory_space<vmem>>, vector<1x16xf32>,
      %get3A_356 = vector.shape_cast %get3A_355 : vector<1x16xf32> to vector<16xf32>
      %swap3A_357 = arith.index_cast %add3A_317 : i32 to index
      %swap3A_358 = arith.constant 48 : index
      %swap3A_359 = tpu.vector_load %arg11[%swap3A_357, %swap3A_358] {strides = array<i32>} : memref<128x64xf32, #tpu.memory_space<vmem>>, vector<1x16xf32>,
      %swap3A_360 = vector.shape_cast %swap3A_359 : vector<1x16xf32> to vector<16xf32>
      %swap3A_361 = vector.shape_cast %get3A_356 : vector<16xf32> to vector<1x16xf32>
      tpu.vector_store %arg11[%swap3A_357, %swap3A_358], %swap3A_361 {strides = array<i32>} : memref<128x64xf32, #tpu.memory_space<vmem>>, vector<1x16xf32>,
      %slice3A_362 = vector.extract_strided_slice %mul3A_114 {offsets = [5], sizes = [1], strides = [1]} : vector<16xi32> to vector<1xi32>
      %squeeze3A_363 = vector.extract %slice3A_362[0] : i32 from vector<1xi32>
      %mul3A_364 = arith.constant 16 : i32
      %mul3A_365 = arith.muli %add3A_103, %mul3A_364 : i32
      %add3A_366 = arith.constant 5 : i32
      %add3A_367 = arith.addi %mul3A_365, %add3A_366 : i32
      %add3A_368 = arith.constant 0 : i32
      %add3A_369 = arith.addi %squeeze3A_363, %add3A_368 : i32
      %get3A_370 = arith.index_cast %add3A_367 : i32 to index
      %get3A_371 = arith.index_cast %add3A_369 : i32 to index
      %get3A_372 = tpu.vector_load %arg8[%get3A_370, %get3A_371] {strides = array<i32>} : memref<128x128xf32, #tpu.memory_space<vmem>>, vector<1x16xf32>,
      %get3A_373 = vector.shape_cast %get3A_372 : vector<1x16xf32> to vector<16xf32>
      %swap3A_374 = arith.index_cast %add3A_367 : i32 to index
      %swap3A_375 = arith.constant 0 : index
      %swap3A_376 = tpu.vector_load %arg11[%swap3A_374, %swap3A_375] {strides = array<i32>} : memref<128x64xf32, #tpu.memory_space<vmem>>, vector<1x16xf32>,
      %swap3A_377 = vector.shape_cast %swap3A_376 : vector<1x16xf32> to vector<16xf32>
      %swap3A_378 = vector.shape_cast %get3A_373 : vector<16xf32> to vector<1x16xf32>
      tpu.vector_store %arg11[%swap3A_374, %swap3A_375], %swap3A_378 {strides = array<i32>} : memref<128x64xf32, #tpu.memory_space<vmem>>, vector<1x16xf32>,
      %add3A_379 = arith.constant 16 : i32
      %add3A_380 = arith.addi %squeeze3A_363, %add3A_379 : i32
      %get3A_381 = arith.index_cast %add3A_367 : i32 to index
      %get3A_382 = arith.index_cast %add3A_380 : i32 to index
      %get3A_383 = tpu.vector_load %arg8[%get3A_381, %get3A_382] {strides = array<i32>} : memref<128x128xf32, #tpu.memory_space<vmem>>, vector<1x16xf32>,
      %get3A_384 = vector.shape_cast %get3A_383 : vector<1x16xf32> to vector<16xf32>
      %swap3A_385 = arith.index_cast %add3A_367 : i32 to index
      %swap3A_386 = arith.constant 16 : index
      %swap3A_387 = tpu.vector_load %arg11[%swap3A_385, %swap3A_386] {strides = array<i32>} : memref<128x64xf32, #tpu.memory_space<vmem>>, vector<1x16xf32>,
      %swap3A_388 = vector.shape_cast %swap3A_387 : vector<1x16xf32> to vector<16xf32>
      %swap3A_389 = vector.shape_cast %get3A_384 : vector<16xf32> to vector<1x16xf32>
      tpu.vector_store %arg11[%swap3A_385, %swap3A_386], %swap3A_389 {strides = array<i32>} : memref<128x64xf32, #tpu.memory_space<vmem>>, vector<1x16xf32>,
      %add3A_390 = arith.constant 32 : i32
      %add3A_391 = arith.addi %squeeze3A_363, %add3A_390 : i32
      %get3A_392 = arith.index_cast %add3A_367 : i32 to index
      %get3A_393 = arith.index_cast %add3A_391 : i32 to index
      %get3A_394 = tpu.vector_load %arg8[%get3A_392, %get3A_393] {strides = array<i32>} : memref<128x128xf32, #tpu.memory_space<vmem>>, vector<1x16xf32>,
      %get3A_395 = vector.shape_cast %get3A_394 : vector<1x16xf32> to vector<16xf32>
      %swap3A_396 = arith.index_cast %add3A_367 : i32 to index
      %swap3A_397 = arith.constant 32 : index
      %swap3A_398 = tpu.vector_load %arg11[%swap3A_396, %swap3A_397] {strides = array<i32>} : memref<128x64xf32, #tpu.memory_space<vmem>>, vector<1x16xf32>,
      %swap3A_399 = vector.shape_cast %swap3A_398 : vector<1x16xf32> to vector<16xf32>
      %swap3A_400 = vector.shape_cast %get3A_395 : vector<16xf32> to vector<1x16xf32>
      tpu.vector_store %arg11[%swap3A_396, %swap3A_397], %swap3A_400 {strides = array<i32>} : memref<128x64xf32, #tpu.memory_space<vmem>>, vector<1x16xf32>,
      %add3A_401 = arith.constant 48 : i32
      %add3A_402 = arith.addi %squeeze3A_363, %add3A_401 : i32
      %get3A_403 = arith.index_cast %add3A_367 : i32 to index
      %get3A_404 = arith.index_cast %add3A_402 : i32 to index
      %get3A_405 = tpu.vector_load %arg8[%get3A_403, %get3A_404] {strides = array<i32>} : memref<128x128xf32, #tpu.memory_space<vmem>>, vector<1x16xf32>,
      %get3A_406 = vector.shape_cast %get3A_405 : vector<1x16xf32> to vector<16xf32>
      %swap3A_407 = arith.index_cast %add3A_367 : i32 to index
      %swap3A_408 = arith.constant 48 : index
      %swap3A_409 = tpu.vector_load %arg11[%swap3A_407, %swap3A_408] {strides = array<i32>} : memref<128x64xf32, #tpu.memory_space<vmem>>, vector<1x16xf32>,
      %swap3A_410 = vector.shape_cast %swap3A_409 : vector<1x16xf32> to vector<16xf32>
      %swap3A_411 = vector.shape_cast %get3A_406 : vector<16xf32> to vector<1x16xf32>
      tpu.vector_store %arg11[%swap3A_407, %swap3A_408], %swap3A_411 {strides = array<i32>} : memref<128x64xf32, #tpu.memory_space<vmem>>, vector<1x16xf32>,
      %slice3A_412 = vector.extract_strided_slice %mul3A_114 {offsets = [6], sizes = [1], strides = [1]} : vector<16xi32> to vector<1xi32>
      %squeeze3A_413 = vector.extract %slice3A_412[0] : i32 from vector<1xi32>
      %mul3A_414 = arith.constant 16 : i32
      %mul3A_415 = arith.muli %add3A_103, %mul3A_414 : i32
      %add3A_416 = arith.constant 6 : i32
      %add3A_417 = arith.addi %mul3A_415, %add3A_416 : i32
      %add3A_418 = arith.constant 0 : i32
      %add3A_419 = arith.addi %squeeze3A_413, %add3A_418 : i32
      %get3A_420 = arith.index_cast %add3A_417 : i32 to index
      %get3A_421 = arith.index_cast %add3A_419 : i32 to index
      %get3A_422 = tpu.vector_load %arg8[%get3A_420, %get3A_421] {strides = array<i32>} : memref<128x128xf32, #tpu.memory_space<vmem>>, vector<1x16xf32>,
      %get3A_423 = vector.shape_cast %get3A_422 : vector<1x16xf32> to vector<16xf32>
      %swap3A_424 = arith.index_cast %add3A_417 : i32 to index
      %swap3A_425 = arith.constant 0 : index
      %swap3A_426 = tpu.vector_load %arg11[%swap3A_424, %swap3A_425] {strides = array<i32>} : memref<128x64xf32, #tpu.memory_space<vmem>>, vector<1x16xf32>,
      %swap3A_427 = vector.shape_cast %swap3A_426 : vector<1x16xf32> to vector<16xf32>
      %swap3A_428 = vector.shape_cast %get3A_423 : vector<16xf32> to vector<1x16xf32>
      tpu.vector_store %arg11[%swap3A_424, %swap3A_425], %swap3A_428 {strides = array<i32>} : memref<128x64xf32, #tpu.memory_space<vmem>>, vector<1x16xf32>,
      %add3A_429 = arith.constant 16 : i32
      %add3A_430 = arith.addi %squeeze3A_413, %add3A_429 : i32
      %get3A_431 = arith.index_cast %add3A_417 : i32 to index
      %get3A_432 = arith.index_cast %add3A_430 : i32 to index
      %get3A_433 = tpu.vector_load %arg8[%get3A_431, %get3A_432] {strides = array<i32>} : memref<128x128xf32, #tpu.memory_space<vmem>>, vector<1x16xf32>,
      %get3A_434 = vector.shape_cast %get3A_433 : vector<1x16xf32> to vector<16xf32>
      %swap3A_435 = arith.index_cast %add3A_417 : i32 to index
      %swap3A_436 = arith.constant 16 : index
      %swap3A_437 = tpu.vector_load %arg11[%swap3A_435, %swap3A_436] {strides = array<i32>} : memref<128x64xf32, #tpu.memory_space<vmem>>, vector<1x16xf32>,
      %swap3A_438 = vector.shape_cast %swap3A_437 : vector<1x16xf32> to vector<16xf32>
      %swap3A_439 = vector.shape_cast %get3A_434 : vector<16xf32> to vector<1x16xf32>
      tpu.vector_store %arg11[%swap3A_435, %swap3A_436], %swap3A_439 {strides = array<i32>} : memref<128x64xf32, #tpu.memory_space<vmem>>, vector<1x16xf32>,
      %add3A_440 = arith.constant 32 : i32
      %add3A_441 = arith.addi %squeeze3A_413, %add3A_440 : i32
      %get3A_442 = arith.index_cast %add3A_417 : i32 to index
      %get3A_443 = arith.index_cast %add3A_441 : i32 to index
      %get3A_444 = tpu.vector_load %arg8[%get3A_442, %get3A_443] {strides = array<i32>} : memref<128x128xf32, #tpu.memory_space<vmem>>, vector<1x16xf32>,
      %get3A_445 = vector.shape_cast %get3A_444 : vector<1x16xf32> to vector<16xf32>
      %swap3A_446 = arith.index_cast %add3A_417 : i32 to index
      %swap3A_447 = arith.constant 32 : index
      %swap3A_448 = tpu.vector_load %arg11[%swap3A_446, %swap3A_447] {strides = array<i32>} : memref<128x64xf32, #tpu.memory_space<vmem>>, vector<1x16xf32>,
      %swap3A_449 = vector.shape_cast %swap3A_448 : vector<1x16xf32> to vector<16xf32>
      %swap3A_450 = vector.shape_cast %get3A_445 : vector<16xf32> to vector<1x16xf32>
      tpu.vector_store %arg11[%swap3A_446, %swap3A_447], %swap3A_450 {strides = array<i32>} : memref<128x64xf32, #tpu.memory_space<vmem>>, vector<1x16xf32>,
      %add3A_451 = arith.constant 48 : i32
      %add3A_452 = arith.addi %squeeze3A_413, %add3A_451 : i32
      %get3A_453 = arith.index_cast %add3A_417 : i32 to index
      %get3A_454 = arith.index_cast %add3A_452 : i32 to index
      %get3A_455 = tpu.vector_load %arg8[%get3A_453, %get3A_454] {strides = array<i32>} : memref<128x128xf32, #tpu.memory_space<vmem>>, vector<1x16xf32>,
      %get3A_456 = vector.shape_cast %get3A_455 : vector<1x16xf32> to vector<16xf32>
      %swap3A_457 = arith.index_cast %add3A_417 : i32 to index
      %swap3A_458 = arith.constant 48 : index
      %swap3A_459 = tpu.vector_load %arg11[%swap3A_457, %swap3A_458] {strides = array<i32>} : memref<128x64xf32, #tpu.memory_space<vmem>>, vector<1x16xf32>,
      %swap3A_460 = vector.shape_cast %swap3A_459 : vector<1x16xf32> to vector<16xf32>
      %swap3A_461 = vector.shape_cast %get3A_456 : vector<16xf32> to vector<1x16xf32>
      tpu.vector_store %arg11[%swap3A_457, %swap3A_458], %swap3A_461 {strides = array<i32>} : memref<128x64xf32, #tpu.memory_space<vmem>>, vector<1x16xf32>,
      %slice3A_462 = vector.extract_strided_slice %mul3A_114 {offsets = [7], sizes = [1], strides = [1]} : vector<16xi32> to vector<1xi32>
      %squeeze3A_463 = vector.extract %slice3A_462[0] : i32 from vector<1xi32>
      %mul3A_464 = arith.constant 16 : i32
      %mul3A_465 = arith.muli %add3A_103, %mul3A_464 : i32
      %add3A_466 = arith.constant 7 : i32
      %add3A_467 = arith.addi %mul3A_465, %add3A_466 : i32
      %add3A_468 = arith.constant 0 : i32
      %add3A_469 = arith.addi %squeeze3A_463, %add3A_468 : i32
      %get3A_470 = arith.index_cast %add3A_467 : i32 to index
      %get3A_471 = arith.index_cast %add3A_469 : i32 to index
      %get3A_472 = tpu.vector_load %arg8[%get3A_470, %get3A_471] {strides = array<i32>} : memref<128x128xf32, #tpu.memory_space<vmem>>, vector<1x16xf32>,
      %get3A_473 = vector.shape_cast %get3A_472 : vector<1x16xf32> to vector<16xf32>
      %swap3A_474 = arith.index_cast %add3A_467 : i32 to index
      %swap3A_475 = arith.constant 0 : index
      %swap3A_476 = tpu.vector_load %arg11[%swap3A_474, %swap3A_475] {strides = array<i32>} : memref<128x64xf32, #tpu.memory_space<vmem>>, vector<1x16xf32>,
      %swap3A_477 = vector.shape_cast %swap3A_476 : vector<1x16xf32> to vector<16xf32>
      %swap3A_478 = vector.shape_cast %get3A_473 : vector<16xf32> to vector<1x16xf32>
      tpu.vector_store %arg11[%swap3A_474, %swap3A_475], %swap3A_478 {strides = array<i32>} : memref<128x64xf32, #tpu.memory_space<vmem>>, vector<1x16xf32>,
      %add3A_479 = arith.constant 16 : i32
      %add3A_480 = arith.addi %squeeze3A_463, %add3A_479 : i32
      %get3A_481 = arith.index_cast %add3A_467 : i32 to index
      %get3A_482 = arith.index_cast %add3A_480 : i32 to index
      %get3A_483 = tpu.vector_load %arg8[%get3A_481, %get3A_482] {strides = array<i32>} : memref<128x128xf32, #tpu.memory_space<vmem>>, vector<1x16xf32>,
      %get3A_484 = vector.shape_cast %get3A_483 : vector<1x16xf32> to vector<16xf32>
      %swap3A_485 = arith.index_cast %add3A_467 : i32 to index
      %swap3A_486 = arith.constant 16 : index
      %swap3A_487 = tpu.vector_load %arg11[%swap3A_485, %swap3A_486] {strides = array<i32>} : memref<128x64xf32, #tpu.memory_space<vmem>>, vector<1x16xf32>,
      %swap3A_488 = vector.shape_cast %swap3A_487 : vector<1x16xf32> to vector<16xf32>
      %swap3A_489 = vector.shape_cast %get3A_484 : vector<16xf32> to vector<1x16xf32>
      tpu.vector_store %arg11[%swap3A_485, %swap3A_486], %swap3A_489 {strides = array<i32>} : memref<128x64xf32, #tpu.memory_space<vmem>>, vector<1x16xf32>,
      %add3A_490 = arith.constant 32 : i32
      %add3A_491 = arith.addi %squeeze3A_463, %add3A_490 : i32
      %get3A_492 = arith.index_cast %add3A_467 : i32 to index
      %get3A_493 = arith.index_cast %add3A_491 : i32 to index
      %get3A_494 = tpu.vector_load %arg8[%get3A_492, %get3A_493] {strides = array<i32>} : memref<128x128xf32, #tpu.memory_space<vmem>>, vector<1x16xf32>,
      %get3A_495 = vector.shape_cast %get3A_494 : vector<1x16xf32> to vector<16xf32>
      %swap3A_496 = arith.index_cast %add3A_467 : i32 to index
      %swap3A_497 = arith.constant 32 : index
      %swap3A_498 = tpu.vector_load %arg11[%swap3A_496, %swap3A_497] {strides = array<i32>} : memref<128x64xf32, #tpu.memory_space<vmem>>, vector<1x16xf32>,
      %swap3A_499 = vector.shape_cast %swap3A_498 : vector<1x16xf32> to vector<16xf32>
      %swap3A_500 = vector.shape_cast %get3A_495 : vector<16xf32> to vector<1x16xf32>
      tpu.vector_store %arg11[%swap3A_496, %swap3A_497], %swap3A_500 {strides = array<i32>} : memref<128x64xf32, #tpu.memory_space<vmem>>, vector<1x16xf32>,
      %add3A_501 = arith.constant 48 : i32
      %add3A_502 = arith.addi %squeeze3A_463, %add3A_501 : i32
      %get3A_503 = arith.index_cast %add3A_467 : i32 to index
      %get3A_504 = arith.index_cast %add3A_502 : i32 to index
      %get3A_505 = tpu.vector_load %arg8[%get3A_503, %get3A_504] {strides = array<i32>} : memref<128x128xf32, #tpu.memory_space<vmem>>, vector<1x16xf32>,
      %get3A_506 = vector.shape_cast %get3A_505 : vector<1x16xf32> to vector<16xf32>
      %swap3A_507 = arith.index_cast %add3A_467 : i32 to index
      %swap3A_508 = arith.constant 48 : index
      %swap3A_509 = tpu.vector_load %arg11[%swap3A_507, %swap3A_508] {strides = array<i32>} : memref<128x64xf32, #tpu.memory_space<vmem>>, vector<1x16xf32>,
      %swap3A_510 = vector.shape_cast %swap3A_509 : vector<1x16xf32> to vector<16xf32>
      %swap3A_511 = vector.shape_cast %get3A_506 : vector<16xf32> to vector<1x16xf32>
      tpu.vector_store %arg11[%swap3A_507, %swap3A_508], %swap3A_511 {strides = array<i32>} : memref<128x64xf32, #tpu.memory_space<vmem>>, vector<1x16xf32>,
      %slice3A_512 = vector.extract_strided_slice %mul3A_114 {offsets = [8], sizes = [1], strides = [1]} : vector<16xi32> to vector<1xi32>
      %squeeze3A_513 = vector.extract %slice3A_512[0] : i32 from vector<1xi32>
      %mul3A_514 = arith.constant 16 : i32
      %mul3A_515 = arith.muli %add3A_103, %mul3A_514 : i32
      %add3A_516 = arith.constant 8 : i32
      %add3A_517 = arith.addi %mul3A_515, %add3A_516 : i32
      %add3A_518 = arith.constant 0 : i32
      %add3A_519 = arith.addi %squeeze3A_513, %add3A_518 : i32
      %get3A_520 = arith.index_cast %add3A_517 : i32 to index
      %get3A_521 = arith.index_cast %add3A_519 : i32 to index
      %get3A_522 = tpu.vector_load %arg8[%get3A_520, %get3A_521] {strides = array<i32>} : memref<128x128xf32, #tpu.memory_space<vmem>>, vector<1x16xf32>,
      %get3A_523 = vector.shape_cast %get3A_522 : vector<1x16xf32> to vector<16xf32>
      %swap3A_524 = arith.index_cast %add3A_517 : i32 to index
      %swap3A_525 = arith.constant 0 : index
      %swap3A_526 = tpu.vector_load %arg11[%swap3A_524, %swap3A_525] {strides = array<i32>} : memref<128x64xf32, #tpu.memory_space<vmem>>, vector<1x16xf32>,
      %swap3A_527 = vector.shape_cast %swap3A_526 : vector<1x16xf32> to vector<16xf32>
      %swap3A_528 = vector.shape_cast %get3A_523 : vector<16xf32> to vector<1x16xf32>
      tpu.vector_store %arg11[%swap3A_524, %swap3A_525], %swap3A_528 {strides = array<i32>} : memref<128x64xf32, #tpu.memory_space<vmem>>, vector<1x16xf32>,
      %add3A_529 = arith.constant 16 : i32
      %add3A_530 = arith.addi %squeeze3A_513, %add3A_529 : i32
      %get3A_531 = arith.index_cast %add3A_517 : i32 to index
      %get3A_532 = arith.index_cast %add3A_530 : i32 to index
      %get3A_533 = tpu.vector_load %arg8[%get3A_531, %get3A_532] {strides = array<i32>} : memref<128x128xf32, #tpu.memory_space<vmem>>, vector<1x16xf32>,
      %get3A_534 = vector.shape_cast %get3A_533 : vector<1x16xf32> to vector<16xf32>
      %swap3A_535 = arith.index_cast %add3A_517 : i32 to index
      %swap3A_536 = arith.constant 16 : index
      %swap3A_537 = tpu.vector_load %arg11[%swap3A_535, %swap3A_536] {strides = array<i32>} : memref<128x64xf32, #tpu.memory_space<vmem>>, vector<1x16xf32>,
      %swap3A_538 = vector.shape_cast %swap3A_537 : vector<1x16xf32> to vector<16xf32>
      %swap3A_539 = vector.shape_cast %get3A_534 : vector<16xf32> to vector<1x16xf32>
      tpu.vector_store %arg11[%swap3A_535, %swap3A_536], %swap3A_539 {strides = array<i32>} : memref<128x64xf32, #tpu.memory_space<vmem>>, vector<1x16xf32>,
      %add3A_540 = arith.constant 32 : i32
      %add3A_541 = arith.addi %squeeze3A_513, %add3A_540 : i32
      %get3A_542 = arith.index_cast %add3A_517 : i32 to index
      %get3A_543 = arith.index_cast %add3A_541 : i32 to index
      %get3A_544 = tpu.vector_load %arg8[%get3A_542, %get3A_543] {strides = array<i32>} : memref<128x128xf32, #tpu.memory_space<vmem>>, vector<1x16xf32>,
      %get3A_545 = vector.shape_cast %get3A_544 : vector<1x16xf32> to vector<16xf32>
      %swap3A_546 = arith.index_cast %add3A_517 : i32 to index
      %swap3A_547 = arith.constant 32 : index
      %swap3A_548 = tpu.vector_load %arg11[%swap3A_546, %swap3A_547] {strides = array<i32>} : memref<128x64xf32, #tpu.memory_space<vmem>>, vector<1x16xf32>,
      %swap3A_549 = vector.shape_cast %swap3A_548 : vector<1x16xf32> to vector<16xf32>
      %swap3A_550 = vector.shape_cast %get3A_545 : vector<16xf32> to vector<1x16xf32>
      tpu.vector_store %arg11[%swap3A_546, %swap3A_547], %swap3A_550 {strides = array<i32>} : memref<128x64xf32, #tpu.memory_space<vmem>>, vector<1x16xf32>,
      %add3A_551 = arith.constant 48 : i32
      %add3A_552 = arith.addi %squeeze3A_513, %add3A_551 : i32
      %get3A_553 = arith.index_cast %add3A_517 : i32 to index
      %get3A_554 = arith.index_cast %add3A_552 : i32 to index
      %get3A_555 = tpu.vector_load %arg8[%get3A_553, %get3A_554] {strides = array<i32>} : memref<128x128xf32, #tpu.memory_space<vmem>>, vector<1x16xf32>,
      %get3A_556 = vector.shape_cast %get3A_555 : vector<1x16xf32> to vector<16xf32>
      %swap3A_557 = arith.index_cast %add3A_517 : i32 to index
      %swap3A_558 = arith.constant 48 : index
      %swap3A_559 = tpu.vector_load %arg11[%swap3A_557, %swap3A_558] {strides = array<i32>} : memref<128x64xf32, #tpu.memory_space<vmem>>, vector<1x16xf32>,
      %swap3A_560 = vector.shape_cast %swap3A_559 : vector<1x16xf32> to vector<16xf32>
      %swap3A_561 = vector.shape_cast %get3A_556 : vector<16xf32> to vector<1x16xf32>
      tpu.vector_store %arg11[%swap3A_557, %swap3A_558], %swap3A_561 {strides = array<i32>} : memref<128x64xf32, #tpu.memory_space<vmem>>, vector<1x16xf32>,
      %slice3A_562 = vector.extract_strided_slice %mul3A_114 {offsets = [9], sizes = [1], strides = [1]} : vector<16xi32> to vector<1xi32>
      %squeeze3A_563 = vector.extract %slice3A_562[0] : i32 from vector<1xi32>
      %mul3A_564 = arith.constant 16 : i32
      %mul3A_565 = arith.muli %add3A_103, %mul3A_564 : i32
      %add3A_566 = arith.constant 9 : i32
      %add3A_567 = arith.addi %mul3A_565, %add3A_566 : i32
      %add3A_568 = arith.constant 0 : i32
      %add3A_569 = arith.addi %squeeze3A_563, %add3A_568 : i32
      %get3A_570 = arith.index_cast %add3A_567 : i32 to index
      %get3A_571 = arith.index_cast %add3A_569 : i32 to index
      %get3A_572 = tpu.vector_load %arg8[%get3A_570, %get3A_571] {strides = array<i32>} : memref<128x128xf32, #tpu.memory_space<vmem>>, vector<1x16xf32>,
      %get3A_573 = vector.shape_cast %get3A_572 : vector<1x16xf32> to vector<16xf32>
      %swap3A_574 = arith.index_cast %add3A_567 : i32 to index
      %swap3A_575 = arith.constant 0 : index
      %swap3A_576 = tpu.vector_load %arg11[%swap3A_574, %swap3A_575] {strides = array<i32>} : memref<128x64xf32, #tpu.memory_space<vmem>>, vector<1x16xf32>,
      %swap3A_577 = vector.shape_cast %swap3A_576 : vector<1x16xf32> to vector<16xf32>
      %swap3A_578 = vector.shape_cast %get3A_573 : vector<16xf32> to vector<1x16xf32>
      tpu.vector_store %arg11[%swap3A_574, %swap3A_575], %swap3A_578 {strides = array<i32>} : memref<128x64xf32, #tpu.memory_space<vmem>>, vector<1x16xf32>,
      %add3A_579 = arith.constant 16 : i32
      %add3A_580 = arith.addi %squeeze3A_563, %add3A_579 : i32
      %get3A_581 = arith.index_cast %add3A_567 : i32 to index
      %get3A_582 = arith.index_cast %add3A_580 : i32 to index
      %get3A_583 = tpu.vector_load %arg8[%get3A_581, %get3A_582] {strides = array<i32>} : memref<128x128xf32, #tpu.memory_space<vmem>>, vector<1x16xf32>,
      %get3A_584 = vector.shape_cast %get3A_583 : vector<1x16xf32> to vector<16xf32>
      %swap3A_585 = arith.index_cast %add3A_567 : i32 to index
      %swap3A_586 = arith.constant 16 : index
      %swap3A_587 = tpu.vector_load %arg11[%swap3A_585, %swap3A_586] {strides = array<i32>} : memref<128x64xf32, #tpu.memory_space<vmem>>, vector<1x16xf32>,
      %swap3A_588 = vector.shape_cast %swap3A_587 : vector<1x16xf32> to vector<16xf32>
      %swap3A_589 = vector.shape_cast %get3A_584 : vector<16xf32> to vector<1x16xf32>
      tpu.vector_store %arg11[%swap3A_585, %swap3A_586], %swap3A_589 {strides = array<i32>} : memref<128x64xf32, #tpu.memory_space<vmem>>, vector<1x16xf32>,
      %add3A_590 = arith.constant 32 : i32
      %add3A_591 = arith.addi %squeeze3A_563, %add3A_590 : i32
      %get3A_592 = arith.index_cast %add3A_567 : i32 to index
      %get3A_593 = arith.index_cast %add3A_591 : i32 to index
      %get3A_594 = tpu.vector_load %arg8[%get3A_592, %get3A_593] {strides = array<i32>} : memref<128x128xf32, #tpu.memory_space<vmem>>, vector<1x16xf32>,
      %get3A_595 = vector.shape_cast %get3A_594 : vector<1x16xf32> to vector<16xf32>
      %swap3A_596 = arith.index_cast %add3A_567 : i32 to index
      %swap3A_597 = arith.constant 32 : index
      %swap3A_598 = tpu.vector_load %arg11[%swap3A_596, %swap3A_597] {strides = array<i32>} : memref<128x64xf32, #tpu.memory_space<vmem>>, vector<1x16xf32>,
      %swap3A_599 = vector.shape_cast %swap3A_598 : vector<1x16xf32> to vector<16xf32>
      %swap3A_600 = vector.shape_cast %get3A_595 : vector<16xf32> to vector<1x16xf32>
      tpu.vector_store %arg11[%swap3A_596, %swap3A_597], %swap3A_600 {strides = array<i32>} : memref<128x64xf32, #tpu.memory_space<vmem>>, vector<1x16xf32>,
      %add3A_601 = arith.constant 48 : i32
      %add3A_602 = arith.addi %squeeze3A_563, %add3A_601 : i32
      %get3A_603 = arith.index_cast %add3A_567 : i32 to index
      %get3A_604 = arith.index_cast %add3A_602 : i32 to index
      %get3A_605 = tpu.vector_load %arg8[%get3A_603, %get3A_604] {strides = array<i32>} : memref<128x128xf32, #tpu.memory_space<vmem>>, vector<1x16xf32>,
      %get3A_606 = vector.shape_cast %get3A_605 : vector<1x16xf32> to vector<16xf32>
      %swap3A_607 = arith.index_cast %add3A_567 : i32 to index
      %swap3A_608 = arith.constant 48 : index
      %swap3A_609 = tpu.vector_load %arg11[%swap3A_607, %swap3A_608] {strides = array<i32>} : memref<128x64xf32, #tpu.memory_space<vmem>>, vector<1x16xf32>,
      %swap3A_610 = vector.shape_cast %swap3A_609 : vector<1x16xf32> to vector<16xf32>
      %swap3A_611 = vector.shape_cast %get3A_606 : vector<16xf32> to vector<1x16xf32>
      tpu.vector_store %arg11[%swap3A_607, %swap3A_608], %swap3A_611 {strides = array<i32>} : memref<128x64xf32, #tpu.memory_space<vmem>>, vector<1x16xf32>,
      %slice3A_612 = vector.extract_strided_slice %mul3A_114 {offsets = [10], sizes = [1], strides = [1]} : vector<16xi32> to vector<1xi32>
      %squeeze3A_613 = vector.extract %slice3A_612[0] : i32 from vector<1xi32>
      %mul3A_614 = arith.constant 16 : i32
      %mul3A_615 = arith.muli %add3A_103, %mul3A_614 : i32
      %add3A_616 = arith.constant 10 : i32
      %add3A_617 = arith.addi %mul3A_615, %add3A_616 : i32
      %add3A_618 = arith.constant 0 : i32
      %add3A_619 = arith.addi %squeeze3A_613, %add3A_618 : i32
      %get3A_620 = arith.index_cast %add3A_617 : i32 to index
      %get3A_621 = arith.index_cast %add3A_619 : i32 to index
      %get3A_622 = tpu.vector_load %arg8[%get3A_620, %get3A_621] {strides = array<i32>} : memref<128x128xf32, #tpu.memory_space<vmem>>, vector<1x16xf32>,
      %get3A_623 = vector.shape_cast %get3A_622 : vector<1x16xf32> to vector<16xf32>
      %swap3A_624 = arith.index_cast %add3A_617 : i32 to index
      %swap3A_625 = arith.constant 0 : index
      %swap3A_626 = tpu.vector_load %arg11[%swap3A_624, %swap3A_625] {strides = array<i32>} : memref<128x64xf32, #tpu.memory_space<vmem>>, vector<1x16xf32>,
      %swap3A_627 = vector.shape_cast %swap3A_626 : vector<1x16xf32> to vector<16xf32>
      %swap3A_628 = vector.shape_cast %get3A_623 : vector<16xf32> to vector<1x16xf32>
      tpu.vector_store %arg11[%swap3A_624, %swap3A_625], %swap3A_628 {strides = array<i32>} : memref<128x64xf32, #tpu.memory_space<vmem>>, vector<1x16xf32>,
      %add3A_629 = arith.constant 16 : i32
      %add3A_630 = arith.addi %squeeze3A_613, %add3A_629 : i32
      %get3A_631 = arith.index_cast %add3A_617 : i32 to index
      %get3A_632 = arith.index_cast %add3A_630 : i32 to index
      %get3A_633 = tpu.vector_load %arg8[%get3A_631, %get3A_632] {strides = array<i32>} : memref<128x128xf32, #tpu.memory_space<vmem>>, vector<1x16xf32>,
      %get3A_634 = vector.shape_cast %get3A_633 : vector<1x16xf32> to vector<16xf32>
      %swap3A_635 = arith.index_cast %add3A_617 : i32 to index
      %swap3A_636 = arith.constant 16 : index
      %swap3A_637 = tpu.vector_load %arg11[%swap3A_635, %swap3A_636] {strides = array<i32>} : memref<128x64xf32, #tpu.memory_space<vmem>>, vector<1x16xf32>,
      %swap3A_638 = vector.shape_cast %swap3A_637 : vector<1x16xf32> to vector<16xf32>
      %swap3A_639 = vector.shape_cast %get3A_634 : vector<16xf32> to vector<1x16xf32>
      tpu.vector_store %arg11[%swap3A_635, %swap3A_636], %swap3A_639 {strides = array<i32>} : memref<128x64xf32, #tpu.memory_space<vmem>>, vector<1x16xf32>,
      %add3A_640 = arith.constant 32 : i32
      %add3A_641 = arith.addi %squeeze3A_613, %add3A_640 : i32
      %get3A_642 = arith.index_cast %add3A_617 : i32 to index
      %get3A_643 = arith.index_cast %add3A_641 : i32 to index
      %get3A_644 = tpu.vector_load %arg8[%get3A_642, %get3A_643] {strides = array<i32>} : memref<128x128xf32, #tpu.memory_space<vmem>>, vector<1x16xf32>,
      %get3A_645 = vector.shape_cast %get3A_644 : vector<1x16xf32> to vector<16xf32>
      %swap3A_646 = arith.index_cast %add3A_617 : i32 to index
      %swap3A_647 = arith.constant 32 : index
      %swap3A_648 = tpu.vector_load %arg11[%swap3A_646, %swap3A_647] {strides = array<i32>} : memref<128x64xf32, #tpu.memory_space<vmem>>, vector<1x16xf32>,
      %swap3A_649 = vector.shape_cast %swap3A_648 : vector<1x16xf32> to vector<16xf32>
      %swap3A_650 = vector.shape_cast %get3A_645 : vector<16xf32> to vector<1x16xf32>
      tpu.vector_store %arg11[%swap3A_646, %swap3A_647], %swap3A_650 {strides = array<i32>} : memref<128x64xf32, #tpu.memory_space<vmem>>, vector<1x16xf32>,
      %add3A_651 = arith.constant 48 : i32
      %add3A_652 = arith.addi %squeeze3A_613, %add3A_651 : i32
      %get3A_653 = arith.index_cast %add3A_617 : i32 to index
      %get3A_654 = arith.index_cast %add3A_652 : i32 to index
      %get3A_655 = tpu.vector_load %arg8[%get3A_653, %get3A_654] {strides = array<i32>} : memref<128x128xf32, #tpu.memory_space<vmem>>, vector<1x16xf32>,
      %get3A_656 = vector.shape_cast %get3A_655 : vector<1x16xf32> to vector<16xf32>
      %swap3A_657 = arith.index_cast %add3A_617 : i32 to index
      %swap3A_658 = arith.constant 48 : index
      %swap3A_659 = tpu.vector_load %arg11[%swap3A_657, %swap3A_658] {strides = array<i32>} : memref<128x64xf32, #tpu.memory_space<vmem>>, vector<1x16xf32>,
      %swap3A_660 = vector.shape_cast %swap3A_659 : vector<1x16xf32> to vector<16xf32>
      %swap3A_661 = vector.shape_cast %get3A_656 : vector<16xf32> to vector<1x16xf32>
      tpu.vector_store %arg11[%swap3A_657, %swap3A_658], %swap3A_661 {strides = array<i32>} : memref<128x64xf32, #tpu.memory_space<vmem>>, vector<1x16xf32>,
      %slice3A_662 = vector.extract_strided_slice %mul3A_114 {offsets = [11], sizes = [1], strides = [1]} : vector<16xi32> to vector<1xi32>
      %squeeze3A_663 = vector.extract %slice3A_662[0] : i32 from vector<1xi32>
      %mul3A_664 = arith.constant 16 : i32
      %mul3A_665 = arith.muli %add3A_103, %mul3A_664 : i32
      %add3A_666 = arith.constant 11 : i32
      %add3A_667 = arith.addi %mul3A_665, %add3A_666 : i32
      %add3A_668 = arith.constant 0 : i32
      %add3A_669 = arith.addi %squeeze3A_663, %add3A_668 : i32
      %get3A_670 = arith.index_cast %add3A_667 : i32 to index
      %get3A_671 = arith.index_cast %add3A_669 : i32 to index
      %get3A_672 = tpu.vector_load %arg8[%get3A_670, %get3A_671] {strides = array<i32>} : memref<128x128xf32, #tpu.memory_space<vmem>>, vector<1x16xf32>,
      %get3A_673 = vector.shape_cast %get3A_672 : vector<1x16xf32> to vector<16xf32>
      %swap3A_674 = arith.index_cast %add3A_667 : i32 to index
      %swap3A_675 = arith.constant 0 : index
      %swap3A_676 = tpu.vector_load %arg11[%swap3A_674, %swap3A_675] {strides = array<i32>} : memref<128x64xf32, #tpu.memory_space<vmem>>, vector<1x16xf32>,
      %swap3A_677 = vector.shape_cast %swap3A_676 : vector<1x16xf32> to vector<16xf32>
      %swap3A_678 = vector.shape_cast %get3A_673 : vector<16xf32> to vector<1x16xf32>
      tpu.vector_store %arg11[%swap3A_674, %swap3A_675], %swap3A_678 {strides = array<i32>} : memref<128x64xf32, #tpu.memory_space<vmem>>, vector<1x16xf32>,
      %add3A_679 = arith.constant 16 : i32
      %add3A_680 = arith.addi %squeeze3A_663, %add3A_679 : i32
      %get3A_681 = arith.index_cast %add3A_667 : i32 to index
      %get3A_682 = arith.index_cast %add3A_680 : i32 to index
      %get3A_683 = tpu.vector_load %arg8[%get3A_681, %get3A_682] {strides = array<i32>} : memref<128x128xf32, #tpu.memory_space<vmem>>, vector<1x16xf32>,
      %get3A_684 = vector.shape_cast %get3A_683 : vector<1x16xf32> to vector<16xf32>
      %swap3A_685 = arith.index_cast %add3A_667 : i32 to index
      %swap3A_686 = arith.constant 16 : index
      %swap3A_687 = tpu.vector_load %arg11[%swap3A_685, %swap3A_686] {strides = array<i32>} : memref<128x64xf32, #tpu.memory_space<vmem>>, vector<1x16xf32>,
      %swap3A_688 = vector.shape_cast %swap3A_687 : vector<1x16xf32> to vector<16xf32>
      %swap3A_689 = vector.shape_cast %get3A_684 : vector<16xf32> to vector<1x16xf32>
      tpu.vector_store %arg11[%swap3A_685, %swap3A_686], %swap3A_689 {strides = array<i32>} : memref<128x64xf32, #tpu.memory_space<vmem>>, vector<1x16xf32>,
      %add3A_690 = arith.constant 32 : i32
      %add3A_691 = arith.addi %squeeze3A_663, %add3A_690 : i32
      %get3A_692 = arith.index_cast %add3A_667 : i32 to index
      %get3A_693 = arith.index_cast %add3A_691 : i32 to index
      %get3A_694 = tpu.vector_load %arg8[%get3A_692, %get3A_693] {strides = array<i32>} : memref<128x128xf32, #tpu.memory_space<vmem>>, vector<1x16xf32>,
      %get3A_695 = vector.shape_cast %get3A_694 : vector<1x16xf32> to vector<16xf32>
      %swap3A_696 = arith.index_cast %add3A_667 : i32 to index
      %swap3A_697 = arith.constant 32 : index
      %swap3A_698 = tpu.vector_load %arg11[%swap3A_696, %swap3A_697] {strides = array<i32>} : memref<128x64xf32, #tpu.memory_space<vmem>>, vector<1x16xf32>,
      %swap3A_699 = vector.shape_cast %swap3A_698 : vector<1x16xf32> to vector<16xf32>
      %swap3A_700 = vector.shape_cast %get3A_695 : vector<16xf32> to vector<1x16xf32>
      tpu.vector_store %arg11[%swap3A_696, %swap3A_697], %swap3A_700 {strides = array<i32>} : memref<128x64xf32, #tpu.memory_space<vmem>>, vector<1x16xf32>,
      %add3A_701 = arith.constant 48 : i32
      %add3A_702 = arith.addi %squeeze3A_663, %add3A_701 : i32
      %get3A_703 = arith.index_cast %add3A_667 : i32 to index
      %get3A_704 = arith.index_cast %add3A_702 : i32 to index
      %get3A_705 = tpu.vector_load %arg8[%get3A_703, %get3A_704] {strides = array<i32>} : memref<128x128xf32, #tpu.memory_space<vmem>>, vector<1x16xf32>,
      %get3A_706 = vector.shape_cast %get3A_705 : vector<1x16xf32> to vector<16xf32>
      %swap3A_707 = arith.index_cast %add3A_667 : i32 to index
      %swap3A_708 = arith.constant 48 : index
      %swap3A_709 = tpu.vector_load %arg11[%swap3A_707, %swap3A_708] {strides = array<i32>} : memref<128x64xf32, #tpu.memory_space<vmem>>, vector<1x16xf32>,
      %swap3A_710 = vector.shape_cast %swap3A_709 : vector<1x16xf32> to vector<16xf32>
      %swap3A_711 = vector.shape_cast %get3A_706 : vector<16xf32> to vector<1x16xf32>
      tpu.vector_store %arg11[%swap3A_707, %swap3A_708], %swap3A_711 {strides = array<i32>} : memref<128x64xf32, #tpu.memory_space<vmem>>, vector<1x16xf32>,
      %slice3A_712 = vector.extract_strided_slice %mul3A_114 {offsets = [12], sizes = [1], strides = [1]} : vector<16xi32> to vector<1xi32>
      %squeeze3A_713 = vector.extract %slice3A_712[0] : i32 from vector<1xi32>
      %mul3A_714 = arith.constant 16 : i32
      %mul3A_715 = arith.muli %add3A_103, %mul3A_714 : i32
      %add3A_716 = arith.constant 12 : i32
      %add3A_717 = arith.addi %mul3A_715, %add3A_716 : i32
      %add3A_718 = arith.constant 0 : i32
      %add3A_719 = arith.addi %squeeze3A_713, %add3A_718 : i32
      %get3A_720 = arith.index_cast %add3A_717 : i32 to index
      %get3A_721 = arith.index_cast %add3A_719 : i32 to index
      %get3A_722 = tpu.vector_load %arg8[%get3A_720, %get3A_721] {strides = array<i32>} : memref<128x128xf32, #tpu.memory_space<vmem>>, vector<1x16xf32>,
      %get3A_723 = vector.shape_cast %get3A_722 : vector<1x16xf32> to vector<16xf32>
      %swap3A_724 = arith.index_cast %add3A_717 : i32 to index
      %swap3A_725 = arith.constant 0 : index
      %swap3A_726 = tpu.vector_load %arg11[%swap3A_724, %swap3A_725] {strides = array<i32>} : memref<128x64xf32, #tpu.memory_space<vmem>>, vector<1x16xf32>,
      %swap3A_727 = vector.shape_cast %swap3A_726 : vector<1x16xf32> to vector<16xf32>
      %swap3A_728 = vector.shape_cast %get3A_723 : vector<16xf32> to vector<1x16xf32>
      tpu.vector_store %arg11[%swap3A_724, %swap3A_725], %swap3A_728 {strides = array<i32>} : memref<128x64xf32, #tpu.memory_space<vmem>>, vector<1x16xf32>,
      %add3A_729 = arith.constant 16 : i32
      %add3A_730 = arith.addi %squeeze3A_713, %add3A_729 : i32
      %get3A_731 = arith.index_cast %add3A_717 : i32 to index
      %get3A_732 = arith.index_cast %add3A_730 : i32 to index
      %get3A_733 = tpu.vector_load %arg8[%get3A_731, %get3A_732] {strides = array<i32>} : memref<128x128xf32, #tpu.memory_space<vmem>>, vector<1x16xf32>,
      %get3A_734 = vector.shape_cast %get3A_733 : vector<1x16xf32> to vector<16xf32>
      %swap3A_735 = arith.index_cast %add3A_717 : i32 to index
      %swap3A_736 = arith.constant 16 : index
      %swap3A_737 = tpu.vector_load %arg11[%swap3A_735, %swap3A_736] {strides = array<i32>} : memref<128x64xf32, #tpu.memory_space<vmem>>, vector<1x16xf32>,
      %swap3A_738 = vector.shape_cast %swap3A_737 : vector<1x16xf32> to vector<16xf32>
      %swap3A_739 = vector.shape_cast %get3A_734 : vector<16xf32> to vector<1x16xf32>
      tpu.vector_store %arg11[%swap3A_735, %swap3A_736], %swap3A_739 {strides = array<i32>} : memref<128x64xf32, #tpu.memory_space<vmem>>, vector<1x16xf32>,
      %add3A_740 = arith.constant 32 : i32
      %add3A_741 = arith.addi %squeeze3A_713, %add3A_740 : i32
      %get3A_742 = arith.index_cast %add3A_717 : i32 to index
      %get3A_743 = arith.index_cast %add3A_741 : i32 to index
      %get3A_744 = tpu.vector_load %arg8[%get3A_742, %get3A_743] {strides = array<i32>} : memref<128x128xf32, #tpu.memory_space<vmem>>, vector<1x16xf32>,
      %get3A_745 = vector.shape_cast %get3A_744 : vector<1x16xf32> to vector<16xf32>
      %swap3A_746 = arith.index_cast %add3A_717 : i32 to index
      %swap3A_747 = arith.constant 32 : index
      %swap3A_748 = tpu.vector_load %arg11[%swap3A_746, %swap3A_747] {strides = array<i32>} : memref<128x64xf32, #tpu.memory_space<vmem>>, vector<1x16xf32>,
      %swap3A_749 = vector.shape_cast %swap3A_748 : vector<1x16xf32> to vector<16xf32>
      %swap3A_750 = vector.shape_cast %get3A_745 : vector<16xf32> to vector<1x16xf32>
      tpu.vector_store %arg11[%swap3A_746, %swap3A_747], %swap3A_750 {strides = array<i32>} : memref<128x64xf32, #tpu.memory_space<vmem>>, vector<1x16xf32>,
      %add3A_751 = arith.constant 48 : i32
      %add3A_752 = arith.addi %squeeze3A_713, %add3A_751 : i32
      %get3A_753 = arith.index_cast %add3A_717 : i32 to index
      %get3A_754 = arith.index_cast %add3A_752 : i32 to index
      %get3A_755 = tpu.vector_load %arg8[%get3A_753, %get3A_754] {strides = array<i32>} : memref<128x128xf32, #tpu.memory_space<vmem>>, vector<1x16xf32>,
      %get3A_756 = vector.shape_cast %get3A_755 : vector<1x16xf32> to vector<16xf32>
      %swap3A_757 = arith.index_cast %add3A_717 : i32 to index
      %swap3A_758 = arith.constant 48 : index
      %swap3A_759 = tpu.vector_load %arg11[%swap3A_757, %swap3A_758] {strides = array<i32>} : memref<128x64xf32, #tpu.memory_space<vmem>>, vector<1x16xf32>,
      %swap3A_760 = vector.shape_cast %swap3A_759 : vector<1x16xf32> to vector<16xf32>
      %swap3A_761 = vector.shape_cast %get3A_756 : vector<16xf32> to vector<1x16xf32>
      tpu.vector_store %arg11[%swap3A_757, %swap3A_758], %swap3A_761 {strides = array<i32>} : memref<128x64xf32, #tpu.memory_space<vmem>>, vector<1x16xf32>,
      %slice3A_762 = vector.extract_strided_slice %mul3A_114 {offsets = [13], sizes = [1], strides = [1]} : vector<16xi32> to vector<1xi32>
      %squeeze3A_763 = vector.extract %slice3A_762[0] : i32 from vector<1xi32>
      %mul3A_764 = arith.constant 16 : i32
      %mul3A_765 = arith.muli %add3A_103, %mul3A_764 : i32
      %add3A_766 = arith.constant 13 : i32
      %add3A_767 = arith.addi %mul3A_765, %add3A_766 : i32
      %add3A_768 = arith.constant 0 : i32
      %add3A_769 = arith.addi %squeeze3A_763, %add3A_768 : i32
      %get3A_770 = arith.index_cast %add3A_767 : i32 to index
      %get3A_771 = arith.index_cast %add3A_769 : i32 to index
      %get3A_772 = tpu.vector_load %arg8[%get3A_770, %get3A_771] {strides = array<i32>} : memref<128x128xf32, #tpu.memory_space<vmem>>, vector<1x16xf32>,
      %get3A_773 = vector.shape_cast %get3A_772 : vector<1x16xf32> to vector<16xf32>
      %swap3A_774 = arith.index_cast %add3A_767 : i32 to index
      %swap3A_775 = arith.constant 0 : index
      %swap3A_776 = tpu.vector_load %arg11[%swap3A_774, %swap3A_775] {strides = array<i32>} : memref<128x64xf32, #tpu.memory_space<vmem>>, vector<1x16xf32>,
      %swap3A_777 = vector.shape_cast %swap3A_776 : vector<1x16xf32> to vector<16xf32>
      %swap3A_778 = vector.shape_cast %get3A_773 : vector<16xf32> to vector<1x16xf32>
      tpu.vector_store %arg11[%swap3A_774, %swap3A_775], %swap3A_778 {strides = array<i32>} : memref<128x64xf32, #tpu.memory_space<vmem>>, vector<1x16xf32>,
      %add3A_779 = arith.constant 16 : i32
      %add3A_780 = arith.addi %squeeze3A_763, %add3A_779 : i32
      %get3A_781 = arith.index_cast %add3A_767 : i32 to index
      %get3A_782 = arith.index_cast %add3A_780 : i32 to index
      %get3A_783 = tpu.vector_load %arg8[%get3A_781, %get3A_782] {strides = array<i32>} : memref<128x128xf32, #tpu.memory_space<vmem>>, vector<1x16xf32>,
      %get3A_784 = vector.shape_cast %get3A_783 : vector<1x16xf32> to vector<16xf32>
      %swap3A_785 = arith.index_cast %add3A_767 : i32 to index
      %swap3A_786 = arith.constant 16 : index
      %swap3A_787 = tpu.vector_load %arg11[%swap3A_785, %swap3A_786] {strides = array<i32>} : memref<128x64xf32, #tpu.memory_space<vmem>>, vector<1x16xf32>,
      %swap3A_788 = vector.shape_cast %swap3A_787 : vector<1x16xf32> to vector<16xf32>
      %swap3A_789 = vector.shape_cast %get3A_784 : vector<16xf32> to vector<1x16xf32>
      tpu.vector_store %arg11[%swap3A_785, %swap3A_786], %swap3A_789 {strides = array<i32>} : memref<128x64xf32, #tpu.memory_space<vmem>>, vector<1x16xf32>,
      %add3A_790 = arith.constant 32 : i32
      %add3A_791 = arith.addi %squeeze3A_763, %add3A_790 : i32
      %get3A_792 = arith.index_cast %add3A_767 : i32 to index
      %get3A_793 = arith.index_cast %add3A_791 : i32 to index
      %get3A_794 = tpu.vector_load %arg8[%get3A_792, %get3A_793] {strides = array<i32>} : memref<128x128xf32, #tpu.memory_space<vmem>>, vector<1x16xf32>,
      %get3A_795 = vector.shape_cast %get3A_794 : vector<1x16xf32> to vector<16xf32>
      %swap3A_796 = arith.index_cast %add3A_767 : i32 to index
      %swap3A_797 = arith.constant 32 : index
      %swap3A_798 = tpu.vector_load %arg11[%swap3A_796, %swap3A_797] {strides = array<i32>} : memref<128x64xf32, #tpu.memory_space<vmem>>, vector<1x16xf32>,
      %swap3A_799 = vector.shape_cast %swap3A_798 : vector<1x16xf32> to vector<16xf32>
      %swap3A_800 = vector.shape_cast %get3A_795 : vector<16xf32> to vector<1x16xf32>
      tpu.vector_store %arg11[%swap3A_796, %swap3A_797], %swap3A_800 {strides = array<i32>} : memref<128x64xf32, #tpu.memory_space<vmem>>, vector<1x16xf32>,
      %add3A_801 = arith.constant 48 : i32
      %add3A_802 = arith.addi %squeeze3A_763, %add3A_801 : i32
      %get3A_803 = arith.index_cast %add3A_767 : i32 to index
      %get3A_804 = arith.index_cast %add3A_802 : i32 to index
      %get3A_805 = tpu.vector_load %arg8[%get3A_803, %get3A_804] {strides = array<i32>} : memref<128x128xf32, #tpu.memory_space<vmem>>, vector<1x16xf32>,
      %get3A_806 = vector.shape_cast %get3A_805 : vector<1x16xf32> to vector<16xf32>
      %swap3A_807 = arith.index_cast %add3A_767 : i32 to index
      %swap3A_808 = arith.constant 48 : index
      %swap3A_809 = tpu.vector_load %arg11[%swap3A_807, %swap3A_808] {strides = array<i32>} : memref<128x64xf32, #tpu.memory_space<vmem>>, vector<1x16xf32>,
      %swap3A_810 = vector.shape_cast %swap3A_809 : vector<1x16xf32> to vector<16xf32>
      %swap3A_811 = vector.shape_cast %get3A_806 : vector<16xf32> to vector<1x16xf32>
      tpu.vector_store %arg11[%swap3A_807, %swap3A_808], %swap3A_811 {strides = array<i32>} : memref<128x64xf32, #tpu.memory_space<vmem>>, vector<1x16xf32>,
      %slice3A_812 = vector.extract_strided_slice %mul3A_114 {offsets = [14], sizes = [1], strides = [1]} : vector<16xi32> to vector<1xi32>
      %squeeze3A_813 = vector.extract %slice3A_812[0] : i32 from vector<1xi32>
      %mul3A_814 = arith.constant 16 : i32
      %mul3A_815 = arith.muli %add3A_103, %mul3A_814 : i32
      %add3A_816 = arith.constant 14 : i32
      %add3A_817 = arith.addi %mul3A_815, %add3A_816 : i32
      %add3A_818 = arith.constant 0 : i32
      %add3A_819 = arith.addi %squeeze3A_813, %add3A_818 : i32
      %get3A_820 = arith.index_cast %add3A_817 : i32 to index
      %get3A_821 = arith.index_cast %add3A_819 : i32 to index
      %get3A_822 = tpu.vector_load %arg8[%get3A_820, %get3A_821] {strides = array<i32>} : memref<128x128xf32, #tpu.memory_space<vmem>>, vector<1x16xf32>,
      %get3A_823 = vector.shape_cast %get3A_822 : vector<1x16xf32> to vector<16xf32>
      %swap3A_824 = arith.index_cast %add3A_817 : i32 to index
      %swap3A_825 = arith.constant 0 : index
      %swap3A_826 = tpu.vector_load %arg11[%swap3A_824, %swap3A_825] {strides = array<i32>} : memref<128x64xf32, #tpu.memory_space<vmem>>, vector<1x16xf32>,
      %swap3A_827 = vector.shape_cast %swap3A_826 : vector<1x16xf32> to vector<16xf32>
      %swap3A_828 = vector.shape_cast %get3A_823 : vector<16xf32> to vector<1x16xf32>
      tpu.vector_store %arg11[%swap3A_824, %swap3A_825], %swap3A_828 {strides = array<i32>} : memref<128x64xf32, #tpu.memory_space<vmem>>, vector<1x16xf32>,
      %add3A_829 = arith.constant 16 : i32
      %add3A_830 = arith.addi %squeeze3A_813, %add3A_829 : i32
      %get3A_831 = arith.index_cast %add3A_817 : i32 to index
      %get3A_832 = arith.index_cast %add3A_830 : i32 to index
      %get3A_833 = tpu.vector_load %arg8[%get3A_831, %get3A_832] {strides = array<i32>} : memref<128x128xf32, #tpu.memory_space<vmem>>, vector<1x16xf32>,
      %get3A_834 = vector.shape_cast %get3A_833 : vector<1x16xf32> to vector<16xf32>
      %swap3A_835 = arith.index_cast %add3A_817 : i32 to index
      %swap3A_836 = arith.constant 16 : index
      %swap3A_837 = tpu.vector_load %arg11[%swap3A_835, %swap3A_836] {strides = array<i32>} : memref<128x64xf32, #tpu.memory_space<vmem>>, vector<1x16xf32>,
      %swap3A_838 = vector.shape_cast %swap3A_837 : vector<1x16xf32> to vector<16xf32>
      %swap3A_839 = vector.shape_cast %get3A_834 : vector<16xf32> to vector<1x16xf32>
      tpu.vector_store %arg11[%swap3A_835, %swap3A_836], %swap3A_839 {strides = array<i32>} : memref<128x64xf32, #tpu.memory_space<vmem>>, vector<1x16xf32>,
      %add3A_840 = arith.constant 32 : i32
      %add3A_841 = arith.addi %squeeze3A_813, %add3A_840 : i32
      %get3A_842 = arith.index_cast %add3A_817 : i32 to index
      %get3A_843 = arith.index_cast %add3A_841 : i32 to index
      %get3A_844 = tpu.vector_load %arg8[%get3A_842, %get3A_843] {strides = array<i32>} : memref<128x128xf32, #tpu.memory_space<vmem>>, vector<1x16xf32>,
      %get3A_845 = vector.shape_cast %get3A_844 : vector<1x16xf32> to vector<16xf32>
      %swap3A_846 = arith.index_cast %add3A_817 : i32 to index
      %swap3A_847 = arith.constant 32 : index
      %swap3A_848 = tpu.vector_load %arg11[%swap3A_846, %swap3A_847] {strides = array<i32>} : memref<128x64xf32, #tpu.memory_space<vmem>>, vector<1x16xf32>,
      %swap3A_849 = vector.shape_cast %swap3A_848 : vector<1x16xf32> to vector<16xf32>
      %swap3A_850 = vector.shape_cast %get3A_845 : vector<16xf32> to vector<1x16xf32>
      tpu.vector_store %arg11[%swap3A_846, %swap3A_847], %swap3A_850 {strides = array<i32>} : memref<128x64xf32, #tpu.memory_space<vmem>>, vector<1x16xf32>,
      %add3A_851 = arith.constant 48 : i32
      %add3A_852 = arith.addi %squeeze3A_813, %add3A_851 : i32
      %get3A_853 = arith.index_cast %add3A_817 : i32 to index
      %get3A_854 = arith.index_cast %add3A_852 : i32 to index
      %get3A_855 = tpu.vector_load %arg8[%get3A_853, %get3A_854] {strides = array<i32>} : memref<128x128xf32, #tpu.memory_space<vmem>>, vector<1x16xf32>,
      %get3A_856 = vector.shape_cast %get3A_855 : vector<1x16xf32> to vector<16xf32>
      %swap3A_857 = arith.index_cast %add3A_817 : i32 to index
      %swap3A_858 = arith.constant 48 : index
      %swap3A_859 = tpu.vector_load %arg11[%swap3A_857, %swap3A_858] {strides = array<i32>} : memref<128x64xf32, #tpu.memory_space<vmem>>, vector<1x16xf32>,
      %swap3A_860 = vector.shape_cast %swap3A_859 : vector<1x16xf32> to vector<16xf32>
      %swap3A_861 = vector.shape_cast %get3A_856 : vector<16xf32> to vector<1x16xf32>
      tpu.vector_store %arg11[%swap3A_857, %swap3A_858], %swap3A_861 {strides = array<i32>} : memref<128x64xf32, #tpu.memory_space<vmem>>, vector<1x16xf32>,
      %slice3A_862 = vector.extract_strided_slice %mul3A_114 {offsets = [15], sizes = [1], strides = [1]} : vector<16xi32> to vector<1xi32>
      %squeeze3A_863 = vector.extract %slice3A_862[0] : i32 from vector<1xi32>
      %mul3A_864 = arith.constant 16 : i32
      %mul3A_865 = arith.muli %add3A_103, %mul3A_864 : i32
      %add3A_866 = arith.constant 15 : i32
      %add3A_867 = arith.addi %mul3A_865, %add3A_866 : i32
      %add3A_868 = arith.constant 0 : i32
      %add3A_869 = arith.addi %squeeze3A_863, %add3A_868 : i32
      %get3A_870 = arith.index_cast %add3A_867 : i32 to index
      %get3A_871 = arith.index_cast %add3A_869 : i32 to index
      %get3A_872 = tpu.vector_load %arg8[%get3A_870, %get3A_871] {strides = array<i32>} : memref<128x128xf32, #tpu.memory_space<vmem>>, vector<1x16xf32>,
      %get3A_873 = vector.shape_cast %get3A_872 : vector<1x16xf32> to vector<16xf32>
      %swap3A_874 = arith.index_cast %add3A_867 : i32 to index
      %swap3A_875 = arith.constant 0 : index
      %swap3A_876 = tpu.vector_load %arg11[%swap3A_874, %swap3A_875] {strides = array<i32>} : memref<128x64xf32, #tpu.memory_space<vmem>>, vector<1x16xf32>,
      %swap3A_877 = vector.shape_cast %swap3A_876 : vector<1x16xf32> to vector<16xf32>
      %swap3A_878 = vector.shape_cast %get3A_873 : vector<16xf32> to vector<1x16xf32>
      tpu.vector_store %arg11[%swap3A_874, %swap3A_875], %swap3A_878 {strides = array<i32>} : memref<128x64xf32, #tpu.memory_space<vmem>>, vector<1x16xf32>,
      %add3A_879 = arith.constant 16 : i32
      %add3A_880 = arith.addi %squeeze3A_863, %add3A_879 : i32
      %get3A_881 = arith.index_cast %add3A_867 : i32 to index
      %get3A_882 = arith.index_cast %add3A_880 : i32 to index
      %get3A_883 = tpu.vector_load %arg8[%get3A_881, %get3A_882] {strides = array<i32>} : memref<128x128xf32, #tpu.memory_space<vmem>>, vector<1x16xf32>,
      %get3A_884 = vector.shape_cast %get3A_883 : vector<1x16xf32> to vector<16xf32>
      %swap3A_885 = arith.index_cast %add3A_867 : i32 to index
      %swap3A_886 = arith.constant 16 : index
      %swap3A_887 = tpu.vector_load %arg11[%swap3A_885, %swap3A_886] {strides = array<i32>} : memref<128x64xf32, #tpu.memory_space<vmem>>, vector<1x16xf32>,
      %swap3A_888 = vector.shape_cast %swap3A_887 : vector<1x16xf32> to vector<16xf32>
      %swap3A_889 = vector.shape_cast %get3A_884 : vector<16xf32> to vector<1x16xf32>
      tpu.vector_store %arg11[%swap3A_885, %swap3A_886], %swap3A_889 {strides = array<i32>} : memref<128x64xf32, #tpu.memory_space<vmem>>, vector<1x16xf32>,
      %add3A_890 = arith.constant 32 : i32
      %add3A_891 = arith.addi %squeeze3A_863, %add3A_890 : i32
      %get3A_892 = arith.index_cast %add3A_867 : i32 to index
      %get3A_893 = arith.index_cast %add3A_891 : i32 to index
      %get3A_894 = tpu.vector_load %arg8[%get3A_892, %get3A_893] {strides = array<i32>} : memref<128x128xf32, #tpu.memory_space<vmem>>, vector<1x16xf32>,
      %get3A_895 = vector.shape_cast %get3A_894 : vector<1x16xf32> to vector<16xf32>
      %swap3A_896 = arith.index_cast %add3A_867 : i32 to index
      %swap3A_897 = arith.constant 32 : index
      %swap3A_898 = tpu.vector_load %arg11[%swap3A_896, %swap3A_897] {strides = array<i32>} : memref<128x64xf32, #tpu.memory_space<vmem>>, vector<1x16xf32>,
      %swap3A_899 = vector.shape_cast %swap3A_898 : vector<1x16xf32> to vector<16xf32>
      %swap3A_900 = vector.shape_cast %get3A_895 : vector<16xf32> to vector<1x16xf32>
      tpu.vector_store %arg11[%swap3A_896, %swap3A_897], %swap3A_900 {strides = array<i32>} : memref<128x64xf32, #tpu.memory_space<vmem>>, vector<1x16xf32>,
      %add3A_901 = arith.constant 48 : i32
      %add3A_902 = arith.addi %squeeze3A_863, %add3A_901 : i32
      %get3A_903 = arith.index_cast %add3A_867 : i32 to index
      %get3A_904 = arith.index_cast %add3A_902 : i32 to index
      %get3A_905 = tpu.vector_load %arg8[%get3A_903, %get3A_904] {strides = array<i32>} : memref<128x128xf32, #tpu.memory_space<vmem>>, vector<1x16xf32>,
      %get3A_906 = vector.shape_cast %get3A_905 : vector<1x16xf32> to vector<16xf32>
      %swap3A_907 = arith.index_cast %add3A_867 : i32 to index
      %swap3A_908 = arith.constant 48 : index
      %swap3A_909 = tpu.vector_load %arg11[%swap3A_907, %swap3A_908] {strides = array<i32>} : memref<128x64xf32, #tpu.memory_space<vmem>>, vector<1x16xf32>,
      %swap3A_910 = vector.shape_cast %swap3A_909 : vector<1x16xf32> to vector<16xf32>
      %swap3A_911 = vector.shape_cast %get3A_906 : vector<16xf32> to vector<1x16xf32>
      tpu.vector_store %arg11[%swap3A_907, %swap3A_908], %swap3A_911 {strides = array<i32>} : memref<128x64xf32, #tpu.memory_space<vmem>>, vector<1x16xf32>,
    }
    %scan3A_71 = arith.constant 8 : i32
    %mul3A_72 = arith.constant 128 : i32
    %mul3A_73 = arith.muli %add3A, %mul3A_72 : i32
    %dma_start3A_74 = arith.constant 49 : i32
    %dma_start3A_75 = arith.constant 0 : i32
    %dma_start3A_76 = tpu.memref_slice %arg4[%dma_start3A_74, %mul3A_73, %dma_start3A_75] : memref<50x4096x64xf32, #tpu.memory_space<hbm>> -> memref<1x128x64xf32, #tpu.memory_space<hbm>>
    %dma_start3A_77 = tpu.memref_squeeze %dma_start3A_76 : memref<1x128x64xf32, #tpu.memory_space<hbm>> -> memref<128x64xf32, #tpu.memory_space<hbm>>
    %dma_start3A_78 = arith.constant 0 : i32
    %dma_start3A_79 = tpu.memref_slice %arg4[%dma_start3A_74, %mul3A_73, %dma_start3A_78] : memref<50x4096x64xf32, #tpu.memory_space<hbm>> -> memref<1x128x64xf32, #tpu.memory_space<hbm>>
    %dma_start3A_80 = tpu.memref_squeeze %dma_start3A_79 : memref<1x128x64xf32, #tpu.memory_space<hbm>> -> memref<128x64xf32, #tpu.memory_space<hbm>>
    tpu.enqueue_dma source(%arg11 : memref<128x64xf32, #tpu.memory_space<vmem>>) target(%dma_start3A_80 : memref<128x64xf32, #tpu.memory_space<hbm>>) target_semaphore(%arg18 : memref<!tpu.dma_semaphore, #tpu.memory_space<semaphore_mem>>)
    %dma_wait3A_81 = arith.constant 0 : i32
    %dma_wait3A_82 = arith.constant 0 : i32
    %dma_wait3A_83 = arith.constant 0 : i32
    %dma_wait3A_84 = tpu.memref_slice %arg4[%dma_wait3A_81, %dma_wait3A_82, %dma_wait3A_83] : memref<50x4096x64xf32, #tpu.memory_space<hbm>> -> memref<1x128x64xf32, #tpu.memory_space<hbm>>
    %dma_wait3A_85 = tpu.memref_squeeze %dma_wait3A_84 : memref<1x128x64xf32, #tpu.memory_space<hbm>> -> memref<128x64xf32, #tpu.memory_space<hbm>>
    %dma_wait3A_86 = arith.constant 0 : i32
    %dma_wait3A_87 = arith.constant 0 : i32
    %dma_wait3A_88 = tpu.memref_slice %arg4[%dma_wait3A_81, %dma_wait3A_86, %dma_wait3A_87] : memref<50x4096x64xf32, #tpu.memory_space<hbm>> -> memref<1x128x64xf32, #tpu.memory_space<hbm>>
    %dma_wait3A_89 = tpu.memref_squeeze %dma_wait3A_88 : memref<1x128x64xf32, #tpu.memory_space<hbm>> -> memref<128x64xf32, #tpu.memory_space<hbm>>
    tpu.wait_dma2 semaphore(%arg17 : memref<!tpu.dma_semaphore, #tpu.memory_space<semaphore_mem>>) src(%arg10 : memref<128x64xf32, #tpu.memory_space<vmem>>) dst(%dma_wait3A_89 : memref<128x64xf32, #tpu.memory_space<hbm>>)
    %dma_wait3A_90 = arith.constant 0 : i32
    %dma_wait3A_91 = arith.constant 0 : i32
    %dma_wait3A_92 = arith.constant 0 : i32
    %dma_wait3A_93 = tpu.memref_slice %arg4[%dma_wait3A_90, %dma_wait3A_91, %dma_wait3A_92] : memref<50x4096x64xf32, #tpu.memory_space<hbm>> -> memref<1x128x64xf32, #tpu.memory_space<hbm>>
    %dma_wait3A_94 = tpu.memref_squeeze %dma_wait3A_93 : memref<1x128x64xf32, #tpu.memory_space<hbm>> -> memref<128x64xf32, #tpu.memory_space<hbm>>
    %dma_wait3A_95 = arith.constant 0 : i32
    %dma_wait3A_96 = arith.constant 0 : i32
    %dma_wait3A_97 = tpu.memref_slice %arg4[%dma_wait3A_90, %dma_wait3A_95, %dma_wait3A_96] : memref<50x4096x64xf32, #tpu.memory_space<hbm>> -> memref<1x128x64xf32, #tpu.memory_space<hbm>>
    %dma_wait3A_98 = tpu.memref_squeeze %dma_wait3A_97 : memref<1x128x64xf32, #tpu.memory_space<hbm>> -> memref<128x64xf32, #tpu.memory_space<hbm>>
    tpu.wait_dma2 semaphore(%arg18 : memref<!tpu.dma_semaphore, #tpu.memory_space<semaphore_mem>>) src(%arg11 : memref<128x64xf32, #tpu.memory_space<vmem>>) dst(%dma_wait3A_98 : memref<128x64xf32, #tpu.memory_space<hbm>>)
    return
  }
}

</mosaic_0001>

<sc_bundles>
// kernel: kernel.3.cloned.1.call-start
scs
__scs_entry_jumppad:
0x0: {  	(pc) =	sbr.rel $0x88, $3  }
0x1: {  	(tag) =	ssettag $0x0;
	lr =	simm.s32 $0x1  }
0x2: {  	[smem:$0x3F9F] =	sst lr;
	_ =	strace $0xD0000000  }
0x3: {  	_ = 	snop  }
0x4: {  	_ = 	snop  }
0x5: {  	_ = 	snop  }
0x6: {  	_ = 	snop  }
0x7: {  	_ = 	snop  }
__scs_overlays_trampoline_lowered:
0x8: {  	[smem:$0x3FAE] =	sst s0  }
0x9: {  	[smem:$0x3FAF] =	sst s1  }
0xa: {  	[smem:$0x3FB0] =	sst s2  }
0xb: {  	[smem:$0x3FB1] =	sst s3  }
0xc: {  	[smem:$0x3FB2] =	sst s4  }
0xd: {  	[smem:$0x3FB3] =	sst s5  }
0xe: {  	[smem:$0x3FB4] =	sst s6  }
0xf: {  	[smem:$0x3FB5] =	sst s7  }
0x10: {  	[smem:$0x3FB6] =	sst s8  }
0x11: {  	[smem:$0x3FB7] =	sst s9;
	s0 =	simm.s32 @!p0 $0x0  }
0x12: {  	s1 =	sld [smem:$0x3F9D];
	s0 =	simm.s32 @p0 $0x1  }
0x13: {  	[smem:$0x3FB8] =	sst s0;
	s0 =	simm.s32 @!p1 $0x0  }
0x14: {  	s2 =	sld [smem:$0x3F9C];
	s0 =	simm.s32 @p1 $0x1  }
0x15: {  	[smem:$0x3FB9] =	sst s0;
	s0 =	simm.s32 @!p2 $0x0  }
0x16: {  	s3 =	sld [smem:$0x3FDB];
	s0 =	simm.s32 @p2 $0x1  }
0x17: {  	s4 =	simm.s32 $0x1BF5;
	[smem:$0x3FBB] =	sst s0  }
0x18: {  	s0 =	sld [smem:$0x3F9E];
	_ =	swait.ge [sflag:s4], $0x0  }
0x19: {  	s7 =	sld [smem:$0x3F9F]  }
0x1a: {  	s8 =	sadd.s32 $0xFFFFE003, lr  }
0x1b: {  	s9 =	sadd.s32 $0xFFFFFEF7, lr;
	s5 =	simm.s32 $0xFFFFFFFF;
	p2 =	slt.u32 s8, $0xFFFFF086  }
0x1c: {  	p1 =	slt.u32 s9, $0xF7A;
	s5 =	simm.s32 @!p2 $0x0  }
0x1d: {  	s5 =	simm.s32 @p1 $0x1;
	p0 =	seq.s32 s7, s2  }
0x1e: {  	s7 =	smul.u32 @!p0 $0xF7A, s2;
	p2 =	seq.s32 @!p0 s5, $0x0  }
0x1f: {  	s9 =	smul.u32 $0xF7A, s1;
	s8 =	simm.s32 @!p0 $0x1BF5;
	p2 =	por !p2, p0  }
0x20: {  	[sflag:s8] =	ssyncset.s32 @!p0 $0xFFFFF086;
	s6 =	sadd.s32 @!p0 s3, s7;
	s7 =	simm.s32 @!p0 $0x108  }
0x21: {  	s3 =	sadd.s32 s3, s9;
	s6 =	sadd.s32 @!p0 $0x88, s6;
	s7 =	simm.s32 @p2 $0x1082  }
0x22: {  	[simem:s7], [sflag:s8] =	dma.local @!p0 [hbm:s6], $0xF7A  }
0x23: {  	s9 =	sor.u32 $0xD0000000, s2;
	s6 =	simm.s32 $0x108;
	_ =	swait.ge @!p0 [sflag:s8], $0x0  }
0x24: {  	s3 =	sadd.s32 $0x88, s3;
	s6 =	simm.s32 @!p1 $0x1082;
	[sflag:s4] =	ssyncset.s32 $0xFFFFF086  }
0x25: {  	[simem:s6], [sflag:s4] =	dma.local [hbm:s3], $0xF7A  }
0x26: {  	[smem:$0x3F9F] =	sst s1;
	(tag) =	ssettag s2;
	_ =	strace s9  }
0x27: {  	s1 =	sld [smem:$0x3FAF]  }
0x28: {  	s2 =	sld [smem:$0x3FB0]  }
0x29: {  	s4 =	sld [smem:$0x3FB2]  }
0x2a: {  	p0 =	seq.s32 s5, $0x0;
	s5 =	sld [smem:$0x3FB3]  }
0x2b: {  	s6 =	sld [smem:$0x3FB4]  }
0x2c: {  	s7 =	sld [smem:$0x3FB5]  }
0x2d: {  	s3 =	simm.s32 $0x108;
	s8 =	sld [smem:$0x3FB6]  }
0x2e: {  	s3 =	simm.s32 @!p0 $0x1082;
	s9 =	sld [smem:$0x3FB7]  }
0x2f: {  	lr =	sadd.s32 s0, s3;
	s0 =	sld [smem:$0x3FAE]  }
0x30: {  	s3 =	sld [smem:$0x3FB1]  }
0x31: {  	[smem:$0x3FBA] =	sst s10  }
0x32: {  	s10 =	sld [smem:$0x3FB8];
	_ =	sdelay $0x3  }
0x33: {  	p0 =	seq.s32 s10, $0x1;
	s10 =	sld [smem:$0x3FBA];
	_ =	sdelay $0x3  }
0x34: {  	[smem:$0x3FBA] =	sst s10  }
0x35: {  	s10 =	sld [smem:$0x3FB9];
	_ =	sdelay $0x3  }
0x36: {  	p1 =	seq.s32 s10, $0x1;
	s10 =	sld [smem:$0x3FBA];
	_ =	sdelay $0x3  }
0x37: {  	[smem:$0x3FBA] =	sst s10  }
0x38: {  	s10 =	sld [smem:$0x3FBB]  }
0x39: {  	_ = 	snop;
	(pc) =	sbr.ind lr, $3  }
0x3a: {  	_ = 	snop  }
0x3b: {  	_ = 	snop  }
0x3c: {  	p2 =	seq.s32 s10, $0x1;
	s10 =	sld [smem:$0x3FBA]  }
0x3d: {  	_ =	shalt  }
0x3e: {  	_ =	shalt  }
0x3f: {  	_ =	shalt  }
0x40: {  	_ =	shalt  }
0x41: {  	_ =	shalt  }
0x42: {  	_ =	shalt  }
0x43: {  	_ =	shalt  }
0x44: {  	_ =	shalt  }
0x45: {  	_ =	shalt  }
0x46: {  	_ =	shalt  }
0x47: {  	_ =	shalt  }
0x48: {  	_ =	shalt  }
0x49: {  	_ =	shalt  }
0x4a: {  	_ =	shalt  }
0x4b: {  	_ =	shalt  }
0x4c: {  	_ =	shalt  }
0x4d: {  	_ =	shalt  }
0x4e: {  	_ =	shalt  }
0x4f: {  	_ =	shalt  }
0x50: {  	_ =	shalt  }
0x51: {  	_ =	shalt  }
0x52: {  	_ =	shalt  }
0x53: {  	_ =	shalt  }
0x54: {  	_ =	shalt  }
0x55: {  	_ =	shalt  }
0x56: {  	_ =	shalt  }
0x57: {  	_ =	shalt  }
0x58: {  	_ =	shalt  }
0x59: {  	_ =	shalt  }
0x5a: {  	_ =	shalt  }
0x5b: {  	_ =	shalt  }
0x5c: {  	_ =	shalt  }
0x5d: {  	_ =	shalt  }
0x5e: {  	_ =	shalt  }
0x5f: {  	_ =	shalt  }
0x60: {  	_ =	shalt  }
0x61: {  	_ =	shalt  }
0x62: {  	_ =	shalt  }
0x63: {  	_ =	shalt  }
0x64: {  	_ =	shalt  }
0x65: {  	_ =	shalt  }
0x66: {  	_ =	shalt  }
0x67: {  	_ =	shalt  }
0x68: {  	_ =	shalt  }
0x69: {  	_ =	shalt  }
0x6a: {  	_ =	shalt  }
0x6b: {  	_ =	shalt  }
0x6c: {  	_ =	shalt  }
0x6d: {  	_ =	shalt  }
0x6e: {  	_ =	shalt  }
0x6f: {  	_ =	shalt  }
0x70: {  	_ =	shalt  }
0x71: {  	_ =	shalt  }
0x72: {  	_ =	shalt  }
0x73: {  	_ =	shalt  }
0x74: {  	_ =	shalt  }
0x75: {  	_ =	shalt  }
0x76: {  	_ =	shalt  }
0x77: {  	_ =	shalt  }
0x78: {  	_ =	shalt  }
0x79: {  	_ =	shalt  }
0x7a: {  	_ =	shalt  }
0x7b: {  	_ =	shalt  }
0x7c: {  	_ =	shalt  }
0x7d: {  	_ =	shalt  }
0x7e: {  	_ =	shalt  }
0x7f: {  	_ =	shalt  }
0x80: {  	_ =	shalt  }
0x81: {  	_ =	shalt  }
0x82: {  	_ =	shalt  }
0x83: {  	_ =	shalt  }
0x84: {  	_ =	shalt  }
0x85: {  	_ =	shalt  }
0x86: {  	_ =	shalt  }
0x87: {  	_ =	shalt  }
.Lfunc_end0:
.L_simem_size_0:
called_computation.1_lowered:
.L_overlay_start_0:
0x88: {  	s2 =	sld [smem:$0x3FD9]  }
0x89: {  	s3 =	sld [smem:$0x3FFE];
	_ =	sdelay $0x1  }
0x8a: {  	s1 =	srdreg.scid  }
0x8b: {  	s0 =	sand.u32 $0x1, s1  }
0x8c: {  	s17 =	sshll.u32 s0, $0xA;
	s2 =	sadd.s32 s3, s2  }
0x8d: {  	s2 =	sadd.s32 s2, s17  }
0x8e: {  	[smem:$0x3FC6] =	sst s2  }
0x8f: {  	_ = 	snop  }
0x90: {  	s2 =	sld [smem:$0x3FC9];
	(tm) =	ssettm $0x1  }
0x91: {  	s18 =	sld [smem:$0x3FFB];
	_ =	sdelay $0x3  }
0x92: {  	_ =	strace s18  }
0x93: {  	s3 =	sld [smem:$0x3FFC];
	_ =	sdelay $0x3  }
0x94: {  	_ =	strace s3  }
0x95: {  	s3 =	sld [smem:$0x3FFD];
	_ =	sdelay $0x3  }
0x96: {  	_ =	strace s3  }
0x97: {  	_ =	strace $0x8FFFFFFF  }
0x98: {  	s19 =	sld [smem:$0x3FDB];
	_ =	sdelay $0x1  }
0x99: {  	s4 =	simm.s32 $_scs_section_size  }
0x9a: {  	s5 =	simm.s32 $_size__tile_overlayer_lowered;
	s6 =	simm.s32 $_tile_overlayer_lowered  }
0x9b: {  	s22 =	simm.s32 $0x1BFF;
	s21 =	sshll.u32 s6, $0x1;
	s3 =	sadd.s32 s4, s19  }
0x9c: {  	s7 =	simm.s32 $0x0;
	s20 =	sshll.u32 s5, $0x1;
	s5 =	sadd.s32 s21, s3  }
0x9d: {  	[timem:s7], [sflag:s22] =	dma.local [hbm:s5], s20  }
0x9e: {  	_ =	swait.ge [sflag:s22], s20  }
0x9f: {  	s4 =	ssub.s32 $0x0, s20;
	[sflag:s22] =	ssyncset.done $0x0  }
0xa0: {  	[sflag:s22] =	ssyncadd.s32 s4;
	_ =	sdelay $0x1  }
0xa1: {  	s23 =	simm.s32 $0x1B8B  }
0xa2: {  	_ =	swait.ge [sflag:s23], $0x1  }
0xa3: {  	[sflag:s23] =	ssyncset.done $0x0  }
0xa4: {  	s25 =	simm.s32 $0x1B8E;
	s24 =	sld [smem:$0x3FFE];
	[sflag:s23] =	ssyncadd.s32 $0xFFFFFFFF  }
0xa5: {  	s26 =	simm.s32 $execute0_lowered;
	[smem:$0x3FD2] =	sst s25  }
0xa6: {  	s5 =	sshll.u32 s26, $0x1;
	_ =	strace $0x80000046;
	[dreg:$0x1] =	wrdreg $0xFFFFFFFF  }
0xa7: {  	s28 =	simm.s32 $_size_execute0_lowered;
	s3 =	sadd.s32 s3, s5;
	[dreg:$0x0] =	wrdreg $0x0  }
0xa8: {  	s5 =	sshll.u32 s28, $0x1;
	[dreg:$0x2] =	wrdreg s3  }
0xa9: {  	[dreg:$0x3] =	wrdreg s5  }
0xaa: {  	[dreg:$0x4] =	wrdreg $0xC0  }
0xab: {  	_ =	task [dreg:s7], $0x5FFFF  }
0xac: {  	[dreg:$0x1] =	wrdreg $0xFFFFFFFF  }
0xad: {  	[dreg:$0x0] =	wrdreg $0x60  }
0xae: {  	[dreg:$0x2] =	wrdreg s2  }
0xaf: {  	[dreg:$0x3] =	wrdreg s24  }
0xb0: {  	[dreg:$0x4] =	wrdreg $0x9  }
0xb1: {  	_ =	task.clear_ibuf [dreg:s7], $0x5FFFF;
	_ =	strace $0x90000046  }
0xb2: {  	s29 =	simm.s32 $0x9;
	_ =	strace $0x80000048  }
0xb3: {  	_ =	swait.ge [sflag:s29], $0x1  }
0xb4: {  	[sflag:s29] =	ssyncadd.s32 $0xFFFFFFFF  }
0xb5: {  	_ =	strace $0x90000048  }
0xb6: {  	_ =	sfence  }
0xb7: {  	s30 =	sld [smem:$0x0];
	_ =	sdelay $0x2  }
0xb8: {  	s31 =	sshll.u32 s1, $0xD;
	s1 =	sshrl.u32 s1, $0x2  }
0xb9: {  	s3 =	sand.u32 $0x4000, s31;
	s1 =	sadd.s32 s1, s30  }
0xba: {  	s0 =	sor.u32 s3, s0;
	s1 =	sshll.u32 s1, $0x11  }
0xbb: {  	s0 =	sor.u32 s1, s0  }
0xbc: {  	s0 =	sadd.s32 $0x8F2B, s0  }
0xbd: {  	[sflag:s0] =	ssyncadd.remote.s32 $0x1  }
0xbe: {  	_ =	sfence.sel $0xFFFF  }
0xbf: {  	[dreg:$0x0] =	wrdreg $0xFFFFFFFF;
	(pc) =	sbr.abs _section_cstart, $3  }
0xc0: {  	[dreg:$0x1] =	wrdreg $0xFFFFFFFF  }
0xc1: {  	_ =	task.clear_ibuf [dreg:s7], $0x2FFFF;
	_ =	strace $0x9FFFFFFF  }
0xc2: {  	(tm) =	ssettm $0x7FFFFFFF  }
0xc3: {  	_ =	shalt  }
tec
execute0_lowered:
.L_overlay_start_1:
0x0: {  	(tag) =	ssettag $0x1  }
0x1: {  	s0 =	rddreg [dreg:$0x0]  }
0x2: {  	s2 =	rddreg [dreg:$0x1];
	s1 =	simm.s32 $0x0  }
0x3: {  	s4 =	srdreg.scid;
	s6 =	stileid.u32;
	s14 =	simm.s32 $0x1  }
0x4: {  	s16 =	simm.s32 $0x3800;
	s18 =	simm.s32 $0x7800;
	s21 =	simm.s32 $0x2  }
0x5: {  	s28 =	simm.s32 $0x17800;
	s29 =	simm.s32 $0x5;
	s30 =	simm.s32 $0x6  }
0x6: {  	s31 =	simm.s32 $0x7;
	[smem:$0x7FF] =	sst s1;
	s4 =	sand.u32 $0x1, s4  }
0x7: {  	s3 =	sadd.s32 $0xF42C00, s2;
	s6 =	sshll.u32 s6, $0x8;
	s5 =	ssub.s32 $0x2, s4  }
0x8: {  	_ =	strace $0x80000047;
	s7 =	sshll.u32 s4, $0x7;
	s22 =	sshrl.u32 s5, $0x1  }
0x9: {  	s4 =	sadd.s32 $0x800, s2;
	s6 =	sor.u32 s7, s6;
	s2 =	ssub.s32 s5, s22  }
0xa: {  	s5 =	sadd.s32 s0, s6;
	s23 =	sshll.u32 s6, $0x4;
	s7 =	sshll.u32 s6, $0x7  }
0xb: {  	s22 =	simm.s32 $0xF800;
	s24 =	sadd.s32 $0x6000, s5;
	s0 =	sadd.s32 s23, s4  }
0xc: {  	s26 =	smax.u32 s2, $0x1;
	s23 =	simm.s32 $0x80;
	[dreg:$0x3] =	wrdreg s24  }
0xd: {  	s25 =	sadd.s32 $0x300000, s0;
	s0 =	sadd.s32 $0x310000, s0;
	[dreg:$0x6] =	wrdreg s26  }
0xe: {  	s24 =	simm.s32 $0x3;
	s26 =	simm.s32 $0x4;
	[dreg:$0x4] =	wrdreg s25  }
0xf: {  	[dreg:$0x5] =	wrdreg s0;
	s25 =	simm.s32 $0x13800;
	s0 =	simm.s32 $0x0  }
.LBB2_1:
0x10: {  	s2 =	simm.s32 $0x400;
	s6 =	simm.s32 $0x8000  }
0x11: {  	[tilespmem:s1], [sflag:$0x1] =	stream.strided.gather [hbm4b:s5+s2], $0x1800, s6, s2, $0x38;
	[tilespmem:$0x1B800] =	vst v63  }
0x12: {  	s19 =	rddreg [dreg:$0x3];
	s20 =	simm.s32 $0x1800  }
0x13: {  	[tilespmem:s20], [sflag:$0x1] =	stream.linear.gather [hbm4b:s19+s1], $0x100, $0x38;
	[tilespmem:$0x1B800] =	vst v63  }
0x14: {  	_ =	swait.ge [sflag:s14], $0x1900  }
0x15: {  	[sflag:s14] =	ssyncset.done $0x0  }
0x16: {  	s6 =	simm.s32 $0x0;
	[sflag:s14] =	ssyncadd.s32 $0xFFFFE700  }
0x17: {  	v1 =	vld [tilespmem:s6+$0x70]  }
0x18: {  	v4 =	vld [tilespmem:s6+$0x0]  }
0x19: {  	v5 =	vld [tilespmem:s6+$0x10]  }
0x1a: {  	v3 =	vld [tilespmem:s6+$0x20]  }
0x1b: {  	v2 =	vld [tilespmem:s6+$0x30]  }
0x1c: {  	v0 =	vld [tilespmem:s6+$0x40];
	v6 =	vshrl.u32 v1, $0x1  }
0x1d: {  	v1 =	vld [tilespmem:s6+$0x50];
	v4 =	vshrl.u32 v4, $0x1;
	[tilespmem:s6+$0x1C70] =	vst v6  }
0x1e: {  	s8 =	simm.s32 $0x400;
	s2 =	simm.s32 $0x80;
	v5 =	vshrl.u32 v5, $0x1;
	[tilespmem:s6+$0x1C00] =	vst v4;
	v4 =	vld [tilespmem:s6+$0x60]  }
.LBB2_2:
0x1f: {  	p0 =	sne.s32 s8, $0x6200;
	v6 =	vld [tilespmem:s2+$0x70];
	[tilespmem:s6+$0x1C10] =	vst v5;
	v3 =	vshrl.u32 v3, $0x1  }
0x20: {  	v5 =	vld [tilespmem:s2+$0x0];
	[tilespmem:s6+$0x1C20] =	vst v3;
	v2 =	vshrl.u32 v2, $0x1  }
0x21: {  	v7 =	vld [tilespmem:s2+$0x10];
	[tilespmem:s6+$0x1C30] =	vst v2;
	v0 =	vshrl.u32 v0, $0x1  }
.Ltmp0:
0x22: {  	v3 =	vld [tilespmem:s2+$0x20];
	[tilespmem:s6+$0x1C40] =	vst v0;
	v0 =	vshrl.u32 v1, $0x1;
	(pc) =	sbr.rel @p0 .LBB2_2-.Ltmp0, $4  }
0x23: {  	v2 =	vld [tilespmem:s2+$0x30];
	[tilespmem:s6+$0x1C50] =	vst v0;
	v1 =	vshrl.u32 v4, $0x1  }
0x24: {  	v0 =	vld [tilespmem:s2+$0x40];
	v4 =	vshrl.u32 v6, $0x1;
	[tilespmem:s6+$0x1C60] =	vst v1;
	s6 =	smov.u32 s2  }
0x25: {  	v5 =	vshrl.u32 v5, $0x1;
	v1 =	vld [tilespmem:s6+$0x50];
	[tilespmem:s6+$0x1C70] =	vst v4  }
0x26: {  	s2 =	sshra.s32 s8, $0x2;
	s8 =	sadd.s32 $0x200, s8;
	[tilespmem:s6+$0x1C00] =	vst v5;
	v5 =	vshrl.u32 v7, $0x1;
	v4 =	vld [tilespmem:s6+$0x60]  }
0x27: {  	v6 =	vld [tilespmem:s2+$0x70];
	[tilespmem:s6+$0x1C10] =	vst v5;
	v3 =	vshrl.u32 v3, $0x1  }
0x28: {  	v5 =	vld [tilespmem:s2+$0x0];
	[tilespmem:s6+$0x1C20] =	vst v3;
	v2 =	vshrl.u32 v2, $0x1  }
0x29: {  	v3 =	vld [tilespmem:s2+$0x10];
	[tilespmem:s6+$0x1C30] =	vst v2;
	v0 =	vshrl.u32 v0, $0x1  }
0x2a: {  	v2 =	vld [tilespmem:s2+$0x20];
	[tilespmem:s6+$0x1C40] =	vst v0;
	v51 =	vshrl.u32 v1, $0x1  }
0x2b: {  	v52 =	vld [tilespmem:s2+$0x30];
	[tilespmem:s6+$0x1C50] =	vst v51;
	v53 =	vshrl.u32 v4, $0x1  }
0x2c: {  	v54 =	vld [tilespmem:s2+$0x40];
	[tilespmem:s6+$0x1C60] =	vst v53;
	v55 =	vshrl.u32 v6, $0x1  }
0x2d: {  	v56 =	vld [tilespmem:s2+$0x50];
	v5 =	vshrl.u32 v5, $0x1;
	[tilespmem:s2+$0x1C70] =	vst v55  }
0x2e: {  	v58 =	vld [tilespmem:s2+$0x60];
	[tilespmem:s2+$0x1C00] =	vst v5;
	v57 =	vshrl.u32 v3, $0x1  }
0x2f: {  	[tilespmem:s2+$0x1C10] =	vst v57;
	v59 =	vshrl.u32 v2, $0x1  }
0x30: {  	[tilespmem:s2+$0x1C20] =	vst v59;
	v60 =	vshrl.u32 v52, $0x1  }
0x31: {  	[tilespmem:s2+$0x1C30] =	vst v60;
	v61 =	vshrl.u32 v54, $0x1  }
0x32: {  	[tilespmem:s2+$0x1C40] =	vst v61;
	v62 =	vshrl.u32 v56, $0x1  }
0x33: {  	v63 =	vshrl.u32 v58, $0x1;
	[tilespmem:s2+$0x1C50] =	vst v62  }
0x34: {  	s17 =	simm.s32 $0x1C00;
	s6 =	simm.s32 $0x80;
	[tilespmem:s2+$0x1C60] =	vst v63  }
0x35: {  	[tilespmem:s16], [sflag:$0x2] =	stream.indirect.gather [hbm4b:s3+s6], $0x80, s17, s6, $0xb8;
	[tilespmem:$0x1B800] =	vst v63  }
0x36: {  	s19 =	simm.s32 $0x1C80;
	s20 =	simm.s32 $0x1D00;
	s8 =	simm.s32 $0xB800  }
0x37: {  	[tilespmem:s18], [sflag:$0x3] =	stream.indirect.gather [hbm4b:s3+s6], $0x80, s19, s6, $0xb8;
	[tilespmem:$0x1B800] =	vst v63  }
0x38: {  	s11 =	simm.s32 $0x0;
	s12 =	simm.s32 $0x100;
	s13 =	simm.s32 $0x0  }
0x39: {  	[tilespmem:s8], [sflag:$0x4] =	stream.indirect.gather [hbm4b:s3+s6], $0x80, s20, s6, $0xb8;
	[tilespmem:$0x1B800] =	vst v63  }
.LBB2_4:
0x3a: {  	_ =	swait.ge [sflag:s21], $0x4000  }
0x3b: {  	s15 =	smul.u32 $0x600, s13;
	[sflag:s21] =	ssyncset.done $0x0  }
0x3c: {  	s17 =	smov.u32 s11;
	s19 =	simm.s32 $0x0;
	[sflag:s21] =	ssyncadd.s32 $0xFFFFC000  }
.LBB2_5:
0x3d: {  	v0 =	vld [tilespmem:s17+$0x0];
	_ =	sdelay $0x4  }
0x3e: {  	v0 =	vshll.u32 v0, $0x6  }
0x3f: {  	s2 =	sshra.s32 s19, $0x2;
	v0 =	vand.u32 $0x40, v0  }
0x40: {  	v0 =	vadd.s32 s2, v0  }
0x41: {  	(v2sf) =	vpush v0, $0x1  }
0x42: {  	(v2sf) =	vpush v0, $0x0;
	_ =	sdelay $0xd  }
0x43: {  	s8 =	spop (v2sf)  }
0x44: {  	s20 =	spop (v2sf)  }
0x45: {  	v1 =	vld [tilespmem:s20+$0x3800];
	_ =	sdelay $0x4  }
0x46: {  	[tilespmem:s2+$0xF800] =	vst v1  }
0x47: {  	v1 =	vld [tilespmem:s20+$0x3810];
	_ =	sdelay $0x4  }
0x48: {  	[tilespmem:s2+$0xF810] =	vst v1  }
0x49: {  	v1 =	vld [tilespmem:s20+$0x3820];
	_ =	sdelay $0x4  }
0x4a: {  	[tilespmem:s2+$0xF820] =	vst v1  }
0x4b: {  	v1 =	vld [tilespmem:s20+$0x3830];
	_ =	sdelay $0x4  }
0x4c: {  	[tilespmem:s2+$0xF830] =	vst v1  }
0x4d: {  	v1 =	vld [tilespmem:s8+$0x3880];
	_ =	sdelay $0x4  }
0x4e: {  	[tilespmem:s2+$0xF880] =	vst v1  }
0x4f: {  	v1 =	vld [tilespmem:s8+$0x3890]  }
0x50: {  	(v2sf) =	vpush v0, $0x3  }
0x51: {  	(v2sf) =	vpush v0, $0x2;
	_ =	sdelay $0x2  }
0x52: {  	[tilespmem:s2+$0xF890] =	vst v1  }
0x53: {  	v1 =	vld [tilespmem:s8+$0x38A0];
	_ =	sdelay $0x4  }
0x54: {  	[tilespmem:s2+$0xF8A0] =	vst v1  }
0x55: {  	v1 =	vld [tilespmem:s8+$0x38B0];
	_ =	sdelay $0x3  }
0x56: {  	s9 =	spop (v2sf)  }
0x57: {  	s10 =	spop (v2sf);
	[tilespmem:s2+$0xF8B0] =	vst v1  }
0x58: {  	v1 =	vld [tilespmem:s10+$0x3900];
	_ =	sdelay $0x4  }
0x59: {  	[tilespmem:s2+$0xF900] =	vst v1  }
0x5a: {  	v1 =	vld [tilespmem:s10+$0x3910];
	_ =	sdelay $0x4  }
0x5b: {  	[tilespmem:s2+$0xF910] =	vst v1  }
0x5c: {  	v1 =	vld [tilespmem:s10+$0x3920];
	_ =	sdelay $0x4  }
0x5d: {  	[tilespmem:s2+$0xF920] =	vst v1  }
0x5e: {  	v1 =	vld [tilespmem:s10+$0x3930];
	_ =	sdelay $0x4  }
0x5f: {  	[tilespmem:s2+$0xF930] =	vst v1  }
0x60: {  	v1 =	vld [tilespmem:s9+$0x3980];
	_ =	sdelay $0x4  }
0x61: {  	[tilespmem:s2+$0xF980] =	vst v1  }
0x62: {  	v1 =	vld [tilespmem:s9+$0x3990]  }
0x63: {  	(v2sf) =	vpush v0, $0x5  }
0x64: {  	(v2sf) =	vpush v0, $0x4;
	_ =	sdelay $0x2  }
0x65: {  	[tilespmem:s2+$0xF990] =	vst v1  }
0x66: {  	v1 =	vld [tilespmem:s9+$0x39A0];
	_ =	sdelay $0x4  }
0x67: {  	[tilespmem:s2+$0xF9A0] =	vst v1  }
0x68: {  	v1 =	vld [tilespmem:s9+$0x39B0];
	_ =	sdelay $0x3  }
0x69: {  	s9 =	spop (v2sf)  }
0x6a: {  	s10 =	spop (v2sf);
	[tilespmem:s2+$0xF9B0] =	vst v1  }
0x6b: {  	v1 =	vld [tilespmem:s10+$0x3A00];
	_ =	sdelay $0x4  }
0x6c: {  	[tilespmem:s2+$0xFA00] =	vst v1  }
0x6d: {  	v1 =	vld [tilespmem:s10+$0x3A10];
	_ =	sdelay $0x4  }
0x6e: {  	[tilespmem:s2+$0xFA10] =	vst v1  }
0x6f: {  	v1 =	vld [tilespmem:s10+$0x3A20];
	_ =	sdelay $0x4  }
0x70: {  	[tilespmem:s2+$0xFA20] =	vst v1  }
0x71: {  	v1 =	vld [tilespmem:s10+$0x3A30];
	_ =	sdelay $0x4  }
0x72: {  	[tilespmem:s2+$0xFA30] =	vst v1  }
0x73: {  	v1 =	vld [tilespmem:s9+$0x3A80];
	_ =	sdelay $0x4  }
0x74: {  	[tilespmem:s2+$0xFA80] =	vst v1  }
0x75: {  	v1 =	vld [tilespmem:s9+$0x3A90]  }
0x76: {  	(v2sf) =	vpush v0, $0x7  }
0x77: {  	(v2sf) =	vpush v0, $0x6;
	_ =	sdelay $0x2  }
0x78: {  	[tilespmem:s2+$0xFA90] =	vst v1  }
0x79: {  	v1 =	vld [tilespmem:s9+$0x3AA0];
	_ =	sdelay $0x4  }
0x7a: {  	[tilespmem:s2+$0xFAA0] =	vst v1  }
0x7b: {  	v1 =	vld [tilespmem:s9+$0x3AB0];
	_ =	sdelay $0x3  }
0x7c: {  	s9 =	spop (v2sf)  }
0x7d: {  	s10 =	spop (v2sf);
	[tilespmem:s2+$0xFAB0] =	vst v1  }
0x7e: {  	v1 =	vld [tilespmem:s10+$0x3B00];
	_ =	sdelay $0x4  }
0x7f: {  	[tilespmem:s2+$0xFB00] =	vst v1  }
0x80: {  	v1 =	vld [tilespmem:s10+$0x3B10];
	_ =	sdelay $0x4  }
0x81: {  	[tilespmem:s2+$0xFB10] =	vst v1  }
0x82: {  	v1 =	vld [tilespmem:s10+$0x3B20];
	_ =	sdelay $0x4  }
0x83: {  	[tilespmem:s2+$0xFB20] =	vst v1  }
0x84: {  	v1 =	vld [tilespmem:s10+$0x3B30];
	_ =	sdelay $0x4  }
0x85: {  	[tilespmem:s2+$0xFB30] =	vst v1  }
0x86: {  	v1 =	vld [tilespmem:s9+$0x3B80];
	_ =	sdelay $0x4  }
0x87: {  	[tilespmem:s2+$0xFB80] =	vst v1  }
0x88: {  	v1 =	vld [tilespmem:s9+$0x3B90]  }
0x89: {  	(v2sf) =	vpush v0, $0x9  }
0x8a: {  	(v2sf) =	vpush v0, $0x8;
	_ =	sdelay $0x2  }
0x8b: {  	[tilespmem:s2+$0xFB90] =	vst v1  }
0x8c: {  	v1 =	vld [tilespmem:s9+$0x3BA0];
	_ =	sdelay $0x4  }
0x8d: {  	[tilespmem:s2+$0xFBA0] =	vst v1  }
0x8e: {  	v1 =	vld [tilespmem:s9+$0x3BB0];
	_ =	sdelay $0x3  }
0x8f: {  	s9 =	spop (v2sf)  }
0x90: {  	s10 =	spop (v2sf);
	[tilespmem:s2+$0xFBB0] =	vst v1  }
0x91: {  	v1 =	vld [tilespmem:s10+$0x3C00];
	_ =	sdelay $0x4  }
0x92: {  	[tilespmem:s2+$0xFC00] =	vst v1  }
0x93: {  	v1 =	vld [tilespmem:s10+$0x3C10];
	_ =	sdelay $0x4  }
0x94: {  	[tilespmem:s2+$0xFC10] =	vst v1  }
0x95: {  	v1 =	vld [tilespmem:s10+$0x3C20];
	_ =	sdelay $0x4  }
0x96: {  	[tilespmem:s2+$0xFC20] =	vst v1  }
0x97: {  	v1 =	vld [tilespmem:s10+$0x3C30];
	_ =	sdelay $0x4  }
0x98: {  	[tilespmem:s2+$0xFC30] =	vst v1  }
0x99: {  	v1 =	vld [tilespmem:s9+$0x3C80];
	_ =	sdelay $0x4  }
0x9a: {  	[tilespmem:s2+$0xFC80] =	vst v1  }
0x9b: {  	v1 =	vld [tilespmem:s9+$0x3C90]  }
0x9c: {  	(v2sf) =	vpush v0, $0xB  }
0x9d: {  	(v2sf) =	vpush v0, $0xA;
	_ =	sdelay $0x2  }
0x9e: {  	[tilespmem:s2+$0xFC90] =	vst v1  }
0x9f: {  	v1 =	vld [tilespmem:s9+$0x3CA0];
	_ =	sdelay $0x4  }
0xa0: {  	[tilespmem:s2+$0xFCA0] =	vst v1  }
0xa1: {  	v1 =	vld [tilespmem:s9+$0x3CB0];
	_ =	sdelay $0x3  }
0xa2: {  	s9 =	spop (v2sf)  }
0xa3: {  	s10 =	spop (v2sf);
	[tilespmem:s2+$0xFCB0] =	vst v1  }
0xa4: {  	v1 =	vld [tilespmem:s10+$0x3D00];
	_ =	sdelay $0x4  }
0xa5: {  	[tilespmem:s2+$0xFD00] =	vst v1  }
0xa6: {  	v1 =	vld [tilespmem:s10+$0x3D10];
	_ =	sdelay $0x4  }
0xa7: {  	[tilespmem:s2+$0xFD10] =	vst v1  }
0xa8: {  	v1 =	vld [tilespmem:s10+$0x3D20];
	_ =	sdelay $0x4  }
0xa9: {  	[tilespmem:s2+$0xFD20] =	vst v1  }
0xaa: {  	v1 =	vld [tilespmem:s10+$0x3D30];
	_ =	sdelay $0x4  }
0xab: {  	[tilespmem:s2+$0xFD30] =	vst v1  }
0xac: {  	v1 =	vld [tilespmem:s9+$0x3D80];
	_ =	sdelay $0x4  }
0xad: {  	[tilespmem:s2+$0xFD80] =	vst v1  }
0xae: {  	v1 =	vld [tilespmem:s9+$0x3D90]  }
0xaf: {  	(v2sf) =	vpush v0, $0xD  }
0xb0: {  	(v2sf) =	vpush v0, $0xC;
	_ =	sdelay $0x2  }
0xb1: {  	[tilespmem:s2+$0xFD90] =	vst v1  }
0xb2: {  	v1 =	vld [tilespmem:s9+$0x3DA0];
	_ =	sdelay $0x4  }
0xb3: {  	[tilespmem:s2+$0xFDA0] =	vst v1  }
0xb4: {  	v1 =	vld [tilespmem:s9+$0x3DB0];
	_ =	sdelay $0x3  }
0xb5: {  	s9 =	spop (v2sf)  }
0xb6: {  	s10 =	spop (v2sf);
	[tilespmem:s2+$0xFDB0] =	vst v1  }
0xb7: {  	v1 =	vld [tilespmem:s10+$0x3E00];
	_ =	sdelay $0x4  }
0xb8: {  	[tilespmem:s2+$0xFE00] =	vst v1  }
0xb9: {  	v1 =	vld [tilespmem:s10+$0x3E10];
	_ =	sdelay $0x4  }
0xba: {  	[tilespmem:s2+$0xFE10] =	vst v1  }
0xbb: {  	v1 =	vld [tilespmem:s10+$0x3E20];
	_ =	sdelay $0x4  }
0xbc: {  	[tilespmem:s2+$0xFE20] =	vst v1  }
0xbd: {  	v1 =	vld [tilespmem:s10+$0x3E30];
	_ =	sdelay $0x4  }
0xbe: {  	[tilespmem:s2+$0xFE30] =	vst v1  }
0xbf: {  	v1 =	vld [tilespmem:s9+$0x3E80];
	_ =	sdelay $0x4  }
0xc0: {  	[tilespmem:s2+$0xFE80] =	vst v1  }
0xc1: {  	v1 =	vld [tilespmem:s9+$0x3E90]  }
0xc2: {  	(v2sf) =	vpush v0, $0xF  }
0xc3: {  	(v2sf) =	vpush v0, $0xE;
	_ =	sdelay $0x2  }
0xc4: {  	[tilespmem:s2+$0xFE90] =	vst v1  }
0xc5: {  	v63 =	vld [tilespmem:s9+$0x3EA0];
	_ =	sdelay $0x4  }
0xc6: {  	[tilespmem:s2+$0xFEA0] =	vst v63  }
0xc7: {  	v0 =	vld [tilespmem:s9+$0x3EB0];
	_ =	sdelay $0x3  }
0xc8: {  	s9 =	spop (v2sf)  }
0xc9: {  	s10 =	spop (v2sf);
	[tilespmem:s2+$0xFEB0] =	vst v0  }
0xca: {  	v0 =	vld [tilespmem:s10+$0x3F00];
	_ =	sdelay $0x4  }
0xcb: {  	[tilespmem:s2+$0xFF00] =	vst v0  }
0xcc: {  	v0 =	vld [tilespmem:s10+$0x3F10];
	_ =	sdelay $0x4  }
0xcd: {  	[tilespmem:s2+$0xFF10] =	vst v0  }
0xce: {  	v0 =	vld [tilespmem:s10+$0x3F20];
	_ =	sdelay $0x4  }
0xcf: {  	[tilespmem:s2+$0xFF20] =	vst v0  }
0xd0: {  	v0 =	vld [tilespmem:s10+$0x3F30];
	_ =	sdelay $0x4  }
0xd1: {  	[tilespmem:s2+$0xFF30] =	vst v0  }
0xd2: {  	v0 =	vld [tilespmem:s9+$0x3F80];
	_ =	sdelay $0x4  }
0xd3: {  	[tilespmem:s2+$0xFF80] =	vst v0  }
0xd4: {  	v0 =	vld [tilespmem:s9+$0x3F90];
	_ =	sdelay $0x4  }
0xd5: {  	[tilespmem:s2+$0xFF90] =	vst v0  }
0xd6: {  	v0 =	vld [tilespmem:s9+$0x3FA0];
	_ =	sdelay $0x4  }
0xd7: {  	[tilespmem:s2+$0xFFA0] =	vst v0  }
0xd8: {  	p0 =	sne.s32 s19, $0xE000;
	v0 =	vld [tilespmem:s9+$0x3FB0]  }
.Ltmp1:
0xd9: {  	_ = 	snop;
	(pc) =	sbr.rel @p0 .LBB2_5-.Ltmp1, $2  }
0xda: {  	_ =	sdelay $0x2  }
0xdb: {  	s17 =	sadd.s32 $0x10, s17;
	s19 =	sadd.s32 $0x2000, s19;
	[tilespmem:s2+$0xFFB0] =	vst v0  }
0xdc: {  	s2 =	smul.u32 $0x180000, s13;
	_ =	sdelay $0x1  }
0xdd: {  	s2 =	sor.u32 s7, s2  }
0xde: {  	s2 =	sshrl.u32 s2, $0x3  }
0xdf: {  	s19 =	simm.s32 $0x0;
	s15 =	sshra.s32 s15, $0x2;
	s2 =	sadd.s32 s4, s2  }
0xe0: {  	[hbm4b:s2+s19] =	stream.linear.scatter [tilespmem:s22], [sflag:$0x5], $0x4000, $0x38;
	[tilespmem:$0x1B800] =	vst v63  }
0xe1: {  	s20 =	sadd.s32 $0x1D80, s15  }
0xe2: {  	[tilespmem:s16], [sflag:$0x2] =	stream.indirect.gather [hbm4b:s3+s23], $0x80, s20, s23, $0xb8;
	[tilespmem:$0x1B800] =	vst v63  }
0xe3: {  	s17 =	smul.u32 $0x3, s13;
	_ =	swait.ge [sflag:s24], $0x4000  }
0xe4: {  	[sflag:s24] =	ssyncset.done $0x0  }
0xe5: {  	s2 =	smov.u32 s6;
	s20 =	sadd.s32 $0x1, s17;
	[sflag:s24] =	ssyncadd.s32 $0xFFFFC000  }
.LBB2_7:
0xe6: {  	v0 =	vld [tilespmem:s2+$0x0];
	_ =	sdelay $0x4  }
0xe7: {  	v0 =	vshll.u32 v0, $0x6  }
0xe8: {  	s8 =	sshra.s32 s19, $0x2;
	v0 =	vand.u32 $0x40, v0  }
0xe9: {  	v0 =	vadd.s32 s8, v0  }
0xea: {  	(v2sf) =	vpush v0, $0x1  }
0xeb: {  	(v2sf) =	vpush v0, $0x0;
	_ =	sdelay $0xd  }
0xec: {  	s9 =	spop (v2sf)  }
0xed: {  	s10 =	spop (v2sf)  }
0xee: {  	v1 =	vld [tilespmem:s10+$0x7800];
	_ =	sdelay $0x4  }
0xef: {  	[tilespmem:s8+$0x13800] =	vst v1  }
0xf0: {  	v1 =	vld [tilespmem:s10+$0x7810];
	_ =	sdelay $0x4  }
0xf1: {  	[tilespmem:s8+$0x13810] =	vst v1  }
0xf2: {  	v1 =	vld [tilespmem:s10+$0x7820];
	_ =	sdelay $0x4  }
0xf3: {  	[tilespmem:s8+$0x13820] =	vst v1  }
0xf4: {  	v1 =	vld [tilespmem:s10+$0x7830];
	_ =	sdelay $0x4  }
0xf5: {  	[tilespmem:s8+$0x13830] =	vst v1  }
0xf6: {  	v1 =	vld [tilespmem:s9+$0x7880];
	_ =	sdelay $0x4  }
0xf7: {  	[tilespmem:s8+$0x13880] =	vst v1  }
0xf8: {  	v1 =	vld [tilespmem:s9+$0x7890]  }
0xf9: {  	(v2sf) =	vpush v0, $0x3  }
0xfa: {  	(v2sf) =	vpush v0, $0x2;
	_ =	sdelay $0x2  }
0xfb: {  	[tilespmem:s8+$0x13890] =	vst v1  }
0xfc: {  	v1 =	vld [tilespmem:s9+$0x78A0];
	_ =	sdelay $0x4  }
0xfd: {  	[tilespmem:s8+$0x138A0] =	vst v1  }
0xfe: {  	v1 =	vld [tilespmem:s9+$0x78B0];
	_ =	sdelay $0x3  }
0xff: {  	s9 =	spop (v2sf)  }
0x100: {  	s10 =	spop (v2sf);
	[tilespmem:s8+$0x138B0] =	vst v1  }
0x101: {  	v1 =	vld [tilespmem:s10+$0x7900];
	_ =	sdelay $0x4  }
0x102: {  	[tilespmem:s8+$0x13900] =	vst v1  }
0x103: {  	v1 =	vld [tilespmem:s10+$0x7910];
	_ =	sdelay $0x4  }
0x104: {  	[tilespmem:s8+$0x13910] =	vst v1  }
0x105: {  	v1 =	vld [tilespmem:s10+$0x7920];
	_ =	sdelay $0x4  }
0x106: {  	[tilespmem:s8+$0x13920] =	vst v1  }
0x107: {  	v1 =	vld [tilespmem:s10+$0x7930];
	_ =	sdelay $0x4  }
0x108: {  	[tilespmem:s8+$0x13930] =	vst v1  }
0x109: {  	v1 =	vld [tilespmem:s9+$0x7980];
	_ =	sdelay $0x4  }
0x10a: {  	[tilespmem:s8+$0x13980] =	vst v1  }
0x10b: {  	v1 =	vld [tilespmem:s9+$0x7990]  }
0x10c: {  	(v2sf) =	vpush v0, $0x5  }
0x10d: {  	(v2sf) =	vpush v0, $0x4;
	_ =	sdelay $0x2  }
0x10e: {  	[tilespmem:s8+$0x13990] =	vst v1  }
0x10f: {  	v1 =	vld [tilespmem:s9+$0x79A0];
	_ =	sdelay $0x4  }
0x110: {  	[tilespmem:s8+$0x139A0] =	vst v1  }
0x111: {  	v1 =	vld [tilespmem:s9+$0x79B0];
	_ =	sdelay $0x3  }
0x112: {  	s9 =	spop (v2sf)  }
0x113: {  	s10 =	spop (v2sf);
	[tilespmem:s8+$0x139B0] =	vst v1  }
0x114: {  	v1 =	vld [tilespmem:s10+$0x7A00];
	_ =	sdelay $0x4  }
0x115: {  	[tilespmem:s8+$0x13A00] =	vst v1  }
0x116: {  	v1 =	vld [tilespmem:s10+$0x7A10];
	_ =	sdelay $0x4  }
0x117: {  	[tilespmem:s8+$0x13A10] =	vst v1  }
0x118: {  	v1 =	vld [tilespmem:s10+$0x7A20];
	_ =	sdelay $0x4  }
0x119: {  	[tilespmem:s8+$0x13A20] =	vst v1  }
0x11a: {  	v1 =	vld [tilespmem:s10+$0x7A30];
	_ =	sdelay $0x4  }
0x11b: {  	[tilespmem:s8+$0x13A30] =	vst v1  }
0x11c: {  	v1 =	vld [tilespmem:s9+$0x7A80];
	_ =	sdelay $0x4  }
0x11d: {  	[tilespmem:s8+$0x13A80] =	vst v1  }
0x11e: {  	v1 =	vld [tilespmem:s9+$0x7A90]  }
0x11f: {  	(v2sf) =	vpush v0, $0x7  }
0x120: {  	(v2sf) =	vpush v0, $0x6;
	_ =	sdelay $0x2  }
0x121: {  	[tilespmem:s8+$0x13A90] =	vst v1  }
0x122: {  	v1 =	vld [tilespmem:s9+$0x7AA0];
	_ =	sdelay $0x4  }
0x123: {  	[tilespmem:s8+$0x13AA0] =	vst v1  }
0x124: {  	v1 =	vld [tilespmem:s9+$0x7AB0];
	_ =	sdelay $0x3  }
0x125: {  	s9 =	spop (v2sf)  }
0x126: {  	s10 =	spop (v2sf);
	[tilespmem:s8+$0x13AB0] =	vst v1  }
0x127: {  	v1 =	vld [tilespmem:s10+$0x7B00];
	_ =	sdelay $0x4  }
0x128: {  	[tilespmem:s8+$0x13B00] =	vst v1  }
0x129: {  	v1 =	vld [tilespmem:s10+$0x7B10];
	_ =	sdelay $0x4  }
0x12a: {  	[tilespmem:s8+$0x13B10] =	vst v1  }
0x12b: {  	v1 =	vld [tilespmem:s10+$0x7B20];
	_ =	sdelay $0x4  }
0x12c: {  	[tilespmem:s8+$0x13B20] =	vst v1  }
0x12d: {  	v1 =	vld [tilespmem:s10+$0x7B30];
	_ =	sdelay $0x4  }
0x12e: {  	[tilespmem:s8+$0x13B30] =	vst v1  }
0x12f: {  	v1 =	vld [tilespmem:s9+$0x7B80];
	_ =	sdelay $0x4  }
0x130: {  	[tilespmem:s8+$0x13B80] =	vst v1  }
0x131: {  	v1 =	vld [tilespmem:s9+$0x7B90]  }
0x132: {  	(v2sf) =	vpush v0, $0x9  }
0x133: {  	(v2sf) =	vpush v0, $0x8;
	_ =	sdelay $0x2  }
0x134: {  	[tilespmem:s8+$0x13B90] =	vst v1  }
0x135: {  	v1 =	vld [tilespmem:s9+$0x7BA0];
	_ =	sdelay $0x4  }
0x136: {  	[tilespmem:s8+$0x13BA0] =	vst v1  }
0x137: {  	v1 =	vld [tilespmem:s9+$0x7BB0];
	_ =	sdelay $0x3  }
0x138: {  	s9 =	spop (v2sf)  }
0x139: {  	s10 =	spop (v2sf);
	[tilespmem:s8+$0x13BB0] =	vst v1  }
0x13a: {  	v1 =	vld [tilespmem:s10+$0x7C00];
	_ =	sdelay $0x4  }
0x13b: {  	[tilespmem:s8+$0x13C00] =	vst v1  }
0x13c: {  	v1 =	vld [tilespmem:s10+$0x7C10];
	_ =	sdelay $0x4  }
0x13d: {  	[tilespmem:s8+$0x13C10] =	vst v1  }
0x13e: {  	v1 =	vld [tilespmem:s10+$0x7C20];
	_ =	sdelay $0x4  }
0x13f: {  	[tilespmem:s8+$0x13C20] =	vst v1  }
0x140: {  	v1 =	vld [tilespmem:s10+$0x7C30];
	_ =	sdelay $0x4  }
0x141: {  	[tilespmem:s8+$0x13C30] =	vst v1  }
0x142: {  	v1 =	vld [tilespmem:s9+$0x7C80];
	_ =	sdelay $0x4  }
0x143: {  	[tilespmem:s8+$0x13C80] =	vst v1  }
0x144: {  	v1 =	vld [tilespmem:s9+$0x7C90]  }
0x145: {  	(v2sf) =	vpush v0, $0xB  }
0x146: {  	(v2sf) =	vpush v0, $0xA;
	_ =	sdelay $0x2  }
0x147: {  	[tilespmem:s8+$0x13C90] =	vst v1  }
0x148: {  	v1 =	vld [tilespmem:s9+$0x7CA0];
	_ =	sdelay $0x4  }
0x149: {  	[tilespmem:s8+$0x13CA0] =	vst v1  }
0x14a: {  	v1 =	vld [tilespmem:s9+$0x7CB0];
	_ =	sdelay $0x3  }
0x14b: {  	s9 =	spop (v2sf)  }
0x14c: {  	s10 =	spop (v2sf);
	[tilespmem:s8+$0x13CB0] =	vst v1  }
0x14d: {  	v1 =	vld [tilespmem:s10+$0x7D00];
	_ =	sdelay $0x4  }
0x14e: {  	[tilespmem:s8+$0x13D00] =	vst v1  }
0x14f: {  	v1 =	vld [tilespmem:s10+$0x7D10];
	_ =	sdelay $0x4  }
0x150: {  	[tilespmem:s8+$0x13D10] =	vst v1  }
0x151: {  	v1 =	vld [tilespmem:s10+$0x7D20];
	_ =	sdelay $0x4  }
0x152: {  	[tilespmem:s8+$0x13D20] =	vst v1  }
0x153: {  	v1 =	vld [tilespmem:s10+$0x7D30];
	_ =	sdelay $0x4  }
0x154: {  	[tilespmem:s8+$0x13D30] =	vst v1  }
0x155: {  	v1 =	vld [tilespmem:s9+$0x7D80];
	_ =	sdelay $0x4  }
0x156: {  	[tilespmem:s8+$0x13D80] =	vst v1  }
0x157: {  	v1 =	vld [tilespmem:s9+$0x7D90]  }
0x158: {  	(v2sf) =	vpush v0, $0xD  }
0x159: {  	(v2sf) =	vpush v0, $0xC;
	_ =	sdelay $0x2  }
0x15a: {  	[tilespmem:s8+$0x13D90] =	vst v1  }
0x15b: {  	v1 =	vld [tilespmem:s9+$0x7DA0];
	_ =	sdelay $0x4  }
0x15c: {  	[tilespmem:s8+$0x13DA0] =	vst v1  }
0x15d: {  	v1 =	vld [tilespmem:s9+$0x7DB0];
	_ =	sdelay $0x3  }
0x15e: {  	s9 =	spop (v2sf)  }
0x15f: {  	s10 =	spop (v2sf);
	[tilespmem:s8+$0x13DB0] =	vst v1  }
0x160: {  	v1 =	vld [tilespmem:s10+$0x7E00];
	_ =	sdelay $0x4  }
0x161: {  	[tilespmem:s8+$0x13E00] =	vst v1  }
0x162: {  	v1 =	vld [tilespmem:s10+$0x7E10];
	_ =	sdelay $0x4  }
0x163: {  	[tilespmem:s8+$0x13E10] =	vst v1  }
0x164: {  	v1 =	vld [tilespmem:s10+$0x7E20];
	_ =	sdelay $0x4  }
0x165: {  	[tilespmem:s8+$0x13E20] =	vst v1  }
0x166: {  	v1 =	vld [tilespmem:s10+$0x7E30];
	_ =	sdelay $0x4  }
0x167: {  	[tilespmem:s8+$0x13E30] =	vst v1  }
0x168: {  	v1 =	vld [tilespmem:s9+$0x7E80];
	_ =	sdelay $0x4  }
0x169: {  	[tilespmem:s8+$0x13E80] =	vst v1  }
0x16a: {  	v1 =	vld [tilespmem:s9+$0x7E90]  }
0x16b: {  	(v2sf) =	vpush v0, $0xF  }
0x16c: {  	(v2sf) =	vpush v0, $0xE;
	_ =	sdelay $0x2  }
0x16d: {  	[tilespmem:s8+$0x13E90] =	vst v1  }
0x16e: {  	v63 =	vld [tilespmem:s9+$0x7EA0];
	_ =	sdelay $0x4  }
0x16f: {  	[tilespmem:s8+$0x13EA0] =	vst v63  }
0x170: {  	v0 =	vld [tilespmem:s9+$0x7EB0];
	_ =	sdelay $0x3  }
0x171: {  	s9 =	spop (v2sf)  }
0x172: {  	s10 =	spop (v2sf);
	[tilespmem:s8+$0x13EB0] =	vst v0  }
0x173: {  	v0 =	vld [tilespmem:s10+$0x7F00];
	_ =	sdelay $0x4  }
0x174: {  	[tilespmem:s8+$0x13F00] =	vst v0  }
0x175: {  	v0 =	vld [tilespmem:s10+$0x7F10];
	_ =	sdelay $0x4  }
0x176: {  	[tilespmem:s8+$0x13F10] =	vst v0  }
0x177: {  	v0 =	vld [tilespmem:s10+$0x7F20];
	_ =	sdelay $0x4  }
0x178: {  	[tilespmem:s8+$0x13F20] =	vst v0  }
0x179: {  	v0 =	vld [tilespmem:s10+$0x7F30];
	_ =	sdelay $0x4  }
0x17a: {  	[tilespmem:s8+$0x13F30] =	vst v0  }
0x17b: {  	v0 =	vld [tilespmem:s9+$0x7F80];
	_ =	sdelay $0x4  }
0x17c: {  	[tilespmem:s8+$0x13F80] =	vst v0  }
0x17d: {  	v0 =	vld [tilespmem:s9+$0x7F90];
	_ =	sdelay $0x4  }
0x17e: {  	[tilespmem:s8+$0x13F90] =	vst v0  }
0x17f: {  	v0 =	vld [tilespmem:s9+$0x7FA0];
	_ =	sdelay $0x4  }
0x180: {  	[tilespmem:s8+$0x13FA0] =	vst v0  }
0x181: {  	p0 =	sne.s32 s19, $0xE000;
	v0 =	vld [tilespmem:s9+$0x7FB0]  }
.Ltmp2:
0x182: {  	_ = 	snop;
	(pc) =	sbr.rel @p0 .LBB2_7-.Ltmp2, $2  }
0x183: {  	_ =	sdelay $0x2  }
0x184: {  	s2 =	sadd.s32 $0x10, s2;
	s19 =	sadd.s32 $0x2000, s19;
	[tilespmem:s8+$0x13FB0] =	vst v0  }
0x185: {  	s2 =	sshll.u32 s20, $0x13  }
0x186: {  	s2 =	sor.u32 s7, s2  }
0x187: {  	s2 =	sshrl.u32 s2, $0x3  }
0x188: {  	s19 =	simm.s32 $0x0;
	s2 =	sadd.s32 s4, s2  }
0x189: {  	[hbm4b:s2+s19] =	stream.linear.scatter [tilespmem:s25], [sflag:$0x6], $0x4000, $0x38;
	[tilespmem:$0x1B800] =	vst v63  }
0x18a: {  	s20 =	sadd.s32 $0x1E00, s15  }
0x18b: {  	[tilespmem:s18], [sflag:$0x3] =	stream.indirect.gather [hbm4b:s3+s23], $0x80, s20, s23, $0xb8;
	[tilespmem:$0x1B800] =	vst v63  }
0x18c: {  	_ =	swait.ge [sflag:s26], $0x4000  }
0x18d: {  	[sflag:s26] =	ssyncset.done $0x0  }
0x18e: {  	s17 =	sadd.s32 $0x2, s17;
	s2 =	smov.u32 s12;
	[sflag:s26] =	ssyncadd.s32 $0xFFFFC000  }
.LBB2_9:
0x18f: {  	v0 =	vld [tilespmem:s2+$0x0];
	_ =	sdelay $0x4  }
0x190: {  	v0 =	vshll.u32 v0, $0x6  }
0x191: {  	s8 =	sshra.s32 s19, $0x2;
	v0 =	vand.u32 $0x40, v0  }
0x192: {  	v0 =	vadd.s32 s8, v0  }
0x193: {  	(v2sf) =	vpush v0, $0x1  }
0x194: {  	(v2sf) =	vpush v0, $0x0;
	_ =	sdelay $0xd  }
0x195: {  	s9 =	spop (v2sf)  }
0x196: {  	s10 =	spop (v2sf)  }
0x197: {  	v1 =	vld [tilespmem:s10+$0xB800];
	_ =	sdelay $0x4  }
0x198: {  	[tilespmem:s8+$0x17800] =	vst v1  }
0x199: {  	v1 =	vld [tilespmem:s10+$0xB810];
	_ =	sdelay $0x4  }
0x19a: {  	[tilespmem:s8+$0x17810] =	vst v1  }
0x19b: {  	v1 =	vld [tilespmem:s10+$0xB820];
	_ =	sdelay $0x4  }
0x19c: {  	[tilespmem:s8+$0x17820] =	vst v1  }
0x19d: {  	v1 =	vld [tilespmem:s10+$0xB830];
	_ =	sdelay $0x4  }
0x19e: {  	[tilespmem:s8+$0x17830] =	vst v1  }
0x19f: {  	v1 =	vld [tilespmem:s9+$0xB880];
	_ =	sdelay $0x4  }
0x1a0: {  	[tilespmem:s8+$0x17880] =	vst v1  }
0x1a1: {  	v1 =	vld [tilespmem:s9+$0xB890]  }
0x1a2: {  	(v2sf) =	vpush v0, $0x3  }
0x1a3: {  	(v2sf) =	vpush v0, $0x2;
	_ =	sdelay $0x2  }
0x1a4: {  	[tilespmem:s8+$0x17890] =	vst v1  }
0x1a5: {  	v1 =	vld [tilespmem:s9+$0xB8A0];
	_ =	sdelay $0x4  }
0x1a6: {  	[tilespmem:s8+$0x178A0] =	vst v1  }
0x1a7: {  	v1 =	vld [tilespmem:s9+$0xB8B0];
	_ =	sdelay $0x3  }
0x1a8: {  	s9 =	spop (v2sf)  }
0x1a9: {  	s20 =	spop (v2sf);
	[tilespmem:s8+$0x178B0] =	vst v1  }
0x1aa: {  	v1 =	vld [tilespmem:s20+$0xB900];
	_ =	sdelay $0x4  }
0x1ab: {  	[tilespmem:s8+$0x17900] =	vst v1  }
0x1ac: {  	v1 =	vld [tilespmem:s20+$0xB910];
	_ =	sdelay $0x4  }
0x1ad: {  	[tilespmem:s8+$0x17910] =	vst v1  }
0x1ae: {  	v1 =	vld [tilespmem:s20+$0xB920];
	_ =	sdelay $0x4  }
0x1af: {  	[tilespmem:s8+$0x17920] =	vst v1  }
0x1b0: {  	v1 =	vld [tilespmem:s20+$0xB930];
	_ =	sdelay $0x4  }
0x1b1: {  	[tilespmem:s8+$0x17930] =	vst v1  }
0x1b2: {  	v1 =	vld [tilespmem:s9+$0xB980];
	_ =	sdelay $0x4  }
0x1b3: {  	[tilespmem:s8+$0x17980] =	vst v1  }
0x1b4: {  	v1 =	vld [tilespmem:s9+$0xB990]  }
0x1b5: {  	(v2sf) =	vpush v0, $0x5  }
0x1b6: {  	(v2sf) =	vpush v0, $0x4;
	_ =	sdelay $0x2  }
0x1b7: {  	[tilespmem:s8+$0x17990] =	vst v1  }
0x1b8: {  	v1 =	vld [tilespmem:s9+$0xB9A0];
	_ =	sdelay $0x4  }
0x1b9: {  	[tilespmem:s8+$0x179A0] =	vst v1  }
0x1ba: {  	v1 =	vld [tilespmem:s9+$0xB9B0];
	_ =	sdelay $0x3  }
0x1bb: {  	s9 =	spop (v2sf)  }
0x1bc: {  	s20 =	spop (v2sf);
	[tilespmem:s8+$0x179B0] =	vst v1  }
0x1bd: {  	v1 =	vld [tilespmem:s20+$0xBA00];
	_ =	sdelay $0x4  }
0x1be: {  	[tilespmem:s8+$0x17A00] =	vst v1  }
0x1bf: {  	v1 =	vld [tilespmem:s20+$0xBA10];
	_ =	sdelay $0x4  }
0x1c0: {  	[tilespmem:s8+$0x17A10] =	vst v1  }
0x1c1: {  	v1 =	vld [tilespmem:s20+$0xBA20];
	_ =	sdelay $0x4  }
0x1c2: {  	[tilespmem:s8+$0x17A20] =	vst v1  }
0x1c3: {  	v1 =	vld [tilespmem:s20+$0xBA30];
	_ =	sdelay $0x4  }
0x1c4: {  	[tilespmem:s8+$0x17A30] =	vst v1  }
0x1c5: {  	v1 =	vld [tilespmem:s9+$0xBA80];
	_ =	sdelay $0x4  }
0x1c6: {  	[tilespmem:s8+$0x17A80] =	vst v1  }
0x1c7: {  	v1 =	vld [tilespmem:s9+$0xBA90]  }
0x1c8: {  	(v2sf) =	vpush v0, $0x7  }
0x1c9: {  	(v2sf) =	vpush v0, $0x6;
	_ =	sdelay $0x2  }
0x1ca: {  	[tilespmem:s8+$0x17A90] =	vst v1  }
0x1cb: {  	v1 =	vld [tilespmem:s9+$0xBAA0];
	_ =	sdelay $0x4  }
0x1cc: {  	[tilespmem:s8+$0x17AA0] =	vst v1  }
0x1cd: {  	v1 =	vld [tilespmem:s9+$0xBAB0];
	_ =	sdelay $0x3  }
0x1ce: {  	s9 =	spop (v2sf)  }
0x1cf: {  	s20 =	spop (v2sf);
	[tilespmem:s8+$0x17AB0] =	vst v1  }
0x1d0: {  	v1 =	vld [tilespmem:s20+$0xBB00];
	_ =	sdelay $0x4  }
0x1d1: {  	[tilespmem:s8+$0x17B00] =	vst v1  }
0x1d2: {  	v1 =	vld [tilespmem:s20+$0xBB10];
	_ =	sdelay $0x4  }
0x1d3: {  	[tilespmem:s8+$0x17B10] =	vst v1  }
0x1d4: {  	v1 =	vld [tilespmem:s20+$0xBB20];
	_ =	sdelay $0x4  }
0x1d5: {  	[tilespmem:s8+$0x17B20] =	vst v1  }
0x1d6: {  	v1 =	vld [tilespmem:s20+$0xBB30];
	_ =	sdelay $0x4  }
0x1d7: {  	[tilespmem:s8+$0x17B30] =	vst v1  }
0x1d8: {  	v1 =	vld [tilespmem:s9+$0xBB80];
	_ =	sdelay $0x4  }
0x1d9: {  	[tilespmem:s8+$0x17B80] =	vst v1  }
0x1da: {  	v1 =	vld [tilespmem:s9+$0xBB90]  }
0x1db: {  	(v2sf) =	vpush v0, $0x9  }
0x1dc: {  	(v2sf) =	vpush v0, $0x8;
	_ =	sdelay $0x2  }
0x1dd: {  	[tilespmem:s8+$0x17B90] =	vst v1  }
0x1de: {  	v1 =	vld [tilespmem:s9+$0xBBA0];
	_ =	sdelay $0x4  }
0x1df: {  	[tilespmem:s8+$0x17BA0] =	vst v1  }
0x1e0: {  	v1 =	vld [tilespmem:s9+$0xBBB0];
	_ =	sdelay $0x3  }
0x1e1: {  	s9 =	spop (v2sf)  }
0x1e2: {  	s20 =	spop (v2sf);
	[tilespmem:s8+$0x17BB0] =	vst v1  }
0x1e3: {  	v1 =	vld [tilespmem:s20+$0xBC00];
	_ =	sdelay $0x4  }
0x1e4: {  	[tilespmem:s8+$0x17C00] =	vst v1  }
0x1e5: {  	v1 =	vld [tilespmem:s20+$0xBC10];
	_ =	sdelay $0x4  }
0x1e6: {  	[tilespmem:s8+$0x17C10] =	vst v1  }
0x1e7: {  	v1 =	vld [tilespmem:s20+$0xBC20];
	_ =	sdelay $0x4  }
0x1e8: {  	[tilespmem:s8+$0x17C20] =	vst v1  }
0x1e9: {  	v1 =	vld [tilespmem:s20+$0xBC30];
	_ =	sdelay $0x4  }
0x1ea: {  	[tilespmem:s8+$0x17C30] =	vst v1  }
0x1eb: {  	v1 =	vld [tilespmem:s9+$0xBC80];
	_ =	sdelay $0x4  }
0x1ec: {  	[tilespmem:s8+$0x17C80] =	vst v1  }
0x1ed: {  	v1 =	vld [tilespmem:s9+$0xBC90]  }
0x1ee: {  	(v2sf) =	vpush v0, $0xB  }
0x1ef: {  	(v2sf) =	vpush v0, $0xA;
	_ =	sdelay $0x2  }
0x1f0: {  	[tilespmem:s8+$0x17C90] =	vst v1  }
0x1f1: {  	v1 =	vld [tilespmem:s9+$0xBCA0];
	_ =	sdelay $0x4  }
0x1f2: {  	[tilespmem:s8+$0x17CA0] =	vst v1  }
0x1f3: {  	v1 =	vld [tilespmem:s9+$0xBCB0];
	_ =	sdelay $0x3  }
0x1f4: {  	s9 =	spop (v2sf)  }
0x1f5: {  	s20 =	spop (v2sf);
	[tilespmem:s8+$0x17CB0] =	vst v1  }
0x1f6: {  	v1 =	vld [tilespmem:s20+$0xBD00];
	_ =	sdelay $0x4  }
0x1f7: {  	[tilespmem:s8+$0x17D00] =	vst v1  }
0x1f8: {  	v1 =	vld [tilespmem:s20+$0xBD10];
	_ =	sdelay $0x4  }
0x1f9: {  	[tilespmem:s8+$0x17D10] =	vst v1  }
0x1fa: {  	v1 =	vld [tilespmem:s20+$0xBD20];
	_ =	sdelay $0x4  }
0x1fb: {  	[tilespmem:s8+$0x17D20] =	vst v1  }
0x1fc: {  	v1 =	vld [tilespmem:s20+$0xBD30];
	_ =	sdelay $0x4  }
0x1fd: {  	[tilespmem:s8+$0x17D30] =	vst v1  }
0x1fe: {  	v1 =	vld [tilespmem:s9+$0xBD80];
	_ =	sdelay $0x4  }
0x1ff: {  	[tilespmem:s8+$0x17D80] =	vst v1  }
0x200: {  	v1 =	vld [tilespmem:s9+$0xBD90]  }
0x201: {  	(v2sf) =	vpush v0, $0xD  }
0x202: {  	(v2sf) =	vpush v0, $0xC;
	_ =	sdelay $0x2  }
0x203: {  	[tilespmem:s8+$0x17D90] =	vst v1  }
0x204: {  	v1 =	vld [tilespmem:s9+$0xBDA0];
	_ =	sdelay $0x4  }
0x205: {  	[tilespmem:s8+$0x17DA0] =	vst v1  }
0x206: {  	v1 =	vld [tilespmem:s9+$0xBDB0];
	_ =	sdelay $0x3  }
0x207: {  	s9 =	spop (v2sf)  }
0x208: {  	s20 =	spop (v2sf);
	[tilespmem:s8+$0x17DB0] =	vst v1  }
0x209: {  	v1 =	vld [tilespmem:s20+$0xBE00];
	_ =	sdelay $0x4  }
0x20a: {  	[tilespmem:s8+$0x17E00] =	vst v1  }
0x20b: {  	v1 =	vld [tilespmem:s20+$0xBE10];
	_ =	sdelay $0x4  }
0x20c: {  	[tilespmem:s8+$0x17E10] =	vst v1  }
0x20d: {  	v1 =	vld [tilespmem:s20+$0xBE20];
	_ =	sdelay $0x4  }
0x20e: {  	[tilespmem:s8+$0x17E20] =	vst v1  }
0x20f: {  	v1 =	vld [tilespmem:s20+$0xBE30];
	_ =	sdelay $0x4  }
0x210: {  	[tilespmem:s8+$0x17E30] =	vst v1  }
0x211: {  	v1 =	vld [tilespmem:s9+$0xBE80];
	_ =	sdelay $0x4  }
0x212: {  	[tilespmem:s8+$0x17E80] =	vst v1  }
0x213: {  	v1 =	vld [tilespmem:s9+$0xBE90]  }
0x214: {  	(v2sf) =	vpush v0, $0xF  }
0x215: {  	(v2sf) =	vpush v0, $0xE;
	_ =	sdelay $0x2  }
0x216: {  	[tilespmem:s8+$0x17E90] =	vst v1  }
0x217: {  	v63 =	vld [tilespmem:s9+$0xBEA0];
	_ =	sdelay $0x4  }
0x218: {  	[tilespmem:s8+$0x17EA0] =	vst v63  }
0x219: {  	v0 =	vld [tilespmem:s9+$0xBEB0];
	_ =	sdelay $0x3  }
0x21a: {  	s9 =	spop (v2sf)  }
0x21b: {  	s20 =	spop (v2sf);
	[tilespmem:s8+$0x17EB0] =	vst v0  }
0x21c: {  	v0 =	vld [tilespmem:s20+$0xBF00];
	_ =	sdelay $0x4  }
0x21d: {  	[tilespmem:s8+$0x17F00] =	vst v0  }
0x21e: {  	v0 =	vld [tilespmem:s20+$0xBF10];
	_ =	sdelay $0x4  }
0x21f: {  	[tilespmem:s8+$0x17F10] =	vst v0  }
0x220: {  	v0 =	vld [tilespmem:s20+$0xBF20];
	_ =	sdelay $0x4  }
0x221: {  	[tilespmem:s8+$0x17F20] =	vst v0  }
0x222: {  	v0 =	vld [tilespmem:s20+$0xBF30];
	_ =	sdelay $0x4  }
0x223: {  	[tilespmem:s8+$0x17F30] =	vst v0  }
0x224: {  	v0 =	vld [tilespmem:s9+$0xBF80];
	_ =	sdelay $0x4  }
0x225: {  	[tilespmem:s8+$0x17F80] =	vst v0  }
0x226: {  	v0 =	vld [tilespmem:s9+$0xBF90];
	_ =	sdelay $0x4  }
0x227: {  	[tilespmem:s8+$0x17F90] =	vst v0  }
0x228: {  	v0 =	vld [tilespmem:s9+$0xBFA0];
	_ =	sdelay $0x4  }
0x229: {  	[tilespmem:s8+$0x17FA0] =	vst v0  }
0x22a: {  	p0 =	sne.s32 s19, $0xE000;
	v0 =	vld [tilespmem:s9+$0xBFB0]  }
.Ltmp3:
0x22b: {  	_ = 	snop;
	(pc) =	sbr.rel @p0 .LBB2_9-.Ltmp3, $2  }
0x22c: {  	_ =	sdelay $0x2  }
0x22d: {  	s2 =	sadd.s32 $0x10, s2;
	s19 =	sadd.s32 $0x2000, s19;
	[tilespmem:s8+$0x17FB0] =	vst v0  }
0x22e: {  	s2 =	sshll.u32 s17, $0x13  }
0x22f: {  	s2 =	sor.u32 s7, s2  }
0x230: {  	s2 =	sshrl.u32 s2, $0x3  }
0x231: {  	p0 =	seq.s32 s13, $0xF;
	s2 =	sadd.s32 s4, s2  }
0x232: {  	[hbm4b:s2+s1] =	stream.linear.scatter [tilespmem:s28], [sflag:$0x7], $0x4000, $0x38;
	[tilespmem:$0x1B800] =	vst v63  }
0x233: {  	s8 =	simm.s32 @!p0 $0x80;
	s9 =	simm.s32 @!p0 $0xB800;
	s2 =	sadd.s32 @!p0 $0x1E80, s15  }
0x234: {  	[tilespmem:s9], [sflag:$0x4] =	stream.indirect.gather @!p0 [hbm4b:s3+s8], $0x80, s2, s8, $0xb8;
	[tilespmem:$0x1B800] =	vst v63  }
0x235: {  	_ =	swait.ge [sflag:s29], $0x4000  }
0x236: {  	[sflag:s29] =	ssyncset.done $0x0  }
0x237: {  	s13 =	sadd.s32 $0x1, s13;
	[sflag:s29] =	ssyncadd.s32 $0xFFFFC000  }
0x238: {  	p0 =	sne.s32 s13, $0x10;
	_ =	swait.ge [sflag:s30], $0x4000  }
.Ltmp4:
0x239: {  	[sflag:s30] =	ssyncset.done $0x0;
	(pc) =	sbr.rel @p0 .LBB2_4-.Ltmp4, $4  }
0x23a: {  	[sflag:s30] =	ssyncadd.s32 $0xFFFFC000  }
0x23b: {  	_ =	swait.ge [sflag:s31], $0x4000  }
0x23c: {  	s11 =	sadd.s32 $0x180, s11;
	[sflag:s31] =	ssyncset.done $0x0  }
0x23d: {  	s6 =	sadd.s32 $0x180, s6;
	s12 =	sadd.s32 $0x180, s12;
	[sflag:s31] =	ssyncadd.s32 $0xFFFFC000  }
0x23e: {  	_ =	swait.ge [sflag:s21], $0x4000  }
0x23f: {  	[sflag:s21] =	ssyncset.done $0x0  }
0x240: {  	s2 =	simm.s32 $0x0;
	s6 =	simm.s32 $0x1800;
	[sflag:s21] =	ssyncadd.s32 $0xFFFFC000  }
.LBB2_12:
0x241: {  	v0 =	vld [tilespmem:s6+$0x0];
	_ =	sdelay $0x4  }
0x242: {  	v0 =	vshll.u32 v0, $0x6  }
0x243: {  	s8 =	sshra.s32 s2, $0x2;
	v0 =	vand.u32 $0x40, v0  }
0x244: {  	v0 =	vadd.s32 s8, v0  }
0x245: {  	(v2sf) =	vpush v0, $0x1  }
0x246: {  	(v2sf) =	vpush v0, $0x0;
	_ =	sdelay $0xd  }
0x247: {  	s9 =	spop (v2sf)  }
0x248: {  	s10 =	spop (v2sf)  }
0x249: {  	v1 =	vld [tilespmem:s10+$0x3800];
	_ =	sdelay $0x4  }
0x24a: {  	[tilespmem:s8+$0xF800] =	vst v1  }
0x24b: {  	v1 =	vld [tilespmem:s10+$0x3810];
	_ =	sdelay $0x4  }
0x24c: {  	[tilespmem:s8+$0xF810] =	vst v1  }
0x24d: {  	v1 =	vld [tilespmem:s10+$0x3820];
	_ =	sdelay $0x4  }
0x24e: {  	[tilespmem:s8+$0xF820] =	vst v1  }
0x24f: {  	v1 =	vld [tilespmem:s10+$0x3830];
	_ =	sdelay $0x4  }
0x250: {  	[tilespmem:s8+$0xF830] =	vst v1  }
0x251: {  	v1 =	vld [tilespmem:s9+$0x3880];
	_ =	sdelay $0x4  }
0x252: {  	[tilespmem:s8+$0xF880] =	vst v1  }
0x253: {  	v1 =	vld [tilespmem:s9+$0x3890]  }
0x254: {  	(v2sf) =	vpush v0, $0x3  }
0x255: {  	(v2sf) =	vpush v0, $0x2;
	_ =	sdelay $0x2  }
0x256: {  	[tilespmem:s8+$0xF890] =	vst v1  }
0x257: {  	v1 =	vld [tilespmem:s9+$0x38A0];
	_ =	sdelay $0x4  }
0x258: {  	[tilespmem:s8+$0xF8A0] =	vst v1  }
0x259: {  	v1 =	vld [tilespmem:s9+$0x38B0];
	_ =	sdelay $0x3  }
0x25a: {  	s11 =	spop (v2sf)  }
0x25b: {  	s12 =	spop (v2sf);
	[tilespmem:s8+$0xF8B0] =	vst v1  }
0x25c: {  	v1 =	vld [tilespmem:s12+$0x3900];
	_ =	sdelay $0x4  }
0x25d: {  	[tilespmem:s8+$0xF900] =	vst v1  }
0x25e: {  	v1 =	vld [tilespmem:s12+$0x3910];
	_ =	sdelay $0x4  }
0x25f: {  	[tilespmem:s8+$0xF910] =	vst v1  }
0x260: {  	v1 =	vld [tilespmem:s12+$0x3920];
	_ =	sdelay $0x4  }
0x261: {  	[tilespmem:s8+$0xF920] =	vst v1  }
0x262: {  	v1 =	vld [tilespmem:s12+$0x3930];
	_ =	sdelay $0x4  }
0x263: {  	[tilespmem:s8+$0xF930] =	vst v1  }
0x264: {  	v1 =	vld [tilespmem:s11+$0x3980];
	_ =	sdelay $0x4  }
0x265: {  	[tilespmem:s8+$0xF980] =	vst v1  }
0x266: {  	v1 =	vld [tilespmem:s11+$0x3990]  }
0x267: {  	(v2sf) =	vpush v0, $0x5  }
0x268: {  	(v2sf) =	vpush v0, $0x4;
	_ =	sdelay $0x2  }
0x269: {  	[tilespmem:s8+$0xF990] =	vst v1  }
0x26a: {  	v1 =	vld [tilespmem:s11+$0x39A0];
	_ =	sdelay $0x4  }
0x26b: {  	[tilespmem:s8+$0xF9A0] =	vst v1  }
0x26c: {  	v1 =	vld [tilespmem:s11+$0x39B0];
	_ =	sdelay $0x3  }
0x26d: {  	s13 =	spop (v2sf)  }
0x26e: {  	s15 =	spop (v2sf);
	[tilespmem:s8+$0xF9B0] =	vst v1  }
0x26f: {  	v1 =	vld [tilespmem:s15+$0x3A00];
	_ =	sdelay $0x4  }
0x270: {  	[tilespmem:s8+$0xFA00] =	vst v1  }
0x271: {  	v1 =	vld [tilespmem:s15+$0x3A10];
	_ =	sdelay $0x4  }
0x272: {  	[tilespmem:s8+$0xFA10] =	vst v1  }
0x273: {  	v1 =	vld [tilespmem:s15+$0x3A20];
	_ =	sdelay $0x4  }
0x274: {  	[tilespmem:s8+$0xFA20] =	vst v1  }
0x275: {  	v1 =	vld [tilespmem:s15+$0x3A30];
	_ =	sdelay $0x4  }
0x276: {  	[tilespmem:s8+$0xFA30] =	vst v1  }
0x277: {  	v1 =	vld [tilespmem:s13+$0x3A80];
	_ =	sdelay $0x4  }
0x278: {  	[tilespmem:s8+$0xFA80] =	vst v1  }
0x279: {  	v1 =	vld [tilespmem:s13+$0x3A90]  }
0x27a: {  	(v2sf) =	vpush v0, $0x7  }
0x27b: {  	(v2sf) =	vpush v0, $0x6;
	_ =	sdelay $0x2  }
0x27c: {  	[tilespmem:s8+$0xFA90] =	vst v1  }
0x27d: {  	v1 =	vld [tilespmem:s13+$0x3AA0];
	_ =	sdelay $0x4  }
0x27e: {  	[tilespmem:s8+$0xFAA0] =	vst v1  }
0x27f: {  	v1 =	vld [tilespmem:s13+$0x3AB0];
	_ =	sdelay $0x3  }
0x280: {  	s17 =	spop (v2sf)  }
0x281: {  	s19 =	spop (v2sf);
	[tilespmem:s8+$0xFAB0] =	vst v1  }
0x282: {  	v1 =	vld [tilespmem:s19+$0x3B00];
	_ =	sdelay $0x4  }
0x283: {  	[tilespmem:s8+$0xFB00] =	vst v1  }
0x284: {  	v1 =	vld [tilespmem:s19+$0x3B10];
	_ =	sdelay $0x4  }
0x285: {  	[tilespmem:s8+$0xFB10] =	vst v1  }
0x286: {  	v1 =	vld [tilespmem:s19+$0x3B20];
	_ =	sdelay $0x4  }
0x287: {  	[tilespmem:s8+$0xFB20] =	vst v1  }
0x288: {  	v1 =	vld [tilespmem:s19+$0x3B30];
	_ =	sdelay $0x4  }
0x289: {  	[tilespmem:s8+$0xFB30] =	vst v1  }
0x28a: {  	v1 =	vld [tilespmem:s17+$0x3B80];
	_ =	sdelay $0x4  }
0x28b: {  	[tilespmem:s8+$0xFB80] =	vst v1  }
0x28c: {  	v1 =	vld [tilespmem:s17+$0x3B90]  }
0x28d: {  	(v2sf) =	vpush v0, $0x9  }
0x28e: {  	(v2sf) =	vpush v0, $0x8;
	_ =	sdelay $0x2  }
0x28f: {  	[tilespmem:s8+$0xFB90] =	vst v1  }
0x290: {  	v1 =	vld [tilespmem:s17+$0x3BA0];
	_ =	sdelay $0x4  }
0x291: {  	[tilespmem:s8+$0xFBA0] =	vst v1  }
0x292: {  	v1 =	vld [tilespmem:s17+$0x3BB0];
	_ =	sdelay $0x3  }
0x293: {  	s20 =	spop (v2sf)  }
0x294: {  	s11 =	spop (v2sf);
	[tilespmem:s8+$0xFBB0] =	vst v1  }
0x295: {  	v1 =	vld [tilespmem:s11+$0x3C00];
	_ =	sdelay $0x4  }
0x296: {  	[tilespmem:s8+$0xFC00] =	vst v1  }
0x297: {  	v1 =	vld [tilespmem:s11+$0x3C10];
	_ =	sdelay $0x4  }
0x298: {  	[tilespmem:s8+$0xFC10] =	vst v1  }
0x299: {  	v1 =	vld [tilespmem:s11+$0x3C20];
	_ =	sdelay $0x4  }
0x29a: {  	[tilespmem:s8+$0xFC20] =	vst v1  }
0x29b: {  	v1 =	vld [tilespmem:s11+$0x3C30];
	_ =	sdelay $0x4  }
0x29c: {  	[tilespmem:s8+$0xFC30] =	vst v1  }
0x29d: {  	v1 =	vld [tilespmem:s20+$0x3C80];
	_ =	sdelay $0x4  }
0x29e: {  	[tilespmem:s8+$0xFC80] =	vst v1  }
0x29f: {  	v1 =	vld [tilespmem:s20+$0x3C90]  }
0x2a0: {  	(v2sf) =	vpush v0, $0xB  }
0x2a1: {  	(v2sf) =	vpush v0, $0xA;
	_ =	sdelay $0x2  }
0x2a2: {  	[tilespmem:s8+$0xFC90] =	vst v1  }
0x2a3: {  	v1 =	vld [tilespmem:s20+$0x3CA0];
	_ =	sdelay $0x4  }
0x2a4: {  	[tilespmem:s8+$0xFCA0] =	vst v1  }
0x2a5: {  	v1 =	vld [tilespmem:s20+$0x3CB0];
	_ =	sdelay $0x3  }
0x2a6: {  	s12 =	spop (v2sf)  }
0x2a7: {  	s13 =	spop (v2sf);
	[tilespmem:s8+$0xFCB0] =	vst v1  }
0x2a8: {  	v1 =	vld [tilespmem:s13+$0x3D00];
	_ =	sdelay $0x4  }
0x2a9: {  	[tilespmem:s8+$0xFD00] =	vst v1  }
0x2aa: {  	v1 =	vld [tilespmem:s13+$0x3D10];
	_ =	sdelay $0x4  }
0x2ab: {  	[tilespmem:s8+$0xFD10] =	vst v1  }
0x2ac: {  	v1 =	vld [tilespmem:s13+$0x3D20];
	_ =	sdelay $0x4  }
0x2ad: {  	[tilespmem:s8+$0xFD20] =	vst v1  }
0x2ae: {  	v1 =	vld [tilespmem:s13+$0x3D30];
	_ =	sdelay $0x4  }
0x2af: {  	[tilespmem:s8+$0xFD30] =	vst v1  }
0x2b0: {  	v1 =	vld [tilespmem:s12+$0x3D80];
	_ =	sdelay $0x4  }
0x2b1: {  	[tilespmem:s8+$0xFD80] =	vst v1  }
0x2b2: {  	v1 =	vld [tilespmem:s12+$0x3D90]  }
0x2b3: {  	(v2sf) =	vpush v0, $0xD  }
0x2b4: {  	(v2sf) =	vpush v0, $0xC;
	_ =	sdelay $0x2  }
0x2b5: {  	[tilespmem:s8+$0xFD90] =	vst v1  }
0x2b6: {  	v1 =	vld [tilespmem:s12+$0x3DA0];
	_ =	sdelay $0x4  }
0x2b7: {  	[tilespmem:s8+$0xFDA0] =	vst v1  }
0x2b8: {  	v1 =	vld [tilespmem:s12+$0x3DB0];
	_ =	sdelay $0x3  }
0x2b9: {  	s15 =	spop (v2sf)  }
0x2ba: {  	s17 =	spop (v2sf);
	[tilespmem:s8+$0xFDB0] =	vst v1  }
0x2bb: {  	v1 =	vld [tilespmem:s17+$0x3E00];
	_ =	sdelay $0x4  }
0x2bc: {  	[tilespmem:s8+$0xFE00] =	vst v1  }
0x2bd: {  	v1 =	vld [tilespmem:s17+$0x3E10];
	_ =	sdelay $0x4  }
0x2be: {  	[tilespmem:s8+$0xFE10] =	vst v1  }
0x2bf: {  	v1 =	vld [tilespmem:s17+$0x3E20];
	_ =	sdelay $0x4  }
0x2c0: {  	[tilespmem:s8+$0xFE20] =	vst v1  }
0x2c1: {  	v1 =	vld [tilespmem:s17+$0x3E30];
	_ =	sdelay $0x4  }
0x2c2: {  	[tilespmem:s8+$0xFE30] =	vst v1  }
0x2c3: {  	v1 =	vld [tilespmem:s15+$0x3E80];
	_ =	sdelay $0x4  }
0x2c4: {  	[tilespmem:s8+$0xFE80] =	vst v1  }
0x2c5: {  	v1 =	vld [tilespmem:s15+$0x3E90]  }
0x2c6: {  	(v2sf) =	vpush v0, $0xF  }
0x2c7: {  	(v2sf) =	vpush v0, $0xE;
	_ =	sdelay $0x2  }
0x2c8: {  	[tilespmem:s8+$0xFE90] =	vst v1  }
0x2c9: {  	v63 =	vld [tilespmem:s15+$0x3EA0];
	_ =	sdelay $0x4  }
0x2ca: {  	[tilespmem:s8+$0xFEA0] =	vst v63  }
0x2cb: {  	v0 =	vld [tilespmem:s15+$0x3EB0];
	_ =	sdelay $0x3  }
0x2cc: {  	s19 =	spop (v2sf)  }
0x2cd: {  	s20 =	spop (v2sf);
	[tilespmem:s8+$0xFEB0] =	vst v0  }
0x2ce: {  	v0 =	vld [tilespmem:s20+$0x3F00];
	_ =	sdelay $0x4  }
0x2cf: {  	[tilespmem:s8+$0xFF00] =	vst v0  }
0x2d0: {  	v0 =	vld [tilespmem:s20+$0x3F10];
	_ =	sdelay $0x4  }
0x2d1: {  	[tilespmem:s8+$0xFF10] =	vst v0  }
0x2d2: {  	v0 =	vld [tilespmem:s20+$0x3F20];
	_ =	sdelay $0x4  }
0x2d3: {  	[tilespmem:s8+$0xFF20] =	vst v0  }
0x2d4: {  	v0 =	vld [tilespmem:s20+$0x3F30];
	_ =	sdelay $0x4  }
0x2d5: {  	[tilespmem:s8+$0xFF30] =	vst v0  }
0x2d6: {  	v0 =	vld [tilespmem:s19+$0x3F80];
	_ =	sdelay $0x4  }
0x2d7: {  	[tilespmem:s8+$0xFF80] =	vst v0  }
0x2d8: {  	v0 =	vld [tilespmem:s19+$0x3F90];
	_ =	sdelay $0x4  }
0x2d9: {  	[tilespmem:s8+$0xFF90] =	vst v0  }
0x2da: {  	v0 =	vld [tilespmem:s19+$0x3FA0];
	_ =	sdelay $0x4  }
0x2db: {  	[tilespmem:s8+$0xFFA0] =	vst v0  }
0x2dc: {  	p0 =	sne.s32 s2, $0xE000;
	v0 =	vld [tilespmem:s19+$0x3FB0]  }
.Ltmp5:
0x2dd: {  	_ = 	snop;
	(pc) =	sbr.rel @p0 .LBB2_12-.Ltmp5, $2  }
0x2de: {  	_ =	sdelay $0x2  }
0x2df: {  	s6 =	sadd.s32 $0x10, s6;
	s2 =	sadd.s32 $0x2000, s2;
	[tilespmem:s8+$0xFFB0] =	vst v0  }
0x2e0: {  	s2 =	simm.s32 $0x0;
	s6 =	rddreg [dreg:$0x4]  }
0x2e1: {  	[hbm4b:s6+s2] =	stream.linear.scatter [tilespmem:s22], [sflag:$0x5], $0x4000, $0x38;
	[tilespmem:$0x1B800] =	vst v63  }
0x2e2: {  	_ =	swait.ge [sflag:s24], $0x4000  }
0x2e3: {  	[sflag:s24] =	ssyncset.done $0x0  }
0x2e4: {  	s6 =	simm.s32 $0x1880;
	[sflag:s24] =	ssyncadd.s32 $0xFFFFC000  }
.LBB2_14:
0x2e5: {  	v0 =	vld [tilespmem:s6+$0x0];
	_ =	sdelay $0x4  }
0x2e6: {  	v0 =	vshll.u32 v0, $0x6  }
0x2e7: {  	s8 =	sshra.s32 s2, $0x2;
	v0 =	vand.u32 $0x40, v0  }
0x2e8: {  	v0 =	vadd.s32 s8, v0  }
0x2e9: {  	(v2sf) =	vpush v0, $0x1  }
0x2ea: {  	(v2sf) =	vpush v0, $0x0;
	_ =	sdelay $0xd  }
0x2eb: {  	s9 =	spop (v2sf)  }
0x2ec: {  	s10 =	spop (v2sf)  }
0x2ed: {  	v1 =	vld [tilespmem:s10+$0x7800];
	_ =	sdelay $0x4  }
0x2ee: {  	[tilespmem:s8+$0x13800] =	vst v1  }
0x2ef: {  	v1 =	vld [tilespmem:s10+$0x7810];
	_ =	sdelay $0x4  }
0x2f0: {  	[tilespmem:s8+$0x13810] =	vst v1  }
0x2f1: {  	v1 =	vld [tilespmem:s10+$0x7820];
	_ =	sdelay $0x4  }
0x2f2: {  	[tilespmem:s8+$0x13820] =	vst v1  }
0x2f3: {  	v1 =	vld [tilespmem:s10+$0x7830];
	_ =	sdelay $0x4  }
0x2f4: {  	[tilespmem:s8+$0x13830] =	vst v1  }
0x2f5: {  	v1 =	vld [tilespmem:s9+$0x7880];
	_ =	sdelay $0x4  }
0x2f6: {  	[tilespmem:s8+$0x13880] =	vst v1  }
0x2f7: {  	v1 =	vld [tilespmem:s9+$0x7890]  }
0x2f8: {  	(v2sf) =	vpush v0, $0x3  }
0x2f9: {  	(v2sf) =	vpush v0, $0x2;
	_ =	sdelay $0x2  }
0x2fa: {  	[tilespmem:s8+$0x13890] =	vst v1  }
0x2fb: {  	v1 =	vld [tilespmem:s9+$0x78A0];
	_ =	sdelay $0x4  }
0x2fc: {  	[tilespmem:s8+$0x138A0] =	vst v1  }
0x2fd: {  	v1 =	vld [tilespmem:s9+$0x78B0];
	_ =	sdelay $0x3  }
0x2fe: {  	s11 =	spop (v2sf)  }
0x2ff: {  	s12 =	spop (v2sf);
	[tilespmem:s8+$0x138B0] =	vst v1  }
0x300: {  	v1 =	vld [tilespmem:s12+$0x7900];
	_ =	sdelay $0x4  }
0x301: {  	[tilespmem:s8+$0x13900] =	vst v1  }
0x302: {  	v1 =	vld [tilespmem:s12+$0x7910];
	_ =	sdelay $0x4  }
0x303: {  	[tilespmem:s8+$0x13910] =	vst v1  }
0x304: {  	v1 =	vld [tilespmem:s12+$0x7920];
	_ =	sdelay $0x4  }
0x305: {  	[tilespmem:s8+$0x13920] =	vst v1  }
0x306: {  	v1 =	vld [tilespmem:s12+$0x7930];
	_ =	sdelay $0x4  }
0x307: {  	[tilespmem:s8+$0x13930] =	vst v1  }
0x308: {  	v1 =	vld [tilespmem:s11+$0x7980];
	_ =	sdelay $0x4  }
0x309: {  	[tilespmem:s8+$0x13980] =	vst v1  }
0x30a: {  	v1 =	vld [tilespmem:s11+$0x7990]  }
0x30b: {  	(v2sf) =	vpush v0, $0x5  }
0x30c: {  	(v2sf) =	vpush v0, $0x4;
	_ =	sdelay $0x2  }
0x30d: {  	[tilespmem:s8+$0x13990] =	vst v1  }
0x30e: {  	v1 =	vld [tilespmem:s11+$0x79A0];
	_ =	sdelay $0x4  }
0x30f: {  	[tilespmem:s8+$0x139A0] =	vst v1  }
0x310: {  	v1 =	vld [tilespmem:s11+$0x79B0];
	_ =	sdelay $0x3  }
0x311: {  	s13 =	spop (v2sf)  }
0x312: {  	s15 =	spop (v2sf);
	[tilespmem:s8+$0x139B0] =	vst v1  }
0x313: {  	v1 =	vld [tilespmem:s15+$0x7A00];
	_ =	sdelay $0x4  }
0x314: {  	[tilespmem:s8+$0x13A00] =	vst v1  }
0x315: {  	v1 =	vld [tilespmem:s15+$0x7A10];
	_ =	sdelay $0x4  }
0x316: {  	[tilespmem:s8+$0x13A10] =	vst v1  }
0x317: {  	v1 =	vld [tilespmem:s15+$0x7A20];
	_ =	sdelay $0x4  }
0x318: {  	[tilespmem:s8+$0x13A20] =	vst v1  }
0x319: {  	v1 =	vld [tilespmem:s15+$0x7A30];
	_ =	sdelay $0x4  }
0x31a: {  	[tilespmem:s8+$0x13A30] =	vst v1  }
0x31b: {  	v1 =	vld [tilespmem:s13+$0x7A80];
	_ =	sdelay $0x4  }
0x31c: {  	[tilespmem:s8+$0x13A80] =	vst v1  }
0x31d: {  	v1 =	vld [tilespmem:s13+$0x7A90]  }
0x31e: {  	(v2sf) =	vpush v0, $0x7  }
0x31f: {  	(v2sf) =	vpush v0, $0x6;
	_ =	sdelay $0x2  }
0x320: {  	[tilespmem:s8+$0x13A90] =	vst v1  }
0x321: {  	v1 =	vld [tilespmem:s13+$0x7AA0];
	_ =	sdelay $0x4  }
0x322: {  	[tilespmem:s8+$0x13AA0] =	vst v1  }
0x323: {  	v1 =	vld [tilespmem:s13+$0x7AB0];
	_ =	sdelay $0x3  }
0x324: {  	s17 =	spop (v2sf)  }
0x325: {  	s19 =	spop (v2sf);
	[tilespmem:s8+$0x13AB0] =	vst v1  }
0x326: {  	v1 =	vld [tilespmem:s19+$0x7B00];
	_ =	sdelay $0x4  }
0x327: {  	[tilespmem:s8+$0x13B00] =	vst v1  }
0x328: {  	v1 =	vld [tilespmem:s19+$0x7B10];
	_ =	sdelay $0x4  }
0x329: {  	[tilespmem:s8+$0x13B10] =	vst v1  }
0x32a: {  	v1 =	vld [tilespmem:s19+$0x7B20];
	_ =	sdelay $0x4  }
0x32b: {  	[tilespmem:s8+$0x13B20] =	vst v1  }
0x32c: {  	v1 =	vld [tilespmem:s19+$0x7B30];
	_ =	sdelay $0x4  }
0x32d: {  	[tilespmem:s8+$0x13B30] =	vst v1  }
0x32e: {  	v1 =	vld [tilespmem:s17+$0x7B80];
	_ =	sdelay $0x4  }
0x32f: {  	[tilespmem:s8+$0x13B80] =	vst v1  }
0x330: {  	v1 =	vld [tilespmem:s17+$0x7B90]  }
0x331: {  	(v2sf) =	vpush v0, $0x9  }
0x332: {  	(v2sf) =	vpush v0, $0x8;
	_ =	sdelay $0x2  }
0x333: {  	[tilespmem:s8+$0x13B90] =	vst v1  }
0x334: {  	v1 =	vld [tilespmem:s17+$0x7BA0];
	_ =	sdelay $0x4  }
0x335: {  	[tilespmem:s8+$0x13BA0] =	vst v1  }
0x336: {  	v1 =	vld [tilespmem:s17+$0x7BB0];
	_ =	sdelay $0x3  }
0x337: {  	s20 =	spop (v2sf)  }
0x338: {  	s11 =	spop (v2sf);
	[tilespmem:s8+$0x13BB0] =	vst v1  }
0x339: {  	v1 =	vld [tilespmem:s11+$0x7C00];
	_ =	sdelay $0x4  }
0x33a: {  	[tilespmem:s8+$0x13C00] =	vst v1  }
0x33b: {  	v1 =	vld [tilespmem:s11+$0x7C10];
	_ =	sdelay $0x4  }
0x33c: {  	[tilespmem:s8+$0x13C10] =	vst v1  }
0x33d: {  	v1 =	vld [tilespmem:s11+$0x7C20];
	_ =	sdelay $0x4  }
0x33e: {  	[tilespmem:s8+$0x13C20] =	vst v1  }
0x33f: {  	v1 =	vld [tilespmem:s11+$0x7C30];
	_ =	sdelay $0x4  }
0x340: {  	[tilespmem:s8+$0x13C30] =	vst v1  }
0x341: {  	v1 =	vld [tilespmem:s20+$0x7C80];
	_ =	sdelay $0x4  }
0x342: {  	[tilespmem:s8+$0x13C80] =	vst v1  }
0x343: {  	v1 =	vld [tilespmem:s20+$0x7C90]  }
0x344: {  	(v2sf) =	vpush v0, $0xB  }
0x345: {  	(v2sf) =	vpush v0, $0xA;
	_ =	sdelay $0x2  }
0x346: {  	[tilespmem:s8+$0x13C90] =	vst v1  }
0x347: {  	v1 =	vld [tilespmem:s20+$0x7CA0];
	_ =	sdelay $0x4  }
0x348: {  	[tilespmem:s8+$0x13CA0] =	vst v1  }
0x349: {  	v1 =	vld [tilespmem:s20+$0x7CB0];
	_ =	sdelay $0x3  }
0x34a: {  	s12 =	spop (v2sf)  }
0x34b: {  	s13 =	spop (v2sf);
	[tilespmem:s8+$0x13CB0] =	vst v1  }
0x34c: {  	v1 =	vld [tilespmem:s13+$0x7D00];
	_ =	sdelay $0x4  }
0x34d: {  	[tilespmem:s8+$0x13D00] =	vst v1  }
0x34e: {  	v1 =	vld [tilespmem:s13+$0x7D10];
	_ =	sdelay $0x4  }
0x34f: {  	[tilespmem:s8+$0x13D10] =	vst v1  }
0x350: {  	v1 =	vld [tilespmem:s13+$0x7D20];
	_ =	sdelay $0x4  }
0x351: {  	[tilespmem:s8+$0x13D20] =	vst v1  }
0x352: {  	v1 =	vld [tilespmem:s13+$0x7D30];
	_ =	sdelay $0x4  }
0x353: {  	[tilespmem:s8+$0x13D30] =	vst v1  }
0x354: {  	v1 =	vld [tilespmem:s12+$0x7D80];
	_ =	sdelay $0x4  }
0x355: {  	[tilespmem:s8+$0x13D80] =	vst v1  }
0x356: {  	v1 =	vld [tilespmem:s12+$0x7D90]  }
0x357: {  	(v2sf) =	vpush v0, $0xD  }
0x358: {  	(v2sf) =	vpush v0, $0xC;
	_ =	sdelay $0x2  }
0x359: {  	[tilespmem:s8+$0x13D90] =	vst v1  }
0x35a: {  	v1 =	vld [tilespmem:s12+$0x7DA0];
	_ =	sdelay $0x4  }
0x35b: {  	[tilespmem:s8+$0x13DA0] =	vst v1  }
0x35c: {  	v1 =	vld [tilespmem:s12+$0x7DB0];
	_ =	sdelay $0x3  }
0x35d: {  	s15 =	spop (v2sf)  }
0x35e: {  	s17 =	spop (v2sf);
	[tilespmem:s8+$0x13DB0] =	vst v1  }
0x35f: {  	v1 =	vld [tilespmem:s17+$0x7E00];
	_ =	sdelay $0x4  }
0x360: {  	[tilespmem:s8+$0x13E00] =	vst v1  }
0x361: {  	v1 =	vld [tilespmem:s17+$0x7E10];
	_ =	sdelay $0x4  }
0x362: {  	[tilespmem:s8+$0x13E10] =	vst v1  }
0x363: {  	v1 =	vld [tilespmem:s17+$0x7E20];
	_ =	sdelay $0x4  }
0x364: {  	[tilespmem:s8+$0x13E20] =	vst v1  }
0x365: {  	v1 =	vld [tilespmem:s17+$0x7E30];
	_ =	sdelay $0x4  }
0x366: {  	[tilespmem:s8+$0x13E30] =	vst v1  }
0x367: {  	v1 =	vld [tilespmem:s15+$0x7E80];
	_ =	sdelay $0x4  }
0x368: {  	[tilespmem:s8+$0x13E80] =	vst v1  }
0x369: {  	v1 =	vld [tilespmem:s15+$0x7E90]  }
0x36a: {  	(v2sf) =	vpush v0, $0xF  }
0x36b: {  	(v2sf) =	vpush v0, $0xE;
	_ =	sdelay $0x2  }
0x36c: {  	[tilespmem:s8+$0x13E90] =	vst v1  }
0x36d: {  	v63 =	vld [tilespmem:s15+$0x7EA0];
	_ =	sdelay $0x4  }
0x36e: {  	[tilespmem:s8+$0x13EA0] =	vst v63  }
0x36f: {  	v0 =	vld [tilespmem:s15+$0x7EB0];
	_ =	sdelay $0x3  }
0x370: {  	s19 =	spop (v2sf)  }
0x371: {  	s20 =	spop (v2sf);
	[tilespmem:s8+$0x13EB0] =	vst v0  }
0x372: {  	v0 =	vld [tilespmem:s20+$0x7F00];
	_ =	sdelay $0x4  }
0x373: {  	[tilespmem:s8+$0x13F00] =	vst v0  }
0x374: {  	v0 =	vld [tilespmem:s20+$0x7F10];
	_ =	sdelay $0x4  }
0x375: {  	[tilespmem:s8+$0x13F10] =	vst v0  }
0x376: {  	v0 =	vld [tilespmem:s20+$0x7F20];
	_ =	sdelay $0x4  }
0x377: {  	[tilespmem:s8+$0x13F20] =	vst v0  }
0x378: {  	v0 =	vld [tilespmem:s20+$0x7F30];
	_ =	sdelay $0x4  }
0x379: {  	[tilespmem:s8+$0x13F30] =	vst v0  }
0x37a: {  	v0 =	vld [tilespmem:s19+$0x7F80];
	_ =	sdelay $0x4  }
0x37b: {  	[tilespmem:s8+$0x13F80] =	vst v0  }
0x37c: {  	v0 =	vld [tilespmem:s19+$0x7F90];
	_ =	sdelay $0x4  }
0x37d: {  	[tilespmem:s8+$0x13F90] =	vst v0  }
0x37e: {  	v0 =	vld [tilespmem:s19+$0x7FA0];
	_ =	sdelay $0x4  }
0x37f: {  	[tilespmem:s8+$0x13FA0] =	vst v0  }
0x380: {  	p0 =	sne.s32 s2, $0xE000;
	v0 =	vld [tilespmem:s19+$0x7FB0]  }
.Ltmp6:
0x381: {  	_ = 	snop;
	(pc) =	sbr.rel @p0 .LBB2_14-.Ltmp6, $2  }
0x382: {  	_ =	sdelay $0x2  }
0x383: {  	s6 =	sadd.s32 $0x10, s6;
	s2 =	sadd.s32 $0x2000, s2;
	[tilespmem:s8+$0x13FB0] =	vst v0  }
0x384: {  	s2 =	rddreg [dreg:$0x5]  }
0x385: {  	[hbm4b:s2+s1] =	stream.linear.scatter [tilespmem:s25], [sflag:$0x6], $0x4000, $0x38;
	[tilespmem:$0x1B800] =	vst v63  }
0x386: {  	_ =	swait.ge [sflag:s29], $0x4000  }
0x387: {  	[sflag:s29] =	ssyncset.done $0x0  }
0x388: {  	[sflag:s29] =	ssyncadd.s32 $0xFFFFC000  }
0x389: {  	_ =	swait.ge [sflag:s30], $0x4000  }
0x38a: {  	s0 =	sadd.s32 $0x1, s0;
	s20 =	rddreg [dreg:$0x6]  }
0x38b: {  	p0 =	sne.s32 s0, s20  }
.Ltmp7:
0x38c: {  	_ = 	snop;
	(pc) =	sbr.rel @p0 .LBB2_1-.Ltmp7, $3  }
0x38d: {  	_ =	sdelay $0x1  }
0x38e: {  	[sflag:s30] =	ssyncset.done $0x0  }
0x38f: {  	[sflag:s30] =	ssyncadd.s32 $0xFFFFC000  }
0x390: {  	_ =	sfence.sel $0x180000  }
0x391: {  	[bflag:$0x0] =	sbarrier.arrive $0xFFFF  }
0x392: {  	_ =	strace $0x90000047  }
0x393: {  	s0 =	stileid.u32;
	[bflag:$0x2] =	sbarrier.arrive $0xFFFF  }
0x394: {  	p0 =	sne.s32 s0, $0x0;
	s0 =	rddreg [dreg:$0x2]  }
0x395: {  	s0 =	sadd.s32 @!p0 $0x100000, s0  }
0x396: {  	[sflag:s0] =	ssyncadd.tile.s32 @!p0 $0x1;
	_ =	shalt  }
.Lfunc_end2:
_tile_overlayer_lowered:
.L_overlay_start_2:
0x397: {  	(tag) =	ssettag $0x2  }
0x398: {  	s0 =	rddreg [dreg:$0x0];
	s2 =	stileid.u32  }
0x399: {  	s1 =	rddreg [dreg:$0x1];
	p0 =	sne.s32 s2, $0x0  }
0x39a: {  	s3 =	rddreg [dreg:$0x2];
	[bflag:$0x3] =	sbarrier.arrive $0xFFFF;
	s2 =	simm.s32 @!p0 $0x1C08  }
0x39b: {  	[timem:s3], [sflag:s2] =	dma.local @!p0 [hbm:s0], s1  }
0x39c: {  	s0 =	simm.s32 @!p0 $0x8  }
0x39d: {  	_ =	swait.ge @!p0 [sflag:s0], s1  }
0x39e: {  	s1 =	ssub.s32 @!p0 $0x0, s1;
	[sflag:s0] =	ssyncset.done @!p0 $0x0  }
0x39f: {  	[sflag:s0] =	ssyncadd.s32 @!p0 s1  }
0x3a0: {  	[bflag:$0x3] =	sbarrier.arrive $0xFFFF  }
0x3a1: {  	_ =	shalt  }

// kernel: sparse-core-data-format-call.cloned.1.call-start
scs
called_computation_lowered:
.L_overlay_start_0:
0x0: {  	s2 =	sld [smem:$0x3FD9]  }
0x1: {  	s3 =	sld [smem:$0x3FFE];
	_ =	sdelay $0x1  }
0x2: {  	s1 =	srdreg.scid  }
0x3: {  	s0 =	sand.u32 $0x1, s1  }
0x4: {  	s18 =	sshll.u32 s0, $0xA;
	s2 =	sadd.s32 s3, s2  }
0x5: {  	s2 =	sadd.s32 s2, s18  }
0x6: {  	[smem:$0x3FC6] =	sst s2  }
0x7: {  	_ = 	snop  }
0x8: {  	s2 =	sld [smem:$0x3FD0];
	(tm) =	ssettm $0x1  }
0x9: {  	s19 =	sld [smem:$0x3FFB];
	_ =	sdelay $0x3  }
0xa: {  	_ =	strace s19  }
0xb: {  	s3 =	sld [smem:$0x3FFC];
	_ =	sdelay $0x3  }
0xc: {  	_ =	strace s3  }
0xd: {  	s3 =	sld [smem:$0x3FFD];
	_ =	sdelay $0x3  }
0xe: {  	_ =	strace s3  }
0xf: {  	_ =	strace $0x8FFFFFFF  }
0x10: {  	s20 =	sld [smem:$0x3FDB];
	_ =	sdelay $0x1  }
0x11: {  	s4 =	simm.s32 $_scs_section_size  }
0x12: {  	s5 =	simm.s32 $_size__tile_overlayer_lowered;
	s6 =	simm.s32 $_tile_overlayer_lowered  }
0x13: {  	s23 =	simm.s32 $0x1BFF;
	s22 =	sshll.u32 s6, $0x1;
	s3 =	sadd.s32 s4, s20  }
0x14: {  	s7 =	simm.s32 $0x0;
	s21 =	sshll.u32 s5, $0x1;
	s5 =	sadd.s32 s22, s3  }
0x15: {  	[timem:s7], [sflag:s23] =	dma.local [hbm:s5], s21  }
0x16: {  	_ =	swait.ge [sflag:s23], s21  }
0x17: {  	s4 =	ssub.s32 $0x0, s21;
	[sflag:s23] =	ssyncset.done $0x0  }
0x18: {  	[sflag:s23] =	ssyncadd.s32 s4;
	_ =	sdelay $0x1  }
0x19: {  	s24 =	simm.s32 $0x1B8B  }
0x1a: {  	_ =	swait.ge [sflag:s24], $0x1  }
0x1b: {  	[sflag:s24] =	ssyncset.done $0x0  }
0x1c: {  	s26 =	simm.s32 $0x1B8E;
	s25 =	sld [smem:$0x3FFE];
	[sflag:s24] =	ssyncadd.s32 $0xFFFFFFFF  }
0x1d: {  	s27 =	simm.s32 $execute0_lowered;
	[smem:$0x3FD2] =	sst s26  }
0x1e: {  	s5 =	sshll.u32 s27, $0x1;
	_ =	strace $0x80000049;
	[dreg:$0x1] =	wrdreg $0xFFFFFFFF  }
0x1f: {  	s28 =	simm.s32 $_size_execute0_lowered;
	s3 =	sadd.s32 s3, s5;
	[dreg:$0x0] =	wrdreg $0x0  }
0x20: {  	s5 =	sshll.u32 s28, $0x1;
	[dreg:$0x2] =	wrdreg s3  }
0x21: {  	[dreg:$0x3] =	wrdreg s5  }
0x22: {  	[dreg:$0x4] =	wrdreg $0xC0  }
0x23: {  	_ =	task [dreg:s7], $0x5FFFF  }
0x24: {  	[dreg:$0x1] =	wrdreg $0xFFFFFFFF  }
0x25: {  	[dreg:$0x0] =	wrdreg $0x60  }
0x26: {  	[dreg:$0x2] =	wrdreg s25  }
0x27: {  	[dreg:$0x3] =	wrdreg s2  }
0x28: {  	[dreg:$0x4] =	wrdreg $0x9  }
0x29: {  	_ =	task.clear_ibuf [dreg:s7], $0x5FFFF;
	_ =	strace $0x90000049  }
0x2a: {  	s29 =	simm.s32 $0x9;
	_ =	strace $0x8000004B  }
0x2b: {  	_ =	swait.ge [sflag:s29], $0x1  }
0x2c: {  	[sflag:s29] =	ssyncadd.s32 $0xFFFFFFFF  }
0x2d: {  	_ =	strace $0x9000004B  }
0x2e: {  	_ =	sfence  }
0x2f: {  	s30 =	sld [smem:$0x0];
	_ =	sdelay $0x2  }
0x30: {  	s31 =	sshll.u32 s1, $0xD;
	s1 =	sshrl.u32 s1, $0x2  }
0x31: {  	s3 =	sand.u32 $0x4000, s31;
	s1 =	sadd.s32 s1, s30  }
0x32: {  	s0 =	sor.u32 s3, s0;
	s1 =	sshll.u32 s1, $0x11  }
0x33: {  	s0 =	sor.u32 s1, s0  }
0x34: {  	s0 =	sadd.s32 $0x8F2B, s0  }
0x35: {  	[sflag:s0] =	ssyncadd.remote.s32 $0x1  }
0x36: {  	_ =	sfence.sel $0xFFFF  }
0x37: {  	[dreg:$0x0] =	wrdreg $0xFFFFFFFF;
	(pc) =	sbr.abs _section_cstart, $3  }
0x38: {  	[dreg:$0x1] =	wrdreg $0xFFFFFFFF  }
0x39: {  	_ =	task.clear_ibuf [dreg:s7], $0x2FFFF;
	_ =	strace $0x9FFFFFFF  }
0x3a: {  	(tm) =	ssettm $0x7FFFFFFF  }
0x3b: {  	_ =	shalt  }
tec
execute0_lowered:
.L_overlay_start_1:
0x0: {  	(tag) =	ssettag $0x1  }
0x1: {  	s0 =	srdreg.scid  }
0x2: {  	s1 =	sshll.u32 s0, $0x4  }
0x3: {  	s5 =	rddreg [dreg:$0x0];
	s0 =	stileid.u32;
	s1 =	sand.u32 $0x10, s1  }
0x4: {  	s3 =	rddreg [dreg:$0x1];
	s31 =	simm.s32 $0x2;
	s4 =	sor.u32 s0, s1  }
0x5: {  	s13 =	simm.s32 $0x0;
	s9 =	simm.s32 $0x400;
	s2 =	sshll.u32 s4, $0x7  }
0x6: {  	s10 =	simm.s32 $0x8000;
	s14 =	simm.s32 $0x0;
	s6 =	ssub.s32 $0x1000, s2  }
0x7: {  	s1 =	rddreg [dreg:$0x2];
	_ =	strace $0x8000004A;
	s7 =	sand.u32 $0xF80, s6  }
0x8: {  	s4 =	sshll.u32 s4, $0xB;
	p0 =	sne.s32 s7, $0x0;
	s7 =	simm.s32 $0x1  }
.Ltmp0:
0x9: {  	s6 =	sshrl.u32 s6, $0xC;
	s7 =	simm.s32 @!p0 $0x0;
	(pc) =	sbr.rel .LBB1_1-.Ltmp0, $4  }
0xa: {  	s8 =	sadd.s32 s4, s5;
	s4 =	simm.s32 $0x1;
	s30 =	sadd.s32 s7, s6  }
0xb: {  	s11 =	simm.s32 $0x0;
	[sflag:s4] =	ssyncpa.u1 $0x0;
	s5 =	smul.u32 $0x19, s30  }
0xc: {  	s12 =	simm.s32 $0x0;
	[sflag:s31] =	ssyncpa.u1 $0x0;
	p0 =	por $0x0, $0x0  }
0xd: {  	s6 =	sadd.s32 $0x800, s8;
	s7 =	sadd.s32 $0x10800, s8;
	s8 =	sadd.s32 $0x1, s5  }
.LBB1_7:
0xe: {  	s15 =	sadd.s32 $0x2, s11  }
0xf: {  	p2 =	sgt.s32 s15, $0x31  }
0x10: {  	s15 =	simm.s32 @p2 $0x0;
	p2 =	sne.s32 s12, s8  }
.Ltmp1:
0x11: {  	p1 =	slt.u32 s12, $0x2;
	(pc) =	sbr.rel @!p2 .LBB1_8-.Ltmp1, $4  }
0x12: {  	s13 =	simm.s32 @!p1 $0x2  }
0x13: {  	s16 =	sadd.s32 $0x1, s12;
	s14 =	smov.u32 s11;
	_ =	swait.ge @!p1 [sflag:s13], $0x4000  }
0x14: {  	p0 =	por !p0, !p0;
	s12 =	smov.u32 s16;
	[sflag:s13] =	ssyncset.done @!p1 $0x0  }
0x15: {  	s11 =	smov.u32 s15;
	[sflag:s13] =	ssyncadd.s32 @!p1 $0xFFFFC000;
	s13 =	smov.u32 s2  }
.LBB1_1:
0x16: {  	p1 =	sge.u32 s12, s5  }
0x17: {  	s15 =	sxor.u32 @!p1 $0xFFFFFFFF, s12  }
0x18: {  	s16 =	sshll.u32 @!p1 s11, $0x10;
	s18 =	simm.s32 @!p1 $0x40;
	s15 =	sshll.u32 @!p1 s15, $0xE  }
0x19: {  	s19 =	simm.s32 @!p1 $0x80;
	s17 =	sadd.s32 @!p1 s16, s6;
	s15 =	sand.u32 @!p1 $0x4000, s15  }
0x1a: {  	[tilespmem:s15], [sflag:$0x1] =	stream.strided.gather @!p1 [hbm4b:s17+s18], $0x2000, s19, s18, $0x38;
	[tilespmem:$0x10100] =	vst v63  }
0x1b: {  	s31 =	sadd.s32 $0xFFFFFFFF, s12;
	s16 =	sadd.s32 @!p1 s16, s7;
	s15 =	sor.u32 @!p1 $0x2000, s15  }
0x1c: {  	[tilespmem:s15], [sflag:$0x1] =	stream.strided.gather @!p1 [hbm4b:s16+s18], $0x2000, s19, s18, $0x38;
	[tilespmem:$0x10100] =	vst v63  }
0x1d: {  	p1 =	sge.u32 s31, s5  }
.Ltmp2:
0x1e: {  	_ = 	snop;
	(pc) =	sbr.rel @p1 .LBB1_7-.Ltmp2, $1  }
0x1f: {  	_ =	sdelay $0x3  }
0x20: {  	s15 =	simm.s32 $0x1;
	s17 =	sand.u32 $0x1, s12  }
0x21: {  	_ =	swait.ge [sflag:s4], $0x4000;
	s15 =	simm.s32 @!p0 $0x0;
	s17 =	smul.u32 $0x10200, s17  }
0x22: {  	p2 =	por $0x1, $0x1;
	[sflag:s4] =	ssyncset.done $0x0;
	s16 =	smul.u32 $0x10200, s15  }
0x23: {  	s18 =	sshll.u32 s15, $0x10;
	[sflag:s4] =	ssyncadd.s32 $0xFFFFC000;
	s30 =	sshrl.u32 s17, $0x2  }
0x24: {  	s31 =	sshrl.u32 s18, $0x2;
	s18 =	simm.s32 $0x0;
	s16 =	sshrl.u32 s16, $0x2  }
0x25: {  	s15 =	sor.u32 $0x8000, s30;
	s17 =	sadd.s32 $0x20, s31;
	s16 =	sor.u32 $0x8000, s16  }
.LBB1_3:
0x26: {  	s19 =	sshll.u32 s18, $0xD  }
0x27: {  	s19 =	sand.u32 $0x3FFFE000, s19  }
0x28: {  	s21 =	sadd.s32 s19, s17  }
0x29: {  	s31 =	smul.u32 $0x8100, s18;
	v3 =	vld [tilespmem:s21+$0x10]  }
0x2a: {  	v1 =	vld [tilespmem:s21+$0xFFFFFFF0]  }
0x2b: {  	s18 =	sshra.s32 s31, $0x2;
	v0 =	vld [tilespmem:s21+$0x0]  }
0x2c: {  	s18 =	sadd.s32 s18, s16;
	v2 =	vld [tilespmem:s21+$0xFFFFFFE0]  }
0x2d: {  	s19 =	sadd.s32 $0x0, s18  }
0x2e: {  	p1 =	por p2, p2;
	s20 =	simm.s32 $0x4;
	s21 =	sadd.s32 $0x40, s21;
	[tilespmem:s19+$0x1830 ss:$0x81] =	vst.msk $0xffff, v3  }
.LBB1_4:
0x2f: {  	v3 =	vld [tilespmem:s21+$0x10];
	p2 =	sne.s32 s20, $0x1FC;
	[tilespmem:s19+$0x810 ss:$0x81] =	vst.msk $0xffff, v1;
	s22 =	smov.u32 s20;
	s20 =	sadd.s32 $0x4, s20  }
.Ltmp3:
0x30: {  	v1 =	vld [tilespmem:s21+$0xFFFFFFF0];
	[tilespmem:s19+$0x1020 ss:$0x81] =	vst.msk $0xffff, v0;
	(pc) =	sbr.rel @p2 .LBB1_4-.Ltmp3, $4  }
0x31: {  	v0 =	vld [tilespmem:s21+$0x0];
	[tilespmem:s19+$0x0 ss:$0x81] =	vst.msk $0xffff, v2  }
0x32: {  	s19 =	sshra.s32 s22, $0x2;
	v2 =	vld [tilespmem:s21+$0xFFFFFFE0]  }
0x33: {  	s19 =	sadd.s32 s19, s18  }
0x34: {  	s21 =	sadd.s32 $0x40, s21;
	[tilespmem:s19+$0x1830 ss:$0x81] =	vst.msk $0xffff, v3  }
.Ltmp4:
0x35: {  	(pc) =	sbr.rel @p1 .LBB1_3-.Ltmp4, $4  }
0x36: {  	_ = 	snop  }
0x37: {  	[tilespmem:s19+$0x810 ss:$0x81] =	vst.msk $0xffff, v1  }
0x38: {  	[tilespmem:s19+$0x1020 ss:$0x81] =	vst.msk $0xffff, v0  }
0x39: {  	s18 =	simm.s32 $0x1;
	p2 =	por $0x0, $0x0;
	[tilespmem:s19+$0x0 ss:$0x81] =	vst.msk $0xffff, v2  }
.Ltmp5:
0x3a: {  	(pc) =	sbr.rel .LBB1_7-.Ltmp5, $4  }
0x3b: {  	s14 =	sshll.u32 s14, $0xF  }
0x3c: {  	s14 =	sadd.s32 s3, s14  }
0x3d: {  	s13 =	sadd.s32 s13, s14  }
0x3e: {  	[hbm4b:s13+s9] =	stream.strided.scatter [tilespmem:s15], [sflag:$0x2], $0x4000, s10, s9, $0x20;
	[tilespmem:$0x10100] =	vst v63  }
.LBB1_8:
0x3f: {  	_ =	sfence.sel $0x180000  }
0x40: {  	s2 =	simm.s32 $0x1;
	[bflag:$0x0] =	sbarrier.arrive $0xFFFF  }
0x41: {  	s31 =	simm.s32 $0x2;
	[sflag:s2] =	ssyncpa.u1 $0x1  }
0x42: {  	[sflag:s31] =	ssyncpa.u1 $0x1  }
0x43: {  	p0 =	sne.s32 s0, $0x0;
	_ =	strace $0x9000004A  }
0x44: {  	s0 =	sadd.s32 @!p0 $0x100000, s1;
	[bflag:$0x2] =	sbarrier.arrive $0xFFFF  }
0x45: {  	[sflag:s0] =	ssyncadd.tile.s32 @!p0 $0x1;
	_ =	shalt  }
.Lfunc_end1:
_tile_overlayer_lowered:
.L_overlay_start_2:
0x46: {  	(tag) =	ssettag $0x2  }
0x47: {  	s0 =	rddreg [dreg:$0x0];
	s2 =	stileid.u32  }
0x48: {  	s1 =	rddreg [dreg:$0x1];
	p0 =	sne.s32 s2, $0x0  }
0x49: {  	s3 =	rddreg [dreg:$0x2];
	[bflag:$0x3] =	sbarrier.arrive $0xFFFF;
	s2 =	simm.s32 @!p0 $0x1C01  }
0x4a: {  	[timem:s3], [sflag:s2] =	dma.local @!p0 [hbm:s0], s1  }
0x4b: {  	s0 =	simm.s32 @!p0 $0x1  }
0x4c: {  	_ =	swait.ge @!p0 [sflag:s0], s1  }
0x4d: {  	s1 =	ssub.s32 @!p0 $0x0, s1;
	[sflag:s0] =	ssyncset.done @!p0 $0x0  }
0x4e: {  	[sflag:s0] =	ssyncadd.s32 @!p0 s1  }
0x4f: {  	[bflag:$0x3] =	sbarrier.arrive $0xFFFF  }
0x50: {  	_ =	shalt  }

</sc_bundles>
